<compile_context>
chip_gen: v7x
topology: tpu7x:2x2x1
jax: 0.10.2.dev20260603
libtpu: 0.0.44.dev20260713+nightly
codegen_flags: <defaults>
</compile_context>

<pallas_src>
import functools

import jax
import jax.numpy as jnp
from jax import lax
from jax.experimental import pallas as pl
from jax.experimental.pallas import tpu as pltpu
from jax.experimental.pallas import tpu_sc as plsc

N = 10000
E = 320000
D = 128
H = 128
G = 16

NC = 2
NS = 16
NW = NC * NS
SLICES = ((0, 38400), (38400, 153600), (192000, 128000))
CHG = 200
CHS = 160
CHT = 160
NP = 10240
RPT = NP // NS

@functools.cache
def _sc_mesh():
    return plsc.VectorSubcoreMesh(
        core_axis_name="c", subcore_axis_name="s", num_cores=NC, num_subcores=NS)



def _prep_body(x_ref, ws_ref, wr_ref, be1_ref, p_ref, q_ref):
    xv = x_ref[...]
    p_ref[...] = jnp.dot(xv, ws_ref[...], preferred_element_type=jnp.float32)
    q_ref[...] = (jnp.dot(xv, wr_ref[...], preferred_element_type=jnp.float32)
                  + be1_ref[...])


def _prep(x, w1s, w1r, be1):
    bn = 2000
    return pl.pallas_call(
        _prep_body,
        grid=(N // bn,),
        in_specs=[
            pl.BlockSpec((bn, D), lambda i: (i, 0)),
            pl.BlockSpec((D, H), lambda i: (0, 0)),
            pl.BlockSpec((D, H), lambda i: (0, 0)),
            pl.BlockSpec((1, H), lambda i: (0, 0)),
        ],
        out_specs=[
            pl.BlockSpec((bn, H), lambda i: (i, 0)),
            pl.BlockSpec((bn, H), lambda i: (i, 0)),
        ],
        out_shape=[
            jax.ShapeDtypeStruct((N, H), jnp.float32),
            jax.ShapeDtypeStruct((N, H), jnp.float32),
        ],
    )(x, w1s, w1r, be1.reshape(1, H))



@functools.cache
def _sc_gather_kernel(ebase, esize):
    EPW_S = esize // NW
    NCHG = EPW_S // CHG
    assert NCHG * CHG == EPW_S and NCHG % 2 == 0

    @functools.partial(
        pl.kernel,
        out_type=jax.ShapeDtypeStruct((esize, H), jnp.float32),
        mesh=_sc_mesh(),
        scratch_types=[
            pltpu.VMEM((CHG,), jnp.int32),
            pltpu.VMEM((CHG,), jnp.int32),
            pltpu.VMEM((CHG,), jnp.int32),
            pltpu.VMEM((CHG,), jnp.int32),
            pltpu.VMEM((CHG, H), jnp.float32),
            pltpu.VMEM((CHG, H), jnp.float32),
            pltpu.VMEM((CHG, H), jnp.float32),
            pltpu.VMEM((CHG, H), jnp.float32),
            pltpu.SemaphoreType.DMA,
            pltpu.SemaphoreType.DMA,
            pltpu.SemaphoreType.DMA,
            pltpu.SemaphoreType.DMA,
        ],
    )
    def _sc_gather_impl(p_hbm, q_hbm, snd_hbm, rcv_hbm, s_hbm,
                        is0, is1, ir0, ir1, a0, a1, b0, b1,
                        gs0, gs1, ws0, ws1):
        IS, IR, A, B = (is0, is1), (ir0, ir1), (a0, a1), (b0, b1)
        GS, WS = (gs0, gs1), (ws0, ws1)
        wid = lax.axis_index("s") * NC + lax.axis_index("c")
        base = wid * EPW_S

        def load_idx(i, b):
            off = ebase + base + i * CHG
            pltpu.sync_copy(snd_hbm.at[pl.ds(off, CHG)], IS[b])
            pltpu.sync_copy(rcv_hbm.at[pl.ds(off, CHG)], IR[b])

        def start_gather(b):
            pltpu.async_copy(p_hbm.at[IS[b]], A[b], GS[b])
            pltpu.async_copy(q_hbm.at[IR[b]], B[b], GS[b])

        def wait_gather(b):
            pltpu.make_async_copy(p_hbm.at[IS[b]], A[b], GS[b]).wait()
            pltpu.make_async_copy(q_hbm.at[IR[b]], B[b], GS[b]).wait()

        def start_wb(i, b):
            off = base + i * CHG
            pltpu.async_copy(A[b], s_hbm.at[pl.ds(off, CHG)], WS[b])

        def wait_wb(b):
            pltpu.make_async_copy(A[b], s_hbm.at[pl.ds(base, CHG)], WS[b]).wait()

        def add(b):
            @plsc.parallel_loop(0, CHG, unroll=4)
            def _row(r):
                for j in range(H // 16):
                    sl = pl.ds(j * 16, 16)
                    A[b][r, sl] = A[b][r, sl] + B[b][r, sl]

        load_idx(0, 0)
        start_gather(0)
        load_idx(1, 1)
        start_gather(1)

        def pair(jj, carry):
            for b in (0, 1):
                wait_gather(b)
                add(b)
                start_wb(2 * jj + b, b)
            for b in (0, 1):
                nxt = 2 * jj + 2 + b

                @pl.when(nxt < NCHG)
                def _():
                    load_idx(nxt, b)
                    wait_wb(b)
                    start_gather(b)
            return carry

        lax.fori_loop(0, NCHG // 2, pair, 0)
        wait_wb(0)
        wait_wb(1)

    return _sc_gather_impl


def _sc_gather(p, q, senders, receivers, ebase, esize):
    return _sc_gather_kernel(ebase, esize)(p, q, senders, receivers)



def _edge_body(ea_ref, s_ref, w1_ref, w2_ref, b2_ref, w3_ref, b3_ref,
               msg_ref, eao_ref):
    ea = ea_ref[...]
    h = (jnp.dot(ea, w1_ref[...], preferred_element_type=jnp.float32)
         + s_ref[...])
    h = jnp.maximum(h, 0.0)
    h = jnp.dot(h, w2_ref[...], preferred_element_type=jnp.float32) + b2_ref[...]
    h = jnp.maximum(h, 0.0)
    m = jnp.dot(h, w3_ref[...], preferred_element_type=jnp.float32) + b3_ref[...]
    msg_ref[...] = m
    eao_ref[...] = ea + m


def _edge(edge_attr, s, w1e, We2, be2, We3, be3, ebase, esize):
    be = 1280
    bb = ebase // be
    return pl.pallas_call(
        _edge_body,
        grid=(esize // be,),
        in_specs=[
            pl.BlockSpec((be, D), lambda i: (i + bb, 0)),
            pl.BlockSpec((be, H), lambda i: (i, 0)),
            pl.BlockSpec((D, H), lambda i: (0, 0)),
            pl.BlockSpec((H, H), lambda i: (0, 0)),
            pl.BlockSpec((1, H), lambda i: (0, 0)),
            pl.BlockSpec((H, D), lambda i: (0, 0)),
            pl.BlockSpec((1, D), lambda i: (0, 0)),
        ],
        out_specs=[
            pl.BlockSpec((be, D), lambda i: (i, 0)),
            pl.BlockSpec((be, D), lambda i: (i, 0)),
        ],
        out_shape=[
            jax.ShapeDtypeStruct((esize, D), jnp.float32),
            jax.ShapeDtypeStruct((esize, D), jnp.float32),
        ],
    )(edge_attr, s, w1e, We2, be2.reshape(1, H), We3, be3.reshape(1, D))



@functools.cache
def _sc_scatter_kernel(ebase, esize):
    EPT_S = esize // NS
    NCHS = (EPT_S // CHS) // 2 * 2
    CHT_S = EPT_S - NCHS * CHS
    assert CHT_S in (0, 80, 160)

    @functools.partial(
        pl.kernel,
        out_type=jax.ShapeDtypeStruct((NC, NP, D), jnp.float32),
        mesh=_sc_mesh(),
        scratch_types=[
            pltpu.VMEM_SHARED((NP, D), jnp.float32),
            pltpu.VMEM((CHS,), jnp.int32),
            pltpu.VMEM((CHS,), jnp.int32),
            pltpu.VMEM((CHT,), jnp.int32),
            pltpu.VMEM((CHS, D), jnp.float32),
            pltpu.VMEM((CHS, D), jnp.float32),
            pltpu.SemaphoreType.DMA,
            pltpu.SemaphoreType.DMA,
            pltpu.SemaphoreType.DMA,
            pltpu.SemaphoreType.DMA,
        ],
    )
    def _sc_scatter_impl(msg_hbm, idx2_hbm, init_hbm, out_hbm,
                         acc, ix0, ix1, ixt, m0, m1, ls0, ls1, ss0, ss1):
        IX, M = (ix0, ix1), (m0, m1)
        LS, SS = (ls0, ls1), (ss0, ss1)
        cid = lax.axis_index("c")
        sid = lax.axis_index("s")

        pltpu.sync_copy(init_hbm.at[cid, pl.ds(sid * RPT, RPT)],
                        acc.at[pl.ds(sid * RPT, RPT)])
        plsc.subcore_barrier()

        base = sid * EPT_S

        def start_load(i, b):
            off = base + i * CHS
            pltpu.async_copy(idx2_hbm.at[pl.ds(cid * E + ebase + off, CHS)],
                             IX[b], LS[b])
            pltpu.async_copy(msg_hbm.at[pl.ds(off, CHS)], M[b], LS[b])

        def wait_load(b):
            pltpu.make_async_copy(idx2_hbm.at[pl.ds(base, CHS)], IX[b], LS[b]).wait()
            pltpu.make_async_copy(msg_hbm.at[pl.ds(base, CHS)], M[b], LS[b]).wait()

        def start_scatter(b):
            pltpu.async_copy(M[b], acc.at[IX[b]], SS[b], add=True)

        def wait_scatter(b):
            pltpu.make_async_copy(M[b], acc.at[IX[b]], SS[b]).wait()

        start_load(0, 0)
        start_load(1, 1)

        def pair(jj, carry):
            for b in (0, 1):
                wait_load(b)
                start_scatter(b)
            for b in (0, 1):
                nxt = 2 * jj + 2 + b

                @pl.when(nxt < NCHS)
                def _():
                    wait_scatter(b)
                    start_load(nxt, b)
            return carry

        lax.fori_loop(0, NCHS // 2, pair, 0)
        wait_scatter(0)
        wait_scatter(1)
        if CHT_S:
            toff = base + NCHS * CHS
            pltpu.sync_copy(idx2_hbm.at[pl.ds(cid * E + ebase + toff, CHT_S)],
                            ixt.at[pl.ds(0, CHT_S)])
            pltpu.sync_copy(msg_hbm.at[pl.ds(toff, CHT_S)],
                            m0.at[pl.ds(0, CHT_S)])
            pltpu.sync_copy(m0.at[pl.ds(0, CHT_S)], acc.at[ixt.at[pl.ds(0, CHT_S)]],
                            add=True)
        plsc.subcore_barrier()

        pltpu.sync_copy(acc.at[pl.ds(sid * RPT, RPT)],
                        out_hbm.at[cid, pl.ds(sid * RPT, RPT)])

    return _sc_scatter_impl


def _sc_scatter(messages, idx2, init, ebase, esize):
    return _sc_scatter_kernel(ebase, esize)(messages, idx2, init)



def _global_body(x_ref, b_ref, u_ref, g1x_ref, g1u_ref, bg1_ref,
                 g2_ref, bg2_ref, g3_ref, bg3_ref, mu_ref):
    xv = x_ref[...]
    b = b_ref[...]
    oh = (b == lax.broadcasted_iota(jnp.int32, (b.shape[0], D), 1)
          ).astype(jnp.float32)
    ub = jnp.dot(oh, u_ref[...], preferred_element_type=jnp.float32)
    h = (jnp.dot(xv, g1x_ref[...], preferred_element_type=jnp.float32)
         + jnp.dot(ub, g1u_ref[...], preferred_element_type=jnp.float32)
         + bg1_ref[...])
    h = jnp.maximum(h, 0.0)
    h = jnp.dot(h, g2_ref[...], preferred_element_type=jnp.float32) + bg2_ref[...]
    h = jnp.maximum(h, 0.0)
    mu_ref[...] = (jnp.dot(h, g3_ref[...], preferred_element_type=jnp.float32)
                   + bg3_ref[...])


def _global(x, batch2d, u_pad, g1x, g1u, bg1, Wg2, bg2, Wg3, bg3):
    bn = 2000
    full = lambda shape: pl.BlockSpec(shape, lambda i: tuple(0 for _ in shape))
    return pl.pallas_call(
        _global_body,
        grid=(N // bn,),
        in_specs=[
            pl.BlockSpec((bn, D), lambda i: (i, 0)),
            pl.BlockSpec((bn, 1), lambda i: (i, 0)),
            full((D, D)),
            full((D, H)), full((D, H)), full((1, H)),
            full((H, H)), full((1, H)),
            full((H, D)), full((1, D)),
        ],
        out_specs=pl.BlockSpec((bn, H), lambda i: (i, 0)),
        out_shape=jax.ShapeDtypeStruct((N, H), jnp.float32),
    )(x, batch2d, u_pad,
      g1x, g1u, bg1.reshape(1, H), Wg2, bg2.reshape(1, H),
      Wg3, bg3.reshape(1, D))



def _node_body(x_ref, rcv_ref, mu_ref,
               n1x_ref, n1r_ref, n1u_ref, bn1_ref, n2_ref, bn2_ref,
               n3_ref, bn3_ref, out_ref):
    xv = x_ref[...]
    rcv = rcv_ref[0] - rcv_ref[1]
    mu = mu_ref[...]
    h = (jnp.dot(xv, n1x_ref[...], preferred_element_type=jnp.float32)
         + jnp.dot(rcv, n1r_ref[...], preferred_element_type=jnp.float32)
         + jnp.dot(mu, n1u_ref[...], preferred_element_type=jnp.float32)
         + bn1_ref[...])
    h = jnp.maximum(h, 0.0)
    h = jnp.dot(h, n2_ref[...], preferred_element_type=jnp.float32) + bn2_ref[...]
    h = jnp.maximum(h, 0.0)
    gx = jnp.dot(h, n3_ref[...], preferred_element_type=jnp.float32) + bn3_ref[...]
    out_ref[...] = gx + xv


def _node(x, rcv, mu,
          n1x, n1r, n1u, bn1, Wn2, bn2, Wn3, bn3):
    bn = 2000
    full = lambda shape: pl.BlockSpec(shape, lambda i: tuple(0 for _ in shape))
    return pl.pallas_call(
        _node_body,
        grid=(N // bn,),
        in_specs=[
            pl.BlockSpec((bn, D), lambda i: (i, 0)),
            pl.BlockSpec((NC, bn, D), lambda i: (0, i, 0)),
            pl.BlockSpec((bn, H), lambda i: (i, 0)),
            full((D, H)), full((D, H)), full((D, H)), full((1, H)),
            full((H, H)), full((1, H)),
            full((H, D)), full((1, D)),
        ],
        out_specs=pl.BlockSpec((bn, D), lambda i: (i, 0)),
        out_shape=jax.ShapeDtypeStruct((N, D), jnp.float32),
    )(x, rcv, mu,
      n1x, n1r, n1u, bn1.reshape(1, H), Wn2, bn2.reshape(1, H),
      Wn3, bn3.reshape(1, D))



def kernel(x, senders, receivers, edge_attr, u, batch,
           We1, be1, We2, be2, We3, be3,
           Wg1, bg1, Wg2, bg2, Wg3, bg3,
           Wn1, bn1, Wn2, bn2, Wn3, bn3):
    w1e, w1s, w1r = We1[:D], We1[D:2 * D], We1[2 * D:]
    g1x, g1u = Wg1[:D], Wg1[D:]
    n1x, n1r, n1u = Wn1[:D], Wn1[D:2 * D], Wn1[2 * D:]

    p, q = _prep(x, w1s, w1r, be1)
    idx2 = jnp.concatenate([receivers, senders])

    ss = [_sc_gather(p, q, senders, receivers, b, z) for b, z in SLICES]
    eaos = []
    part = jnp.zeros((NC, NP, D), jnp.float32)
    for (b, z), s in zip(SLICES, ss):
        m, eao = _edge(edge_attr, s, w1e, We2, be2, We3, be3, b, z)
        part = _sc_scatter(m, idx2, part, b, z)
        eaos.append(eao)
    edge_attr_update = jnp.concatenate(eaos, axis=0)

    u_pad = jnp.zeros((D, D), jnp.float32).at[:G].set(u)
    batch2d = batch.reshape(N, 1)
    mu = _global(x, batch2d, u_pad, g1x, g1u, bg1, Wg2, bg2, Wg3, bg3)
    x_update = _node(x, part, mu,
                     n1x, n1r, n1u, bn1, Wn2, bn2, Wn3, bn3)
    return (x_update, edge_attr_update)

# --- scband reference (transcript-rebuilt; emitter-appended) ---
"""Pipeline reference for scband-message-passing-step-53137335386500 (READ-ONLY COPY).

The authoritative reference and input builder live on the scoring server;
editing this copy changes nothing except your own understanding.
"""

import jax, jax.numpy as jnp
import numpy as np

N = 10000
E = 320000
D = 128
H = 128
G = 16


def _xavier(key, shape):
    fan_in, fan_out = shape
    std = (2.0 / (fan_in + fan_out)) ** 0.5
    return jax.random.normal(key, shape, dtype=jnp.float32) * std


def setup_inputs(seed: int = 0) -> dict:
    key = jax.random.key(seed)
    ks = jax.random.split(key, 16)
    inp = {}
    inp["x"] = jax.random.normal(ks[0], (N, D), dtype=jnp.float32)
    inp["senders"] = jax.random.randint(ks[1], (E,), 0, N, dtype=jnp.int32)
    inp["receivers"] = jax.random.randint(ks[2], (E,), 0, N, dtype=jnp.int32)
    inp["edge_attr"] = jax.random.normal(ks[3], (E, D), dtype=jnp.float32)
    inp["u"] = jax.random.normal(ks[4], (G, D), dtype=jnp.float32)
    inp["batch"] = jnp.sort(jax.random.randint(ks[5], (N,), 0, G, dtype=jnp.int32))
    wspecs = [
        ("We1", (3 * D, H)), ("We2", (H, H)), ("We3", (H, D)),
        ("Wg1", (2 * D, H)), ("Wg2", (H, H)), ("Wg3", (H, D)),
        ("Wn1", (3 * D, H)), ("Wn2", (H, H)), ("Wn3", (H, D)),
    ]
    for i, (name, shp) in enumerate(wspecs):
        inp[name] = _xavier(jax.random.fold_in(key, 100 + i), shp)
        inp["b" + name[1:]] = jnp.zeros((shp[1],), dtype=jnp.float32)
    return inp


def _mlp(h, W1, b1, W2, b2, W3, b3):
    h = jax.nn.relu(h @ W1 + b1)
    h = jax.nn.relu(h @ W2 + b2)
    return h @ W3 + b3


def reference(x, senders, receivers, edge_attr, u, batch,
              We1, be1, We2, be2, We3, be3,
              Wg1, bg1, Wg2, bg2, Wg3, bg3,
              Wn1, bn1, Wn2, bn2, Wn3, bn3):
    # EdgeModel: messages over edges
    messages = _mlp(
        jnp.concatenate([edge_attr, x[senders], x[receivers]], axis=1),
        We1, be1, We2, be2, We3, be3)
    # GlobalModel: broadcast global state u to nodes via batch index
    messages_u = _mlp(
        jnp.concatenate([x, u[batch]], axis=1),
        Wg1, bg1, Wg2, bg2, Wg3, bg3)
    # scatter-add aggregation (sum reduce)
    received_ij = jax.ops.segment_sum(messages, receivers, num_segments=x.shape[0])
    received_ji = jax.ops.segment_sum(-messages, senders, num_segments=x.shape[0])
    received_messages = received_ij + received_ji
    # NodeModel
    gx = _mlp(
        jnp.concatenate([x, received_messages, messages_u], axis=1),
        Wn1, bn1, Wn2, bn2, Wn3, bn3)
    x_update = gx + x
    edge_attr_update = edge_attr + messages
    return (x_update, edge_attr_update)

if __name__ == "__main__":
    import jax
    _d = setup_inputs()
    print(jax.jit(kernel)(*tuple(_d.values())))

</pallas_src>

<mosaic_0001>
#map = affine_map<(d0, d1) -> (0, 0)>
#map1 = affine_map<(d0, d1) -> (0)>
#map2 = affine_map<(d0, d1) -> (0, 0, 0)>
module attributes {stable_mosaic.version = 14 : i64} {
  func.func @_sc_scatter_impl(%arg0: i32, %arg1: i32, %arg2: memref<38400x128xf32, #tpu.memory_space<hbm>>, %arg3: memref<640000xi32, #tpu.memory_space<hbm>>, %arg4: memref<2x10240x128xf32, #tpu.memory_space<hbm>>, %arg5: memref<2x10240x128xf32, #tpu.memory_space<hbm>>, %arg6: memref<10240x128xf32, #tpu.memory_space<vmem_shared>>, %arg7: memref<160xi32, #tpu.memory_space<vmem>>, %arg8: memref<160xi32, #tpu.memory_space<vmem>>, %arg9: memref<160xi32, #tpu.memory_space<vmem>>, %arg10: memref<160x128xf32, #tpu.memory_space<vmem>>, %arg11: memref<160x128xf32, #tpu.memory_space<vmem>>, %arg12: memref<!tpu.dma_semaphore, #tpu.memory_space<semaphore_mem>>, %arg13: memref<!tpu.dma_semaphore, #tpu.memory_space<semaphore_mem>>, %arg14: memref<!tpu.dma_semaphore, #tpu.memory_space<semaphore_mem>>, %arg15: memref<!tpu.dma_semaphore, #tpu.memory_space<semaphore_mem>>) attributes {dimension_semantics = [#tpu.dimension_semantics<core_parallel>, #tpu.dimension_semantics<subcore_parallel>], iteration_bounds = array<i64: 2, 16>, scalar_prefetch = 0 : i64, scratch_operands = 10 : i64, tpu.core_type = #tpu.core_type<sc_vector_subcore>, window_params = [{transform_indices = #map}, {transform_indices = #map1}, {transform_indices = #map2}, {transform_indices = #map2}]} {
    %mul3A = arith.constant 640 : i32
    %mul3A_0 = arith.muli %arg1, %mul3A : i32
    %mul3A_1 = arith.constant 640 : i32
    %mul3A_2 = arith.muli %arg1, %mul3A_1 : i32
    "tpu.region"() ({
      %run_scoped3A = tpu.sem_alloc : memref<!tpu.dma_semaphore, #tpu.memory_space<semaphore_mem>>
      %dma_start3A_51 = arith.constant 0 : i32
      %dma_start3A_52 = tpu.memref_slice %arg6[%mul3A_2, %dma_start3A_51] : memref<10240x128xf32, #tpu.memory_space<vmem_shared>> -> memref<640x128xf32, #tpu.memory_space<vmem_shared>>
      %dma_start3A_53 = arith.constant 0 : i32
      %dma_start3A_54 = tpu.memref_slice %arg4[%arg0, %mul3A_0, %dma_start3A_53] : memref<2x10240x128xf32, #tpu.memory_space<hbm>> -> memref<1x640x128xf32, #tpu.memory_space<hbm>>
      %dma_start3A_55 = tpu.memref_squeeze %dma_start3A_54 : memref<1x640x128xf32, #tpu.memory_space<hbm>> -> memref<640x128xf32, #tpu.memory_space<hbm>>
      tpu.enqueue_dma source(%dma_start3A_55 : memref<640x128xf32, #tpu.memory_space<hbm>>) target(%dma_start3A_52 : memref<640x128xf32, #tpu.memory_space<vmem_shared>>) target_semaphore(%run_scoped3A : memref<!tpu.dma_semaphore, #tpu.memory_space<semaphore_mem>>)
      %dma_wait3A_56 = arith.constant 0 : i32
      %dma_wait3A_57 = tpu.memref_slice %arg6[%mul3A_2, %dma_wait3A_56] : memref<10240x128xf32, #tpu.memory_space<vmem_shared>> -> memref<640x128xf32, #tpu.memory_space<vmem_shared>>
      %dma_wait3A_58 = arith.constant 0 : i32
      %dma_wait3A_59 = tpu.memref_slice %arg4[%arg0, %mul3A_0, %dma_wait3A_58] : memref<2x10240x128xf32, #tpu.memory_space<hbm>> -> memref<1x640x128xf32, #tpu.memory_space<hbm>>
      %dma_wait3A_60 = tpu.memref_squeeze %dma_wait3A_59 : memref<1x640x128xf32, #tpu.memory_space<hbm>> -> memref<640x128xf32, #tpu.memory_space<hbm>>
      tpu.wait_dma2 semaphore(%run_scoped3A : memref<!tpu.dma_semaphore, #tpu.memory_space<semaphore_mem>>) src(%dma_wait3A_60 : memref<640x128xf32, #tpu.memory_space<hbm>>) dst(%dma_wait3A_57 : memref<640x128xf32, #tpu.memory_space<vmem_shared>>)
      tpu.yield
    }) : () -> ()
    %barrier3A = arith.constant 0 : index
    tpu.barrier barrier_id(%barrier3A)
    %mul3A_3 = arith.constant 2400 : i32
    %mul3A_4 = arith.muli %arg1, %mul3A_3 : i32
    %add3A = arith.constant 0 : i32
    %add3A_5 = arith.addi %mul3A_4, %add3A : i32
    %mul3A_6 = arith.constant 320000 : i32
    %mul3A_7 = arith.muli %arg0, %mul3A_6 : i32
    %add3A_8 = arith.constant 0 : i32
    %add3A_9 = arith.addi %mul3A_7, %add3A_8 : i32
    %add3A_10 = arith.addi %add3A_9, %add3A_5 : i32
    %dma_start3A = tpu.memref_slice %arg3[%add3A_10] : memref<640000xi32, #tpu.memory_space<hbm>> -> memref<160xi32, #tpu.memory_space<hbm>>
    %dma_start3A_11 = tpu.memref_slice %arg3[%add3A_10] : memref<640000xi32, #tpu.memory_space<hbm>> -> memref<160xi32, #tpu.memory_space<hbm>>
    tpu.enqueue_dma source(%dma_start3A_11 : memref<160xi32, #tpu.memory_space<hbm>>) target(%arg7 : memref<160xi32, #tpu.memory_space<vmem>>) target_semaphore(%arg12 : memref<!tpu.dma_semaphore, #tpu.memory_space<semaphore_mem>>)
    %dma_start3A_12 = arith.constant 0 : i32
    %dma_start3A_13 = tpu.memref_slice %arg2[%add3A_5, %dma_start3A_12] : memref<38400x128xf32, #tpu.memory_space<hbm>> -> memref<160x128xf32, #tpu.memory_space<hbm>>
    %dma_start3A_14 = arith.constant 0 : i32
    %dma_start3A_15 = tpu.memref_slice %arg2[%add3A_5, %dma_start3A_14] : memref<38400x128xf32, #tpu.memory_space<hbm>> -> memref<160x128xf32, #tpu.memory_space<hbm>>
    tpu.enqueue_dma source(%dma_start3A_15 : memref<160x128xf32, #tpu.memory_space<hbm>>) target(%arg10 : memref<160x128xf32, #tpu.memory_space<vmem>>) target_semaphore(%arg12 : memref<!tpu.dma_semaphore, #tpu.memory_space<semaphore_mem>>)
    %add3A_16 = arith.constant 160 : i32
    %add3A_17 = arith.addi %mul3A_4, %add3A_16 : i32
    %mul3A_18 = arith.constant 320000 : i32
    %mul3A_19 = arith.muli %arg0, %mul3A_18 : i32
    %add3A_20 = arith.constant 0 : i32
    %add3A_21 = arith.addi %mul3A_19, %add3A_20 : i32
    %add3A_22 = arith.addi %add3A_21, %add3A_17 : i32
    %dma_start3A_23 = tpu.memref_slice %arg3[%add3A_22] : memref<640000xi32, #tpu.memory_space<hbm>> -> memref<160xi32, #tpu.memory_space<hbm>>
    %dma_start3A_24 = tpu.memref_slice %arg3[%add3A_22] : memref<640000xi32, #tpu.memory_space<hbm>> -> memref<160xi32, #tpu.memory_space<hbm>>
    tpu.enqueue_dma source(%dma_start3A_24 : memref<160xi32, #tpu.memory_space<hbm>>) target(%arg8 : memref<160xi32, #tpu.memory_space<vmem>>) target_semaphore(%arg13 : memref<!tpu.dma_semaphore, #tpu.memory_space<semaphore_mem>>)
    %dma_start3A_25 = arith.constant 0 : i32
    %dma_start3A_26 = tpu.memref_slice %arg2[%add3A_17, %dma_start3A_25] : memref<38400x128xf32, #tpu.memory_space<hbm>> -> memref<160x128xf32, #tpu.memory_space<hbm>>
    %dma_start3A_27 = arith.constant 0 : i32
    %dma_start3A_28 = tpu.memref_slice %arg2[%add3A_17, %dma_start3A_27] : memref<38400x128xf32, #tpu.memory_space<hbm>> -> memref<160x128xf32, #tpu.memory_space<hbm>>
    tpu.enqueue_dma source(%dma_start3A_28 : memref<160x128xf32, #tpu.memory_space<hbm>>) target(%arg11 : memref<160x128xf32, #tpu.memory_space<vmem>>) target_semaphore(%arg13 : memref<!tpu.dma_semaphore, #tpu.memory_space<semaphore_mem>>)
    %scan3A = arith.constant 0 : i32
    %scan3A_29 = arith.constant 0 : i32
    %scan3A_30 = arith.constant 7 : i32
    %scan3A_31 = arith.addi %scan3A_29, %scan3A_30 : i32
    %scan3A_32 = arith.constant 1 : i32
    scf.for %scan3A_51 = %scan3A_29 to %scan3A_31 step %scan3A_32  : i32 {
      %dma_wait3A_52 = tpu.memref_slice %arg3[%mul3A_4] : memref<640000xi32, #tpu.memory_space<hbm>> -> memref<160xi32, #tpu.memory_space<hbm>>
      %dma_wait3A_53 = tpu.memref_slice %arg3[%mul3A_4] : memref<640000xi32, #tpu.memory_space<hbm>> -> memref<160xi32, #tpu.memory_space<hbm>>
      tpu.wait_dma2 semaphore(%arg12 : memref<!tpu.dma_semaphore, #tpu.memory_space<semaphore_mem>>) src(%dma_wait3A_53 : memref<160xi32, #tpu.memory_space<hbm>>) dst(%arg7 : memref<160xi32, #tpu.memory_space<vmem>>)
      %dma_wait3A_54 = arith.constant 0 : i32
      %dma_wait3A_55 = tpu.memref_slice %arg2[%mul3A_4, %dma_wait3A_54] : memref<38400x128xf32, #tpu.memory_space<hbm>> -> memref<160x128xf32, #tpu.memory_space<hbm>>
      %dma_wait3A_56 = arith.constant 0 : i32
      %dma_wait3A_57 = tpu.memref_slice %arg2[%mul3A_4, %dma_wait3A_56] : memref<38400x128xf32, #tpu.memory_space<hbm>> -> memref<160x128xf32, #tpu.memory_space<hbm>>
      tpu.wait_dma2 semaphore(%arg12 : memref<!tpu.dma_semaphore, #tpu.memory_space<semaphore_mem>>) src(%dma_wait3A_57 : memref<160x128xf32, #tpu.memory_space<hbm>>) dst(%arg10 : memref<160x128xf32, #tpu.memory_space<vmem>>)
      %dma_start3A_58 = arith.constant 0 : i32
      %dma_start3A_59 = arith.constant 0 : i32
      %dma_start3A_60 = tpu.memref_slice %arg6[%dma_start3A_58, %dma_start3A_59] : memref<10240x128xf32, #tpu.memory_space<vmem_shared>> -> memref<10240x128xf32, #tpu.memory_space<vmem_shared>>
      tpu.enqueue_indirect_dma source(%arg10 : memref<160x128xf32, #tpu.memory_space<vmem>>) target(%dma_start3A_60 : memref<10240x128xf32, #tpu.memory_space<vmem_shared>>) offsets(%arg7 : memref<160xi32, #tpu.memory_space<vmem>>) semaphore(%arg14 : memref<!tpu.dma_semaphore, #tpu.memory_space<semaphore_mem>>) {add = true}
      %dma_wait3A_61 = tpu.memref_slice %arg3[%mul3A_4] : memref<640000xi32, #tpu.memory_space<hbm>> -> memref<160xi32, #tpu.memory_space<hbm>>
      %dma_wait3A_62 = tpu.memref_slice %arg3[%mul3A_4] : memref<640000xi32, #tpu.memory_space<hbm>> -> memref<160xi32, #tpu.memory_space<hbm>>
      tpu.wait_dma2 semaphore(%arg13 : memref<!tpu.dma_semaphore, #tpu.memory_space<semaphore_mem>>) src(%dma_wait3A_62 : memref<160xi32, #tpu.memory_space<hbm>>) dst(%arg8 : memref<160xi32, #tpu.memory_space<vmem>>)
      %dma_wait3A_63 = arith.constant 0 : i32
      %dma_wait3A_64 = tpu.memref_slice %arg2[%mul3A_4, %dma_wait3A_63] : memref<38400x128xf32, #tpu.memory_space<hbm>> -> memref<160x128xf32, #tpu.memory_space<hbm>>
      %dma_wait3A_65 = arith.constant 0 : i32
      %dma_wait3A_66 = tpu.memref_slice %arg2[%mul3A_4, %dma_wait3A_65] : memref<38400x128xf32, #tpu.memory_space<hbm>> -> memref<160x128xf32, #tpu.memory_space<hbm>>
      tpu.wait_dma2 semaphore(%arg13 : memref<!tpu.dma_semaphore, #tpu.memory_space<semaphore_mem>>) src(%dma_wait3A_66 : memref<160x128xf32, #tpu.memory_space<hbm>>) dst(%arg11 : memref<160x128xf32, #tpu.memory_space<vmem>>)
      %dma_start3A_67 = arith.constant 0 : i32
      %dma_start3A_68 = arith.constant 0 : i32
      %dma_start3A_69 = tpu.memref_slice %arg6[%dma_start3A_67, %dma_start3A_68] : memref<10240x128xf32, #tpu.memory_space<vmem_shared>> -> memref<10240x128xf32, #tpu.memory_space<vmem_shared>>
      tpu.enqueue_indirect_dma source(%arg11 : memref<160x128xf32, #tpu.memory_space<vmem>>) target(%dma_start3A_69 : memref<10240x128xf32, #tpu.memory_space<vmem_shared>>) offsets(%arg8 : memref<160xi32, #tpu.memory_space<vmem>>) semaphore(%arg15 : memref<!tpu.dma_semaphore, #tpu.memory_space<semaphore_mem>>) {add = true}
      %mul3A_70 = arith.constant 2 : i32
      %mul3A_71 = arith.muli %mul3A_70, %scan3A_51 : i32
      %add3A_72 = arith.constant 2 : i32
      %add3A_73 = arith.addi %mul3A_71, %add3A_72 : i32
      %add3A_74 = arith.constant 0 : i32
      %add3A_75 = arith.addi %add3A_73, %add3A_74 : i32
      %lt3A = arith.constant 14 : i32
      %lt3A_76 = arith.cmpi slt, %add3A_75, %lt3A : i32
      %convert_element_type3A = arith.extui %lt3A_76 : i1 to i32
      %cond3A = arith.constant 0 : i32
      %cond3A_77 = arith.cmpi ne, %convert_element_type3A, %cond3A : i32
      scf.if %cond3A_77 {
        %dma_wait3A_89 = arith.constant 0 : i32
        %dma_wait3A_90 = arith.constant 0 : i32
        %dma_wait3A_91 = tpu.memref_slice %arg6[%dma_wait3A_89, %dma_wait3A_90] : memref<10240x128xf32, #tpu.memory_space<vmem_shared>> -> memref<10240x128xf32, #tpu.memory_space<vmem_shared>>
        tpu.wait_indirect_dma semaphore(%arg14 : memref<!tpu.dma_semaphore, #tpu.memory_space<semaphore_mem>>) src(%arg10 : memref<160x128xf32, #tpu.memory_space<vmem>>) dst(%dma_wait3A_91 : memref<10240x128xf32, #tpu.memory_space<vmem_shared>>)
        %mul3A_92 = arith.constant 160 : i32
        %mul3A_93 = arith.muli %add3A_75, %mul3A_92 : i32
        %add3A_94 = arith.addi %mul3A_4, %mul3A_93 : i32
        %mul3A_95 = arith.constant 320000 : i32
        %mul3A_96 = arith.muli %arg0, %mul3A_95 : i32
        %add3A_97 = arith.constant 0 : i32
        %add3A_98 = arith.addi %mul3A_96, %add3A_97 : i32
        %add3A_99 = arith.addi %add3A_98, %add3A_94 : i32
        %dma_start3A_100 = tpu.memref_slice %arg3[%add3A_99] : memref<640000xi32, #tpu.memory_space<hbm>> -> memref<160xi32, #tpu.memory_space<hbm>>
        %dma_start3A_101 = tpu.memref_slice %arg3[%add3A_99] : memref<640000xi32, #tpu.memory_space<hbm>> -> memref<160xi32, #tpu.memory_space<hbm>>
        tpu.enqueue_dma source(%dma_start3A_101 : memref<160xi32, #tpu.memory_space<hbm>>) target(%arg7 : memref<160xi32, #tpu.memory_space<vmem>>) target_semaphore(%arg12 : memref<!tpu.dma_semaphore, #tpu.memory_space<semaphore_mem>>)
        %dma_start3A_102 = arith.constant 0 : i32
        %dma_start3A_103 = tpu.memref_slice %arg2[%add3A_94, %dma_start3A_102] : memref<38400x128xf32, #tpu.memory_space<hbm>> -> memref<160x128xf32, #tpu.memory_space<hbm>>
        %dma_start3A_104 = arith.constant 0 : i32
        %dma_start3A_105 = tpu.memref_slice %arg2[%add3A_94, %dma_start3A_104] : memref<38400x128xf32, #tpu.memory_space<hbm>> -> memref<160x128xf32, #tpu.memory_space<hbm>>
        tpu.enqueue_dma source(%dma_start3A_105 : memref<160x128xf32, #tpu.memory_space<hbm>>) target(%arg10 : memref<160x128xf32, #tpu.memory_space<vmem>>) target_semaphore(%arg12 : memref<!tpu.dma_semaphore, #tpu.memory_space<semaphore_mem>>)
      } else {
      }
      %mul3A_78 = arith.constant 2 : i32
      %mul3A_79 = arith.muli %mul3A_78, %scan3A_51 : i32
      %add3A_80 = arith.constant 2 : i32
      %add3A_81 = arith.addi %mul3A_79, %add3A_80 : i32
      %add3A_82 = arith.constant 1 : i32
      %add3A_83 = arith.addi %add3A_81, %add3A_82 : i32
      %lt3A_84 = arith.constant 14 : i32
      %lt3A_85 = arith.cmpi slt, %add3A_83, %lt3A_84 : i32
      %convert_element_type3A_86 = arith.extui %lt3A_85 : i1 to i32
      %cond3A_87 = arith.constant 0 : i32
      %cond3A_88 = arith.cmpi ne, %convert_element_type3A_86, %cond3A_87 : i32
      scf.if %cond3A_88 {
        %dma_wait3A_89 = arith.constant 0 : i32
        %dma_wait3A_90 = arith.constant 0 : i32
        %dma_wait3A_91 = tpu.memref_slice %arg6[%dma_wait3A_89, %dma_wait3A_90] : memref<10240x128xf32, #tpu.memory_space<vmem_shared>> -> memref<10240x128xf32, #tpu.memory_space<vmem_shared>>
        tpu.wait_indirect_dma semaphore(%arg15 : memref<!tpu.dma_semaphore, #tpu.memory_space<semaphore_mem>>) src(%arg11 : memref<160x128xf32, #tpu.memory_space<vmem>>) dst(%dma_wait3A_91 : memref<10240x128xf32, #tpu.memory_space<vmem_shared>>)
        %mul3A_92 = arith.constant 160 : i32
        %mul3A_93 = arith.muli %add3A_83, %mul3A_92 : i32
        %add3A_94 = arith.addi %mul3A_4, %mul3A_93 : i32
        %mul3A_95 = arith.constant 320000 : i32
        %mul3A_96 = arith.muli %arg0, %mul3A_95 : i32
        %add3A_97 = arith.constant 0 : i32
        %add3A_98 = arith.addi %mul3A_96, %add3A_97 : i32
        %add3A_99 = arith.addi %add3A_98, %add3A_94 : i32
        %dma_start3A_100 = tpu.memref_slice %arg3[%add3A_99] : memref<640000xi32, #tpu.memory_space<hbm>> -> memref<160xi32, #tpu.memory_space<hbm>>
        %dma_start3A_101 = tpu.memref_slice %arg3[%add3A_99] : memref<640000xi32, #tpu.memory_space<hbm>> -> memref<160xi32, #tpu.memory_space<hbm>>
        tpu.enqueue_dma source(%dma_start3A_101 : memref<160xi32, #tpu.memory_space<hbm>>) target(%arg8 : memref<160xi32, #tpu.memory_space<vmem>>) target_semaphore(%arg13 : memref<!tpu.dma_semaphore, #tpu.memory_space<semaphore_mem>>)
        %dma_start3A_102 = arith.constant 0 : i32
        %dma_start3A_103 = tpu.memref_slice %arg2[%add3A_94, %dma_start3A_102] : memref<38400x128xf32, #tpu.memory_space<hbm>> -> memref<160x128xf32, #tpu.memory_space<hbm>>
        %dma_start3A_104 = arith.constant 0 : i32
        %dma_start3A_105 = tpu.memref_slice %arg2[%add3A_94, %dma_start3A_104] : memref<38400x128xf32, #tpu.memory_space<hbm>> -> memref<160x128xf32, #tpu.memory_space<hbm>>
        tpu.enqueue_dma source(%dma_start3A_105 : memref<160x128xf32, #tpu.memory_space<hbm>>) target(%arg11 : memref<160x128xf32, #tpu.memory_space<vmem>>) target_semaphore(%arg13 : memref<!tpu.dma_semaphore, #tpu.memory_space<semaphore_mem>>)
      } else {
      }
    }
    %scan3A_33 = arith.constant 7 : i32
    %dma_wait3A = arith.constant 0 : i32
    %dma_wait3A_34 = arith.constant 0 : i32
    %dma_wait3A_35 = tpu.memref_slice %arg6[%dma_wait3A, %dma_wait3A_34] : memref<10240x128xf32, #tpu.memory_space<vmem_shared>> -> memref<10240x128xf32, #tpu.memory_space<vmem_shared>>
    tpu.wait_indirect_dma semaphore(%arg14 : memref<!tpu.dma_semaphore, #tpu.memory_space<semaphore_mem>>) src(%arg10 : memref<160x128xf32, #tpu.memory_space<vmem>>) dst(%dma_wait3A_35 : memref<10240x128xf32, #tpu.memory_space<vmem_shared>>)
    %dma_wait3A_36 = arith.constant 0 : i32
    %dma_wait3A_37 = arith.constant 0 : i32
    %dma_wait3A_38 = tpu.memref_slice %arg6[%dma_wait3A_36, %dma_wait3A_37] : memref<10240x128xf32, #tpu.memory_space<vmem_shared>> -> memref<10240x128xf32, #tpu.memory_space<vmem_shared>>
    tpu.wait_indirect_dma semaphore(%arg15 : memref<!tpu.dma_semaphore, #tpu.memory_space<semaphore_mem>>) src(%arg11 : memref<160x128xf32, #tpu.memory_space<vmem>>) dst(%dma_wait3A_38 : memref<10240x128xf32, #tpu.memory_space<vmem_shared>>)
    %add3A_39 = arith.constant 2240 : i32
    %add3A_40 = arith.addi %mul3A_4, %add3A_39 : i32
    %mul3A_41 = arith.constant 320000 : i32
    %mul3A_42 = arith.muli %arg0, %mul3A_41 : i32
    %add3A_43 = arith.constant 0 : i32
    %add3A_44 = arith.addi %mul3A_42, %add3A_43 : i32
    %add3A_45 = arith.addi %add3A_44, %add3A_40 : i32
    "tpu.region"() ({
      %run_scoped3A = tpu.sem_alloc : memref<!tpu.dma_semaphore, #tpu.memory_space<semaphore_mem>>
      %dma_start3A_51 = arith.constant 0 : i32
      %dma_start3A_52 = tpu.memref_slice %arg9[%dma_start3A_51] : memref<160xi32, #tpu.memory_space<vmem>> -> memref<160xi32, #tpu.memory_space<vmem>>
      %dma_start3A_53 = tpu.memref_slice %arg3[%add3A_45] : memref<640000xi32, #tpu.memory_space<hbm>> -> memref<160xi32, #tpu.memory_space<hbm>>
      %dma_start3A_54 = arith.constant 0 : i32
      %dma_start3A_55 = tpu.memref_slice %arg9[%dma_start3A_54] : memref<160xi32, #tpu.memory_space<vmem>> -> memref<160xi32, #tpu.memory_space<vmem>>
      %dma_start3A_56 = tpu.memref_slice %arg3[%add3A_45] : memref<640000xi32, #tpu.memory_space<hbm>> -> memref<160xi32, #tpu.memory_space<hbm>>
      tpu.enqueue_dma source(%dma_start3A_56 : memref<160xi32, #tpu.memory_space<hbm>>) target(%dma_start3A_55 : memref<160xi32, #tpu.memory_space<vmem>>) target_semaphore(%run_scoped3A : memref<!tpu.dma_semaphore, #tpu.memory_space<semaphore_mem>>)
      %dma_wait3A_57 = arith.constant 0 : i32
      %dma_wait3A_58 = tpu.memref_slice %arg9[%dma_wait3A_57] : memref<160xi32, #tpu.memory_space<vmem>> -> memref<160xi32, #tpu.memory_space<vmem>>
      %dma_wait3A_59 = tpu.memref_slice %arg3[%add3A_45] : memref<640000xi32, #tpu.memory_space<hbm>> -> memref<160xi32, #tpu.memory_space<hbm>>
      %dma_wait3A_60 = arith.constant 0 : i32
      %dma_wait3A_61 = tpu.memref_slice %arg9[%dma_wait3A_60] : memref<160xi32, #tpu.memory_space<vmem>> -> memref<160xi32, #tpu.memory_space<vmem>>
      %dma_wait3A_62 = tpu.memref_slice %arg3[%add3A_45] : memref<640000xi32, #tpu.memory_space<hbm>> -> memref<160xi32, #tpu.memory_space<hbm>>
      tpu.wait_dma2 semaphore(%run_scoped3A : memref<!tpu.dma_semaphore, #tpu.memory_space<semaphore_mem>>) src(%dma_wait3A_62 : memref<160xi32, #tpu.memory_space<hbm>>) dst(%dma_wait3A_61 : memref<160xi32, #tpu.memory_space<vmem>>)
      tpu.yield
    }) : () -> ()
    "tpu.region"() ({
      %run_scoped3A = tpu.sem_alloc : memref<!tpu.dma_semaphore, #tpu.memory_space<semaphore_mem>>
      %dma_start3A_51 = arith.constant 0 : i32
      %dma_start3A_52 = arith.constant 0 : i32
      %dma_start3A_53 = tpu.memref_slice %arg10[%dma_start3A_51, %dma_start3A_52] : memref<160x128xf32, #tpu.memory_space<vmem>> -> memref<160x128xf32, #tpu.memory_space<vmem>>
      %dma_start3A_54 = arith.constant 0 : i32
      %dma_start3A_55 = tpu.memref_slice %arg2[%add3A_40, %dma_start3A_54] : memref<38400x128xf32, #tpu.memory_space<hbm>> -> memref<160x128xf32, #tpu.memory_space<hbm>>
      %dma_start3A_56 = arith.constant 0 : i32
      %dma_start3A_57 = arith.constant 0 : i32
      %dma_start3A_58 = tpu.memref_slice %arg10[%dma_start3A_56, %dma_start3A_57] : memref<160x128xf32, #tpu.memory_space<vmem>> -> memref<160x128xf32, #tpu.memory_space<vmem>>
      %dma_start3A_59 = arith.constant 0 : i32
      %dma_start3A_60 = tpu.memref_slice %arg2[%add3A_40, %dma_start3A_59] : memref<38400x128xf32, #tpu.memory_space<hbm>> -> memref<160x128xf32, #tpu.memory_space<hbm>>
      tpu.enqueue_dma source(%dma_start3A_60 : memref<160x128xf32, #tpu.memory_space<hbm>>) target(%dma_start3A_58 : memref<160x128xf32, #tpu.memory_space<vmem>>) target_semaphore(%run_scoped3A : memref<!tpu.dma_semaphore, #tpu.memory_space<semaphore_mem>>)
      %dma_wait3A_61 = arith.constant 0 : i32
      %dma_wait3A_62 = arith.constant 0 : i32
      %dma_wait3A_63 = tpu.memref_slice %arg10[%dma_wait3A_61, %dma_wait3A_62] : memref<160x128xf32, #tpu.memory_space<vmem>> -> memref<160x128xf32, #tpu.memory_space<vmem>>
      %dma_wait3A_64 = arith.constant 0 : i32
      %dma_wait3A_65 = tpu.memref_slice %arg2[%add3A_40, %dma_wait3A_64] : memref<38400x128xf32, #tpu.memory_space<hbm>> -> memref<160x128xf32, #tpu.memory_space<hbm>>
      %dma_wait3A_66 = arith.constant 0 : i32
      %dma_wait3A_67 = arith.constant 0 : i32
      %dma_wait3A_68 = tpu.memref_slice %arg10[%dma_wait3A_66, %dma_wait3A_67] : memref<160x128xf32, #tpu.memory_space<vmem>> -> memref<160x128xf32, #tpu.memory_space<vmem>>
      %dma_wait3A_69 = arith.constant 0 : i32
      %dma_wait3A_70 = tpu.memref_slice %arg2[%add3A_40, %dma_wait3A_69] : memref<38400x128xf32, #tpu.memory_space<hbm>> -> memref<160x128xf32, #tpu.memory_space<hbm>>
      tpu.wait_dma2 semaphore(%run_scoped3A : memref<!tpu.dma_semaphore, #tpu.memory_space<semaphore_mem>>) src(%dma_wait3A_70 : memref<160x128xf32, #tpu.memory_space<hbm>>) dst(%dma_wait3A_68 : memref<160x128xf32, #tpu.memory_space<vmem>>)
      tpu.yield
    }) : () -> ()
    "tpu.region"() ({
      %run_scoped3A = tpu.sem_alloc : memref<!tpu.dma_semaphore, #tpu.memory_space<semaphore_mem>>
      %dma_start3A_51 = arith.constant 0 : i32
      %dma_start3A_52 = arith.constant 0 : i32
      %dma_start3A_53 = tpu.memref_slice %arg10[%dma_start3A_51, %dma_start3A_52] : memref<160x128xf32, #tpu.memory_space<vmem>> -> memref<160x128xf32, #tpu.memory_space<vmem>>
      %dma_start3A_54 = arith.constant 0 : i32
      %dma_start3A_55 = tpu.memref_slice %arg9[%dma_start3A_54] : memref<160xi32, #tpu.memory_space<vmem>> -> memref<160xi32, #tpu.memory_space<vmem>>
      %dma_start3A_56 = arith.constant 0 : i32
      %dma_start3A_57 = arith.constant 0 : i32
      %dma_start3A_58 = tpu.memref_slice %arg6[%dma_start3A_56, %dma_start3A_57] : memref<10240x128xf32, #tpu.memory_space<vmem_shared>> -> memref<10240x128xf32, #tpu.memory_space<vmem_shared>>
      tpu.enqueue_indirect_dma source(%dma_start3A_53 : memref<160x128xf32, #tpu.memory_space<vmem>>) target(%dma_start3A_58 : memref<10240x128xf32, #tpu.memory_space<vmem_shared>>) offsets(%dma_start3A_55 : memref<160xi32, #tpu.memory_space<vmem>>) semaphore(%run_scoped3A : memref<!tpu.dma_semaphore, #tpu.memory_space<semaphore_mem>>) {add = true}
      %dma_wait3A_59 = arith.constant 0 : i32
      %dma_wait3A_60 = arith.constant 0 : i32
      %dma_wait3A_61 = tpu.memref_slice %arg10[%dma_wait3A_59, %dma_wait3A_60] : memref<160x128xf32, #tpu.memory_space<vmem>> -> memref<160x128xf32, #tpu.memory_space<vmem>>
      %dma_wait3A_62 = arith.constant 0 : i32
      %dma_wait3A_63 = tpu.memref_slice %arg9[%dma_wait3A_62] : memref<160xi32, #tpu.memory_space<vmem>> -> memref<160xi32, #tpu.memory_space<vmem>>
      %dma_wait3A_64 = arith.constant 0 : i32
      %dma_wait3A_65 = arith.constant 0 : i32
      %dma_wait3A_66 = tpu.memref_slice %arg6[%dma_wait3A_64, %dma_wait3A_65] : memref<10240x128xf32, #tpu.memory_space<vmem_shared>> -> memref<10240x128xf32, #tpu.memory_space<vmem_shared>>
      tpu.wait_indirect_dma semaphore(%run_scoped3A : memref<!tpu.dma_semaphore, #tpu.memory_space<semaphore_mem>>) src(%dma_wait3A_61 : memref<160x128xf32, #tpu.memory_space<vmem>>) dst(%dma_wait3A_66 : memref<10240x128xf32, #tpu.memory_space<vmem_shared>>)
      tpu.yield
    }) : () -> ()
    %barrier3A_46 = arith.constant 0 : index
    tpu.barrier barrier_id(%barrier3A_46)
    %mul3A_47 = arith.constant 640 : i32
    %mul3A_48 = arith.muli %arg1, %mul3A_47 : i32
    %mul3A_49 = arith.constant 640 : i32
    %mul3A_50 = arith.muli %arg1, %mul3A_49 : i32
    "tpu.region"() ({
      %run_scoped3A = tpu.sem_alloc : memref<!tpu.dma_semaphore, #tpu.memory_space<semaphore_mem>>
      %dma_start3A_51 = arith.constant 0 : i32
      %dma_start3A_52 = tpu.memref_slice %arg5[%arg0, %mul3A_50, %dma_start3A_51] : memref<2x10240x128xf32, #tpu.memory_space<hbm>> -> memref<1x640x128xf32, #tpu.memory_space<hbm>>
      %dma_start3A_53 = tpu.memref_squeeze %dma_start3A_52 : memref<1x640x128xf32, #tpu.memory_space<hbm>> -> memref<640x128xf32, #tpu.memory_space<hbm>>
      %dma_start3A_54 = arith.constant 0 : i32
      %dma_start3A_55 = tpu.memref_slice %arg6[%mul3A_48, %dma_start3A_54] : memref<10240x128xf32, #tpu.memory_space<vmem_shared>> -> memref<640x128xf32, #tpu.memory_space<vmem_shared>>
      tpu.enqueue_dma source(%dma_start3A_55 : memref<640x128xf32, #tpu.memory_space<vmem_shared>>) target(%dma_start3A_53 : memref<640x128xf32, #tpu.memory_space<hbm>>) target_semaphore(%run_scoped3A : memref<!tpu.dma_semaphore, #tpu.memory_space<semaphore_mem>>)
      %dma_wait3A_56 = arith.constant 0 : i32
      %dma_wait3A_57 = tpu.memref_slice %arg5[%arg0, %mul3A_50, %dma_wait3A_56] : memref<2x10240x128xf32, #tpu.memory_space<hbm>> -> memref<1x640x128xf32, #tpu.memory_space<hbm>>
      %dma_wait3A_58 = tpu.memref_squeeze %dma_wait3A_57 : memref<1x640x128xf32, #tpu.memory_space<hbm>> -> memref<640x128xf32, #tpu.memory_space<hbm>>
      %dma_wait3A_59 = arith.constant 0 : i32
      %dma_wait3A_60 = tpu.memref_slice %arg6[%mul3A_48, %dma_wait3A_59] : memref<10240x128xf32, #tpu.memory_space<vmem_shared>> -> memref<640x128xf32, #tpu.memory_space<vmem_shared>>
      tpu.wait_dma2 semaphore(%run_scoped3A : memref<!tpu.dma_semaphore, #tpu.memory_space<semaphore_mem>>) src(%dma_wait3A_60 : memref<640x128xf32, #tpu.memory_space<vmem_shared>>) dst(%dma_wait3A_58 : memref<640x128xf32, #tpu.memory_space<hbm>>)
      tpu.yield
    }) : () -> ()
    return
  }
}

#map = affine_map<(d0, d1) -> (0, 0)>
#map1 = affine_map<(d0, d1) -> (0)>
module attributes {stable_mosaic.version = 14 : i64} {
  func.func @_sc_gather_impl(%arg0: i32, %arg1: i32, %arg2: memref<10000x128xf32, #tpu.memory_space<hbm>>, %arg3: memref<10000x128xf32, #tpu.memory_space<hbm>>, %arg4: memref<320000xi32, #tpu.memory_space<hbm>>, %arg5: memref<320000xi32, #tpu.memory_space<hbm>>, %arg6: memref<153600x128xf32, #tpu.memory_space<hbm>>, %arg7: memref<200xi32, #tpu.memory_space<vmem>>, %arg8: memref<200xi32, #tpu.memory_space<vmem>>, %arg9: memref<200xi32, #tpu.memory_space<vmem>>, %arg10: memref<200xi32, #tpu.memory_space<vmem>>, %arg11: memref<200x128xf32, #tpu.memory_space<vmem>>, %arg12: memref<200x128xf32, #tpu.memory_space<vmem>>, %arg13: memref<200x128xf32, #tpu.memory_space<vmem>>, %arg14: memref<200x128xf32, #tpu.memory_space<vmem>>, %arg15: memref<!tpu.dma_semaphore, #tpu.memory_space<semaphore_mem>>, %arg16: memref<!tpu.dma_semaphore, #tpu.memory_space<semaphore_mem>>, %arg17: memref<!tpu.dma_semaphore, #tpu.memory_space<semaphore_mem>>, %arg18: memref<!tpu.dma_semaphore, #tpu.memory_space<semaphore_mem>>) attributes {dimension_semantics = [#tpu.dimension_semantics<core_parallel>, #tpu.dimension_semantics<subcore_parallel>], iteration_bounds = array<i64: 2, 16>, scalar_prefetch = 0 : i64, scratch_operands = 12 : i64, tpu.core_type = #tpu.core_type<sc_vector_subcore>, window_params = [{transform_indices = #map}, {transform_indices = #map}, {transform_indices = #map1}, {transform_indices = #map1}, {transform_indices = #map}]} {
    %mul3A = arith.constant 2 : i32
    %mul3A_0 = arith.muli %arg1, %mul3A : i32
    %add3A = arith.addi %mul3A_0, %arg0 : i32
    %mul3A_1 = arith.constant 4800 : i32
    %mul3A_2 = arith.muli %add3A, %mul3A_1 : i32
    %add3A_3 = arith.constant 38400 : i32
    %add3A_4 = arith.addi %add3A_3, %mul3A_2 : i32
    %add3A_5 = arith.constant 0 : i32
    %add3A_6 = arith.addi %add3A_4, %add3A_5 : i32
    "tpu.region"() ({
      %run_scoped3A = tpu.sem_alloc : memref<!tpu.dma_semaphore, #tpu.memory_space<semaphore_mem>>
      %dma_start3A_34 = tpu.memref_slice %arg4[%add3A_6] : memref<320000xi32, #tpu.memory_space<hbm>> -> memref<200xi32, #tpu.memory_space<hbm>>
      %dma_start3A_35 = tpu.memref_slice %arg4[%add3A_6] : memref<320000xi32, #tpu.memory_space<hbm>> -> memref<200xi32, #tpu.memory_space<hbm>>
      tpu.enqueue_dma source(%dma_start3A_35 : memref<200xi32, #tpu.memory_space<hbm>>) target(%arg7 : memref<200xi32, #tpu.memory_space<vmem>>) target_semaphore(%run_scoped3A : memref<!tpu.dma_semaphore, #tpu.memory_space<semaphore_mem>>)
      %dma_wait3A_36 = tpu.memref_slice %arg4[%add3A_6] : memref<320000xi32, #tpu.memory_space<hbm>> -> memref<200xi32, #tpu.memory_space<hbm>>
      %dma_wait3A_37 = tpu.memref_slice %arg4[%add3A_6] : memref<320000xi32, #tpu.memory_space<hbm>> -> memref<200xi32, #tpu.memory_space<hbm>>
      tpu.wait_dma2 semaphore(%run_scoped3A : memref<!tpu.dma_semaphore, #tpu.memory_space<semaphore_mem>>) src(%dma_wait3A_37 : memref<200xi32, #tpu.memory_space<hbm>>) dst(%arg7 : memref<200xi32, #tpu.memory_space<vmem>>)
      tpu.yield
    }) : () -> ()
    "tpu.region"() ({
      %run_scoped3A = tpu.sem_alloc : memref<!tpu.dma_semaphore, #tpu.memory_space<semaphore_mem>>
      %dma_start3A_34 = tpu.memref_slice %arg5[%add3A_6] : memref<320000xi32, #tpu.memory_space<hbm>> -> memref<200xi32, #tpu.memory_space<hbm>>
      %dma_start3A_35 = tpu.memref_slice %arg5[%add3A_6] : memref<320000xi32, #tpu.memory_space<hbm>> -> memref<200xi32, #tpu.memory_space<hbm>>
      tpu.enqueue_dma source(%dma_start3A_35 : memref<200xi32, #tpu.memory_space<hbm>>) target(%arg9 : memref<200xi32, #tpu.memory_space<vmem>>) target_semaphore(%run_scoped3A : memref<!tpu.dma_semaphore, #tpu.memory_space<semaphore_mem>>)
      %dma_wait3A_36 = tpu.memref_slice %arg5[%add3A_6] : memref<320000xi32, #tpu.memory_space<hbm>> -> memref<200xi32, #tpu.memory_space<hbm>>
      %dma_wait3A_37 = tpu.memref_slice %arg5[%add3A_6] : memref<320000xi32, #tpu.memory_space<hbm>> -> memref<200xi32, #tpu.memory_space<hbm>>
      tpu.wait_dma2 semaphore(%run_scoped3A : memref<!tpu.dma_semaphore, #tpu.memory_space<semaphore_mem>>) src(%dma_wait3A_37 : memref<200xi32, #tpu.memory_space<hbm>>) dst(%arg9 : memref<200xi32, #tpu.memory_space<vmem>>)
      tpu.yield
    }) : () -> ()
    %dma_start3A = arith.constant 0 : i32
    %dma_start3A_7 = arith.constant 0 : i32
    %dma_start3A_8 = tpu.memref_slice %arg2[%dma_start3A, %dma_start3A_7] : memref<10000x128xf32, #tpu.memory_space<hbm>> -> memref<10000x128xf32, #tpu.memory_space<hbm>>
    tpu.enqueue_indirect_dma source(%dma_start3A_8 : memref<10000x128xf32, #tpu.memory_space<hbm>>) target(%arg11 : memref<200x128xf32, #tpu.memory_space<vmem>>) offsets(%arg7 : memref<200xi32, #tpu.memory_space<vmem>>) semaphore(%arg15 : memref<!tpu.dma_semaphore, #tpu.memory_space<semaphore_mem>>)
    %dma_start3A_9 = arith.constant 0 : i32
    %dma_start3A_10 = arith.constant 0 : i32
    %dma_start3A_11 = tpu.memref_slice %arg3[%dma_start3A_9, %dma_start3A_10] : memref<10000x128xf32, #tpu.memory_space<hbm>> -> memref<10000x128xf32, #tpu.memory_space<hbm>>
    tpu.enqueue_indirect_dma source(%dma_start3A_11 : memref<10000x128xf32, #tpu.memory_space<hbm>>) target(%arg13 : memref<200x128xf32, #tpu.memory_space<vmem>>) offsets(%arg9 : memref<200xi32, #tpu.memory_space<vmem>>) semaphore(%arg15 : memref<!tpu.dma_semaphore, #tpu.memory_space<semaphore_mem>>)
    %add3A_12 = arith.constant 38400 : i32
    %add3A_13 = arith.addi %add3A_12, %mul3A_2 : i32
    %add3A_14 = arith.constant 200 : i32
    %add3A_15 = arith.addi %add3A_13, %add3A_14 : i32
    "tpu.region"() ({
      %run_scoped3A = tpu.sem_alloc : memref<!tpu.dma_semaphore, #tpu.memory_space<semaphore_mem>>
      %dma_start3A_34 = tpu.memref_slice %arg4[%add3A_15] : memref<320000xi32, #tpu.memory_space<hbm>> -> memref<200xi32, #tpu.memory_space<hbm>>
      %dma_start3A_35 = tpu.memref_slice %arg4[%add3A_15] : memref<320000xi32, #tpu.memory_space<hbm>> -> memref<200xi32, #tpu.memory_space<hbm>>
      tpu.enqueue_dma source(%dma_start3A_35 : memref<200xi32, #tpu.memory_space<hbm>>) target(%arg8 : memref<200xi32, #tpu.memory_space<vmem>>) target_semaphore(%run_scoped3A : memref<!tpu.dma_semaphore, #tpu.memory_space<semaphore_mem>>)
      %dma_wait3A_36 = tpu.memref_slice %arg4[%add3A_15] : memref<320000xi32, #tpu.memory_space<hbm>> -> memref<200xi32, #tpu.memory_space<hbm>>
      %dma_wait3A_37 = tpu.memref_slice %arg4[%add3A_15] : memref<320000xi32, #tpu.memory_space<hbm>> -> memref<200xi32, #tpu.memory_space<hbm>>
      tpu.wait_dma2 semaphore(%run_scoped3A : memref<!tpu.dma_semaphore, #tpu.memory_space<semaphore_mem>>) src(%dma_wait3A_37 : memref<200xi32, #tpu.memory_space<hbm>>) dst(%arg8 : memref<200xi32, #tpu.memory_space<vmem>>)
      tpu.yield
    }) : () -> ()
    "tpu.region"() ({
      %run_scoped3A = tpu.sem_alloc : memref<!tpu.dma_semaphore, #tpu.memory_space<semaphore_mem>>
      %dma_start3A_34 = tpu.memref_slice %arg5[%add3A_15] : memref<320000xi32, #tpu.memory_space<hbm>> -> memref<200xi32, #tpu.memory_space<hbm>>
      %dma_start3A_35 = tpu.memref_slice %arg5[%add3A_15] : memref<320000xi32, #tpu.memory_space<hbm>> -> memref<200xi32, #tpu.memory_space<hbm>>
      tpu.enqueue_dma source(%dma_start3A_35 : memref<200xi32, #tpu.memory_space<hbm>>) target(%arg10 : memref<200xi32, #tpu.memory_space<vmem>>) target_semaphore(%run_scoped3A : memref<!tpu.dma_semaphore, #tpu.memory_space<semaphore_mem>>)
      %dma_wait3A_36 = tpu.memref_slice %arg5[%add3A_15] : memref<320000xi32, #tpu.memory_space<hbm>> -> memref<200xi32, #tpu.memory_space<hbm>>
      %dma_wait3A_37 = tpu.memref_slice %arg5[%add3A_15] : memref<320000xi32, #tpu.memory_space<hbm>> -> memref<200xi32, #tpu.memory_space<hbm>>
      tpu.wait_dma2 semaphore(%run_scoped3A : memref<!tpu.dma_semaphore, #tpu.memory_space<semaphore_mem>>) src(%dma_wait3A_37 : memref<200xi32, #tpu.memory_space<hbm>>) dst(%arg10 : memref<200xi32, #tpu.memory_space<vmem>>)
      tpu.yield
    }) : () -> ()
    %dma_start3A_16 = arith.constant 0 : i32
    %dma_start3A_17 = arith.constant 0 : i32
    %dma_start3A_18 = tpu.memref_slice %arg2[%dma_start3A_16, %dma_start3A_17] : memref<10000x128xf32, #tpu.memory_space<hbm>> -> memref<10000x128xf32, #tpu.memory_space<hbm>>
    tpu.enqueue_indirect_dma source(%dma_start3A_18 : memref<10000x128xf32, #tpu.memory_space<hbm>>) target(%arg12 : memref<200x128xf32, #tpu.memory_space<vmem>>) offsets(%arg8 : memref<200xi32, #tpu.memory_space<vmem>>) semaphore(%arg16 : memref<!tpu.dma_semaphore, #tpu.memory_space<semaphore_mem>>)
    %dma_start3A_19 = arith.constant 0 : i32
    %dma_start3A_20 = arith.constant 0 : i32
    %dma_start3A_21 = tpu.memref_slice %arg3[%dma_start3A_19, %dma_start3A_20] : memref<10000x128xf32, #tpu.memory_space<hbm>> -> memref<10000x128xf32, #tpu.memory_space<hbm>>
    tpu.enqueue_indirect_dma source(%dma_start3A_21 : memref<10000x128xf32, #tpu.memory_space<hbm>>) target(%arg14 : memref<200x128xf32, #tpu.memory_space<vmem>>) offsets(%arg10 : memref<200xi32, #tpu.memory_space<vmem>>) semaphore(%arg16 : memref<!tpu.dma_semaphore, #tpu.memory_space<semaphore_mem>>)
    %scan3A = arith.constant 0 : i32
    %scan3A_22 = arith.constant 0 : i32
    %scan3A_23 = arith.constant 12 : i32
    %scan3A_24 = arith.addi %scan3A_22, %scan3A_23 : i32
    %scan3A_25 = arith.constant 1 : i32
    scf.for %scan3A_34 = %scan3A_22 to %scan3A_24 step %scan3A_25  : i32 {
      %dma_wait3A_35 = arith.constant 0 : i32
      %dma_wait3A_36 = arith.constant 0 : i32
      %dma_wait3A_37 = tpu.memref_slice %arg2[%dma_wait3A_35, %dma_wait3A_36] : memref<10000x128xf32, #tpu.memory_space<hbm>> -> memref<10000x128xf32, #tpu.memory_space<hbm>>
      tpu.wait_indirect_dma semaphore(%arg15 : memref<!tpu.dma_semaphore, #tpu.memory_space<semaphore_mem>>) src(%dma_wait3A_37 : memref<10000x128xf32, #tpu.memory_space<hbm>>) dst(%arg11 : memref<200x128xf32, #tpu.memory_space<vmem>>)
      %dma_wait3A_38 = arith.constant 0 : i32
      %dma_wait3A_39 = arith.constant 0 : i32
      %dma_wait3A_40 = tpu.memref_slice %arg3[%dma_wait3A_38, %dma_wait3A_39] : memref<10000x128xf32, #tpu.memory_space<hbm>> -> memref<10000x128xf32, #tpu.memory_space<hbm>>
      tpu.wait_indirect_dma semaphore(%arg15 : memref<!tpu.dma_semaphore, #tpu.memory_space<semaphore_mem>>) src(%dma_wait3A_40 : memref<10000x128xf32, #tpu.memory_space<hbm>>) dst(%arg13 : memref<200x128xf32, #tpu.memory_space<vmem>>)
      %parallel_loop3A = arith.constant 0 : i32
      %parallel_loop3A_41 = arith.constant 200 : i32
      %parallel_loop3A_42 = arith.constant 1 : i32
      scf.for %parallel_loop3A_93 = %parallel_loop3A to %parallel_loop3A_41 step %parallel_loop3A_42  : i32 {
        %parallel_loop3A_94 = arith.index_cast %parallel_loop3A_93 : i32 to index
        %parallel_loop3A_95 = arith.constant 0 : index
        %parallel_loop3A_96 = tpu.vector_load %arg11[%parallel_loop3A_94, %parallel_loop3A_95] {strides = array<i32>} : memref<200x128xf32, #tpu.memory_space<vmem>>, vector<1x16xf32>,
        %parallel_loop3A_97 = vector.shape_cast %parallel_loop3A_96 : vector<1x16xf32> to vector<16xf32>
        %parallel_loop3A_98 = arith.index_cast %parallel_loop3A_93 : i32 to index
        %parallel_loop3A_99 = arith.constant 0 : index
        %parallel_loop3A_100 = tpu.vector_load %arg13[%parallel_loop3A_98, %parallel_loop3A_99] {strides = array<i32>} : memref<200x128xf32, #tpu.memory_space<vmem>>, vector<1x16xf32>,
        %parallel_loop3A_101 = vector.shape_cast %parallel_loop3A_100 : vector<1x16xf32> to vector<16xf32>
        %parallel_loop3A_102 = arith.addf %parallel_loop3A_97, %parallel_loop3A_101 : vector<16xf32>
        %parallel_loop3A_103 = arith.index_cast %parallel_loop3A_93 : i32 to index
        %parallel_loop3A_104 = arith.constant 0 : index
        %parallel_loop3A_105 = tpu.vector_load %arg11[%parallel_loop3A_103, %parallel_loop3A_104] {strides = array<i32>} : memref<200x128xf32, #tpu.memory_space<vmem>>, vector<1x16xf32>,
        %parallel_loop3A_106 = vector.shape_cast %parallel_loop3A_105 : vector<1x16xf32> to vector<16xf32>
        %parallel_loop3A_107 = vector.shape_cast %parallel_loop3A_102 : vector<16xf32> to vector<1x16xf32>
        tpu.vector_store %arg11[%parallel_loop3A_103, %parallel_loop3A_104], %parallel_loop3A_107 {strides = array<i32>} : memref<200x128xf32, #tpu.memory_space<vmem>>, vector<1x16xf32>,
        %parallel_loop3A_108 = arith.index_cast %parallel_loop3A_93 : i32 to index
        %parallel_loop3A_109 = arith.constant 16 : index
        %parallel_loop3A_110 = tpu.vector_load %arg11[%parallel_loop3A_108, %parallel_loop3A_109] {strides = array<i32>} : memref<200x128xf32, #tpu.memory_space<vmem>>, vector<1x16xf32>,
        %parallel_loop3A_111 = vector.shape_cast %parallel_loop3A_110 : vector<1x16xf32> to vector<16xf32>
        %parallel_loop3A_112 = arith.index_cast %parallel_loop3A_93 : i32 to index
        %parallel_loop3A_113 = arith.constant 16 : index
        %parallel_loop3A_114 = tpu.vector_load %arg13[%parallel_loop3A_112, %parallel_loop3A_113] {strides = array<i32>} : memref<200x128xf32, #tpu.memory_space<vmem>>, vector<1x16xf32>,
        %parallel_loop3A_115 = vector.shape_cast %parallel_loop3A_114 : vector<1x16xf32> to vector<16xf32>
        %parallel_loop3A_116 = arith.addf %parallel_loop3A_111, %parallel_loop3A_115 : vector<16xf32>
        %parallel_loop3A_117 = arith.index_cast %parallel_loop3A_93 : i32 to index
        %parallel_loop3A_118 = arith.constant 16 : index
        %parallel_loop3A_119 = tpu.vector_load %arg11[%parallel_loop3A_117, %parallel_loop3A_118] {strides = array<i32>} : memref<200x128xf32, #tpu.memory_space<vmem>>, vector<1x16xf32>,
        %parallel_loop3A_120 = vector.shape_cast %parallel_loop3A_119 : vector<1x16xf32> to vector<16xf32>
        %parallel_loop3A_121 = vector.shape_cast %parallel_loop3A_116 : vector<16xf32> to vector<1x16xf32>
        tpu.vector_store %arg11[%parallel_loop3A_117, %parallel_loop3A_118], %parallel_loop3A_121 {strides = array<i32>} : memref<200x128xf32, #tpu.memory_space<vmem>>, vector<1x16xf32>,
        %parallel_loop3A_122 = arith.index_cast %parallel_loop3A_93 : i32 to index
        %parallel_loop3A_123 = arith.constant 32 : index
        %parallel_loop3A_124 = tpu.vector_load %arg11[%parallel_loop3A_122, %parallel_loop3A_123] {strides = array<i32>} : memref<200x128xf32, #tpu.memory_space<vmem>>, vector<1x16xf32>,
        %parallel_loop3A_125 = vector.shape_cast %parallel_loop3A_124 : vector<1x16xf32> to vector<16xf32>
        %parallel_loop3A_126 = arith.index_cast %parallel_loop3A_93 : i32 to index
        %parallel_loop3A_127 = arith.constant 32 : index
        %parallel_loop3A_128 = tpu.vector_load %arg13[%parallel_loop3A_126, %parallel_loop3A_127] {strides = array<i32>} : memref<200x128xf32, #tpu.memory_space<vmem>>, vector<1x16xf32>,
        %parallel_loop3A_129 = vector.shape_cast %parallel_loop3A_128 : vector<1x16xf32> to vector<16xf32>
        %parallel_loop3A_130 = arith.addf %parallel_loop3A_125, %parallel_loop3A_129 : vector<16xf32>
        %parallel_loop3A_131 = arith.index_cast %parallel_loop3A_93 : i32 to index
        %parallel_loop3A_132 = arith.constant 32 : index
        %parallel_loop3A_133 = tpu.vector_load %arg11[%parallel_loop3A_131, %parallel_loop3A_132] {strides = array<i32>} : memref<200x128xf32, #tpu.memory_space<vmem>>, vector<1x16xf32>,
        %parallel_loop3A_134 = vector.shape_cast %parallel_loop3A_133 : vector<1x16xf32> to vector<16xf32>
        %parallel_loop3A_135 = vector.shape_cast %parallel_loop3A_130 : vector<16xf32> to vector<1x16xf32>
        tpu.vector_store %arg11[%parallel_loop3A_131, %parallel_loop3A_132], %parallel_loop3A_135 {strides = array<i32>} : memref<200x128xf32, #tpu.memory_space<vmem>>, vector<1x16xf32>,
        %parallel_loop3A_136 = arith.index_cast %parallel_loop3A_93 : i32 to index
        %parallel_loop3A_137 = arith.constant 48 : index
        %parallel_loop3A_138 = tpu.vector_load %arg11[%parallel_loop3A_136, %parallel_loop3A_137] {strides = array<i32>} : memref<200x128xf32, #tpu.memory_space<vmem>>, vector<1x16xf32>,
        %parallel_loop3A_139 = vector.shape_cast %parallel_loop3A_138 : vector<1x16xf32> to vector<16xf32>
        %parallel_loop3A_140 = arith.index_cast %parallel_loop3A_93 : i32 to index
        %parallel_loop3A_141 = arith.constant 48 : index
        %parallel_loop3A_142 = tpu.vector_load %arg13[%parallel_loop3A_140, %parallel_loop3A_141] {strides = array<i32>} : memref<200x128xf32, #tpu.memory_space<vmem>>, vector<1x16xf32>,
        %parallel_loop3A_143 = vector.shape_cast %parallel_loop3A_142 : vector<1x16xf32> to vector<16xf32>
        %parallel_loop3A_144 = arith.addf %parallel_loop3A_139, %parallel_loop3A_143 : vector<16xf32>
        %parallel_loop3A_145 = arith.index_cast %parallel_loop3A_93 : i32 to index
        %parallel_loop3A_146 = arith.constant 48 : index
        %parallel_loop3A_147 = tpu.vector_load %arg11[%parallel_loop3A_145, %parallel_loop3A_146] {strides = array<i32>} : memref<200x128xf32, #tpu.memory_space<vmem>>, vector<1x16xf32>,
        %parallel_loop3A_148 = vector.shape_cast %parallel_loop3A_147 : vector<1x16xf32> to vector<16xf32>
        %parallel_loop3A_149 = vector.shape_cast %parallel_loop3A_144 : vector<16xf32> to vector<1x16xf32>
        tpu.vector_store %arg11[%parallel_loop3A_145, %parallel_loop3A_146], %parallel_loop3A_149 {strides = array<i32>} : memref<200x128xf32, #tpu.memory_space<vmem>>, vector<1x16xf32>,
        %parallel_loop3A_150 = arith.index_cast %parallel_loop3A_93 : i32 to index
        %parallel_loop3A_151 = arith.constant 64 : index
        %parallel_loop3A_152 = tpu.vector_load %arg11[%parallel_loop3A_150, %parallel_loop3A_151] {strides = array<i32>} : memref<200x128xf32, #tpu.memory_space<vmem>>, vector<1x16xf32>,
        %parallel_loop3A_153 = vector.shape_cast %parallel_loop3A_152 : vector<1x16xf32> to vector<16xf32>
        %parallel_loop3A_154 = arith.index_cast %parallel_loop3A_93 : i32 to index
        %parallel_loop3A_155 = arith.constant 64 : index
        %parallel_loop3A_156 = tpu.vector_load %arg13[%parallel_loop3A_154, %parallel_loop3A_155] {strides = array<i32>} : memref<200x128xf32, #tpu.memory_space<vmem>>, vector<1x16xf32>,
        %parallel_loop3A_157 = vector.shape_cast %parallel_loop3A_156 : vector<1x16xf32> to vector<16xf32>
        %parallel_loop3A_158 = arith.addf %parallel_loop3A_153, %parallel_loop3A_157 : vector<16xf32>
        %parallel_loop3A_159 = arith.index_cast %parallel_loop3A_93 : i32 to index
        %parallel_loop3A_160 = arith.constant 64 : index
        %parallel_loop3A_161 = tpu.vector_load %arg11[%parallel_loop3A_159, %parallel_loop3A_160] {strides = array<i32>} : memref<200x128xf32, #tpu.memory_space<vmem>>, vector<1x16xf32>,
        %parallel_loop3A_162 = vector.shape_cast %parallel_loop3A_161 : vector<1x16xf32> to vector<16xf32>
        %parallel_loop3A_163 = vector.shape_cast %parallel_loop3A_158 : vector<16xf32> to vector<1x16xf32>
        tpu.vector_store %arg11[%parallel_loop3A_159, %parallel_loop3A_160], %parallel_loop3A_163 {strides = array<i32>} : memref<200x128xf32, #tpu.memory_space<vmem>>, vector<1x16xf32>,
        %parallel_loop3A_164 = arith.index_cast %parallel_loop3A_93 : i32 to index
        %parallel_loop3A_165 = arith.constant 80 : index
        %parallel_loop3A_166 = tpu.vector_load %arg11[%parallel_loop3A_164, %parallel_loop3A_165] {strides = array<i32>} : memref<200x128xf32, #tpu.memory_space<vmem>>, vector<1x16xf32>,
        %parallel_loop3A_167 = vector.shape_cast %parallel_loop3A_166 : vector<1x16xf32> to vector<16xf32>
        %parallel_loop3A_168 = arith.index_cast %parallel_loop3A_93 : i32 to index
        %parallel_loop3A_169 = arith.constant 80 : index
        %parallel_loop3A_170 = tpu.vector_load %arg13[%parallel_loop3A_168, %parallel_loop3A_169] {strides = array<i32>} : memref<200x128xf32, #tpu.memory_space<vmem>>, vector<1x16xf32>,
        %parallel_loop3A_171 = vector.shape_cast %parallel_loop3A_170 : vector<1x16xf32> to vector<16xf32>
        %parallel_loop3A_172 = arith.addf %parallel_loop3A_167, %parallel_loop3A_171 : vector<16xf32>
        %parallel_loop3A_173 = arith.index_cast %parallel_loop3A_93 : i32 to index
        %parallel_loop3A_174 = arith.constant 80 : index
        %parallel_loop3A_175 = tpu.vector_load %arg11[%parallel_loop3A_173, %parallel_loop3A_174] {strides = array<i32>} : memref<200x128xf32, #tpu.memory_space<vmem>>, vector<1x16xf32>,
        %parallel_loop3A_176 = vector.shape_cast %parallel_loop3A_175 : vector<1x16xf32> to vector<16xf32>
        %parallel_loop3A_177 = vector.shape_cast %parallel_loop3A_172 : vector<16xf32> to vector<1x16xf32>
        tpu.vector_store %arg11[%parallel_loop3A_173, %parallel_loop3A_174], %parallel_loop3A_177 {strides = array<i32>} : memref<200x128xf32, #tpu.memory_space<vmem>>, vector<1x16xf32>,
        %parallel_loop3A_178 = arith.index_cast %parallel_loop3A_93 : i32 to index
        %parallel_loop3A_179 = arith.constant 96 : index
        %parallel_loop3A_180 = tpu.vector_load %arg11[%parallel_loop3A_178, %parallel_loop3A_179] {strides = array<i32>} : memref<200x128xf32, #tpu.memory_space<vmem>>, vector<1x16xf32>,
        %parallel_loop3A_181 = vector.shape_cast %parallel_loop3A_180 : vector<1x16xf32> to vector<16xf32>
        %parallel_loop3A_182 = arith.index_cast %parallel_loop3A_93 : i32 to index
        %parallel_loop3A_183 = arith.constant 96 : index
        %parallel_loop3A_184 = tpu.vector_load %arg13[%parallel_loop3A_182, %parallel_loop3A_183] {strides = array<i32>} : memref<200x128xf32, #tpu.memory_space<vmem>>, vector<1x16xf32>,
        %parallel_loop3A_185 = vector.shape_cast %parallel_loop3A_184 : vector<1x16xf32> to vector<16xf32>
        %parallel_loop3A_186 = arith.addf %parallel_loop3A_181, %parallel_loop3A_185 : vector<16xf32>
        %parallel_loop3A_187 = arith.index_cast %parallel_loop3A_93 : i32 to index
        %parallel_loop3A_188 = arith.constant 96 : index
        %parallel_loop3A_189 = tpu.vector_load %arg11[%parallel_loop3A_187, %parallel_loop3A_188] {strides = array<i32>} : memref<200x128xf32, #tpu.memory_space<vmem>>, vector<1x16xf32>,
        %parallel_loop3A_190 = vector.shape_cast %parallel_loop3A_189 : vector<1x16xf32> to vector<16xf32>
        %parallel_loop3A_191 = vector.shape_cast %parallel_loop3A_186 : vector<16xf32> to vector<1x16xf32>
        tpu.vector_store %arg11[%parallel_loop3A_187, %parallel_loop3A_188], %parallel_loop3A_191 {strides = array<i32>} : memref<200x128xf32, #tpu.memory_space<vmem>>, vector<1x16xf32>,
        %parallel_loop3A_192 = arith.index_cast %parallel_loop3A_93 : i32 to index
        %parallel_loop3A_193 = arith.constant 112 : index
        %parallel_loop3A_194 = tpu.vector_load %arg11[%parallel_loop3A_192, %parallel_loop3A_193] {strides = array<i32>} : memref<200x128xf32, #tpu.memory_space<vmem>>, vector<1x16xf32>,
        %parallel_loop3A_195 = vector.shape_cast %parallel_loop3A_194 : vector<1x16xf32> to vector<16xf32>
        %parallel_loop3A_196 = arith.index_cast %parallel_loop3A_93 : i32 to index
        %parallel_loop3A_197 = arith.constant 112 : index
        %parallel_loop3A_198 = tpu.vector_load %arg13[%parallel_loop3A_196, %parallel_loop3A_197] {strides = array<i32>} : memref<200x128xf32, #tpu.memory_space<vmem>>, vector<1x16xf32>,
        %parallel_loop3A_199 = vector.shape_cast %parallel_loop3A_198 : vector<1x16xf32> to vector<16xf32>
        %parallel_loop3A_200 = arith.addf %parallel_loop3A_195, %parallel_loop3A_199 : vector<16xf32>
        %parallel_loop3A_201 = arith.index_cast %parallel_loop3A_93 : i32 to index
        %parallel_loop3A_202 = arith.constant 112 : index
        %parallel_loop3A_203 = tpu.vector_load %arg11[%parallel_loop3A_201, %parallel_loop3A_202] {strides = array<i32>} : memref<200x128xf32, #tpu.memory_space<vmem>>, vector<1x16xf32>,
        %parallel_loop3A_204 = vector.shape_cast %parallel_loop3A_203 : vector<1x16xf32> to vector<16xf32>
        %parallel_loop3A_205 = vector.shape_cast %parallel_loop3A_200 : vector<16xf32> to vector<1x16xf32>
        tpu.vector_store %arg11[%parallel_loop3A_201, %parallel_loop3A_202], %parallel_loop3A_205 {strides = array<i32>} : memref<200x128xf32, #tpu.memory_space<vmem>>, vector<1x16xf32>,
      } {sc.loop_unroll_factor = 4 : i64, sc.parallel_access}
      %mul3A_43 = arith.constant 2 : i32
      %mul3A_44 = arith.muli %mul3A_43, %scan3A_34 : i32
      %add3A_45 = arith.constant 0 : i32
      %add3A_46 = arith.addi %mul3A_44, %add3A_45 : i32
      %mul3A_47 = arith.constant 200 : i32
      %mul3A_48 = arith.muli %add3A_46, %mul3A_47 : i32
      %add3A_49 = arith.addi %mul3A_2, %mul3A_48 : i32
      %dma_start3A_50 = arith.constant 0 : i32
      %dma_start3A_51 = tpu.memref_slice %arg6[%add3A_49, %dma_start3A_50] : memref<153600x128xf32, #tpu.memory_space<hbm>> -> memref<200x128xf32, #tpu.memory_space<hbm>>
      %dma_start3A_52 = arith.constant 0 : i32
      %dma_start3A_53 = tpu.memref_slice %arg6[%add3A_49, %dma_start3A_52] : memref<153600x128xf32, #tpu.memory_space<hbm>> -> memref<200x128xf32, #tpu.memory_space<hbm>>
      tpu.enqueue_dma source(%arg11 : memref<200x128xf32, #tpu.memory_space<vmem>>) target(%dma_start3A_53 : memref<200x128xf32, #tpu.memory_space<hbm>>) target_semaphore(%arg17 : memref<!tpu.dma_semaphore, #tpu.memory_space<semaphore_mem>>)
      %dma_wait3A_54 = arith.constant 0 : i32
      %dma_wait3A_55 = arith.constant 0 : i32
      %dma_wait3A_56 = tpu.memref_slice %arg2[%dma_wait3A_54, %dma_wait3A_55] : memref<10000x128xf32, #tpu.memory_space<hbm>> -> memref<10000x128xf32, #tpu.memory_space<hbm>>
      tpu.wait_indirect_dma semaphore(%arg16 : memref<!tpu.dma_semaphore, #tpu.memory_space<semaphore_mem>>) src(%dma_wait3A_56 : memref<10000x128xf32, #tpu.memory_space<hbm>>) dst(%arg12 : memref<200x128xf32, #tpu.memory_space<vmem>>)
      %dma_wait3A_57 = arith.constant 0 : i32
      %dma_wait3A_58 = arith.constant 0 : i32
      %dma_wait3A_59 = tpu.memref_slice %arg3[%dma_wait3A_57, %dma_wait3A_58] : memref<10000x128xf32, #tpu.memory_space<hbm>> -> memref<10000x128xf32, #tpu.memory_space<hbm>>
      tpu.wait_indirect_dma semaphore(%arg16 : memref<!tpu.dma_semaphore, #tpu.memory_space<semaphore_mem>>) src(%dma_wait3A_59 : memref<10000x128xf32, #tpu.memory_space<hbm>>) dst(%arg14 : memref<200x128xf32, #tpu.memory_space<vmem>>)
      %parallel_loop3A_60 = arith.constant 0 : i32
      %parallel_loop3A_61 = arith.constant 200 : i32
      %parallel_loop3A_62 = arith.constant 1 : i32
      scf.for %parallel_loop3A_93 = %parallel_loop3A_60 to %parallel_loop3A_61 step %parallel_loop3A_62  : i32 {
        %parallel_loop3A_94 = arith.index_cast %parallel_loop3A_93 : i32 to index
        %parallel_loop3A_95 = arith.constant 0 : index
        %parallel_loop3A_96 = tpu.vector_load %arg12[%parallel_loop3A_94, %parallel_loop3A_95] {strides = array<i32>} : memref<200x128xf32, #tpu.memory_space<vmem>>, vector<1x16xf32>,
        %parallel_loop3A_97 = vector.shape_cast %parallel_loop3A_96 : vector<1x16xf32> to vector<16xf32>
        %parallel_loop3A_98 = arith.index_cast %parallel_loop3A_93 : i32 to index
        %parallel_loop3A_99 = arith.constant 0 : index
        %parallel_loop3A_100 = tpu.vector_load %arg14[%parallel_loop3A_98, %parallel_loop3A_99] {strides = array<i32>} : memref<200x128xf32, #tpu.memory_space<vmem>>, vector<1x16xf32>,
        %parallel_loop3A_101 = vector.shape_cast %parallel_loop3A_100 : vector<1x16xf32> to vector<16xf32>
        %parallel_loop3A_102 = arith.addf %parallel_loop3A_97, %parallel_loop3A_101 : vector<16xf32>
        %parallel_loop3A_103 = arith.index_cast %parallel_loop3A_93 : i32 to index
        %parallel_loop3A_104 = arith.constant 0 : index
        %parallel_loop3A_105 = tpu.vector_load %arg12[%parallel_loop3A_103, %parallel_loop3A_104] {strides = array<i32>} : memref<200x128xf32, #tpu.memory_space<vmem>>, vector<1x16xf32>,
        %parallel_loop3A_106 = vector.shape_cast %parallel_loop3A_105 : vector<1x16xf32> to vector<16xf32>
        %parallel_loop3A_107 = vector.shape_cast %parallel_loop3A_102 : vector<16xf32> to vector<1x16xf32>
        tpu.vector_store %arg12[%parallel_loop3A_103, %parallel_loop3A_104], %parallel_loop3A_107 {strides = array<i32>} : memref<200x128xf32, #tpu.memory_space<vmem>>, vector<1x16xf32>,
        %parallel_loop3A_108 = arith.index_cast %parallel_loop3A_93 : i32 to index
        %parallel_loop3A_109 = arith.constant 16 : index
        %parallel_loop3A_110 = tpu.vector_load %arg12[%parallel_loop3A_108, %parallel_loop3A_109] {strides = array<i32>} : memref<200x128xf32, #tpu.memory_space<vmem>>, vector<1x16xf32>,
        %parallel_loop3A_111 = vector.shape_cast %parallel_loop3A_110 : vector<1x16xf32> to vector<16xf32>
        %parallel_loop3A_112 = arith.index_cast %parallel_loop3A_93 : i32 to index
        %parallel_loop3A_113 = arith.constant 16 : index
        %parallel_loop3A_114 = tpu.vector_load %arg14[%parallel_loop3A_112, %parallel_loop3A_113] {strides = array<i32>} : memref<200x128xf32, #tpu.memory_space<vmem>>, vector<1x16xf32>,
        %parallel_loop3A_115 = vector.shape_cast %parallel_loop3A_114 : vector<1x16xf32> to vector<16xf32>
        %parallel_loop3A_116 = arith.addf %parallel_loop3A_111, %parallel_loop3A_115 : vector<16xf32>
        %parallel_loop3A_117 = arith.index_cast %parallel_loop3A_93 : i32 to index
        %parallel_loop3A_118 = arith.constant 16 : index
        %parallel_loop3A_119 = tpu.vector_load %arg12[%parallel_loop3A_117, %parallel_loop3A_118] {strides = array<i32>} : memref<200x128xf32, #tpu.memory_space<vmem>>, vector<1x16xf32>,
        %parallel_loop3A_120 = vector.shape_cast %parallel_loop3A_119 : vector<1x16xf32> to vector<16xf32>
        %parallel_loop3A_121 = vector.shape_cast %parallel_loop3A_116 : vector<16xf32> to vector<1x16xf32>
        tpu.vector_store %arg12[%parallel_loop3A_117, %parallel_loop3A_118], %parallel_loop3A_121 {strides = array<i32>} : memref<200x128xf32, #tpu.memory_space<vmem>>, vector<1x16xf32>,
        %parallel_loop3A_122 = arith.index_cast %parallel_loop3A_93 : i32 to index
        %parallel_loop3A_123 = arith.constant 32 : index
        %parallel_loop3A_124 = tpu.vector_load %arg12[%parallel_loop3A_122, %parallel_loop3A_123] {strides = array<i32>} : memref<200x128xf32, #tpu.memory_space<vmem>>, vector<1x16xf32>,
        %parallel_loop3A_125 = vector.shape_cast %parallel_loop3A_124 : vector<1x16xf32> to vector<16xf32>
        %parallel_loop3A_126 = arith.index_cast %parallel_loop3A_93 : i32 to index
        %parallel_loop3A_127 = arith.constant 32 : index
        %parallel_loop3A_128 = tpu.vector_load %arg14[%parallel_loop3A_126, %parallel_loop3A_127] {strides = array<i32>} : memref<200x128xf32, #tpu.memory_space<vmem>>, vector<1x16xf32>,
        %parallel_loop3A_129 = vector.shape_cast %parallel_loop3A_128 : vector<1x16xf32> to vector<16xf32>
        %parallel_loop3A_130 = arith.addf %parallel_loop3A_125, %parallel_loop3A_129 : vector<16xf32>
        %parallel_loop3A_131 = arith.index_cast %parallel_loop3A_93 : i32 to index
        %parallel_loop3A_132 = arith.constant 32 : index
        %parallel_loop3A_133 = tpu.vector_load %arg12[%parallel_loop3A_131, %parallel_loop3A_132] {strides = array<i32>} : memref<200x128xf32, #tpu.memory_space<vmem>>, vector<1x16xf32>,
        %parallel_loop3A_134 = vector.shape_cast %parallel_loop3A_133 : vector<1x16xf32> to vector<16xf32>
        %parallel_loop3A_135 = vector.shape_cast %parallel_loop3A_130 : vector<16xf32> to vector<1x16xf32>
        tpu.vector_store %arg12[%parallel_loop3A_131, %parallel_loop3A_132], %parallel_loop3A_135 {strides = array<i32>} : memref<200x128xf32, #tpu.memory_space<vmem>>, vector<1x16xf32>,
        %parallel_loop3A_136 = arith.index_cast %parallel_loop3A_93 : i32 to index
        %parallel_loop3A_137 = arith.constant 48 : index
        %parallel_loop3A_138 = tpu.vector_load %arg12[%parallel_loop3A_136, %parallel_loop3A_137] {strides = array<i32>} : memref<200x128xf32, #tpu.memory_space<vmem>>, vector<1x16xf32>,
        %parallel_loop3A_139 = vector.shape_cast %parallel_loop3A_138 : vector<1x16xf32> to vector<16xf32>
        %parallel_loop3A_140 = arith.index_cast %parallel_loop3A_93 : i32 to index
        %parallel_loop3A_141 = arith.constant 48 : index
        %parallel_loop3A_142 = tpu.vector_load %arg14[%parallel_loop3A_140, %parallel_loop3A_141] {strides = array<i32>} : memref<200x128xf32, #tpu.memory_space<vmem>>, vector<1x16xf32>,
        %parallel_loop3A_143 = vector.shape_cast %parallel_loop3A_142 : vector<1x16xf32> to vector<16xf32>
        %parallel_loop3A_144 = arith.addf %parallel_loop3A_139, %parallel_loop3A_143 : vector<16xf32>
        %parallel_loop3A_145 = arith.index_cast %parallel_loop3A_93 : i32 to index
        %parallel_loop3A_146 = arith.constant 48 : index
        %parallel_loop3A_147 = tpu.vector_load %arg12[%parallel_loop3A_145, %parallel_loop3A_146] {strides = array<i32>} : memref<200x128xf32, #tpu.memory_space<vmem>>, vector<1x16xf32>,
        %parallel_loop3A_148 = vector.shape_cast %parallel_loop3A_147 : vector<1x16xf32> to vector<16xf32>
        %parallel_loop3A_149 = vector.shape_cast %parallel_loop3A_144 : vector<16xf32> to vector<1x16xf32>
        tpu.vector_store %arg12[%parallel_loop3A_145, %parallel_loop3A_146], %parallel_loop3A_149 {strides = array<i32>} : memref<200x128xf32, #tpu.memory_space<vmem>>, vector<1x16xf32>,
        %parallel_loop3A_150 = arith.index_cast %parallel_loop3A_93 : i32 to index
        %parallel_loop3A_151 = arith.constant 64 : index
        %parallel_loop3A_152 = tpu.vector_load %arg12[%parallel_loop3A_150, %parallel_loop3A_151] {strides = array<i32>} : memref<200x128xf32, #tpu.memory_space<vmem>>, vector<1x16xf32>,
        %parallel_loop3A_153 = vector.shape_cast %parallel_loop3A_152 : vector<1x16xf32> to vector<16xf32>
        %parallel_loop3A_154 = arith.index_cast %parallel_loop3A_93 : i32 to index
        %parallel_loop3A_155 = arith.constant 64 : index
        %parallel_loop3A_156 = tpu.vector_load %arg14[%parallel_loop3A_154, %parallel_loop3A_155] {strides = array<i32>} : memref<200x128xf32, #tpu.memory_space<vmem>>, vector<1x16xf32>,
        %parallel_loop3A_157 = vector.shape_cast %parallel_loop3A_156 : vector<1x16xf32> to vector<16xf32>
        %parallel_loop3A_158 = arith.addf %parallel_loop3A_153, %parallel_loop3A_157 : vector<16xf32>
        %parallel_loop3A_159 = arith.index_cast %parallel_loop3A_93 : i32 to index
        %parallel_loop3A_160 = arith.constant 64 : index
        %parallel_loop3A_161 = tpu.vector_load %arg12[%parallel_loop3A_159, %parallel_loop3A_160] {strides = array<i32>} : memref<200x128xf32, #tpu.memory_space<vmem>>, vector<1x16xf32>,
        %parallel_loop3A_162 = vector.shape_cast %parallel_loop3A_161 : vector<1x16xf32> to vector<16xf32>
        %parallel_loop3A_163 = vector.shape_cast %parallel_loop3A_158 : vector<16xf32> to vector<1x16xf32>
        tpu.vector_store %arg12[%parallel_loop3A_159, %parallel_loop3A_160], %parallel_loop3A_163 {strides = array<i32>} : memref<200x128xf32, #tpu.memory_space<vmem>>, vector<1x16xf32>,
        %parallel_loop3A_164 = arith.index_cast %parallel_loop3A_93 : i32 to index
        %parallel_loop3A_165 = arith.constant 80 : index
        %parallel_loop3A_166 = tpu.vector_load %arg12[%parallel_loop3A_164, %parallel_loop3A_165] {strides = array<i32>} : memref<200x128xf32, #tpu.memory_space<vmem>>, vector<1x16xf32>,
        %parallel_loop3A_167 = vector.shape_cast %parallel_loop3A_166 : vector<1x16xf32> to vector<16xf32>
        %parallel_loop3A_168 = arith.index_cast %parallel_loop3A_93 : i32 to index
        %parallel_loop3A_169 = arith.constant 80 : index
        %parallel_loop3A_170 = tpu.vector_load %arg14[%parallel_loop3A_168, %parallel_loop3A_169] {strides = array<i32>} : memref<200x128xf32, #tpu.memory_space<vmem>>, vector<1x16xf32>,
        %parallel_loop3A_171 = vector.shape_cast %parallel_loop3A_170 : vector<1x16xf32> to vector<16xf32>
        %parallel_loop3A_172 = arith.addf %parallel_loop3A_167, %parallel_loop3A_171 : vector<16xf32>
        %parallel_loop3A_173 = arith.index_cast %parallel_loop3A_93 : i32 to index
        %parallel_loop3A_174 = arith.constant 80 : index
        %parallel_loop3A_175 = tpu.vector_load %arg12[%parallel_loop3A_173, %parallel_loop3A_174] {strides = array<i32>} : memref<200x128xf32, #tpu.memory_space<vmem>>, vector<1x16xf32>,
        %parallel_loop3A_176 = vector.shape_cast %parallel_loop3A_175 : vector<1x16xf32> to vector<16xf32>
        %parallel_loop3A_177 = vector.shape_cast %parallel_loop3A_172 : vector<16xf32> to vector<1x16xf32>
        tpu.vector_store %arg12[%parallel_loop3A_173, %parallel_loop3A_174], %parallel_loop3A_177 {strides = array<i32>} : memref<200x128xf32, #tpu.memory_space<vmem>>, vector<1x16xf32>,
        %parallel_loop3A_178 = arith.index_cast %parallel_loop3A_93 : i32 to index
        %parallel_loop3A_179 = arith.constant 96 : index
        %parallel_loop3A_180 = tpu.vector_load %arg12[%parallel_loop3A_178, %parallel_loop3A_179] {strides = array<i32>} : memref<200x128xf32, #tpu.memory_space<vmem>>, vector<1x16xf32>,
        %parallel_loop3A_181 = vector.shape_cast %parallel_loop3A_180 : vector<1x16xf32> to vector<16xf32>
        %parallel_loop3A_182 = arith.index_cast %parallel_loop3A_93 : i32 to index
        %parallel_loop3A_183 = arith.constant 96 : index
        %parallel_loop3A_184 = tpu.vector_load %arg14[%parallel_loop3A_182, %parallel_loop3A_183] {strides = array<i32>} : memref<200x128xf32, #tpu.memory_space<vmem>>, vector<1x16xf32>,
        %parallel_loop3A_185 = vector.shape_cast %parallel_loop3A_184 : vector<1x16xf32> to vector<16xf32>
        %parallel_loop3A_186 = arith.addf %parallel_loop3A_181, %parallel_loop3A_185 : vector<16xf32>
        %parallel_loop3A_187 = arith.index_cast %parallel_loop3A_93 : i32 to index
        %parallel_loop3A_188 = arith.constant 96 : index
        %parallel_loop3A_189 = tpu.vector_load %arg12[%parallel_loop3A_187, %parallel_loop3A_188] {strides = array<i32>} : memref<200x128xf32, #tpu.memory_space<vmem>>, vector<1x16xf32>,
        %parallel_loop3A_190 = vector.shape_cast %parallel_loop3A_189 : vector<1x16xf32> to vector<16xf32>
        %parallel_loop3A_191 = vector.shape_cast %parallel_loop3A_186 : vector<16xf32> to vector<1x16xf32>
        tpu.vector_store %arg12[%parallel_loop3A_187, %parallel_loop3A_188], %parallel_loop3A_191 {strides = array<i32>} : memref<200x128xf32, #tpu.memory_space<vmem>>, vector<1x16xf32>,
        %parallel_loop3A_192 = arith.index_cast %parallel_loop3A_93 : i32 to index
        %parallel_loop3A_193 = arith.constant 112 : index
        %parallel_loop3A_194 = tpu.vector_load %arg12[%parallel_loop3A_192, %parallel_loop3A_193] {strides = array<i32>} : memref<200x128xf32, #tpu.memory_space<vmem>>, vector<1x16xf32>,
        %parallel_loop3A_195 = vector.shape_cast %parallel_loop3A_194 : vector<1x16xf32> to vector<16xf32>
        %parallel_loop3A_196 = arith.index_cast %parallel_loop3A_93 : i32 to index
        %parallel_loop3A_197 = arith.constant 112 : index
        %parallel_loop3A_198 = tpu.vector_load %arg14[%parallel_loop3A_196, %parallel_loop3A_197] {strides = array<i32>} : memref<200x128xf32, #tpu.memory_space<vmem>>, vector<1x16xf32>,
        %parallel_loop3A_199 = vector.shape_cast %parallel_loop3A_198 : vector<1x16xf32> to vector<16xf32>
        %parallel_loop3A_200 = arith.addf %parallel_loop3A_195, %parallel_loop3A_199 : vector<16xf32>
        %parallel_loop3A_201 = arith.index_cast %parallel_loop3A_93 : i32 to index
        %parallel_loop3A_202 = arith.constant 112 : index
        %parallel_loop3A_203 = tpu.vector_load %arg12[%parallel_loop3A_201, %parallel_loop3A_202] {strides = array<i32>} : memref<200x128xf32, #tpu.memory_space<vmem>>, vector<1x16xf32>,
        %parallel_loop3A_204 = vector.shape_cast %parallel_loop3A_203 : vector<1x16xf32> to vector<16xf32>
        %parallel_loop3A_205 = vector.shape_cast %parallel_loop3A_200 : vector<16xf32> to vector<1x16xf32>
        tpu.vector_store %arg12[%parallel_loop3A_201, %parallel_loop3A_202], %parallel_loop3A_205 {strides = array<i32>} : memref<200x128xf32, #tpu.memory_space<vmem>>, vector<1x16xf32>,
      } {sc.loop_unroll_factor = 4 : i64, sc.parallel_access}
      %mul3A_63 = arith.constant 2 : i32
      %mul3A_64 = arith.muli %mul3A_63, %scan3A_34 : i32
      %add3A_65 = arith.constant 1 : i32
      %add3A_66 = arith.addi %mul3A_64, %add3A_65 : i32
      %mul3A_67 = arith.constant 200 : i32
      %mul3A_68 = arith.muli %add3A_66, %mul3A_67 : i32
      %add3A_69 = arith.addi %mul3A_2, %mul3A_68 : i32
      %dma_start3A_70 = arith.constant 0 : i32
      %dma_start3A_71 = tpu.memref_slice %arg6[%add3A_69, %dma_start3A_70] : memref<153600x128xf32, #tpu.memory_space<hbm>> -> memref<200x128xf32, #tpu.memory_space<hbm>>
      %dma_start3A_72 = arith.constant 0 : i32
      %dma_start3A_73 = tpu.memref_slice %arg6[%add3A_69, %dma_start3A_72] : memref<153600x128xf32, #tpu.memory_space<hbm>> -> memref<200x128xf32, #tpu.memory_space<hbm>>
      tpu.enqueue_dma source(%arg12 : memref<200x128xf32, #tpu.memory_space<vmem>>) target(%dma_start3A_73 : memref<200x128xf32, #tpu.memory_space<hbm>>) target_semaphore(%arg18 : memref<!tpu.dma_semaphore, #tpu.memory_space<semaphore_mem>>)
      %mul3A_74 = arith.constant 2 : i32
      %mul3A_75 = arith.muli %mul3A_74, %scan3A_34 : i32
      %add3A_76 = arith.constant 2 : i32
      %add3A_77 = arith.addi %mul3A_75, %add3A_76 : i32
      %add3A_78 = arith.constant 0 : i32
      %add3A_79 = arith.addi %add3A_77, %add3A_78 : i32
      %lt3A = arith.constant 24 : i32
      %lt3A_80 = arith.cmpi slt, %add3A_79, %lt3A : i32
      %convert_element_type3A = arith.extui %lt3A_80 : i1 to i32
      %cond3A = arith.constant 0 : i32
      %cond3A_81 = arith.cmpi ne, %convert_element_type3A, %cond3A : i32
      scf.if %cond3A_81 {
        %add3A_93 = arith.constant 38400 : i32
        %add3A_94 = arith.addi %add3A_93, %mul3A_2 : i32
        %mul3A_95 = arith.constant 200 : i32
        %mul3A_96 = arith.muli %add3A_79, %mul3A_95 : i32
        %add3A_97 = arith.addi %add3A_94, %mul3A_96 : i32
        "tpu.region"() ({
          %run_scoped3A = tpu.sem_alloc : memref<!tpu.dma_semaphore, #tpu.memory_space<semaphore_mem>>
          %dma_start3A_108 = tpu.memref_slice %arg4[%add3A_97] : memref<320000xi32, #tpu.memory_space<hbm>> -> memref<200xi32, #tpu.memory_space<hbm>>
          %dma_start3A_109 = tpu.memref_slice %arg4[%add3A_97] : memref<320000xi32, #tpu.memory_space<hbm>> -> memref<200xi32, #tpu.memory_space<hbm>>
          tpu.enqueue_dma source(%dma_start3A_109 : memref<200xi32, #tpu.memory_space<hbm>>) target(%arg7 : memref<200xi32, #tpu.memory_space<vmem>>) target_semaphore(%run_scoped3A : memref<!tpu.dma_semaphore, #tpu.memory_space<semaphore_mem>>)
          %dma_wait3A_110 = tpu.memref_slice %arg4[%add3A_97] : memref<320000xi32, #tpu.memory_space<hbm>> -> memref<200xi32, #tpu.memory_space<hbm>>
          %dma_wait3A_111 = tpu.memref_slice %arg4[%add3A_97] : memref<320000xi32, #tpu.memory_space<hbm>> -> memref<200xi32, #tpu.memory_space<hbm>>
          tpu.wait_dma2 semaphore(%run_scoped3A : memref<!tpu.dma_semaphore, #tpu.memory_space<semaphore_mem>>) src(%dma_wait3A_111 : memref<200xi32, #tpu.memory_space<hbm>>) dst(%arg7 : memref<200xi32, #tpu.memory_space<vmem>>)
          tpu.yield
        }) : () -> ()
        "tpu.region"() ({
          %run_scoped3A = tpu.sem_alloc : memref<!tpu.dma_semaphore, #tpu.memory_space<semaphore_mem>>
          %dma_start3A_108 = tpu.memref_slice %arg5[%add3A_97] : memref<320000xi32, #tpu.memory_space<hbm>> -> memref<200xi32, #tpu.memory_space<hbm>>
          %dma_start3A_109 = tpu.memref_slice %arg5[%add3A_97] : memref<320000xi32, #tpu.memory_space<hbm>> -> memref<200xi32, #tpu.memory_space<hbm>>
          tpu.enqueue_dma source(%dma_start3A_109 : memref<200xi32, #tpu.memory_space<hbm>>) target(%arg9 : memref<200xi32, #tpu.memory_space<vmem>>) target_semaphore(%run_scoped3A : memref<!tpu.dma_semaphore, #tpu.memory_space<semaphore_mem>>)
          %dma_wait3A_110 = tpu.memref_slice %arg5[%add3A_97] : memref<320000xi32, #tpu.memory_space<hbm>> -> memref<200xi32, #tpu.memory_space<hbm>>
          %dma_wait3A_111 = tpu.memref_slice %arg5[%add3A_97] : memref<320000xi32, #tpu.memory_space<hbm>> -> memref<200xi32, #tpu.memory_space<hbm>>
          tpu.wait_dma2 semaphore(%run_scoped3A : memref<!tpu.dma_semaphore, #tpu.memory_space<semaphore_mem>>) src(%dma_wait3A_111 : memref<200xi32, #tpu.memory_space<hbm>>) dst(%arg9 : memref<200xi32, #tpu.memory_space<vmem>>)
          tpu.yield
        }) : () -> ()
        %dma_wait3A_98 = arith.constant 0 : i32
        %dma_wait3A_99 = tpu.memref_slice %arg6[%mul3A_2, %dma_wait3A_98] : memref<153600x128xf32, #tpu.memory_space<hbm>> -> memref<200x128xf32, #tpu.memory_space<hbm>>
        %dma_wait3A_100 = arith.constant 0 : i32
        %dma_wait3A_101 = tpu.memref_slice %arg6[%mul3A_2, %dma_wait3A_100] : memref<153600x128xf32, #tpu.memory_space<hbm>> -> memref<200x128xf32, #tpu.memory_space<hbm>>
        tpu.wait_dma2 semaphore(%arg17 : memref<!tpu.dma_semaphore, #tpu.memory_space<semaphore_mem>>) src(%arg11 : memref<200x128xf32, #tpu.memory_space<vmem>>) dst(%dma_wait3A_101 : memref<200x128xf32, #tpu.memory_space<hbm>>)
        %dma_start3A_102 = arith.constant 0 : i32
        %dma_start3A_103 = arith.constant 0 : i32
        %dma_start3A_104 = tpu.memref_slice %arg2[%dma_start3A_102, %dma_start3A_103] : memref<10000x128xf32, #tpu.memory_space<hbm>> -> memref<10000x128xf32, #tpu.memory_space<hbm>>
        tpu.enqueue_indirect_dma source(%dma_start3A_104 : memref<10000x128xf32, #tpu.memory_space<hbm>>) target(%arg11 : memref<200x128xf32, #tpu.memory_space<vmem>>) offsets(%arg7 : memref<200xi32, #tpu.memory_space<vmem>>) semaphore(%arg15 : memref<!tpu.dma_semaphore, #tpu.memory_space<semaphore_mem>>)
        %dma_start3A_105 = arith.constant 0 : i32
        %dma_start3A_106 = arith.constant 0 : i32
        %dma_start3A_107 = tpu.memref_slice %arg3[%dma_start3A_105, %dma_start3A_106] : memref<10000x128xf32, #tpu.memory_space<hbm>> -> memref<10000x128xf32, #tpu.memory_space<hbm>>
        tpu.enqueue_indirect_dma source(%dma_start3A_107 : memref<10000x128xf32, #tpu.memory_space<hbm>>) target(%arg13 : memref<200x128xf32, #tpu.memory_space<vmem>>) offsets(%arg9 : memref<200xi32, #tpu.memory_space<vmem>>) semaphore(%arg15 : memref<!tpu.dma_semaphore, #tpu.memory_space<semaphore_mem>>)
      } else {
      }
      %mul3A_82 = arith.constant 2 : i32
      %mul3A_83 = arith.muli %mul3A_82, %scan3A_34 : i32
      %add3A_84 = arith.constant 2 : i32
      %add3A_85 = arith.addi %mul3A_83, %add3A_84 : i32
      %add3A_86 = arith.constant 1 : i32
      %add3A_87 = arith.addi %add3A_85, %add3A_86 : i32
      %lt3A_88 = arith.constant 24 : i32
      %lt3A_89 = arith.cmpi slt, %add3A_87, %lt3A_88 : i32
      %convert_element_type3A_90 = arith.extui %lt3A_89 : i1 to i32
      %cond3A_91 = arith.constant 0 : i32
      %cond3A_92 = arith.cmpi ne, %convert_element_type3A_90, %cond3A_91 : i32
      scf.if %cond3A_92 {
        %add3A_93 = arith.constant 38400 : i32
        %add3A_94 = arith.addi %add3A_93, %mul3A_2 : i32
        %mul3A_95 = arith.constant 200 : i32
        %mul3A_96 = arith.muli %add3A_87, %mul3A_95 : i32
        %add3A_97 = arith.addi %add3A_94, %mul3A_96 : i32
        "tpu.region"() ({
          %run_scoped3A = tpu.sem_alloc : memref<!tpu.dma_semaphore, #tpu.memory_space<semaphore_mem>>
          %dma_start3A_108 = tpu.memref_slice %arg4[%add3A_97] : memref<320000xi32, #tpu.memory_space<hbm>> -> memref<200xi32, #tpu.memory_space<hbm>>
          %dma_start3A_109 = tpu.memref_slice %arg4[%add3A_97] : memref<320000xi32, #tpu.memory_space<hbm>> -> memref<200xi32, #tpu.memory_space<hbm>>
          tpu.enqueue_dma source(%dma_start3A_109 : memref<200xi32, #tpu.memory_space<hbm>>) target(%arg8 : memref<200xi32, #tpu.memory_space<vmem>>) target_semaphore(%run_scoped3A : memref<!tpu.dma_semaphore, #tpu.memory_space<semaphore_mem>>)
          %dma_wait3A_110 = tpu.memref_slice %arg4[%add3A_97] : memref<320000xi32, #tpu.memory_space<hbm>> -> memref<200xi32, #tpu.memory_space<hbm>>
          %dma_wait3A_111 = tpu.memref_slice %arg4[%add3A_97] : memref<320000xi32, #tpu.memory_space<hbm>> -> memref<200xi32, #tpu.memory_space<hbm>>
          tpu.wait_dma2 semaphore(%run_scoped3A : memref<!tpu.dma_semaphore, #tpu.memory_space<semaphore_mem>>) src(%dma_wait3A_111 : memref<200xi32, #tpu.memory_space<hbm>>) dst(%arg8 : memref<200xi32, #tpu.memory_space<vmem>>)
          tpu.yield
        }) : () -> ()
        "tpu.region"() ({
          %run_scoped3A = tpu.sem_alloc : memref<!tpu.dma_semaphore, #tpu.memory_space<semaphore_mem>>
          %dma_start3A_108 = tpu.memref_slice %arg5[%add3A_97] : memref<320000xi32, #tpu.memory_space<hbm>> -> memref<200xi32, #tpu.memory_space<hbm>>
          %dma_start3A_109 = tpu.memref_slice %arg5[%add3A_97] : memref<320000xi32, #tpu.memory_space<hbm>> -> memref<200xi32, #tpu.memory_space<hbm>>
          tpu.enqueue_dma source(%dma_start3A_109 : memref<200xi32, #tpu.memory_space<hbm>>) target(%arg10 : memref<200xi32, #tpu.memory_space<vmem>>) target_semaphore(%run_scoped3A : memref<!tpu.dma_semaphore, #tpu.memory_space<semaphore_mem>>)
          %dma_wait3A_110 = tpu.memref_slice %arg5[%add3A_97] : memref<320000xi32, #tpu.memory_space<hbm>> -> memref<200xi32, #tpu.memory_space<hbm>>
          %dma_wait3A_111 = tpu.memref_slice %arg5[%add3A_97] : memref<320000xi32, #tpu.memory_space<hbm>> -> memref<200xi32, #tpu.memory_space<hbm>>
          tpu.wait_dma2 semaphore(%run_scoped3A : memref<!tpu.dma_semaphore, #tpu.memory_space<semaphore_mem>>) src(%dma_wait3A_111 : memref<200xi32, #tpu.memory_space<hbm>>) dst(%arg10 : memref<200xi32, #tpu.memory_space<vmem>>)
          tpu.yield
        }) : () -> ()
        %dma_wait3A_98 = arith.constant 0 : i32
        %dma_wait3A_99 = tpu.memref_slice %arg6[%mul3A_2, %dma_wait3A_98] : memref<153600x128xf32, #tpu.memory_space<hbm>> -> memref<200x128xf32, #tpu.memory_space<hbm>>
        %dma_wait3A_100 = arith.constant 0 : i32
        %dma_wait3A_101 = tpu.memref_slice %arg6[%mul3A_2, %dma_wait3A_100] : memref<153600x128xf32, #tpu.memory_space<hbm>> -> memref<200x128xf32, #tpu.memory_space<hbm>>
        tpu.wait_dma2 semaphore(%arg18 : memref<!tpu.dma_semaphore, #tpu.memory_space<semaphore_mem>>) src(%arg12 : memref<200x128xf32, #tpu.memory_space<vmem>>) dst(%dma_wait3A_101 : memref<200x128xf32, #tpu.memory_space<hbm>>)
        %dma_start3A_102 = arith.constant 0 : i32
        %dma_start3A_103 = arith.constant 0 : i32
        %dma_start3A_104 = tpu.memref_slice %arg2[%dma_start3A_102, %dma_start3A_103] : memref<10000x128xf32, #tpu.memory_space<hbm>> -> memref<10000x128xf32, #tpu.memory_space<hbm>>
        tpu.enqueue_indirect_dma source(%dma_start3A_104 : memref<10000x128xf32, #tpu.memory_space<hbm>>) target(%arg12 : memref<200x128xf32, #tpu.memory_space<vmem>>) offsets(%arg8 : memref<200xi32, #tpu.memory_space<vmem>>) semaphore(%arg16 : memref<!tpu.dma_semaphore, #tpu.memory_space<semaphore_mem>>)
        %dma_start3A_105 = arith.constant 0 : i32
        %dma_start3A_106 = arith.constant 0 : i32
        %dma_start3A_107 = tpu.memref_slice %arg3[%dma_start3A_105, %dma_start3A_106] : memref<10000x128xf32, #tpu.memory_space<hbm>> -> memref<10000x128xf32, #tpu.memory_space<hbm>>
        tpu.enqueue_indirect_dma source(%dma_start3A_107 : memref<10000x128xf32, #tpu.memory_space<hbm>>) target(%arg14 : memref<200x128xf32, #tpu.memory_space<vmem>>) offsets(%arg10 : memref<200xi32, #tpu.memory_space<vmem>>) semaphore(%arg16 : memref<!tpu.dma_semaphore, #tpu.memory_space<semaphore_mem>>)
      } else {
      }
    }
    %scan3A_26 = arith.constant 12 : i32
    %dma_wait3A = arith.constant 0 : i32
    %dma_wait3A_27 = tpu.memref_slice %arg6[%mul3A_2, %dma_wait3A] : memref<153600x128xf32, #tpu.memory_space<hbm>> -> memref<200x128xf32, #tpu.memory_space<hbm>>
    %dma_wait3A_28 = arith.constant 0 : i32
    %dma_wait3A_29 = tpu.memref_slice %arg6[%mul3A_2, %dma_wait3A_28] : memref<153600x128xf32, #tpu.memory_space<hbm>> -> memref<200x128xf32, #tpu.memory_space<hbm>>
    tpu.wait_dma2 semaphore(%arg17 : memref<!tpu.dma_semaphore, #tpu.memory_space<semaphore_mem>>) src(%arg11 : memref<200x128xf32, #tpu.memory_space<vmem>>) dst(%dma_wait3A_29 : memref<200x128xf32, #tpu.memory_space<hbm>>)
    %dma_wait3A_30 = arith.constant 0 : i32
    %dma_wait3A_31 = tpu.memref_slice %arg6[%mul3A_2, %dma_wait3A_30] : memref<153600x128xf32, #tpu.memory_space<hbm>> -> memref<200x128xf32, #tpu.memory_space<hbm>>
    %dma_wait3A_32 = arith.constant 0 : i32
    %dma_wait3A_33 = tpu.memref_slice %arg6[%mul3A_2, %dma_wait3A_32] : memref<153600x128xf32, #tpu.memory_space<hbm>> -> memref<200x128xf32, #tpu.memory_space<hbm>>
    tpu.wait_dma2 semaphore(%arg18 : memref<!tpu.dma_semaphore, #tpu.memory_space<semaphore_mem>>) src(%arg12 : memref<200x128xf32, #tpu.memory_space<vmem>>) dst(%dma_wait3A_33 : memref<200x128xf32, #tpu.memory_space<hbm>>)
    return
  }
}

#map = affine_map<(d0, d1) -> (0, 0)>
#map1 = affine_map<(d0, d1) -> (0)>
module attributes {stable_mosaic.version = 14 : i64} {
  func.func @_sc_gather_impl(%arg0: i32, %arg1: i32, %arg2: memref<10000x128xf32, #tpu.memory_space<hbm>>, %arg3: memref<10000x128xf32, #tpu.memory_space<hbm>>, %arg4: memref<320000xi32, #tpu.memory_space<hbm>>, %arg5: memref<320000xi32, #tpu.memory_space<hbm>>, %arg6: memref<128000x128xf32, #tpu.memory_space<hbm>>, %arg7: memref<200xi32, #tpu.memory_space<vmem>>, %arg8: memref<200xi32, #tpu.memory_space<vmem>>, %arg9: memref<200xi32, #tpu.memory_space<vmem>>, %arg10: memref<200xi32, #tpu.memory_space<vmem>>, %arg11: memref<200x128xf32, #tpu.memory_space<vmem>>, %arg12: memref<200x128xf32, #tpu.memory_space<vmem>>, %arg13: memref<200x128xf32, #tpu.memory_space<vmem>>, %arg14: memref<200x128xf32, #tpu.memory_space<vmem>>, %arg15: memref<!tpu.dma_semaphore, #tpu.memory_space<semaphore_mem>>, %arg16: memref<!tpu.dma_semaphore, #tpu.memory_space<semaphore_mem>>, %arg17: memref<!tpu.dma_semaphore, #tpu.memory_space<semaphore_mem>>, %arg18: memref<!tpu.dma_semaphore, #tpu.memory_space<semaphore_mem>>) attributes {dimension_semantics = [#tpu.dimension_semantics<core_parallel>, #tpu.dimension_semantics<subcore_parallel>], iteration_bounds = array<i64: 2, 16>, scalar_prefetch = 0 : i64, scratch_operands = 12 : i64, tpu.core_type = #tpu.core_type<sc_vector_subcore>, window_params = [{transform_indices = #map}, {transform_indices = #map}, {transform_indices = #map1}, {transform_indices = #map1}, {transform_indices = #map}]} {
    %mul3A = arith.constant 2 : i32
    %mul3A_0 = arith.muli %arg1, %mul3A : i32
    %add3A = arith.addi %mul3A_0, %arg0 : i32
    %mul3A_1 = arith.constant 4000 : i32
    %mul3A_2 = arith.muli %add3A, %mul3A_1 : i32
    %add3A_3 = arith.constant 192000 : i32
    %add3A_4 = arith.addi %add3A_3, %mul3A_2 : i32
    %add3A_5 = arith.constant 0 : i32
    %add3A_6 = arith.addi %add3A_4, %add3A_5 : i32
    "tpu.region"() ({
      %run_scoped3A = tpu.sem_alloc : memref<!tpu.dma_semaphore, #tpu.memory_space<semaphore_mem>>
      %dma_start3A_34 = tpu.memref_slice %arg4[%add3A_6] : memref<320000xi32, #tpu.memory_space<hbm>> -> memref<200xi32, #tpu.memory_space<hbm>>
      %dma_start3A_35 = tpu.memref_slice %arg4[%add3A_6] : memref<320000xi32, #tpu.memory_space<hbm>> -> memref<200xi32, #tpu.memory_space<hbm>>
      tpu.enqueue_dma source(%dma_start3A_35 : memref<200xi32, #tpu.memory_space<hbm>>) target(%arg7 : memref<200xi32, #tpu.memory_space<vmem>>) target_semaphore(%run_scoped3A : memref<!tpu.dma_semaphore, #tpu.memory_space<semaphore_mem>>)
      %dma_wait3A_36 = tpu.memref_slice %arg4[%add3A_6] : memref<320000xi32, #tpu.memory_space<hbm>> -> memref<200xi32, #tpu.memory_space<hbm>>
      %dma_wait3A_37 = tpu.memref_slice %arg4[%add3A_6] : memref<320000xi32, #tpu.memory_space<hbm>> -> memref<200xi32, #tpu.memory_space<hbm>>
      tpu.wait_dma2 semaphore(%run_scoped3A : memref<!tpu.dma_semaphore, #tpu.memory_space<semaphore_mem>>) src(%dma_wait3A_37 : memref<200xi32, #tpu.memory_space<hbm>>) dst(%arg7 : memref<200xi32, #tpu.memory_space<vmem>>)
      tpu.yield
    }) : () -> ()
    "tpu.region"() ({
      %run_scoped3A = tpu.sem_alloc : memref<!tpu.dma_semaphore, #tpu.memory_space<semaphore_mem>>
      %dma_start3A_34 = tpu.memref_slice %arg5[%add3A_6] : memref<320000xi32, #tpu.memory_space<hbm>> -> memref<200xi32, #tpu.memory_space<hbm>>
      %dma_start3A_35 = tpu.memref_slice %arg5[%add3A_6] : memref<320000xi32, #tpu.memory_space<hbm>> -> memref<200xi32, #tpu.memory_space<hbm>>
      tpu.enqueue_dma source(%dma_start3A_35 : memref<200xi32, #tpu.memory_space<hbm>>) target(%arg9 : memref<200xi32, #tpu.memory_space<vmem>>) target_semaphore(%run_scoped3A : memref<!tpu.dma_semaphore, #tpu.memory_space<semaphore_mem>>)
      %dma_wait3A_36 = tpu.memref_slice %arg5[%add3A_6] : memref<320000xi32, #tpu.memory_space<hbm>> -> memref<200xi32, #tpu.memory_space<hbm>>
      %dma_wait3A_37 = tpu.memref_slice %arg5[%add3A_6] : memref<320000xi32, #tpu.memory_space<hbm>> -> memref<200xi32, #tpu.memory_space<hbm>>
      tpu.wait_dma2 semaphore(%run_scoped3A : memref<!tpu.dma_semaphore, #tpu.memory_space<semaphore_mem>>) src(%dma_wait3A_37 : memref<200xi32, #tpu.memory_space<hbm>>) dst(%arg9 : memref<200xi32, #tpu.memory_space<vmem>>)
      tpu.yield
    }) : () -> ()
    %dma_start3A = arith.constant 0 : i32
    %dma_start3A_7 = arith.constant 0 : i32
    %dma_start3A_8 = tpu.memref_slice %arg2[%dma_start3A, %dma_start3A_7] : memref<10000x128xf32, #tpu.memory_space<hbm>> -> memref<10000x128xf32, #tpu.memory_space<hbm>>
    tpu.enqueue_indirect_dma source(%dma_start3A_8 : memref<10000x128xf32, #tpu.memory_space<hbm>>) target(%arg11 : memref<200x128xf32, #tpu.memory_space<vmem>>) offsets(%arg7 : memref<200xi32, #tpu.memory_space<vmem>>) semaphore(%arg15 : memref<!tpu.dma_semaphore, #tpu.memory_space<semaphore_mem>>)
    %dma_start3A_9 = arith.constant 0 : i32
    %dma_start3A_10 = arith.constant 0 : i32
    %dma_start3A_11 = tpu.memref_slice %arg3[%dma_start3A_9, %dma_start3A_10] : memref<10000x128xf32, #tpu.memory_space<hbm>> -> memref<10000x128xf32, #tpu.memory_space<hbm>>
    tpu.enqueue_indirect_dma source(%dma_start3A_11 : memref<10000x128xf32, #tpu.memory_space<hbm>>) target(%arg13 : memref<200x128xf32, #tpu.memory_space<vmem>>) offsets(%arg9 : memref<200xi32, #tpu.memory_space<vmem>>) semaphore(%arg15 : memref<!tpu.dma_semaphore, #tpu.memory_space<semaphore_mem>>)
    %add3A_12 = arith.constant 192000 : i32
    %add3A_13 = arith.addi %add3A_12, %mul3A_2 : i32
    %add3A_14 = arith.constant 200 : i32
    %add3A_15 = arith.addi %add3A_13, %add3A_14 : i32
    "tpu.region"() ({
      %run_scoped3A = tpu.sem_alloc : memref<!tpu.dma_semaphore, #tpu.memory_space<semaphore_mem>>
      %dma_start3A_34 = tpu.memref_slice %arg4[%add3A_15] : memref<320000xi32, #tpu.memory_space<hbm>> -> memref<200xi32, #tpu.memory_space<hbm>>
      %dma_start3A_35 = tpu.memref_slice %arg4[%add3A_15] : memref<320000xi32, #tpu.memory_space<hbm>> -> memref<200xi32, #tpu.memory_space<hbm>>
      tpu.enqueue_dma source(%dma_start3A_35 : memref<200xi32, #tpu.memory_space<hbm>>) target(%arg8 : memref<200xi32, #tpu.memory_space<vmem>>) target_semaphore(%run_scoped3A : memref<!tpu.dma_semaphore, #tpu.memory_space<semaphore_mem>>)
      %dma_wait3A_36 = tpu.memref_slice %arg4[%add3A_15] : memref<320000xi32, #tpu.memory_space<hbm>> -> memref<200xi32, #tpu.memory_space<hbm>>
      %dma_wait3A_37 = tpu.memref_slice %arg4[%add3A_15] : memref<320000xi32, #tpu.memory_space<hbm>> -> memref<200xi32, #tpu.memory_space<hbm>>
      tpu.wait_dma2 semaphore(%run_scoped3A : memref<!tpu.dma_semaphore, #tpu.memory_space<semaphore_mem>>) src(%dma_wait3A_37 : memref<200xi32, #tpu.memory_space<hbm>>) dst(%arg8 : memref<200xi32, #tpu.memory_space<vmem>>)
      tpu.yield
    }) : () -> ()
    "tpu.region"() ({
      %run_scoped3A = tpu.sem_alloc : memref<!tpu.dma_semaphore, #tpu.memory_space<semaphore_mem>>
      %dma_start3A_34 = tpu.memref_slice %arg5[%add3A_15] : memref<320000xi32, #tpu.memory_space<hbm>> -> memref<200xi32, #tpu.memory_space<hbm>>
      %dma_start3A_35 = tpu.memref_slice %arg5[%add3A_15] : memref<320000xi32, #tpu.memory_space<hbm>> -> memref<200xi32, #tpu.memory_space<hbm>>
      tpu.enqueue_dma source(%dma_start3A_35 : memref<200xi32, #tpu.memory_space<hbm>>) target(%arg10 : memref<200xi32, #tpu.memory_space<vmem>>) target_semaphore(%run_scoped3A : memref<!tpu.dma_semaphore, #tpu.memory_space<semaphore_mem>>)
      %dma_wait3A_36 = tpu.memref_slice %arg5[%add3A_15] : memref<320000xi32, #tpu.memory_space<hbm>> -> memref<200xi32, #tpu.memory_space<hbm>>
      %dma_wait3A_37 = tpu.memref_slice %arg5[%add3A_15] : memref<320000xi32, #tpu.memory_space<hbm>> -> memref<200xi32, #tpu.memory_space<hbm>>
      tpu.wait_dma2 semaphore(%run_scoped3A : memref<!tpu.dma_semaphore, #tpu.memory_space<semaphore_mem>>) src(%dma_wait3A_37 : memref<200xi32, #tpu.memory_space<hbm>>) dst(%arg10 : memref<200xi32, #tpu.memory_space<vmem>>)
      tpu.yield
    }) : () -> ()
    %dma_start3A_16 = arith.constant 0 : i32
    %dma_start3A_17 = arith.constant 0 : i32
    %dma_start3A_18 = tpu.memref_slice %arg2[%dma_start3A_16, %dma_start3A_17] : memref<10000x128xf32, #tpu.memory_space<hbm>> -> memref<10000x128xf32, #tpu.memory_space<hbm>>
    tpu.enqueue_indirect_dma source(%dma_start3A_18 : memref<10000x128xf32, #tpu.memory_space<hbm>>) target(%arg12 : memref<200x128xf32, #tpu.memory_space<vmem>>) offsets(%arg8 : memref<200xi32, #tpu.memory_space<vmem>>) semaphore(%arg16 : memref<!tpu.dma_semaphore, #tpu.memory_space<semaphore_mem>>)
    %dma_start3A_19 = arith.constant 0 : i32
    %dma_start3A_20 = arith.constant 0 : i32
    %dma_start3A_21 = tpu.memref_slice %arg3[%dma_start3A_19, %dma_start3A_20] : memref<10000x128xf32, #tpu.memory_space<hbm>> -> memref<10000x128xf32, #tpu.memory_space<hbm>>
    tpu.enqueue_indirect_dma source(%dma_start3A_21 : memref<10000x128xf32, #tpu.memory_space<hbm>>) target(%arg14 : memref<200x128xf32, #tpu.memory_space<vmem>>) offsets(%arg10 : memref<200xi32, #tpu.memory_space<vmem>>) semaphore(%arg16 : memref<!tpu.dma_semaphore, #tpu.memory_space<semaphore_mem>>)
    %scan3A = arith.constant 0 : i32
    %scan3A_22 = arith.constant 0 : i32
    %scan3A_23 = arith.constant 10 : i32
    %scan3A_24 = arith.addi %scan3A_22, %scan3A_23 : i32
    %scan3A_25 = arith.constant 1 : i32
    scf.for %scan3A_34 = %scan3A_22 to %scan3A_24 step %scan3A_25  : i32 {
      %dma_wait3A_35 = arith.constant 0 : i32
      %dma_wait3A_36 = arith.constant 0 : i32
      %dma_wait3A_37 = tpu.memref_slice %arg2[%dma_wait3A_35, %dma_wait3A_36] : memref<10000x128xf32, #tpu.memory_space<hbm>> -> memref<10000x128xf32, #tpu.memory_space<hbm>>
      tpu.wait_indirect_dma semaphore(%arg15 : memref<!tpu.dma_semaphore, #tpu.memory_space<semaphore_mem>>) src(%dma_wait3A_37 : memref<10000x128xf32, #tpu.memory_space<hbm>>) dst(%arg11 : memref<200x128xf32, #tpu.memory_space<vmem>>)
      %dma_wait3A_38 = arith.constant 0 : i32
      %dma_wait3A_39 = arith.constant 0 : i32
      %dma_wait3A_40 = tpu.memref_slice %arg3[%dma_wait3A_38, %dma_wait3A_39] : memref<10000x128xf32, #tpu.memory_space<hbm>> -> memref<10000x128xf32, #tpu.memory_space<hbm>>
      tpu.wait_indirect_dma semaphore(%arg15 : memref<!tpu.dma_semaphore, #tpu.memory_space<semaphore_mem>>) src(%dma_wait3A_40 : memref<10000x128xf32, #tpu.memory_space<hbm>>) dst(%arg13 : memref<200x128xf32, #tpu.memory_space<vmem>>)
      %parallel_loop3A = arith.constant 0 : i32
      %parallel_loop3A_41 = arith.constant 200 : i32
      %parallel_loop3A_42 = arith.constant 1 : i32
      scf.for %parallel_loop3A_93 = %parallel_loop3A to %parallel_loop3A_41 step %parallel_loop3A_42  : i32 {
        %parallel_loop3A_94 = arith.index_cast %parallel_loop3A_93 : i32 to index
        %parallel_loop3A_95 = arith.constant 0 : index
        %parallel_loop3A_96 = tpu.vector_load %arg11[%parallel_loop3A_94, %parallel_loop3A_95] {strides = array<i32>} : memref<200x128xf32, #tpu.memory_space<vmem>>, vector<1x16xf32>,
        %parallel_loop3A_97 = vector.shape_cast %parallel_loop3A_96 : vector<1x16xf32> to vector<16xf32>
        %parallel_loop3A_98 = arith.index_cast %parallel_loop3A_93 : i32 to index
        %parallel_loop3A_99 = arith.constant 0 : index
        %parallel_loop3A_100 = tpu.vector_load %arg13[%parallel_loop3A_98, %parallel_loop3A_99] {strides = array<i32>} : memref<200x128xf32, #tpu.memory_space<vmem>>, vector<1x16xf32>,
        %parallel_loop3A_101 = vector.shape_cast %parallel_loop3A_100 : vector<1x16xf32> to vector<16xf32>
        %parallel_loop3A_102 = arith.addf %parallel_loop3A_97, %parallel_loop3A_101 : vector<16xf32>
        %parallel_loop3A_103 = arith.index_cast %parallel_loop3A_93 : i32 to index
        %parallel_loop3A_104 = arith.constant 0 : index
        %parallel_loop3A_105 = tpu.vector_load %arg11[%parallel_loop3A_103, %parallel_loop3A_104] {strides = array<i32>} : memref<200x128xf32, #tpu.memory_space<vmem>>, vector<1x16xf32>,
        %parallel_loop3A_106 = vector.shape_cast %parallel_loop3A_105 : vector<1x16xf32> to vector<16xf32>
        %parallel_loop3A_107 = vector.shape_cast %parallel_loop3A_102 : vector<16xf32> to vector<1x16xf32>
        tpu.vector_store %arg11[%parallel_loop3A_103, %parallel_loop3A_104], %parallel_loop3A_107 {strides = array<i32>} : memref<200x128xf32, #tpu.memory_space<vmem>>, vector<1x16xf32>,
        %parallel_loop3A_108 = arith.index_cast %parallel_loop3A_93 : i32 to index
        %parallel_loop3A_109 = arith.constant 16 : index
        %parallel_loop3A_110 = tpu.vector_load %arg11[%parallel_loop3A_108, %parallel_loop3A_109] {strides = array<i32>} : memref<200x128xf32, #tpu.memory_space<vmem>>, vector<1x16xf32>,
        %parallel_loop3A_111 = vector.shape_cast %parallel_loop3A_110 : vector<1x16xf32> to vector<16xf32>
        %parallel_loop3A_112 = arith.index_cast %parallel_loop3A_93 : i32 to index
        %parallel_loop3A_113 = arith.constant 16 : index
        %parallel_loop3A_114 = tpu.vector_load %arg13[%parallel_loop3A_112, %parallel_loop3A_113] {strides = array<i32>} : memref<200x128xf32, #tpu.memory_space<vmem>>, vector<1x16xf32>,
        %parallel_loop3A_115 = vector.shape_cast %parallel_loop3A_114 : vector<1x16xf32> to vector<16xf32>
        %parallel_loop3A_116 = arith.addf %parallel_loop3A_111, %parallel_loop3A_115 : vector<16xf32>
        %parallel_loop3A_117 = arith.index_cast %parallel_loop3A_93 : i32 to index
        %parallel_loop3A_118 = arith.constant 16 : index
        %parallel_loop3A_119 = tpu.vector_load %arg11[%parallel_loop3A_117, %parallel_loop3A_118] {strides = array<i32>} : memref<200x128xf32, #tpu.memory_space<vmem>>, vector<1x16xf32>,
        %parallel_loop3A_120 = vector.shape_cast %parallel_loop3A_119 : vector<1x16xf32> to vector<16xf32>
        %parallel_loop3A_121 = vector.shape_cast %parallel_loop3A_116 : vector<16xf32> to vector<1x16xf32>
        tpu.vector_store %arg11[%parallel_loop3A_117, %parallel_loop3A_118], %parallel_loop3A_121 {strides = array<i32>} : memref<200x128xf32, #tpu.memory_space<vmem>>, vector<1x16xf32>,
        %parallel_loop3A_122 = arith.index_cast %parallel_loop3A_93 : i32 to index
        %parallel_loop3A_123 = arith.constant 32 : index
        %parallel_loop3A_124 = tpu.vector_load %arg11[%parallel_loop3A_122, %parallel_loop3A_123] {strides = array<i32>} : memref<200x128xf32, #tpu.memory_space<vmem>>, vector<1x16xf32>,
        %parallel_loop3A_125 = vector.shape_cast %parallel_loop3A_124 : vector<1x16xf32> to vector<16xf32>
        %parallel_loop3A_126 = arith.index_cast %parallel_loop3A_93 : i32 to index
        %parallel_loop3A_127 = arith.constant 32 : index
        %parallel_loop3A_128 = tpu.vector_load %arg13[%parallel_loop3A_126, %parallel_loop3A_127] {strides = array<i32>} : memref<200x128xf32, #tpu.memory_space<vmem>>, vector<1x16xf32>,
        %parallel_loop3A_129 = vector.shape_cast %parallel_loop3A_128 : vector<1x16xf32> to vector<16xf32>
        %parallel_loop3A_130 = arith.addf %parallel_loop3A_125, %parallel_loop3A_129 : vector<16xf32>
        %parallel_loop3A_131 = arith.index_cast %parallel_loop3A_93 : i32 to index
        %parallel_loop3A_132 = arith.constant 32 : index
        %parallel_loop3A_133 = tpu.vector_load %arg11[%parallel_loop3A_131, %parallel_loop3A_132] {strides = array<i32>} : memref<200x128xf32, #tpu.memory_space<vmem>>, vector<1x16xf32>,
        %parallel_loop3A_134 = vector.shape_cast %parallel_loop3A_133 : vector<1x16xf32> to vector<16xf32>
        %parallel_loop3A_135 = vector.shape_cast %parallel_loop3A_130 : vector<16xf32> to vector<1x16xf32>
        tpu.vector_store %arg11[%parallel_loop3A_131, %parallel_loop3A_132], %parallel_loop3A_135 {strides = array<i32>} : memref<200x128xf32, #tpu.memory_space<vmem>>, vector<1x16xf32>,
        %parallel_loop3A_136 = arith.index_cast %parallel_loop3A_93 : i32 to index
        %parallel_loop3A_137 = arith.constant 48 : index
        %parallel_loop3A_138 = tpu.vector_load %arg11[%parallel_loop3A_136, %parallel_loop3A_137] {strides = array<i32>} : memref<200x128xf32, #tpu.memory_space<vmem>>, vector<1x16xf32>,
        %parallel_loop3A_139 = vector.shape_cast %parallel_loop3A_138 : vector<1x16xf32> to vector<16xf32>
        %parallel_loop3A_140 = arith.index_cast %parallel_loop3A_93 : i32 to index
        %parallel_loop3A_141 = arith.constant 48 : index
        %parallel_loop3A_142 = tpu.vector_load %arg13[%parallel_loop3A_140, %parallel_loop3A_141] {strides = array<i32>} : memref<200x128xf32, #tpu.memory_space<vmem>>, vector<1x16xf32>,
        %parallel_loop3A_143 = vector.shape_cast %parallel_loop3A_142 : vector<1x16xf32> to vector<16xf32>
        %parallel_loop3A_144 = arith.addf %parallel_loop3A_139, %parallel_loop3A_143 : vector<16xf32>
        %parallel_loop3A_145 = arith.index_cast %parallel_loop3A_93 : i32 to index
        %parallel_loop3A_146 = arith.constant 48 : index
        %parallel_loop3A_147 = tpu.vector_load %arg11[%parallel_loop3A_145, %parallel_loop3A_146] {strides = array<i32>} : memref<200x128xf32, #tpu.memory_space<vmem>>, vector<1x16xf32>,
        %parallel_loop3A_148 = vector.shape_cast %parallel_loop3A_147 : vector<1x16xf32> to vector<16xf32>
        %parallel_loop3A_149 = vector.shape_cast %parallel_loop3A_144 : vector<16xf32> to vector<1x16xf32>
        tpu.vector_store %arg11[%parallel_loop3A_145, %parallel_loop3A_146], %parallel_loop3A_149 {strides = array<i32>} : memref<200x128xf32, #tpu.memory_space<vmem>>, vector<1x16xf32>,
        %parallel_loop3A_150 = arith.index_cast %parallel_loop3A_93 : i32 to index
        %parallel_loop3A_151 = arith.constant 64 : index
        %parallel_loop3A_152 = tpu.vector_load %arg11[%parallel_loop3A_150, %parallel_loop3A_151] {strides = array<i32>} : memref<200x128xf32, #tpu.memory_space<vmem>>, vector<1x16xf32>,
        %parallel_loop3A_153 = vector.shape_cast %parallel_loop3A_152 : vector<1x16xf32> to vector<16xf32>
        %parallel_loop3A_154 = arith.index_cast %parallel_loop3A_93 : i32 to index
        %parallel_loop3A_155 = arith.constant 64 : index
        %parallel_loop3A_156 = tpu.vector_load %arg13[%parallel_loop3A_154, %parallel_loop3A_155] {strides = array<i32>} : memref<200x128xf32, #tpu.memory_space<vmem>>, vector<1x16xf32>,
        %parallel_loop3A_157 = vector.shape_cast %parallel_loop3A_156 : vector<1x16xf32> to vector<16xf32>
        %parallel_loop3A_158 = arith.addf %parallel_loop3A_153, %parallel_loop3A_157 : vector<16xf32>
        %parallel_loop3A_159 = arith.index_cast %parallel_loop3A_93 : i32 to index
        %parallel_loop3A_160 = arith.constant 64 : index
        %parallel_loop3A_161 = tpu.vector_load %arg11[%parallel_loop3A_159, %parallel_loop3A_160] {strides = array<i32>} : memref<200x128xf32, #tpu.memory_space<vmem>>, vector<1x16xf32>,
        %parallel_loop3A_162 = vector.shape_cast %parallel_loop3A_161 : vector<1x16xf32> to vector<16xf32>
        %parallel_loop3A_163 = vector.shape_cast %parallel_loop3A_158 : vector<16xf32> to vector<1x16xf32>
        tpu.vector_store %arg11[%parallel_loop3A_159, %parallel_loop3A_160], %parallel_loop3A_163 {strides = array<i32>} : memref<200x128xf32, #tpu.memory_space<vmem>>, vector<1x16xf32>,
        %parallel_loop3A_164 = arith.index_cast %parallel_loop3A_93 : i32 to index
        %parallel_loop3A_165 = arith.constant 80 : index
        %parallel_loop3A_166 = tpu.vector_load %arg11[%parallel_loop3A_164, %parallel_loop3A_165] {strides = array<i32>} : memref<200x128xf32, #tpu.memory_space<vmem>>, vector<1x16xf32>,
        %parallel_loop3A_167 = vector.shape_cast %parallel_loop3A_166 : vector<1x16xf32> to vector<16xf32>
        %parallel_loop3A_168 = arith.index_cast %parallel_loop3A_93 : i32 to index
        %parallel_loop3A_169 = arith.constant 80 : index
        %parallel_loop3A_170 = tpu.vector_load %arg13[%parallel_loop3A_168, %parallel_loop3A_169] {strides = array<i32>} : memref<200x128xf32, #tpu.memory_space<vmem>>, vector<1x16xf32>,
        %parallel_loop3A_171 = vector.shape_cast %parallel_loop3A_170 : vector<1x16xf32> to vector<16xf32>
        %parallel_loop3A_172 = arith.addf %parallel_loop3A_167, %parallel_loop3A_171 : vector<16xf32>
        %parallel_loop3A_173 = arith.index_cast %parallel_loop3A_93 : i32 to index
        %parallel_loop3A_174 = arith.constant 80 : index
        %parallel_loop3A_175 = tpu.vector_load %arg11[%parallel_loop3A_173, %parallel_loop3A_174] {strides = array<i32>} : memref<200x128xf32, #tpu.memory_space<vmem>>, vector<1x16xf32>,
        %parallel_loop3A_176 = vector.shape_cast %parallel_loop3A_175 : vector<1x16xf32> to vector<16xf32>
        %parallel_loop3A_177 = vector.shape_cast %parallel_loop3A_172 : vector<16xf32> to vector<1x16xf32>
        tpu.vector_store %arg11[%parallel_loop3A_173, %parallel_loop3A_174], %parallel_loop3A_177 {strides = array<i32>} : memref<200x128xf32, #tpu.memory_space<vmem>>, vector<1x16xf32>,
        %parallel_loop3A_178 = arith.index_cast %parallel_loop3A_93 : i32 to index
        %parallel_loop3A_179 = arith.constant 96 : index
        %parallel_loop3A_180 = tpu.vector_load %arg11[%parallel_loop3A_178, %parallel_loop3A_179] {strides = array<i32>} : memref<200x128xf32, #tpu.memory_space<vmem>>, vector<1x16xf32>,
        %parallel_loop3A_181 = vector.shape_cast %parallel_loop3A_180 : vector<1x16xf32> to vector<16xf32>
        %parallel_loop3A_182 = arith.index_cast %parallel_loop3A_93 : i32 to index
        %parallel_loop3A_183 = arith.constant 96 : index
        %parallel_loop3A_184 = tpu.vector_load %arg13[%parallel_loop3A_182, %parallel_loop3A_183] {strides = array<i32>} : memref<200x128xf32, #tpu.memory_space<vmem>>, vector<1x16xf32>,
        %parallel_loop3A_185 = vector.shape_cast %parallel_loop3A_184 : vector<1x16xf32> to vector<16xf32>
        %parallel_loop3A_186 = arith.addf %parallel_loop3A_181, %parallel_loop3A_185 : vector<16xf32>
        %parallel_loop3A_187 = arith.index_cast %parallel_loop3A_93 : i32 to index
        %parallel_loop3A_188 = arith.constant 96 : index
        %parallel_loop3A_189 = tpu.vector_load %arg11[%parallel_loop3A_187, %parallel_loop3A_188] {strides = array<i32>} : memref<200x128xf32, #tpu.memory_space<vmem>>, vector<1x16xf32>,
        %parallel_loop3A_190 = vector.shape_cast %parallel_loop3A_189 : vector<1x16xf32> to vector<16xf32>
        %parallel_loop3A_191 = vector.shape_cast %parallel_loop3A_186 : vector<16xf32> to vector<1x16xf32>
        tpu.vector_store %arg11[%parallel_loop3A_187, %parallel_loop3A_188], %parallel_loop3A_191 {strides = array<i32>} : memref<200x128xf32, #tpu.memory_space<vmem>>, vector<1x16xf32>,
        %parallel_loop3A_192 = arith.index_cast %parallel_loop3A_93 : i32 to index
        %parallel_loop3A_193 = arith.constant 112 : index
        %parallel_loop3A_194 = tpu.vector_load %arg11[%parallel_loop3A_192, %parallel_loop3A_193] {strides = array<i32>} : memref<200x128xf32, #tpu.memory_space<vmem>>, vector<1x16xf32>,
        %parallel_loop3A_195 = vector.shape_cast %parallel_loop3A_194 : vector<1x16xf32> to vector<16xf32>
        %parallel_loop3A_196 = arith.index_cast %parallel_loop3A_93 : i32 to index
        %parallel_loop3A_197 = arith.constant 112 : index
        %parallel_loop3A_198 = tpu.vector_load %arg13[%parallel_loop3A_196, %parallel_loop3A_197] {strides = array<i32>} : memref<200x128xf32, #tpu.memory_space<vmem>>, vector<1x16xf32>,
        %parallel_loop3A_199 = vector.shape_cast %parallel_loop3A_198 : vector<1x16xf32> to vector<16xf32>
        %parallel_loop3A_200 = arith.addf %parallel_loop3A_195, %parallel_loop3A_199 : vector<16xf32>
        %parallel_loop3A_201 = arith.index_cast %parallel_loop3A_93 : i32 to index
        %parallel_loop3A_202 = arith.constant 112 : index
        %parallel_loop3A_203 = tpu.vector_load %arg11[%parallel_loop3A_201, %parallel_loop3A_202] {strides = array<i32>} : memref<200x128xf32, #tpu.memory_space<vmem>>, vector<1x16xf32>,
        %parallel_loop3A_204 = vector.shape_cast %parallel_loop3A_203 : vector<1x16xf32> to vector<16xf32>
        %parallel_loop3A_205 = vector.shape_cast %parallel_loop3A_200 : vector<16xf32> to vector<1x16xf32>
        tpu.vector_store %arg11[%parallel_loop3A_201, %parallel_loop3A_202], %parallel_loop3A_205 {strides = array<i32>} : memref<200x128xf32, #tpu.memory_space<vmem>>, vector<1x16xf32>,
      } {sc.loop_unroll_factor = 4 : i64, sc.parallel_access}
      %mul3A_43 = arith.constant 2 : i32
      %mul3A_44 = arith.muli %mul3A_43, %scan3A_34 : i32
      %add3A_45 = arith.constant 0 : i32
      %add3A_46 = arith.addi %mul3A_44, %add3A_45 : i32
      %mul3A_47 = arith.constant 200 : i32
      %mul3A_48 = arith.muli %add3A_46, %mul3A_47 : i32
      %add3A_49 = arith.addi %mul3A_2, %mul3A_48 : i32
      %dma_start3A_50 = arith.constant 0 : i32
      %dma_start3A_51 = tpu.memref_slice %arg6[%add3A_49, %dma_start3A_50] : memref<128000x128xf32, #tpu.memory_space<hbm>> -> memref<200x128xf32, #tpu.memory_space<hbm>>
      %dma_start3A_52 = arith.constant 0 : i32
      %dma_start3A_53 = tpu.memref_slice %arg6[%add3A_49, %dma_start3A_52] : memref<128000x128xf32, #tpu.memory_space<hbm>> -> memref<200x128xf32, #tpu.memory_space<hbm>>
      tpu.enqueue_dma source(%arg11 : memref<200x128xf32, #tpu.memory_space<vmem>>) target(%dma_start3A_53 : memref<200x128xf32, #tpu.memory_space<hbm>>) target_semaphore(%arg17 : memref<!tpu.dma_semaphore, #tpu.memory_space<semaphore_mem>>)
      %dma_wait3A_54 = arith.constant 0 : i32
      %dma_wait3A_55 = arith.constant 0 : i32
      %dma_wait3A_56 = tpu.memref_slice %arg2[%dma_wait3A_54, %dma_wait3A_55] : memref<10000x128xf32, #tpu.memory_space<hbm>> -> memref<10000x128xf32, #tpu.memory_space<hbm>>
      tpu.wait_indirect_dma semaphore(%arg16 : memref<!tpu.dma_semaphore, #tpu.memory_space<semaphore_mem>>) src(%dma_wait3A_56 : memref<10000x128xf32, #tpu.memory_space<hbm>>) dst(%arg12 : memref<200x128xf32, #tpu.memory_space<vmem>>)
      %dma_wait3A_57 = arith.constant 0 : i32
      %dma_wait3A_58 = arith.constant 0 : i32
      %dma_wait3A_59 = tpu.memref_slice %arg3[%dma_wait3A_57, %dma_wait3A_58] : memref<10000x128xf32, #tpu.memory_space<hbm>> -> memref<10000x128xf32, #tpu.memory_space<hbm>>
      tpu.wait_indirect_dma semaphore(%arg16 : memref<!tpu.dma_semaphore, #tpu.memory_space<semaphore_mem>>) src(%dma_wait3A_59 : memref<10000x128xf32, #tpu.memory_space<hbm>>) dst(%arg14 : memref<200x128xf32, #tpu.memory_space<vmem>>)
      %parallel_loop3A_60 = arith.constant 0 : i32
      %parallel_loop3A_61 = arith.constant 200 : i32
      %parallel_loop3A_62 = arith.constant 1 : i32
      scf.for %parallel_loop3A_93 = %parallel_loop3A_60 to %parallel_loop3A_61 step %parallel_loop3A_62  : i32 {
        %parallel_loop3A_94 = arith.index_cast %parallel_loop3A_93 : i32 to index
        %parallel_loop3A_95 = arith.constant 0 : index
        %parallel_loop3A_96 = tpu.vector_load %arg12[%parallel_loop3A_94, %parallel_loop3A_95] {strides = array<i32>} : memref<200x128xf32, #tpu.memory_space<vmem>>, vector<1x16xf32>,
        %parallel_loop3A_97 = vector.shape_cast %parallel_loop3A_96 : vector<1x16xf32> to vector<16xf32>
        %parallel_loop3A_98 = arith.index_cast %parallel_loop3A_93 : i32 to index
        %parallel_loop3A_99 = arith.constant 0 : index
        %parallel_loop3A_100 = tpu.vector_load %arg14[%parallel_loop3A_98, %parallel_loop3A_99] {strides = array<i32>} : memref<200x128xf32, #tpu.memory_space<vmem>>, vector<1x16xf32>,
        %parallel_loop3A_101 = vector.shape_cast %parallel_loop3A_100 : vector<1x16xf32> to vector<16xf32>
        %parallel_loop3A_102 = arith.addf %parallel_loop3A_97, %parallel_loop3A_101 : vector<16xf32>
        %parallel_loop3A_103 = arith.index_cast %parallel_loop3A_93 : i32 to index
        %parallel_loop3A_104 = arith.constant 0 : index
        %parallel_loop3A_105 = tpu.vector_load %arg12[%parallel_loop3A_103, %parallel_loop3A_104] {strides = array<i32>} : memref<200x128xf32, #tpu.memory_space<vmem>>, vector<1x16xf32>,
        %parallel_loop3A_106 = vector.shape_cast %parallel_loop3A_105 : vector<1x16xf32> to vector<16xf32>
        %parallel_loop3A_107 = vector.shape_cast %parallel_loop3A_102 : vector<16xf32> to vector<1x16xf32>
        tpu.vector_store %arg12[%parallel_loop3A_103, %parallel_loop3A_104], %parallel_loop3A_107 {strides = array<i32>} : memref<200x128xf32, #tpu.memory_space<vmem>>, vector<1x16xf32>,
        %parallel_loop3A_108 = arith.index_cast %parallel_loop3A_93 : i32 to index
        %parallel_loop3A_109 = arith.constant 16 : index
        %parallel_loop3A_110 = tpu.vector_load %arg12[%parallel_loop3A_108, %parallel_loop3A_109] {strides = array<i32>} : memref<200x128xf32, #tpu.memory_space<vmem>>, vector<1x16xf32>,
        %parallel_loop3A_111 = vector.shape_cast %parallel_loop3A_110 : vector<1x16xf32> to vector<16xf32>
        %parallel_loop3A_112 = arith.index_cast %parallel_loop3A_93 : i32 to index
        %parallel_loop3A_113 = arith.constant 16 : index
        %parallel_loop3A_114 = tpu.vector_load %arg14[%parallel_loop3A_112, %parallel_loop3A_113] {strides = array<i32>} : memref<200x128xf32, #tpu.memory_space<vmem>>, vector<1x16xf32>,
        %parallel_loop3A_115 = vector.shape_cast %parallel_loop3A_114 : vector<1x16xf32> to vector<16xf32>
        %parallel_loop3A_116 = arith.addf %parallel_loop3A_111, %parallel_loop3A_115 : vector<16xf32>
        %parallel_loop3A_117 = arith.index_cast %parallel_loop3A_93 : i32 to index
        %parallel_loop3A_118 = arith.constant 16 : index
        %parallel_loop3A_119 = tpu.vector_load %arg12[%parallel_loop3A_117, %parallel_loop3A_118] {strides = array<i32>} : memref<200x128xf32, #tpu.memory_space<vmem>>, vector<1x16xf32>,
        %parallel_loop3A_120 = vector.shape_cast %parallel_loop3A_119 : vector<1x16xf32> to vector<16xf32>
        %parallel_loop3A_121 = vector.shape_cast %parallel_loop3A_116 : vector<16xf32> to vector<1x16xf32>
        tpu.vector_store %arg12[%parallel_loop3A_117, %parallel_loop3A_118], %parallel_loop3A_121 {strides = array<i32>} : memref<200x128xf32, #tpu.memory_space<vmem>>, vector<1x16xf32>,
        %parallel_loop3A_122 = arith.index_cast %parallel_loop3A_93 : i32 to index
        %parallel_loop3A_123 = arith.constant 32 : index
        %parallel_loop3A_124 = tpu.vector_load %arg12[%parallel_loop3A_122, %parallel_loop3A_123] {strides = array<i32>} : memref<200x128xf32, #tpu.memory_space<vmem>>, vector<1x16xf32>,
        %parallel_loop3A_125 = vector.shape_cast %parallel_loop3A_124 : vector<1x16xf32> to vector<16xf32>
        %parallel_loop3A_126 = arith.index_cast %parallel_loop3A_93 : i32 to index
        %parallel_loop3A_127 = arith.constant 32 : index
        %parallel_loop3A_128 = tpu.vector_load %arg14[%parallel_loop3A_126, %parallel_loop3A_127] {strides = array<i32>} : memref<200x128xf32, #tpu.memory_space<vmem>>, vector<1x16xf32>,
        %parallel_loop3A_129 = vector.shape_cast %parallel_loop3A_128 : vector<1x16xf32> to vector<16xf32>
        %parallel_loop3A_130 = arith.addf %parallel_loop3A_125, %parallel_loop3A_129 : vector<16xf32>
        %parallel_loop3A_131 = arith.index_cast %parallel_loop3A_93 : i32 to index
        %parallel_loop3A_132 = arith.constant 32 : index
        %parallel_loop3A_133 = tpu.vector_load %arg12[%parallel_loop3A_131, %parallel_loop3A_132] {strides = array<i32>} : memref<200x128xf32, #tpu.memory_space<vmem>>, vector<1x16xf32>,
        %parallel_loop3A_134 = vector.shape_cast %parallel_loop3A_133 : vector<1x16xf32> to vector<16xf32>
        %parallel_loop3A_135 = vector.shape_cast %parallel_loop3A_130 : vector<16xf32> to vector<1x16xf32>
        tpu.vector_store %arg12[%parallel_loop3A_131, %parallel_loop3A_132], %parallel_loop3A_135 {strides = array<i32>} : memref<200x128xf32, #tpu.memory_space<vmem>>, vector<1x16xf32>,
        %parallel_loop3A_136 = arith.index_cast %parallel_loop3A_93 : i32 to index
        %parallel_loop3A_137 = arith.constant 48 : index
        %parallel_loop3A_138 = tpu.vector_load %arg12[%parallel_loop3A_136, %parallel_loop3A_137] {strides = array<i32>} : memref<200x128xf32, #tpu.memory_space<vmem>>, vector<1x16xf32>,
        %parallel_loop3A_139 = vector.shape_cast %parallel_loop3A_138 : vector<1x16xf32> to vector<16xf32>
        %parallel_loop3A_140 = arith.index_cast %parallel_loop3A_93 : i32 to index
        %parallel_loop3A_141 = arith.constant 48 : index
        %parallel_loop3A_142 = tpu.vector_load %arg14[%parallel_loop3A_140, %parallel_loop3A_141] {strides = array<i32>} : memref<200x128xf32, #tpu.memory_space<vmem>>, vector<1x16xf32>,
        %parallel_loop3A_143 = vector.shape_cast %parallel_loop3A_142 : vector<1x16xf32> to vector<16xf32>
        %parallel_loop3A_144 = arith.addf %parallel_loop3A_139, %parallel_loop3A_143 : vector<16xf32>
        %parallel_loop3A_145 = arith.index_cast %parallel_loop3A_93 : i32 to index
        %parallel_loop3A_146 = arith.constant 48 : index
        %parallel_loop3A_147 = tpu.vector_load %arg12[%parallel_loop3A_145, %parallel_loop3A_146] {strides = array<i32>} : memref<200x128xf32, #tpu.memory_space<vmem>>, vector<1x16xf32>,
        %parallel_loop3A_148 = vector.shape_cast %parallel_loop3A_147 : vector<1x16xf32> to vector<16xf32>
        %parallel_loop3A_149 = vector.shape_cast %parallel_loop3A_144 : vector<16xf32> to vector<1x16xf32>
        tpu.vector_store %arg12[%parallel_loop3A_145, %parallel_loop3A_146], %parallel_loop3A_149 {strides = array<i32>} : memref<200x128xf32, #tpu.memory_space<vmem>>, vector<1x16xf32>,
        %parallel_loop3A_150 = arith.index_cast %parallel_loop3A_93 : i32 to index
        %parallel_loop3A_151 = arith.constant 64 : index
        %parallel_loop3A_152 = tpu.vector_load %arg12[%parallel_loop3A_150, %parallel_loop3A_151] {strides = array<i32>} : memref<200x128xf32, #tpu.memory_space<vmem>>, vector<1x16xf32>,
        %parallel_loop3A_153 = vector.shape_cast %parallel_loop3A_152 : vector<1x16xf32> to vector<16xf32>
        %parallel_loop3A_154 = arith.index_cast %parallel_loop3A_93 : i32 to index
        %parallel_loop3A_155 = arith.constant 64 : index
        %parallel_loop3A_156 = tpu.vector_load %arg14[%parallel_loop3A_154, %parallel_loop3A_155] {strides = array<i32>} : memref<200x128xf32, #tpu.memory_space<vmem>>, vector<1x16xf32>,
        %parallel_loop3A_157 = vector.shape_cast %parallel_loop3A_156 : vector<1x16xf32> to vector<16xf32>
        %parallel_loop3A_158 = arith.addf %parallel_loop3A_153, %parallel_loop3A_157 : vector<16xf32>
        %parallel_loop3A_159 = arith.index_cast %parallel_loop3A_93 : i32 to index
        %parallel_loop3A_160 = arith.constant 64 : index
        %parallel_loop3A_161 = tpu.vector_load %arg12[%parallel_loop3A_159, %parallel_loop3A_160] {strides = array<i32>} : memref<200x128xf32, #tpu.memory_space<vmem>>, vector<1x16xf32>,
        %parallel_loop3A_162 = vector.shape_cast %parallel_loop3A_161 : vector<1x16xf32> to vector<16xf32>
        %parallel_loop3A_163 = vector.shape_cast %parallel_loop3A_158 : vector<16xf32> to vector<1x16xf32>
        tpu.vector_store %arg12[%parallel_loop3A_159, %parallel_loop3A_160], %parallel_loop3A_163 {strides = array<i32>} : memref<200x128xf32, #tpu.memory_space<vmem>>, vector<1x16xf32>,
        %parallel_loop3A_164 = arith.index_cast %parallel_loop3A_93 : i32 to index
        %parallel_loop3A_165 = arith.constant 80 : index
        %parallel_loop3A_166 = tpu.vector_load %arg12[%parallel_loop3A_164, %parallel_loop3A_165] {strides = array<i32>} : memref<200x128xf32, #tpu.memory_space<vmem>>, vector<1x16xf32>,
        %parallel_loop3A_167 = vector.shape_cast %parallel_loop3A_166 : vector<1x16xf32> to vector<16xf32>
        %parallel_loop3A_168 = arith.index_cast %parallel_loop3A_93 : i32 to index
        %parallel_loop3A_169 = arith.constant 80 : index
        %parallel_loop3A_170 = tpu.vector_load %arg14[%parallel_loop3A_168, %parallel_loop3A_169] {strides = array<i32>} : memref<200x128xf32, #tpu.memory_space<vmem>>, vector<1x16xf32>,
        %parallel_loop3A_171 = vector.shape_cast %parallel_loop3A_170 : vector<1x16xf32> to vector<16xf32>
        %parallel_loop3A_172 = arith.addf %parallel_loop3A_167, %parallel_loop3A_171 : vector<16xf32>
        %parallel_loop3A_173 = arith.index_cast %parallel_loop3A_93 : i32 to index
        %parallel_loop3A_174 = arith.constant 80 : index
        %parallel_loop3A_175 = tpu.vector_load %arg12[%parallel_loop3A_173, %parallel_loop3A_174] {strides = array<i32>} : memref<200x128xf32, #tpu.memory_space<vmem>>, vector<1x16xf32>,
        %parallel_loop3A_176 = vector.shape_cast %parallel_loop3A_175 : vector<1x16xf32> to vector<16xf32>
        %parallel_loop3A_177 = vector.shape_cast %parallel_loop3A_172 : vector<16xf32> to vector<1x16xf32>
        tpu.vector_store %arg12[%parallel_loop3A_173, %parallel_loop3A_174], %parallel_loop3A_177 {strides = array<i32>} : memref<200x128xf32, #tpu.memory_space<vmem>>, vector<1x16xf32>,
        %parallel_loop3A_178 = arith.index_cast %parallel_loop3A_93 : i32 to index
        %parallel_loop3A_179 = arith.constant 96 : index
        %parallel_loop3A_180 = tpu.vector_load %arg12[%parallel_loop3A_178, %parallel_loop3A_179] {strides = array<i32>} : memref<200x128xf32, #tpu.memory_space<vmem>>, vector<1x16xf32>,
        %parallel_loop3A_181 = vector.shape_cast %parallel_loop3A_180 : vector<1x16xf32> to vector<16xf32>
        %parallel_loop3A_182 = arith.index_cast %parallel_loop3A_93 : i32 to index
        %parallel_loop3A_183 = arith.constant 96 : index
        %parallel_loop3A_184 = tpu.vector_load %arg14[%parallel_loop3A_182, %parallel_loop3A_183] {strides = array<i32>} : memref<200x128xf32, #tpu.memory_space<vmem>>, vector<1x16xf32>,
        %parallel_loop3A_185 = vector.shape_cast %parallel_loop3A_184 : vector<1x16xf32> to vector<16xf32>
        %parallel_loop3A_186 = arith.addf %parallel_loop3A_181, %parallel_loop3A_185 : vector<16xf32>
        %parallel_loop3A_187 = arith.index_cast %parallel_loop3A_93 : i32 to index
        %parallel_loop3A_188 = arith.constant 96 : index
        %parallel_loop3A_189 = tpu.vector_load %arg12[%parallel_loop3A_187, %parallel_loop3A_188] {strides = array<i32>} : memref<200x128xf32, #tpu.memory_space<vmem>>, vector<1x16xf32>,
        %parallel_loop3A_190 = vector.shape_cast %parallel_loop3A_189 : vector<1x16xf32> to vector<16xf32>
        %parallel_loop3A_191 = vector.shape_cast %parallel_loop3A_186 : vector<16xf32> to vector<1x16xf32>
        tpu.vector_store %arg12[%parallel_loop3A_187, %parallel_loop3A_188], %parallel_loop3A_191 {strides = array<i32>} : memref<200x128xf32, #tpu.memory_space<vmem>>, vector<1x16xf32>,
        %parallel_loop3A_192 = arith.index_cast %parallel_loop3A_93 : i32 to index
        %parallel_loop3A_193 = arith.constant 112 : index
        %parallel_loop3A_194 = tpu.vector_load %arg12[%parallel_loop3A_192, %parallel_loop3A_193] {strides = array<i32>} : memref<200x128xf32, #tpu.memory_space<vmem>>, vector<1x16xf32>,
        %parallel_loop3A_195 = vector.shape_cast %parallel_loop3A_194 : vector<1x16xf32> to vector<16xf32>
        %parallel_loop3A_196 = arith.index_cast %parallel_loop3A_93 : i32 to index
        %parallel_loop3A_197 = arith.constant 112 : index
        %parallel_loop3A_198 = tpu.vector_load %arg14[%parallel_loop3A_196, %parallel_loop3A_197] {strides = array<i32>} : memref<200x128xf32, #tpu.memory_space<vmem>>, vector<1x16xf32>,
        %parallel_loop3A_199 = vector.shape_cast %parallel_loop3A_198 : vector<1x16xf32> to vector<16xf32>
        %parallel_loop3A_200 = arith.addf %parallel_loop3A_195, %parallel_loop3A_199 : vector<16xf32>
        %parallel_loop3A_201 = arith.index_cast %parallel_loop3A_93 : i32 to index
        %parallel_loop3A_202 = arith.constant 112 : index
        %parallel_loop3A_203 = tpu.vector_load %arg12[%parallel_loop3A_201, %parallel_loop3A_202] {strides = array<i32>} : memref<200x128xf32, #tpu.memory_space<vmem>>, vector<1x16xf32>,
        %parallel_loop3A_204 = vector.shape_cast %parallel_loop3A_203 : vector<1x16xf32> to vector<16xf32>
        %parallel_loop3A_205 = vector.shape_cast %parallel_loop3A_200 : vector<16xf32> to vector<1x16xf32>
        tpu.vector_store %arg12[%parallel_loop3A_201, %parallel_loop3A_202], %parallel_loop3A_205 {strides = array<i32>} : memref<200x128xf32, #tpu.memory_space<vmem>>, vector<1x16xf32>,
      } {sc.loop_unroll_factor = 4 : i64, sc.parallel_access}
      %mul3A_63 = arith.constant 2 : i32
      %mul3A_64 = arith.muli %mul3A_63, %scan3A_34 : i32
      %add3A_65 = arith.constant 1 : i32
      %add3A_66 = arith.addi %mul3A_64, %add3A_65 : i32
      %mul3A_67 = arith.constant 200 : i32
      %mul3A_68 = arith.muli %add3A_66, %mul3A_67 : i32
      %add3A_69 = arith.addi %mul3A_2, %mul3A_68 : i32
      %dma_start3A_70 = arith.constant 0 : i32
      %dma_start3A_71 = tpu.memref_slice %arg6[%add3A_69, %dma_start3A_70] : memref<128000x128xf32, #tpu.memory_space<hbm>> -> memref<200x128xf32, #tpu.memory_space<hbm>>
      %dma_start3A_72 = arith.constant 0 : i32
      %dma_start3A_73 = tpu.memref_slice %arg6[%add3A_69, %dma_start3A_72] : memref<128000x128xf32, #tpu.memory_space<hbm>> -> memref<200x128xf32, #tpu.memory_space<hbm>>
      tpu.enqueue_dma source(%arg12 : memref<200x128xf32, #tpu.memory_space<vmem>>) target(%dma_start3A_73 : memref<200x128xf32, #tpu.memory_space<hbm>>) target_semaphore(%arg18 : memref<!tpu.dma_semaphore, #tpu.memory_space<semaphore_mem>>)
      %mul3A_74 = arith.constant 2 : i32
      %mul3A_75 = arith.muli %mul3A_74, %scan3A_34 : i32
      %add3A_76 = arith.constant 2 : i32
      %add3A_77 = arith.addi %mul3A_75, %add3A_76 : i32
      %add3A_78 = arith.constant 0 : i32
      %add3A_79 = arith.addi %add3A_77, %add3A_78 : i32
      %lt3A = arith.constant 20 : i32
      %lt3A_80 = arith.cmpi slt, %add3A_79, %lt3A : i32
      %convert_element_type3A = arith.extui %lt3A_80 : i1 to i32
      %cond3A = arith.constant 0 : i32
      %cond3A_81 = arith.cmpi ne, %convert_element_type3A, %cond3A : i32
      scf.if %cond3A_81 {
        %add3A_93 = arith.constant 192000 : i32
        %add3A_94 = arith.addi %add3A_93, %mul3A_2 : i32
        %mul3A_95 = arith.constant 200 : i32
        %mul3A_96 = arith.muli %add3A_79, %mul3A_95 : i32
        %add3A_97 = arith.addi %add3A_94, %mul3A_96 : i32
        "tpu.region"() ({
          %run_scoped3A = tpu.sem_alloc : memref<!tpu.dma_semaphore, #tpu.memory_space<semaphore_mem>>
          %dma_start3A_108 = tpu.memref_slice %arg4[%add3A_97] : memref<320000xi32, #tpu.memory_space<hbm>> -> memref<200xi32, #tpu.memory_space<hbm>>
          %dma_start3A_109 = tpu.memref_slice %arg4[%add3A_97] : memref<320000xi32, #tpu.memory_space<hbm>> -> memref<200xi32, #tpu.memory_space<hbm>>
          tpu.enqueue_dma source(%dma_start3A_109 : memref<200xi32, #tpu.memory_space<hbm>>) target(%arg7 : memref<200xi32, #tpu.memory_space<vmem>>) target_semaphore(%run_scoped3A : memref<!tpu.dma_semaphore, #tpu.memory_space<semaphore_mem>>)
          %dma_wait3A_110 = tpu.memref_slice %arg4[%add3A_97] : memref<320000xi32, #tpu.memory_space<hbm>> -> memref<200xi32, #tpu.memory_space<hbm>>
          %dma_wait3A_111 = tpu.memref_slice %arg4[%add3A_97] : memref<320000xi32, #tpu.memory_space<hbm>> -> memref<200xi32, #tpu.memory_space<hbm>>
          tpu.wait_dma2 semaphore(%run_scoped3A : memref<!tpu.dma_semaphore, #tpu.memory_space<semaphore_mem>>) src(%dma_wait3A_111 : memref<200xi32, #tpu.memory_space<hbm>>) dst(%arg7 : memref<200xi32, #tpu.memory_space<vmem>>)
          tpu.yield
        }) : () -> ()
        "tpu.region"() ({
          %run_scoped3A = tpu.sem_alloc : memref<!tpu.dma_semaphore, #tpu.memory_space<semaphore_mem>>
          %dma_start3A_108 = tpu.memref_slice %arg5[%add3A_97] : memref<320000xi32, #tpu.memory_space<hbm>> -> memref<200xi32, #tpu.memory_space<hbm>>
          %dma_start3A_109 = tpu.memref_slice %arg5[%add3A_97] : memref<320000xi32, #tpu.memory_space<hbm>> -> memref<200xi32, #tpu.memory_space<hbm>>
          tpu.enqueue_dma source(%dma_start3A_109 : memref<200xi32, #tpu.memory_space<hbm>>) target(%arg9 : memref<200xi32, #tpu.memory_space<vmem>>) target_semaphore(%run_scoped3A : memref<!tpu.dma_semaphore, #tpu.memory_space<semaphore_mem>>)
          %dma_wait3A_110 = tpu.memref_slice %arg5[%add3A_97] : memref<320000xi32, #tpu.memory_space<hbm>> -> memref<200xi32, #tpu.memory_space<hbm>>
          %dma_wait3A_111 = tpu.memref_slice %arg5[%add3A_97] : memref<320000xi32, #tpu.memory_space<hbm>> -> memref<200xi32, #tpu.memory_space<hbm>>
          tpu.wait_dma2 semaphore(%run_scoped3A : memref<!tpu.dma_semaphore, #tpu.memory_space<semaphore_mem>>) src(%dma_wait3A_111 : memref<200xi32, #tpu.memory_space<hbm>>) dst(%arg9 : memref<200xi32, #tpu.memory_space<vmem>>)
          tpu.yield
        }) : () -> ()
        %dma_wait3A_98 = arith.constant 0 : i32
        %dma_wait3A_99 = tpu.memref_slice %arg6[%mul3A_2, %dma_wait3A_98] : memref<128000x128xf32, #tpu.memory_space<hbm>> -> memref<200x128xf32, #tpu.memory_space<hbm>>
        %dma_wait3A_100 = arith.constant 0 : i32
        %dma_wait3A_101 = tpu.memref_slice %arg6[%mul3A_2, %dma_wait3A_100] : memref<128000x128xf32, #tpu.memory_space<hbm>> -> memref<200x128xf32, #tpu.memory_space<hbm>>
        tpu.wait_dma2 semaphore(%arg17 : memref<!tpu.dma_semaphore, #tpu.memory_space<semaphore_mem>>) src(%arg11 : memref<200x128xf32, #tpu.memory_space<vmem>>) dst(%dma_wait3A_101 : memref<200x128xf32, #tpu.memory_space<hbm>>)
        %dma_start3A_102 = arith.constant 0 : i32
        %dma_start3A_103 = arith.constant 0 : i32
        %dma_start3A_104 = tpu.memref_slice %arg2[%dma_start3A_102, %dma_start3A_103] : memref<10000x128xf32, #tpu.memory_space<hbm>> -> memref<10000x128xf32, #tpu.memory_space<hbm>>
        tpu.enqueue_indirect_dma source(%dma_start3A_104 : memref<10000x128xf32, #tpu.memory_space<hbm>>) target(%arg11 : memref<200x128xf32, #tpu.memory_space<vmem>>) offsets(%arg7 : memref<200xi32, #tpu.memory_space<vmem>>) semaphore(%arg15 : memref<!tpu.dma_semaphore, #tpu.memory_space<semaphore_mem>>)
        %dma_start3A_105 = arith.constant 0 : i32
        %dma_start3A_106 = arith.constant 0 : i32
        %dma_start3A_107 = tpu.memref_slice %arg3[%dma_start3A_105, %dma_start3A_106] : memref<10000x128xf32, #tpu.memory_space<hbm>> -> memref<10000x128xf32, #tpu.memory_space<hbm>>
        tpu.enqueue_indirect_dma source(%dma_start3A_107 : memref<10000x128xf32, #tpu.memory_space<hbm>>) target(%arg13 : memref<200x128xf32, #tpu.memory_space<vmem>>) offsets(%arg9 : memref<200xi32, #tpu.memory_space<vmem>>) semaphore(%arg15 : memref<!tpu.dma_semaphore, #tpu.memory_space<semaphore_mem>>)
      } else {
      }
      %mul3A_82 = arith.constant 2 : i32
      %mul3A_83 = arith.muli %mul3A_82, %scan3A_34 : i32
      %add3A_84 = arith.constant 2 : i32
      %add3A_85 = arith.addi %mul3A_83, %add3A_84 : i32
      %add3A_86 = arith.constant 1 : i32
      %add3A_87 = arith.addi %add3A_85, %add3A_86 : i32
      %lt3A_88 = arith.constant 20 : i32
      %lt3A_89 = arith.cmpi slt, %add3A_87, %lt3A_88 : i32
      %convert_element_type3A_90 = arith.extui %lt3A_89 : i1 to i32
      %cond3A_91 = arith.constant 0 : i32
      %cond3A_92 = arith.cmpi ne, %convert_element_type3A_90, %cond3A_91 : i32
      scf.if %cond3A_92 {
        %add3A_93 = arith.constant 192000 : i32
        %add3A_94 = arith.addi %add3A_93, %mul3A_2 : i32
        %mul3A_95 = arith.constant 200 : i32
        %mul3A_96 = arith.muli %add3A_87, %mul3A_95 : i32
        %add3A_97 = arith.addi %add3A_94, %mul3A_96 : i32
        "tpu.region"() ({
          %run_scoped3A = tpu.sem_alloc : memref<!tpu.dma_semaphore, #tpu.memory_space<semaphore_mem>>
          %dma_start3A_108 = tpu.memref_slice %arg4[%add3A_97] : memref<320000xi32, #tpu.memory_space<hbm>> -> memref<200xi32, #tpu.memory_space<hbm>>
          %dma_start3A_109 = tpu.memref_slice %arg4[%add3A_97] : memref<320000xi32, #tpu.memory_space<hbm>> -> memref<200xi32, #tpu.memory_space<hbm>>
          tpu.enqueue_dma source(%dma_start3A_109 : memref<200xi32, #tpu.memory_space<hbm>>) target(%arg8 : memref<200xi32, #tpu.memory_space<vmem>>) target_semaphore(%run_scoped3A : memref<!tpu.dma_semaphore, #tpu.memory_space<semaphore_mem>>)
          %dma_wait3A_110 = tpu.memref_slice %arg4[%add3A_97] : memref<320000xi32, #tpu.memory_space<hbm>> -> memref<200xi32, #tpu.memory_space<hbm>>
          %dma_wait3A_111 = tpu.memref_slice %arg4[%add3A_97] : memref<320000xi32, #tpu.memory_space<hbm>> -> memref<200xi32, #tpu.memory_space<hbm>>
          tpu.wait_dma2 semaphore(%run_scoped3A : memref<!tpu.dma_semaphore, #tpu.memory_space<semaphore_mem>>) src(%dma_wait3A_111 : memref<200xi32, #tpu.memory_space<hbm>>) dst(%arg8 : memref<200xi32, #tpu.memory_space<vmem>>)
          tpu.yield
        }) : () -> ()
        "tpu.region"() ({
          %run_scoped3A = tpu.sem_alloc : memref<!tpu.dma_semaphore, #tpu.memory_space<semaphore_mem>>
          %dma_start3A_108 = tpu.memref_slice %arg5[%add3A_97] : memref<320000xi32, #tpu.memory_space<hbm>> -> memref<200xi32, #tpu.memory_space<hbm>>
          %dma_start3A_109 = tpu.memref_slice %arg5[%add3A_97] : memref<320000xi32, #tpu.memory_space<hbm>> -> memref<200xi32, #tpu.memory_space<hbm>>
          tpu.enqueue_dma source(%dma_start3A_109 : memref<200xi32, #tpu.memory_space<hbm>>) target(%arg10 : memref<200xi32, #tpu.memory_space<vmem>>) target_semaphore(%run_scoped3A : memref<!tpu.dma_semaphore, #tpu.memory_space<semaphore_mem>>)
          %dma_wait3A_110 = tpu.memref_slice %arg5[%add3A_97] : memref<320000xi32, #tpu.memory_space<hbm>> -> memref<200xi32, #tpu.memory_space<hbm>>
          %dma_wait3A_111 = tpu.memref_slice %arg5[%add3A_97] : memref<320000xi32, #tpu.memory_space<hbm>> -> memref<200xi32, #tpu.memory_space<hbm>>
          tpu.wait_dma2 semaphore(%run_scoped3A : memref<!tpu.dma_semaphore, #tpu.memory_space<semaphore_mem>>) src(%dma_wait3A_111 : memref<200xi32, #tpu.memory_space<hbm>>) dst(%arg10 : memref<200xi32, #tpu.memory_space<vmem>>)
          tpu.yield
        }) : () -> ()
        %dma_wait3A_98 = arith.constant 0 : i32
        %dma_wait3A_99 = tpu.memref_slice %arg6[%mul3A_2, %dma_wait3A_98] : memref<128000x128xf32, #tpu.memory_space<hbm>> -> memref<200x128xf32, #tpu.memory_space<hbm>>
        %dma_wait3A_100 = arith.constant 0 : i32
        %dma_wait3A_101 = tpu.memref_slice %arg6[%mul3A_2, %dma_wait3A_100] : memref<128000x128xf32, #tpu.memory_space<hbm>> -> memref<200x128xf32, #tpu.memory_space<hbm>>
        tpu.wait_dma2 semaphore(%arg18 : memref<!tpu.dma_semaphore, #tpu.memory_space<semaphore_mem>>) src(%arg12 : memref<200x128xf32, #tpu.memory_space<vmem>>) dst(%dma_wait3A_101 : memref<200x128xf32, #tpu.memory_space<hbm>>)
        %dma_start3A_102 = arith.constant 0 : i32
        %dma_start3A_103 = arith.constant 0 : i32
        %dma_start3A_104 = tpu.memref_slice %arg2[%dma_start3A_102, %dma_start3A_103] : memref<10000x128xf32, #tpu.memory_space<hbm>> -> memref<10000x128xf32, #tpu.memory_space<hbm>>
        tpu.enqueue_indirect_dma source(%dma_start3A_104 : memref<10000x128xf32, #tpu.memory_space<hbm>>) target(%arg12 : memref<200x128xf32, #tpu.memory_space<vmem>>) offsets(%arg8 : memref<200xi32, #tpu.memory_space<vmem>>) semaphore(%arg16 : memref<!tpu.dma_semaphore, #tpu.memory_space<semaphore_mem>>)
        %dma_start3A_105 = arith.constant 0 : i32
        %dma_start3A_106 = arith.constant 0 : i32
        %dma_start3A_107 = tpu.memref_slice %arg3[%dma_start3A_105, %dma_start3A_106] : memref<10000x128xf32, #tpu.memory_space<hbm>> -> memref<10000x128xf32, #tpu.memory_space<hbm>>
        tpu.enqueue_indirect_dma source(%dma_start3A_107 : memref<10000x128xf32, #tpu.memory_space<hbm>>) target(%arg14 : memref<200x128xf32, #tpu.memory_space<vmem>>) offsets(%arg10 : memref<200xi32, #tpu.memory_space<vmem>>) semaphore(%arg16 : memref<!tpu.dma_semaphore, #tpu.memory_space<semaphore_mem>>)
      } else {
      }
    }
    %scan3A_26 = arith.constant 10 : i32
    %dma_wait3A = arith.constant 0 : i32
    %dma_wait3A_27 = tpu.memref_slice %arg6[%mul3A_2, %dma_wait3A] : memref<128000x128xf32, #tpu.memory_space<hbm>> -> memref<200x128xf32, #tpu.memory_space<hbm>>
    %dma_wait3A_28 = arith.constant 0 : i32
    %dma_wait3A_29 = tpu.memref_slice %arg6[%mul3A_2, %dma_wait3A_28] : memref<128000x128xf32, #tpu.memory_space<hbm>> -> memref<200x128xf32, #tpu.memory_space<hbm>>
    tpu.wait_dma2 semaphore(%arg17 : memref<!tpu.dma_semaphore, #tpu.memory_space<semaphore_mem>>) src(%arg11 : memref<200x128xf32, #tpu.memory_space<vmem>>) dst(%dma_wait3A_29 : memref<200x128xf32, #tpu.memory_space<hbm>>)
    %dma_wait3A_30 = arith.constant 0 : i32
    %dma_wait3A_31 = tpu.memref_slice %arg6[%mul3A_2, %dma_wait3A_30] : memref<128000x128xf32, #tpu.memory_space<hbm>> -> memref<200x128xf32, #tpu.memory_space<hbm>>
    %dma_wait3A_32 = arith.constant 0 : i32
    %dma_wait3A_33 = tpu.memref_slice %arg6[%mul3A_2, %dma_wait3A_32] : memref<128000x128xf32, #tpu.memory_space<hbm>> -> memref<200x128xf32, #tpu.memory_space<hbm>>
    tpu.wait_dma2 semaphore(%arg18 : memref<!tpu.dma_semaphore, #tpu.memory_space<semaphore_mem>>) src(%arg12 : memref<200x128xf32, #tpu.memory_space<vmem>>) dst(%dma_wait3A_33 : memref<200x128xf32, #tpu.memory_space<hbm>>)
    return
  }
}

#map = affine_map<(d0, d1) -> (0, 0)>
#map1 = affine_map<(d0, d1) -> (0)>
module attributes {stable_mosaic.version = 14 : i64} {
  func.func @_sc_gather_impl(%arg0: i32, %arg1: i32, %arg2: memref<10000x128xf32, #tpu.memory_space<hbm>>, %arg3: memref<10000x128xf32, #tpu.memory_space<hbm>>, %arg4: memref<320000xi32, #tpu.memory_space<hbm>>, %arg5: memref<320000xi32, #tpu.memory_space<hbm>>, %arg6: memref<38400x128xf32, #tpu.memory_space<hbm>>, %arg7: memref<200xi32, #tpu.memory_space<vmem>>, %arg8: memref<200xi32, #tpu.memory_space<vmem>>, %arg9: memref<200xi32, #tpu.memory_space<vmem>>, %arg10: memref<200xi32, #tpu.memory_space<vmem>>, %arg11: memref<200x128xf32, #tpu.memory_space<vmem>>, %arg12: memref<200x128xf32, #tpu.memory_space<vmem>>, %arg13: memref<200x128xf32, #tpu.memory_space<vmem>>, %arg14: memref<200x128xf32, #tpu.memory_space<vmem>>, %arg15: memref<!tpu.dma_semaphore, #tpu.memory_space<semaphore_mem>>, %arg16: memref<!tpu.dma_semaphore, #tpu.memory_space<semaphore_mem>>, %arg17: memref<!tpu.dma_semaphore, #tpu.memory_space<semaphore_mem>>, %arg18: memref<!tpu.dma_semaphore, #tpu.memory_space<semaphore_mem>>) attributes {dimension_semantics = [#tpu.dimension_semantics<core_parallel>, #tpu.dimension_semantics<subcore_parallel>], iteration_bounds = array<i64: 2, 16>, scalar_prefetch = 0 : i64, scratch_operands = 12 : i64, tpu.core_type = #tpu.core_type<sc_vector_subcore>, window_params = [{transform_indices = #map}, {transform_indices = #map}, {transform_indices = #map1}, {transform_indices = #map1}, {transform_indices = #map}]} {
    %mul3A = arith.constant 2 : i32
    %mul3A_0 = arith.muli %arg1, %mul3A : i32
    %add3A = arith.addi %mul3A_0, %arg0 : i32
    %mul3A_1 = arith.constant 1200 : i32
    %mul3A_2 = arith.muli %add3A, %mul3A_1 : i32
    %add3A_3 = arith.constant 0 : i32
    %add3A_4 = arith.addi %add3A_3, %mul3A_2 : i32
    %add3A_5 = arith.constant 0 : i32
    %add3A_6 = arith.addi %add3A_4, %add3A_5 : i32
    "tpu.region"() ({
      %run_scoped3A = tpu.sem_alloc : memref<!tpu.dma_semaphore, #tpu.memory_space<semaphore_mem>>
      %dma_start3A_34 = tpu.memref_slice %arg4[%add3A_6] : memref<320000xi32, #tpu.memory_space<hbm>> -> memref<200xi32, #tpu.memory_space<hbm>>
      %dma_start3A_35 = tpu.memref_slice %arg4[%add3A_6] : memref<320000xi32, #tpu.memory_space<hbm>> -> memref<200xi32, #tpu.memory_space<hbm>>
      tpu.enqueue_dma source(%dma_start3A_35 : memref<200xi32, #tpu.memory_space<hbm>>) target(%arg7 : memref<200xi32, #tpu.memory_space<vmem>>) target_semaphore(%run_scoped3A : memref<!tpu.dma_semaphore, #tpu.memory_space<semaphore_mem>>)
      %dma_wait3A_36 = tpu.memref_slice %arg4[%add3A_6] : memref<320000xi32, #tpu.memory_space<hbm>> -> memref<200xi32, #tpu.memory_space<hbm>>
      %dma_wait3A_37 = tpu.memref_slice %arg4[%add3A_6] : memref<320000xi32, #tpu.memory_space<hbm>> -> memref<200xi32, #tpu.memory_space<hbm>>
      tpu.wait_dma2 semaphore(%run_scoped3A : memref<!tpu.dma_semaphore, #tpu.memory_space<semaphore_mem>>) src(%dma_wait3A_37 : memref<200xi32, #tpu.memory_space<hbm>>) dst(%arg7 : memref<200xi32, #tpu.memory_space<vmem>>)
      tpu.yield
    }) : () -> ()
    "tpu.region"() ({
      %run_scoped3A = tpu.sem_alloc : memref<!tpu.dma_semaphore, #tpu.memory_space<semaphore_mem>>
      %dma_start3A_34 = tpu.memref_slice %arg5[%add3A_6] : memref<320000xi32, #tpu.memory_space<hbm>> -> memref<200xi32, #tpu.memory_space<hbm>>
      %dma_start3A_35 = tpu.memref_slice %arg5[%add3A_6] : memref<320000xi32, #tpu.memory_space<hbm>> -> memref<200xi32, #tpu.memory_space<hbm>>
      tpu.enqueue_dma source(%dma_start3A_35 : memref<200xi32, #tpu.memory_space<hbm>>) target(%arg9 : memref<200xi32, #tpu.memory_space<vmem>>) target_semaphore(%run_scoped3A : memref<!tpu.dma_semaphore, #tpu.memory_space<semaphore_mem>>)
      %dma_wait3A_36 = tpu.memref_slice %arg5[%add3A_6] : memref<320000xi32, #tpu.memory_space<hbm>> -> memref<200xi32, #tpu.memory_space<hbm>>
      %dma_wait3A_37 = tpu.memref_slice %arg5[%add3A_6] : memref<320000xi32, #tpu.memory_space<hbm>> -> memref<200xi32, #tpu.memory_space<hbm>>
      tpu.wait_dma2 semaphore(%run_scoped3A : memref<!tpu.dma_semaphore, #tpu.memory_space<semaphore_mem>>) src(%dma_wait3A_37 : memref<200xi32, #tpu.memory_space<hbm>>) dst(%arg9 : memref<200xi32, #tpu.memory_space<vmem>>)
      tpu.yield
    }) : () -> ()
    %dma_start3A = arith.constant 0 : i32
    %dma_start3A_7 = arith.constant 0 : i32
    %dma_start3A_8 = tpu.memref_slice %arg2[%dma_start3A, %dma_start3A_7] : memref<10000x128xf32, #tpu.memory_space<hbm>> -> memref<10000x128xf32, #tpu.memory_space<hbm>>
    tpu.enqueue_indirect_dma source(%dma_start3A_8 : memref<10000x128xf32, #tpu.memory_space<hbm>>) target(%arg11 : memref<200x128xf32, #tpu.memory_space<vmem>>) offsets(%arg7 : memref<200xi32, #tpu.memory_space<vmem>>) semaphore(%arg15 : memref<!tpu.dma_semaphore, #tpu.memory_space<semaphore_mem>>)
    %dma_start3A_9 = arith.constant 0 : i32
    %dma_start3A_10 = arith.constant 0 : i32
    %dma_start3A_11 = tpu.memref_slice %arg3[%dma_start3A_9, %dma_start3A_10] : memref<10000x128xf32, #tpu.memory_space<hbm>> -> memref<10000x128xf32, #tpu.memory_space<hbm>>
    tpu.enqueue_indirect_dma source(%dma_start3A_11 : memref<10000x128xf32, #tpu.memory_space<hbm>>) target(%arg13 : memref<200x128xf32, #tpu.memory_space<vmem>>) offsets(%arg9 : memref<200xi32, #tpu.memory_space<vmem>>) semaphore(%arg15 : memref<!tpu.dma_semaphore, #tpu.memory_space<semaphore_mem>>)
    %add3A_12 = arith.constant 0 : i32
    %add3A_13 = arith.addi %add3A_12, %mul3A_2 : i32
    %add3A_14 = arith.constant 200 : i32
    %add3A_15 = arith.addi %add3A_13, %add3A_14 : i32
    "tpu.region"() ({
      %run_scoped3A = tpu.sem_alloc : memref<!tpu.dma_semaphore, #tpu.memory_space<semaphore_mem>>
      %dma_start3A_34 = tpu.memref_slice %arg4[%add3A_15] : memref<320000xi32, #tpu.memory_space<hbm>> -> memref<200xi32, #tpu.memory_space<hbm>>
      %dma_start3A_35 = tpu.memref_slice %arg4[%add3A_15] : memref<320000xi32, #tpu.memory_space<hbm>> -> memref<200xi32, #tpu.memory_space<hbm>>
      tpu.enqueue_dma source(%dma_start3A_35 : memref<200xi32, #tpu.memory_space<hbm>>) target(%arg8 : memref<200xi32, #tpu.memory_space<vmem>>) target_semaphore(%run_scoped3A : memref<!tpu.dma_semaphore, #tpu.memory_space<semaphore_mem>>)
      %dma_wait3A_36 = tpu.memref_slice %arg4[%add3A_15] : memref<320000xi32, #tpu.memory_space<hbm>> -> memref<200xi32, #tpu.memory_space<hbm>>
      %dma_wait3A_37 = tpu.memref_slice %arg4[%add3A_15] : memref<320000xi32, #tpu.memory_space<hbm>> -> memref<200xi32, #tpu.memory_space<hbm>>
      tpu.wait_dma2 semaphore(%run_scoped3A : memref<!tpu.dma_semaphore, #tpu.memory_space<semaphore_mem>>) src(%dma_wait3A_37 : memref<200xi32, #tpu.memory_space<hbm>>) dst(%arg8 : memref<200xi32, #tpu.memory_space<vmem>>)
      tpu.yield
    }) : () -> ()
    "tpu.region"() ({
      %run_scoped3A = tpu.sem_alloc : memref<!tpu.dma_semaphore, #tpu.memory_space<semaphore_mem>>
      %dma_start3A_34 = tpu.memref_slice %arg5[%add3A_15] : memref<320000xi32, #tpu.memory_space<hbm>> -> memref<200xi32, #tpu.memory_space<hbm>>
      %dma_start3A_35 = tpu.memref_slice %arg5[%add3A_15] : memref<320000xi32, #tpu.memory_space<hbm>> -> memref<200xi32, #tpu.memory_space<hbm>>
      tpu.enqueue_dma source(%dma_start3A_35 : memref<200xi32, #tpu.memory_space<hbm>>) target(%arg10 : memref<200xi32, #tpu.memory_space<vmem>>) target_semaphore(%run_scoped3A : memref<!tpu.dma_semaphore, #tpu.memory_space<semaphore_mem>>)
      %dma_wait3A_36 = tpu.memref_slice %arg5[%add3A_15] : memref<320000xi32, #tpu.memory_space<hbm>> -> memref<200xi32, #tpu.memory_space<hbm>>
      %dma_wait3A_37 = tpu.memref_slice %arg5[%add3A_15] : memref<320000xi32, #tpu.memory_space<hbm>> -> memref<200xi32, #tpu.memory_space<hbm>>
      tpu.wait_dma2 semaphore(%run_scoped3A : memref<!tpu.dma_semaphore, #tpu.memory_space<semaphore_mem>>) src(%dma_wait3A_37 : memref<200xi32, #tpu.memory_space<hbm>>) dst(%arg10 : memref<200xi32, #tpu.memory_space<vmem>>)
      tpu.yield
    }) : () -> ()
    %dma_start3A_16 = arith.constant 0 : i32
    %dma_start3A_17 = arith.constant 0 : i32
    %dma_start3A_18 = tpu.memref_slice %arg2[%dma_start3A_16, %dma_start3A_17] : memref<10000x128xf32, #tpu.memory_space<hbm>> -> memref<10000x128xf32, #tpu.memory_space<hbm>>
    tpu.enqueue_indirect_dma source(%dma_start3A_18 : memref<10000x128xf32, #tpu.memory_space<hbm>>) target(%arg12 : memref<200x128xf32, #tpu.memory_space<vmem>>) offsets(%arg8 : memref<200xi32, #tpu.memory_space<vmem>>) semaphore(%arg16 : memref<!tpu.dma_semaphore, #tpu.memory_space<semaphore_mem>>)
    %dma_start3A_19 = arith.constant 0 : i32
    %dma_start3A_20 = arith.constant 0 : i32
    %dma_start3A_21 = tpu.memref_slice %arg3[%dma_start3A_19, %dma_start3A_20] : memref<10000x128xf32, #tpu.memory_space<hbm>> -> memref<10000x128xf32, #tpu.memory_space<hbm>>
    tpu.enqueue_indirect_dma source(%dma_start3A_21 : memref<10000x128xf32, #tpu.memory_space<hbm>>) target(%arg14 : memref<200x128xf32, #tpu.memory_space<vmem>>) offsets(%arg10 : memref<200xi32, #tpu.memory_space<vmem>>) semaphore(%arg16 : memref<!tpu.dma_semaphore, #tpu.memory_space<semaphore_mem>>)
    %scan3A = arith.constant 0 : i32
    %scan3A_22 = arith.constant 0 : i32
    %scan3A_23 = arith.constant 3 : i32
    %scan3A_24 = arith.addi %scan3A_22, %scan3A_23 : i32
    %scan3A_25 = arith.constant 1 : i32
    scf.for %scan3A_34 = %scan3A_22 to %scan3A_24 step %scan3A_25  : i32 {
      %dma_wait3A_35 = arith.constant 0 : i32
      %dma_wait3A_36 = arith.constant 0 : i32
      %dma_wait3A_37 = tpu.memref_slice %arg2[%dma_wait3A_35, %dma_wait3A_36] : memref<10000x128xf32, #tpu.memory_space<hbm>> -> memref<10000x128xf32, #tpu.memory_space<hbm>>
      tpu.wait_indirect_dma semaphore(%arg15 : memref<!tpu.dma_semaphore, #tpu.memory_space<semaphore_mem>>) src(%dma_wait3A_37 : memref<10000x128xf32, #tpu.memory_space<hbm>>) dst(%arg11 : memref<200x128xf32, #tpu.memory_space<vmem>>)
      %dma_wait3A_38 = arith.constant 0 : i32
      %dma_wait3A_39 = arith.constant 0 : i32
      %dma_wait3A_40 = tpu.memref_slice %arg3[%dma_wait3A_38, %dma_wait3A_39] : memref<10000x128xf32, #tpu.memory_space<hbm>> -> memref<10000x128xf32, #tpu.memory_space<hbm>>
      tpu.wait_indirect_dma semaphore(%arg15 : memref<!tpu.dma_semaphore, #tpu.memory_space<semaphore_mem>>) src(%dma_wait3A_40 : memref<10000x128xf32, #tpu.memory_space<hbm>>) dst(%arg13 : memref<200x128xf32, #tpu.memory_space<vmem>>)
      %parallel_loop3A = arith.constant 0 : i32
      %parallel_loop3A_41 = arith.constant 200 : i32
      %parallel_loop3A_42 = arith.constant 1 : i32
      scf.for %parallel_loop3A_93 = %parallel_loop3A to %parallel_loop3A_41 step %parallel_loop3A_42  : i32 {
        %parallel_loop3A_94 = arith.index_cast %parallel_loop3A_93 : i32 to index
        %parallel_loop3A_95 = arith.constant 0 : index
        %parallel_loop3A_96 = tpu.vector_load %arg11[%parallel_loop3A_94, %parallel_loop3A_95] {strides = array<i32>} : memref<200x128xf32, #tpu.memory_space<vmem>>, vector<1x16xf32>,
        %parallel_loop3A_97 = vector.shape_cast %parallel_loop3A_96 : vector<1x16xf32> to vector<16xf32>
        %parallel_loop3A_98 = arith.index_cast %parallel_loop3A_93 : i32 to index
        %parallel_loop3A_99 = arith.constant 0 : index
        %parallel_loop3A_100 = tpu.vector_load %arg13[%parallel_loop3A_98, %parallel_loop3A_99] {strides = array<i32>} : memref<200x128xf32, #tpu.memory_space<vmem>>, vector<1x16xf32>,
        %parallel_loop3A_101 = vector.shape_cast %parallel_loop3A_100 : vector<1x16xf32> to vector<16xf32>
        %parallel_loop3A_102 = arith.addf %parallel_loop3A_97, %parallel_loop3A_101 : vector<16xf32>
        %parallel_loop3A_103 = arith.index_cast %parallel_loop3A_93 : i32 to index
        %parallel_loop3A_104 = arith.constant 0 : index
        %parallel_loop3A_105 = tpu.vector_load %arg11[%parallel_loop3A_103, %parallel_loop3A_104] {strides = array<i32>} : memref<200x128xf32, #tpu.memory_space<vmem>>, vector<1x16xf32>,
        %parallel_loop3A_106 = vector.shape_cast %parallel_loop3A_105 : vector<1x16xf32> to vector<16xf32>
        %parallel_loop3A_107 = vector.shape_cast %parallel_loop3A_102 : vector<16xf32> to vector<1x16xf32>
        tpu.vector_store %arg11[%parallel_loop3A_103, %parallel_loop3A_104], %parallel_loop3A_107 {strides = array<i32>} : memref<200x128xf32, #tpu.memory_space<vmem>>, vector<1x16xf32>,
        %parallel_loop3A_108 = arith.index_cast %parallel_loop3A_93 : i32 to index
        %parallel_loop3A_109 = arith.constant 16 : index
        %parallel_loop3A_110 = tpu.vector_load %arg11[%parallel_loop3A_108, %parallel_loop3A_109] {strides = array<i32>} : memref<200x128xf32, #tpu.memory_space<vmem>>, vector<1x16xf32>,
        %parallel_loop3A_111 = vector.shape_cast %parallel_loop3A_110 : vector<1x16xf32> to vector<16xf32>
        %parallel_loop3A_112 = arith.index_cast %parallel_loop3A_93 : i32 to index
        %parallel_loop3A_113 = arith.constant 16 : index
        %parallel_loop3A_114 = tpu.vector_load %arg13[%parallel_loop3A_112, %parallel_loop3A_113] {strides = array<i32>} : memref<200x128xf32, #tpu.memory_space<vmem>>, vector<1x16xf32>,
        %parallel_loop3A_115 = vector.shape_cast %parallel_loop3A_114 : vector<1x16xf32> to vector<16xf32>
        %parallel_loop3A_116 = arith.addf %parallel_loop3A_111, %parallel_loop3A_115 : vector<16xf32>
        %parallel_loop3A_117 = arith.index_cast %parallel_loop3A_93 : i32 to index
        %parallel_loop3A_118 = arith.constant 16 : index
        %parallel_loop3A_119 = tpu.vector_load %arg11[%parallel_loop3A_117, %parallel_loop3A_118] {strides = array<i32>} : memref<200x128xf32, #tpu.memory_space<vmem>>, vector<1x16xf32>,
        %parallel_loop3A_120 = vector.shape_cast %parallel_loop3A_119 : vector<1x16xf32> to vector<16xf32>
        %parallel_loop3A_121 = vector.shape_cast %parallel_loop3A_116 : vector<16xf32> to vector<1x16xf32>
        tpu.vector_store %arg11[%parallel_loop3A_117, %parallel_loop3A_118], %parallel_loop3A_121 {strides = array<i32>} : memref<200x128xf32, #tpu.memory_space<vmem>>, vector<1x16xf32>,
        %parallel_loop3A_122 = arith.index_cast %parallel_loop3A_93 : i32 to index
        %parallel_loop3A_123 = arith.constant 32 : index
        %parallel_loop3A_124 = tpu.vector_load %arg11[%parallel_loop3A_122, %parallel_loop3A_123] {strides = array<i32>} : memref<200x128xf32, #tpu.memory_space<vmem>>, vector<1x16xf32>,
        %parallel_loop3A_125 = vector.shape_cast %parallel_loop3A_124 : vector<1x16xf32> to vector<16xf32>
        %parallel_loop3A_126 = arith.index_cast %parallel_loop3A_93 : i32 to index
        %parallel_loop3A_127 = arith.constant 32 : index
        %parallel_loop3A_128 = tpu.vector_load %arg13[%parallel_loop3A_126, %parallel_loop3A_127] {strides = array<i32>} : memref<200x128xf32, #tpu.memory_space<vmem>>, vector<1x16xf32>,
        %parallel_loop3A_129 = vector.shape_cast %parallel_loop3A_128 : vector<1x16xf32> to vector<16xf32>
        %parallel_loop3A_130 = arith.addf %parallel_loop3A_125, %parallel_loop3A_129 : vector<16xf32>
        %parallel_loop3A_131 = arith.index_cast %parallel_loop3A_93 : i32 to index
        %parallel_loop3A_132 = arith.constant 32 : index
        %parallel_loop3A_133 = tpu.vector_load %arg11[%parallel_loop3A_131, %parallel_loop3A_132] {strides = array<i32>} : memref<200x128xf32, #tpu.memory_space<vmem>>, vector<1x16xf32>,
        %parallel_loop3A_134 = vector.shape_cast %parallel_loop3A_133 : vector<1x16xf32> to vector<16xf32>
        %parallel_loop3A_135 = vector.shape_cast %parallel_loop3A_130 : vector<16xf32> to vector<1x16xf32>
        tpu.vector_store %arg11[%parallel_loop3A_131, %parallel_loop3A_132], %parallel_loop3A_135 {strides = array<i32>} : memref<200x128xf32, #tpu.memory_space<vmem>>, vector<1x16xf32>,
        %parallel_loop3A_136 = arith.index_cast %parallel_loop3A_93 : i32 to index
        %parallel_loop3A_137 = arith.constant 48 : index
        %parallel_loop3A_138 = tpu.vector_load %arg11[%parallel_loop3A_136, %parallel_loop3A_137] {strides = array<i32>} : memref<200x128xf32, #tpu.memory_space<vmem>>, vector<1x16xf32>,
        %parallel_loop3A_139 = vector.shape_cast %parallel_loop3A_138 : vector<1x16xf32> to vector<16xf32>
        %parallel_loop3A_140 = arith.index_cast %parallel_loop3A_93 : i32 to index
        %parallel_loop3A_141 = arith.constant 48 : index
        %parallel_loop3A_142 = tpu.vector_load %arg13[%parallel_loop3A_140, %parallel_loop3A_141] {strides = array<i32>} : memref<200x128xf32, #tpu.memory_space<vmem>>, vector<1x16xf32>,
        %parallel_loop3A_143 = vector.shape_cast %parallel_loop3A_142 : vector<1x16xf32> to vector<16xf32>
        %parallel_loop3A_144 = arith.addf %parallel_loop3A_139, %parallel_loop3A_143 : vector<16xf32>
        %parallel_loop3A_145 = arith.index_cast %parallel_loop3A_93 : i32 to index
        %parallel_loop3A_146 = arith.constant 48 : index
        %parallel_loop3A_147 = tpu.vector_load %arg11[%parallel_loop3A_145, %parallel_loop3A_146] {strides = array<i32>} : memref<200x128xf32, #tpu.memory_space<vmem>>, vector<1x16xf32>,
        %parallel_loop3A_148 = vector.shape_cast %parallel_loop3A_147 : vector<1x16xf32> to vector<16xf32>
        %parallel_loop3A_149 = vector.shape_cast %parallel_loop3A_144 : vector<16xf32> to vector<1x16xf32>
        tpu.vector_store %arg11[%parallel_loop3A_145, %parallel_loop3A_146], %parallel_loop3A_149 {strides = array<i32>} : memref<200x128xf32, #tpu.memory_space<vmem>>, vector<1x16xf32>,
        %parallel_loop3A_150 = arith.index_cast %parallel_loop3A_93 : i32 to index
        %parallel_loop3A_151 = arith.constant 64 : index
        %parallel_loop3A_152 = tpu.vector_load %arg11[%parallel_loop3A_150, %parallel_loop3A_151] {strides = array<i32>} : memref<200x128xf32, #tpu.memory_space<vmem>>, vector<1x16xf32>,
        %parallel_loop3A_153 = vector.shape_cast %parallel_loop3A_152 : vector<1x16xf32> to vector<16xf32>
        %parallel_loop3A_154 = arith.index_cast %parallel_loop3A_93 : i32 to index
        %parallel_loop3A_155 = arith.constant 64 : index
        %parallel_loop3A_156 = tpu.vector_load %arg13[%parallel_loop3A_154, %parallel_loop3A_155] {strides = array<i32>} : memref<200x128xf32, #tpu.memory_space<vmem>>, vector<1x16xf32>,
        %parallel_loop3A_157 = vector.shape_cast %parallel_loop3A_156 : vector<1x16xf32> to vector<16xf32>
        %parallel_loop3A_158 = arith.addf %parallel_loop3A_153, %parallel_loop3A_157 : vector<16xf32>
        %parallel_loop3A_159 = arith.index_cast %parallel_loop3A_93 : i32 to index
        %parallel_loop3A_160 = arith.constant 64 : index
        %parallel_loop3A_161 = tpu.vector_load %arg11[%parallel_loop3A_159, %parallel_loop3A_160] {strides = array<i32>} : memref<200x128xf32, #tpu.memory_space<vmem>>, vector<1x16xf32>,
        %parallel_loop3A_162 = vector.shape_cast %parallel_loop3A_161 : vector<1x16xf32> to vector<16xf32>
        %parallel_loop3A_163 = vector.shape_cast %parallel_loop3A_158 : vector<16xf32> to vector<1x16xf32>
        tpu.vector_store %arg11[%parallel_loop3A_159, %parallel_loop3A_160], %parallel_loop3A_163 {strides = array<i32>} : memref<200x128xf32, #tpu.memory_space<vmem>>, vector<1x16xf32>,
        %parallel_loop3A_164 = arith.index_cast %parallel_loop3A_93 : i32 to index
        %parallel_loop3A_165 = arith.constant 80 : index
        %parallel_loop3A_166 = tpu.vector_load %arg11[%parallel_loop3A_164, %parallel_loop3A_165] {strides = array<i32>} : memref<200x128xf32, #tpu.memory_space<vmem>>, vector<1x16xf32>,
        %parallel_loop3A_167 = vector.shape_cast %parallel_loop3A_166 : vector<1x16xf32> to vector<16xf32>
        %parallel_loop3A_168 = arith.index_cast %parallel_loop3A_93 : i32 to index
        %parallel_loop3A_169 = arith.constant 80 : index
        %parallel_loop3A_170 = tpu.vector_load %arg13[%parallel_loop3A_168, %parallel_loop3A_169] {strides = array<i32>} : memref<200x128xf32, #tpu.memory_space<vmem>>, vector<1x16xf32>,
        %parallel_loop3A_171 = vector.shape_cast %parallel_loop3A_170 : vector<1x16xf32> to vector<16xf32>
        %parallel_loop3A_172 = arith.addf %parallel_loop3A_167, %parallel_loop3A_171 : vector<16xf32>
        %parallel_loop3A_173 = arith.index_cast %parallel_loop3A_93 : i32 to index
        %parallel_loop3A_174 = arith.constant 80 : index
        %parallel_loop3A_175 = tpu.vector_load %arg11[%parallel_loop3A_173, %parallel_loop3A_174] {strides = array<i32>} : memref<200x128xf32, #tpu.memory_space<vmem>>, vector<1x16xf32>,
        %parallel_loop3A_176 = vector.shape_cast %parallel_loop3A_175 : vector<1x16xf32> to vector<16xf32>
        %parallel_loop3A_177 = vector.shape_cast %parallel_loop3A_172 : vector<16xf32> to vector<1x16xf32>
        tpu.vector_store %arg11[%parallel_loop3A_173, %parallel_loop3A_174], %parallel_loop3A_177 {strides = array<i32>} : memref<200x128xf32, #tpu.memory_space<vmem>>, vector<1x16xf32>,
        %parallel_loop3A_178 = arith.index_cast %parallel_loop3A_93 : i32 to index
        %parallel_loop3A_179 = arith.constant 96 : index
        %parallel_loop3A_180 = tpu.vector_load %arg11[%parallel_loop3A_178, %parallel_loop3A_179] {strides = array<i32>} : memref<200x128xf32, #tpu.memory_space<vmem>>, vector<1x16xf32>,
        %parallel_loop3A_181 = vector.shape_cast %parallel_loop3A_180 : vector<1x16xf32> to vector<16xf32>
        %parallel_loop3A_182 = arith.index_cast %parallel_loop3A_93 : i32 to index
        %parallel_loop3A_183 = arith.constant 96 : index
        %parallel_loop3A_184 = tpu.vector_load %arg13[%parallel_loop3A_182, %parallel_loop3A_183] {strides = array<i32>} : memref<200x128xf32, #tpu.memory_space<vmem>>, vector<1x16xf32>,
        %parallel_loop3A_185 = vector.shape_cast %parallel_loop3A_184 : vector<1x16xf32> to vector<16xf32>
        %parallel_loop3A_186 = arith.addf %parallel_loop3A_181, %parallel_loop3A_185 : vector<16xf32>
        %parallel_loop3A_187 = arith.index_cast %parallel_loop3A_93 : i32 to index
        %parallel_loop3A_188 = arith.constant 96 : index
        %parallel_loop3A_189 = tpu.vector_load %arg11[%parallel_loop3A_187, %parallel_loop3A_188] {strides = array<i32>} : memref<200x128xf32, #tpu.memory_space<vmem>>, vector<1x16xf32>,
        %parallel_loop3A_190 = vector.shape_cast %parallel_loop3A_189 : vector<1x16xf32> to vector<16xf32>
        %parallel_loop3A_191 = vector.shape_cast %parallel_loop3A_186 : vector<16xf32> to vector<1x16xf32>
        tpu.vector_store %arg11[%parallel_loop3A_187, %parallel_loop3A_188], %parallel_loop3A_191 {strides = array<i32>} : memref<200x128xf32, #tpu.memory_space<vmem>>, vector<1x16xf32>,
        %parallel_loop3A_192 = arith.index_cast %parallel_loop3A_93 : i32 to index
        %parallel_loop3A_193 = arith.constant 112 : index
        %parallel_loop3A_194 = tpu.vector_load %arg11[%parallel_loop3A_192, %parallel_loop3A_193] {strides = array<i32>} : memref<200x128xf32, #tpu.memory_space<vmem>>, vector<1x16xf32>,
        %parallel_loop3A_195 = vector.shape_cast %parallel_loop3A_194 : vector<1x16xf32> to vector<16xf32>
        %parallel_loop3A_196 = arith.index_cast %parallel_loop3A_93 : i32 to index
        %parallel_loop3A_197 = arith.constant 112 : index
        %parallel_loop3A_198 = tpu.vector_load %arg13[%parallel_loop3A_196, %parallel_loop3A_197] {strides = array<i32>} : memref<200x128xf32, #tpu.memory_space<vmem>>, vector<1x16xf32>,
        %parallel_loop3A_199 = vector.shape_cast %parallel_loop3A_198 : vector<1x16xf32> to vector<16xf32>
        %parallel_loop3A_200 = arith.addf %parallel_loop3A_195, %parallel_loop3A_199 : vector<16xf32>
        %parallel_loop3A_201 = arith.index_cast %parallel_loop3A_93 : i32 to index
        %parallel_loop3A_202 = arith.constant 112 : index
        %parallel_loop3A_203 = tpu.vector_load %arg11[%parallel_loop3A_201, %parallel_loop3A_202] {strides = array<i32>} : memref<200x128xf32, #tpu.memory_space<vmem>>, vector<1x16xf32>,
        %parallel_loop3A_204 = vector.shape_cast %parallel_loop3A_203 : vector<1x16xf32> to vector<16xf32>
        %parallel_loop3A_205 = vector.shape_cast %parallel_loop3A_200 : vector<16xf32> to vector<1x16xf32>
        tpu.vector_store %arg11[%parallel_loop3A_201, %parallel_loop3A_202], %parallel_loop3A_205 {strides = array<i32>} : memref<200x128xf32, #tpu.memory_space<vmem>>, vector<1x16xf32>,
      } {sc.loop_unroll_factor = 4 : i64, sc.parallel_access}
      %mul3A_43 = arith.constant 2 : i32
      %mul3A_44 = arith.muli %mul3A_43, %scan3A_34 : i32
      %add3A_45 = arith.constant 0 : i32
      %add3A_46 = arith.addi %mul3A_44, %add3A_45 : i32
      %mul3A_47 = arith.constant 200 : i32
      %mul3A_48 = arith.muli %add3A_46, %mul3A_47 : i32
      %add3A_49 = arith.addi %mul3A_2, %mul3A_48 : i32
      %dma_start3A_50 = arith.constant 0 : i32
      %dma_start3A_51 = tpu.memref_slice %arg6[%add3A_49, %dma_start3A_50] : memref<38400x128xf32, #tpu.memory_space<hbm>> -> memref<200x128xf32, #tpu.memory_space<hbm>>
      %dma_start3A_52 = arith.constant 0 : i32
      %dma_start3A_53 = tpu.memref_slice %arg6[%add3A_49, %dma_start3A_52] : memref<38400x128xf32, #tpu.memory_space<hbm>> -> memref<200x128xf32, #tpu.memory_space<hbm>>
      tpu.enqueue_dma source(%arg11 : memref<200x128xf32, #tpu.memory_space<vmem>>) target(%dma_start3A_53 : memref<200x128xf32, #tpu.memory_space<hbm>>) target_semaphore(%arg17 : memref<!tpu.dma_semaphore, #tpu.memory_space<semaphore_mem>>)
      %dma_wait3A_54 = arith.constant 0 : i32
      %dma_wait3A_55 = arith.constant 0 : i32
      %dma_wait3A_56 = tpu.memref_slice %arg2[%dma_wait3A_54, %dma_wait3A_55] : memref<10000x128xf32, #tpu.memory_space<hbm>> -> memref<10000x128xf32, #tpu.memory_space<hbm>>
      tpu.wait_indirect_dma semaphore(%arg16 : memref<!tpu.dma_semaphore, #tpu.memory_space<semaphore_mem>>) src(%dma_wait3A_56 : memref<10000x128xf32, #tpu.memory_space<hbm>>) dst(%arg12 : memref<200x128xf32, #tpu.memory_space<vmem>>)
      %dma_wait3A_57 = arith.constant 0 : i32
      %dma_wait3A_58 = arith.constant 0 : i32
      %dma_wait3A_59 = tpu.memref_slice %arg3[%dma_wait3A_57, %dma_wait3A_58] : memref<10000x128xf32, #tpu.memory_space<hbm>> -> memref<10000x128xf32, #tpu.memory_space<hbm>>
      tpu.wait_indirect_dma semaphore(%arg16 : memref<!tpu.dma_semaphore, #tpu.memory_space<semaphore_mem>>) src(%dma_wait3A_59 : memref<10000x128xf32, #tpu.memory_space<hbm>>) dst(%arg14 : memref<200x128xf32, #tpu.memory_space<vmem>>)
      %parallel_loop3A_60 = arith.constant 0 : i32
      %parallel_loop3A_61 = arith.constant 200 : i32
      %parallel_loop3A_62 = arith.constant 1 : i32
      scf.for %parallel_loop3A_93 = %parallel_loop3A_60 to %parallel_loop3A_61 step %parallel_loop3A_62  : i32 {
        %parallel_loop3A_94 = arith.index_cast %parallel_loop3A_93 : i32 to index
        %parallel_loop3A_95 = arith.constant 0 : index
        %parallel_loop3A_96 = tpu.vector_load %arg12[%parallel_loop3A_94, %parallel_loop3A_95] {strides = array<i32>} : memref<200x128xf32, #tpu.memory_space<vmem>>, vector<1x16xf32>,
        %parallel_loop3A_97 = vector.shape_cast %parallel_loop3A_96 : vector<1x16xf32> to vector<16xf32>
        %parallel_loop3A_98 = arith.index_cast %parallel_loop3A_93 : i32 to index
        %parallel_loop3A_99 = arith.constant 0 : index
        %parallel_loop3A_100 = tpu.vector_load %arg14[%parallel_loop3A_98, %parallel_loop3A_99] {strides = array<i32>} : memref<200x128xf32, #tpu.memory_space<vmem>>, vector<1x16xf32>,
        %parallel_loop3A_101 = vector.shape_cast %parallel_loop3A_100 : vector<1x16xf32> to vector<16xf32>
        %parallel_loop3A_102 = arith.addf %parallel_loop3A_97, %parallel_loop3A_101 : vector<16xf32>
        %parallel_loop3A_103 = arith.index_cast %parallel_loop3A_93 : i32 to index
        %parallel_loop3A_104 = arith.constant 0 : index
        %parallel_loop3A_105 = tpu.vector_load %arg12[%parallel_loop3A_103, %parallel_loop3A_104] {strides = array<i32>} : memref<200x128xf32, #tpu.memory_space<vmem>>, vector<1x16xf32>,
        %parallel_loop3A_106 = vector.shape_cast %parallel_loop3A_105 : vector<1x16xf32> to vector<16xf32>
        %parallel_loop3A_107 = vector.shape_cast %parallel_loop3A_102 : vector<16xf32> to vector<1x16xf32>
        tpu.vector_store %arg12[%parallel_loop3A_103, %parallel_loop3A_104], %parallel_loop3A_107 {strides = array<i32>} : memref<200x128xf32, #tpu.memory_space<vmem>>, vector<1x16xf32>,
        %parallel_loop3A_108 = arith.index_cast %parallel_loop3A_93 : i32 to index
        %parallel_loop3A_109 = arith.constant 16 : index
        %parallel_loop3A_110 = tpu.vector_load %arg12[%parallel_loop3A_108, %parallel_loop3A_109] {strides = array<i32>} : memref<200x128xf32, #tpu.memory_space<vmem>>, vector<1x16xf32>,
        %parallel_loop3A_111 = vector.shape_cast %parallel_loop3A_110 : vector<1x16xf32> to vector<16xf32>
        %parallel_loop3A_112 = arith.index_cast %parallel_loop3A_93 : i32 to index
        %parallel_loop3A_113 = arith.constant 16 : index
        %parallel_loop3A_114 = tpu.vector_load %arg14[%parallel_loop3A_112, %parallel_loop3A_113] {strides = array<i32>} : memref<200x128xf32, #tpu.memory_space<vmem>>, vector<1x16xf32>,
        %parallel_loop3A_115 = vector.shape_cast %parallel_loop3A_114 : vector<1x16xf32> to vector<16xf32>
        %parallel_loop3A_116 = arith.addf %parallel_loop3A_111, %parallel_loop3A_115 : vector<16xf32>
        %parallel_loop3A_117 = arith.index_cast %parallel_loop3A_93 : i32 to index
        %parallel_loop3A_118 = arith.constant 16 : index
        %parallel_loop3A_119 = tpu.vector_load %arg12[%parallel_loop3A_117, %parallel_loop3A_118] {strides = array<i32>} : memref<200x128xf32, #tpu.memory_space<vmem>>, vector<1x16xf32>,
        %parallel_loop3A_120 = vector.shape_cast %parallel_loop3A_119 : vector<1x16xf32> to vector<16xf32>
        %parallel_loop3A_121 = vector.shape_cast %parallel_loop3A_116 : vector<16xf32> to vector<1x16xf32>
        tpu.vector_store %arg12[%parallel_loop3A_117, %parallel_loop3A_118], %parallel_loop3A_121 {strides = array<i32>} : memref<200x128xf32, #tpu.memory_space<vmem>>, vector<1x16xf32>,
        %parallel_loop3A_122 = arith.index_cast %parallel_loop3A_93 : i32 to index
        %parallel_loop3A_123 = arith.constant 32 : index
        %parallel_loop3A_124 = tpu.vector_load %arg12[%parallel_loop3A_122, %parallel_loop3A_123] {strides = array<i32>} : memref<200x128xf32, #tpu.memory_space<vmem>>, vector<1x16xf32>,
        %parallel_loop3A_125 = vector.shape_cast %parallel_loop3A_124 : vector<1x16xf32> to vector<16xf32>
        %parallel_loop3A_126 = arith.index_cast %parallel_loop3A_93 : i32 to index
        %parallel_loop3A_127 = arith.constant 32 : index
        %parallel_loop3A_128 = tpu.vector_load %arg14[%parallel_loop3A_126, %parallel_loop3A_127] {strides = array<i32>} : memref<200x128xf32, #tpu.memory_space<vmem>>, vector<1x16xf32>,
        %parallel_loop3A_129 = vector.shape_cast %parallel_loop3A_128 : vector<1x16xf32> to vector<16xf32>
        %parallel_loop3A_130 = arith.addf %parallel_loop3A_125, %parallel_loop3A_129 : vector<16xf32>
        %parallel_loop3A_131 = arith.index_cast %parallel_loop3A_93 : i32 to index
        %parallel_loop3A_132 = arith.constant 32 : index
        %parallel_loop3A_133 = tpu.vector_load %arg12[%parallel_loop3A_131, %parallel_loop3A_132] {strides = array<i32>} : memref<200x128xf32, #tpu.memory_space<vmem>>, vector<1x16xf32>,
        %parallel_loop3A_134 = vector.shape_cast %parallel_loop3A_133 : vector<1x16xf32> to vector<16xf32>
        %parallel_loop3A_135 = vector.shape_cast %parallel_loop3A_130 : vector<16xf32> to vector<1x16xf32>
        tpu.vector_store %arg12[%parallel_loop3A_131, %parallel_loop3A_132], %parallel_loop3A_135 {strides = array<i32>} : memref<200x128xf32, #tpu.memory_space<vmem>>, vector<1x16xf32>,
        %parallel_loop3A_136 = arith.index_cast %parallel_loop3A_93 : i32 to index
        %parallel_loop3A_137 = arith.constant 48 : index
        %parallel_loop3A_138 = tpu.vector_load %arg12[%parallel_loop3A_136, %parallel_loop3A_137] {strides = array<i32>} : memref<200x128xf32, #tpu.memory_space<vmem>>, vector<1x16xf32>,
        %parallel_loop3A_139 = vector.shape_cast %parallel_loop3A_138 : vector<1x16xf32> to vector<16xf32>
        %parallel_loop3A_140 = arith.index_cast %parallel_loop3A_93 : i32 to index
        %parallel_loop3A_141 = arith.constant 48 : index
        %parallel_loop3A_142 = tpu.vector_load %arg14[%parallel_loop3A_140, %parallel_loop3A_141] {strides = array<i32>} : memref<200x128xf32, #tpu.memory_space<vmem>>, vector<1x16xf32>,
        %parallel_loop3A_143 = vector.shape_cast %parallel_loop3A_142 : vector<1x16xf32> to vector<16xf32>
        %parallel_loop3A_144 = arith.addf %parallel_loop3A_139, %parallel_loop3A_143 : vector<16xf32>
        %parallel_loop3A_145 = arith.index_cast %parallel_loop3A_93 : i32 to index
        %parallel_loop3A_146 = arith.constant 48 : index
        %parallel_loop3A_147 = tpu.vector_load %arg12[%parallel_loop3A_145, %parallel_loop3A_146] {strides = array<i32>} : memref<200x128xf32, #tpu.memory_space<vmem>>, vector<1x16xf32>,
        %parallel_loop3A_148 = vector.shape_cast %parallel_loop3A_147 : vector<1x16xf32> to vector<16xf32>
        %parallel_loop3A_149 = vector.shape_cast %parallel_loop3A_144 : vector<16xf32> to vector<1x16xf32>
        tpu.vector_store %arg12[%parallel_loop3A_145, %parallel_loop3A_146], %parallel_loop3A_149 {strides = array<i32>} : memref<200x128xf32, #tpu.memory_space<vmem>>, vector<1x16xf32>,
        %parallel_loop3A_150 = arith.index_cast %parallel_loop3A_93 : i32 to index
        %parallel_loop3A_151 = arith.constant 64 : index
        %parallel_loop3A_152 = tpu.vector_load %arg12[%parallel_loop3A_150, %parallel_loop3A_151] {strides = array<i32>} : memref<200x128xf32, #tpu.memory_space<vmem>>, vector<1x16xf32>,
        %parallel_loop3A_153 = vector.shape_cast %parallel_loop3A_152 : vector<1x16xf32> to vector<16xf32>
        %parallel_loop3A_154 = arith.index_cast %parallel_loop3A_93 : i32 to index
        %parallel_loop3A_155 = arith.constant 64 : index
        %parallel_loop3A_156 = tpu.vector_load %arg14[%parallel_loop3A_154, %parallel_loop3A_155] {strides = array<i32>} : memref<200x128xf32, #tpu.memory_space<vmem>>, vector<1x16xf32>,
        %parallel_loop3A_157 = vector.shape_cast %parallel_loop3A_156 : vector<1x16xf32> to vector<16xf32>
        %parallel_loop3A_158 = arith.addf %parallel_loop3A_153, %parallel_loop3A_157 : vector<16xf32>
        %parallel_loop3A_159 = arith.index_cast %parallel_loop3A_93 : i32 to index
        %parallel_loop3A_160 = arith.constant 64 : index
        %parallel_loop3A_161 = tpu.vector_load %arg12[%parallel_loop3A_159, %parallel_loop3A_160] {strides = array<i32>} : memref<200x128xf32, #tpu.memory_space<vmem>>, vector<1x16xf32>,
        %parallel_loop3A_162 = vector.shape_cast %parallel_loop3A_161 : vector<1x16xf32> to vector<16xf32>
        %parallel_loop3A_163 = vector.shape_cast %parallel_loop3A_158 : vector<16xf32> to vector<1x16xf32>
        tpu.vector_store %arg12[%parallel_loop3A_159, %parallel_loop3A_160], %parallel_loop3A_163 {strides = array<i32>} : memref<200x128xf32, #tpu.memory_space<vmem>>, vector<1x16xf32>,
        %parallel_loop3A_164 = arith.index_cast %parallel_loop3A_93 : i32 to index
        %parallel_loop3A_165 = arith.constant 80 : index
        %parallel_loop3A_166 = tpu.vector_load %arg12[%parallel_loop3A_164, %parallel_loop3A_165] {strides = array<i32>} : memref<200x128xf32, #tpu.memory_space<vmem>>, vector<1x16xf32>,
        %parallel_loop3A_167 = vector.shape_cast %parallel_loop3A_166 : vector<1x16xf32> to vector<16xf32>
        %parallel_loop3A_168 = arith.index_cast %parallel_loop3A_93 : i32 to index
        %parallel_loop3A_169 = arith.constant 80 : index
        %parallel_loop3A_170 = tpu.vector_load %arg14[%parallel_loop3A_168, %parallel_loop3A_169] {strides = array<i32>} : memref<200x128xf32, #tpu.memory_space<vmem>>, vector<1x16xf32>,
        %parallel_loop3A_171 = vector.shape_cast %parallel_loop3A_170 : vector<1x16xf32> to vector<16xf32>
        %parallel_loop3A_172 = arith.addf %parallel_loop3A_167, %parallel_loop3A_171 : vector<16xf32>
        %parallel_loop3A_173 = arith.index_cast %parallel_loop3A_93 : i32 to index
        %parallel_loop3A_174 = arith.constant 80 : index
        %parallel_loop3A_175 = tpu.vector_load %arg12[%parallel_loop3A_173, %parallel_loop3A_174] {strides = array<i32>} : memref<200x128xf32, #tpu.memory_space<vmem>>, vector<1x16xf32>,
        %parallel_loop3A_176 = vector.shape_cast %parallel_loop3A_175 : vector<1x16xf32> to vector<16xf32>
        %parallel_loop3A_177 = vector.shape_cast %parallel_loop3A_172 : vector<16xf32> to vector<1x16xf32>
        tpu.vector_store %arg12[%parallel_loop3A_173, %parallel_loop3A_174], %parallel_loop3A_177 {strides = array<i32>} : memref<200x128xf32, #tpu.memory_space<vmem>>, vector<1x16xf32>,
        %parallel_loop3A_178 = arith.index_cast %parallel_loop3A_93 : i32 to index
        %parallel_loop3A_179 = arith.constant 96 : index
        %parallel_loop3A_180 = tpu.vector_load %arg12[%parallel_loop3A_178, %parallel_loop3A_179] {strides = array<i32>} : memref<200x128xf32, #tpu.memory_space<vmem>>, vector<1x16xf32>,
        %parallel_loop3A_181 = vector.shape_cast %parallel_loop3A_180 : vector<1x16xf32> to vector<16xf32>
        %parallel_loop3A_182 = arith.index_cast %parallel_loop3A_93 : i32 to index
        %parallel_loop3A_183 = arith.constant 96 : index
        %parallel_loop3A_184 = tpu.vector_load %arg14[%parallel_loop3A_182, %parallel_loop3A_183] {strides = array<i32>} : memref<200x128xf32, #tpu.memory_space<vmem>>, vector<1x16xf32>,
        %parallel_loop3A_185 = vector.shape_cast %parallel_loop3A_184 : vector<1x16xf32> to vector<16xf32>
        %parallel_loop3A_186 = arith.addf %parallel_loop3A_181, %parallel_loop3A_185 : vector<16xf32>
        %parallel_loop3A_187 = arith.index_cast %parallel_loop3A_93 : i32 to index
        %parallel_loop3A_188 = arith.constant 96 : index
        %parallel_loop3A_189 = tpu.vector_load %arg12[%parallel_loop3A_187, %parallel_loop3A_188] {strides = array<i32>} : memref<200x128xf32, #tpu.memory_space<vmem>>, vector<1x16xf32>,
        %parallel_loop3A_190 = vector.shape_cast %parallel_loop3A_189 : vector<1x16xf32> to vector<16xf32>
        %parallel_loop3A_191 = vector.shape_cast %parallel_loop3A_186 : vector<16xf32> to vector<1x16xf32>
        tpu.vector_store %arg12[%parallel_loop3A_187, %parallel_loop3A_188], %parallel_loop3A_191 {strides = array<i32>} : memref<200x128xf32, #tpu.memory_space<vmem>>, vector<1x16xf32>,
        %parallel_loop3A_192 = arith.index_cast %parallel_loop3A_93 : i32 to index
        %parallel_loop3A_193 = arith.constant 112 : index
        %parallel_loop3A_194 = tpu.vector_load %arg12[%parallel_loop3A_192, %parallel_loop3A_193] {strides = array<i32>} : memref<200x128xf32, #tpu.memory_space<vmem>>, vector<1x16xf32>,
        %parallel_loop3A_195 = vector.shape_cast %parallel_loop3A_194 : vector<1x16xf32> to vector<16xf32>
        %parallel_loop3A_196 = arith.index_cast %parallel_loop3A_93 : i32 to index
        %parallel_loop3A_197 = arith.constant 112 : index
        %parallel_loop3A_198 = tpu.vector_load %arg14[%parallel_loop3A_196, %parallel_loop3A_197] {strides = array<i32>} : memref<200x128xf32, #tpu.memory_space<vmem>>, vector<1x16xf32>,
        %parallel_loop3A_199 = vector.shape_cast %parallel_loop3A_198 : vector<1x16xf32> to vector<16xf32>
        %parallel_loop3A_200 = arith.addf %parallel_loop3A_195, %parallel_loop3A_199 : vector<16xf32>
        %parallel_loop3A_201 = arith.index_cast %parallel_loop3A_93 : i32 to index
        %parallel_loop3A_202 = arith.constant 112 : index
        %parallel_loop3A_203 = tpu.vector_load %arg12[%parallel_loop3A_201, %parallel_loop3A_202] {strides = array<i32>} : memref<200x128xf32, #tpu.memory_space<vmem>>, vector<1x16xf32>,
        %parallel_loop3A_204 = vector.shape_cast %parallel_loop3A_203 : vector<1x16xf32> to vector<16xf32>
        %parallel_loop3A_205 = vector.shape_cast %parallel_loop3A_200 : vector<16xf32> to vector<1x16xf32>
        tpu.vector_store %arg12[%parallel_loop3A_201, %parallel_loop3A_202], %parallel_loop3A_205 {strides = array<i32>} : memref<200x128xf32, #tpu.memory_space<vmem>>, vector<1x16xf32>,
      } {sc.loop_unroll_factor = 4 : i64, sc.parallel_access}
      %mul3A_63 = arith.constant 2 : i32
      %mul3A_64 = arith.muli %mul3A_63, %scan3A_34 : i32
      %add3A_65 = arith.constant 1 : i32
      %add3A_66 = arith.addi %mul3A_64, %add3A_65 : i32
      %mul3A_67 = arith.constant 200 : i32
      %mul3A_68 = arith.muli %add3A_66, %mul3A_67 : i32
      %add3A_69 = arith.addi %mul3A_2, %mul3A_68 : i32
      %dma_start3A_70 = arith.constant 0 : i32
      %dma_start3A_71 = tpu.memref_slice %arg6[%add3A_69, %dma_start3A_70] : memref<38400x128xf32, #tpu.memory_space<hbm>> -> memref<200x128xf32, #tpu.memory_space<hbm>>
      %dma_start3A_72 = arith.constant 0 : i32
      %dma_start3A_73 = tpu.memref_slice %arg6[%add3A_69, %dma_start3A_72] : memref<38400x128xf32, #tpu.memory_space<hbm>> -> memref<200x128xf32, #tpu.memory_space<hbm>>
      tpu.enqueue_dma source(%arg12 : memref<200x128xf32, #tpu.memory_space<vmem>>) target(%dma_start3A_73 : memref<200x128xf32, #tpu.memory_space<hbm>>) target_semaphore(%arg18 : memref<!tpu.dma_semaphore, #tpu.memory_space<semaphore_mem>>)
      %mul3A_74 = arith.constant 2 : i32
      %mul3A_75 = arith.muli %mul3A_74, %scan3A_34 : i32
      %add3A_76 = arith.constant 2 : i32
      %add3A_77 = arith.addi %mul3A_75, %add3A_76 : i32
      %add3A_78 = arith.constant 0 : i32
      %add3A_79 = arith.addi %add3A_77, %add3A_78 : i32
      %lt3A = arith.constant 6 : i32
      %lt3A_80 = arith.cmpi slt, %add3A_79, %lt3A : i32
      %convert_element_type3A = arith.extui %lt3A_80 : i1 to i32
      %cond3A = arith.constant 0 : i32
      %cond3A_81 = arith.cmpi ne, %convert_element_type3A, %cond3A : i32
      scf.if %cond3A_81 {
        %add3A_93 = arith.constant 0 : i32
        %add3A_94 = arith.addi %add3A_93, %mul3A_2 : i32
        %mul3A_95 = arith.constant 200 : i32
        %mul3A_96 = arith.muli %add3A_79, %mul3A_95 : i32
        %add3A_97 = arith.addi %add3A_94, %mul3A_96 : i32
        "tpu.region"() ({
          %run_scoped3A = tpu.sem_alloc : memref<!tpu.dma_semaphore, #tpu.memory_space<semaphore_mem>>
          %dma_start3A_108 = tpu.memref_slice %arg4[%add3A_97] : memref<320000xi32, #tpu.memory_space<hbm>> -> memref<200xi32, #tpu.memory_space<hbm>>
          %dma_start3A_109 = tpu.memref_slice %arg4[%add3A_97] : memref<320000xi32, #tpu.memory_space<hbm>> -> memref<200xi32, #tpu.memory_space<hbm>>
          tpu.enqueue_dma source(%dma_start3A_109 : memref<200xi32, #tpu.memory_space<hbm>>) target(%arg7 : memref<200xi32, #tpu.memory_space<vmem>>) target_semaphore(%run_scoped3A : memref<!tpu.dma_semaphore, #tpu.memory_space<semaphore_mem>>)
          %dma_wait3A_110 = tpu.memref_slice %arg4[%add3A_97] : memref<320000xi32, #tpu.memory_space<hbm>> -> memref<200xi32, #tpu.memory_space<hbm>>
          %dma_wait3A_111 = tpu.memref_slice %arg4[%add3A_97] : memref<320000xi32, #tpu.memory_space<hbm>> -> memref<200xi32, #tpu.memory_space<hbm>>
          tpu.wait_dma2 semaphore(%run_scoped3A : memref<!tpu.dma_semaphore, #tpu.memory_space<semaphore_mem>>) src(%dma_wait3A_111 : memref<200xi32, #tpu.memory_space<hbm>>) dst(%arg7 : memref<200xi32, #tpu.memory_space<vmem>>)
          tpu.yield
        }) : () -> ()
        "tpu.region"() ({
          %run_scoped3A = tpu.sem_alloc : memref<!tpu.dma_semaphore, #tpu.memory_space<semaphore_mem>>
          %dma_start3A_108 = tpu.memref_slice %arg5[%add3A_97] : memref<320000xi32, #tpu.memory_space<hbm>> -> memref<200xi32, #tpu.memory_space<hbm>>
          %dma_start3A_109 = tpu.memref_slice %arg5[%add3A_97] : memref<320000xi32, #tpu.memory_space<hbm>> -> memref<200xi32, #tpu.memory_space<hbm>>
          tpu.enqueue_dma source(%dma_start3A_109 : memref<200xi32, #tpu.memory_space<hbm>>) target(%arg9 : memref<200xi32, #tpu.memory_space<vmem>>) target_semaphore(%run_scoped3A : memref<!tpu.dma_semaphore, #tpu.memory_space<semaphore_mem>>)
          %dma_wait3A_110 = tpu.memref_slice %arg5[%add3A_97] : memref<320000xi32, #tpu.memory_space<hbm>> -> memref<200xi32, #tpu.memory_space<hbm>>
          %dma_wait3A_111 = tpu.memref_slice %arg5[%add3A_97] : memref<320000xi32, #tpu.memory_space<hbm>> -> memref<200xi32, #tpu.memory_space<hbm>>
          tpu.wait_dma2 semaphore(%run_scoped3A : memref<!tpu.dma_semaphore, #tpu.memory_space<semaphore_mem>>) src(%dma_wait3A_111 : memref<200xi32, #tpu.memory_space<hbm>>) dst(%arg9 : memref<200xi32, #tpu.memory_space<vmem>>)
          tpu.yield
        }) : () -> ()
        %dma_wait3A_98 = arith.constant 0 : i32
        %dma_wait3A_99 = tpu.memref_slice %arg6[%mul3A_2, %dma_wait3A_98] : memref<38400x128xf32, #tpu.memory_space<hbm>> -> memref<200x128xf32, #tpu.memory_space<hbm>>
        %dma_wait3A_100 = arith.constant 0 : i32
        %dma_wait3A_101 = tpu.memref_slice %arg6[%mul3A_2, %dma_wait3A_100] : memref<38400x128xf32, #tpu.memory_space<hbm>> -> memref<200x128xf32, #tpu.memory_space<hbm>>
        tpu.wait_dma2 semaphore(%arg17 : memref<!tpu.dma_semaphore, #tpu.memory_space<semaphore_mem>>) src(%arg11 : memref<200x128xf32, #tpu.memory_space<vmem>>) dst(%dma_wait3A_101 : memref<200x128xf32, #tpu.memory_space<hbm>>)
        %dma_start3A_102 = arith.constant 0 : i32
        %dma_start3A_103 = arith.constant 0 : i32
        %dma_start3A_104 = tpu.memref_slice %arg2[%dma_start3A_102, %dma_start3A_103] : memref<10000x128xf32, #tpu.memory_space<hbm>> -> memref<10000x128xf32, #tpu.memory_space<hbm>>
        tpu.enqueue_indirect_dma source(%dma_start3A_104 : memref<10000x128xf32, #tpu.memory_space<hbm>>) target(%arg11 : memref<200x128xf32, #tpu.memory_space<vmem>>) offsets(%arg7 : memref<200xi32, #tpu.memory_space<vmem>>) semaphore(%arg15 : memref<!tpu.dma_semaphore, #tpu.memory_space<semaphore_mem>>)
        %dma_start3A_105 = arith.constant 0 : i32
        %dma_start3A_106 = arith.constant 0 : i32
        %dma_start3A_107 = tpu.memref_slice %arg3[%dma_start3A_105, %dma_start3A_106] : memref<10000x128xf32, #tpu.memory_space<hbm>> -> memref<10000x128xf32, #tpu.memory_space<hbm>>
        tpu.enqueue_indirect_dma source(%dma_start3A_107 : memref<10000x128xf32, #tpu.memory_space<hbm>>) target(%arg13 : memref<200x128xf32, #tpu.memory_space<vmem>>) offsets(%arg9 : memref<200xi32, #tpu.memory_space<vmem>>) semaphore(%arg15 : memref<!tpu.dma_semaphore, #tpu.memory_space<semaphore_mem>>)
      } else {
      }
      %mul3A_82 = arith.constant 2 : i32
      %mul3A_83 = arith.muli %mul3A_82, %scan3A_34 : i32
      %add3A_84 = arith.constant 2 : i32
      %add3A_85 = arith.addi %mul3A_83, %add3A_84 : i32
      %add3A_86 = arith.constant 1 : i32
      %add3A_87 = arith.addi %add3A_85, %add3A_86 : i32
      %lt3A_88 = arith.constant 6 : i32
      %lt3A_89 = arith.cmpi slt, %add3A_87, %lt3A_88 : i32
      %convert_element_type3A_90 = arith.extui %lt3A_89 : i1 to i32
      %cond3A_91 = arith.constant 0 : i32
      %cond3A_92 = arith.cmpi ne, %convert_element_type3A_90, %cond3A_91 : i32
      scf.if %cond3A_92 {
        %add3A_93 = arith.constant 0 : i32
        %add3A_94 = arith.addi %add3A_93, %mul3A_2 : i32
        %mul3A_95 = arith.constant 200 : i32
        %mul3A_96 = arith.muli %add3A_87, %mul3A_95 : i32
        %add3A_97 = arith.addi %add3A_94, %mul3A_96 : i32
        "tpu.region"() ({
          %run_scoped3A = tpu.sem_alloc : memref<!tpu.dma_semaphore, #tpu.memory_space<semaphore_mem>>
          %dma_start3A_108 = tpu.memref_slice %arg4[%add3A_97] : memref<320000xi32, #tpu.memory_space<hbm>> -> memref<200xi32, #tpu.memory_space<hbm>>
          %dma_start3A_109 = tpu.memref_slice %arg4[%add3A_97] : memref<320000xi32, #tpu.memory_space<hbm>> -> memref<200xi32, #tpu.memory_space<hbm>>
          tpu.enqueue_dma source(%dma_start3A_109 : memref<200xi32, #tpu.memory_space<hbm>>) target(%arg8 : memref<200xi32, #tpu.memory_space<vmem>>) target_semaphore(%run_scoped3A : memref<!tpu.dma_semaphore, #tpu.memory_space<semaphore_mem>>)
          %dma_wait3A_110 = tpu.memref_slice %arg4[%add3A_97] : memref<320000xi32, #tpu.memory_space<hbm>> -> memref<200xi32, #tpu.memory_space<hbm>>
          %dma_wait3A_111 = tpu.memref_slice %arg4[%add3A_97] : memref<320000xi32, #tpu.memory_space<hbm>> -> memref<200xi32, #tpu.memory_space<hbm>>
          tpu.wait_dma2 semaphore(%run_scoped3A : memref<!tpu.dma_semaphore, #tpu.memory_space<semaphore_mem>>) src(%dma_wait3A_111 : memref<200xi32, #tpu.memory_space<hbm>>) dst(%arg8 : memref<200xi32, #tpu.memory_space<vmem>>)
          tpu.yield
        }) : () -> ()
        "tpu.region"() ({
          %run_scoped3A = tpu.sem_alloc : memref<!tpu.dma_semaphore, #tpu.memory_space<semaphore_mem>>
          %dma_start3A_108 = tpu.memref_slice %arg5[%add3A_97] : memref<320000xi32, #tpu.memory_space<hbm>> -> memref<200xi32, #tpu.memory_space<hbm>>
          %dma_start3A_109 = tpu.memref_slice %arg5[%add3A_97] : memref<320000xi32, #tpu.memory_space<hbm>> -> memref<200xi32, #tpu.memory_space<hbm>>
          tpu.enqueue_dma source(%dma_start3A_109 : memref<200xi32, #tpu.memory_space<hbm>>) target(%arg10 : memref<200xi32, #tpu.memory_space<vmem>>) target_semaphore(%run_scoped3A : memref<!tpu.dma_semaphore, #tpu.memory_space<semaphore_mem>>)
          %dma_wait3A_110 = tpu.memref_slice %arg5[%add3A_97] : memref<320000xi32, #tpu.memory_space<hbm>> -> memref<200xi32, #tpu.memory_space<hbm>>
          %dma_wait3A_111 = tpu.memref_slice %arg5[%add3A_97] : memref<320000xi32, #tpu.memory_space<hbm>> -> memref<200xi32, #tpu.memory_space<hbm>>
          tpu.wait_dma2 semaphore(%run_scoped3A : memref<!tpu.dma_semaphore, #tpu.memory_space<semaphore_mem>>) src(%dma_wait3A_111 : memref<200xi32, #tpu.memory_space<hbm>>) dst(%arg10 : memref<200xi32, #tpu.memory_space<vmem>>)
          tpu.yield
        }) : () -> ()
        %dma_wait3A_98 = arith.constant 0 : i32
        %dma_wait3A_99 = tpu.memref_slice %arg6[%mul3A_2, %dma_wait3A_98] : memref<38400x128xf32, #tpu.memory_space<hbm>> -> memref<200x128xf32, #tpu.memory_space<hbm>>
        %dma_wait3A_100 = arith.constant 0 : i32
        %dma_wait3A_101 = tpu.memref_slice %arg6[%mul3A_2, %dma_wait3A_100] : memref<38400x128xf32, #tpu.memory_space<hbm>> -> memref<200x128xf32, #tpu.memory_space<hbm>>
        tpu.wait_dma2 semaphore(%arg18 : memref<!tpu.dma_semaphore, #tpu.memory_space<semaphore_mem>>) src(%arg12 : memref<200x128xf32, #tpu.memory_space<vmem>>) dst(%dma_wait3A_101 : memref<200x128xf32, #tpu.memory_space<hbm>>)
        %dma_start3A_102 = arith.constant 0 : i32
        %dma_start3A_103 = arith.constant 0 : i32
        %dma_start3A_104 = tpu.memref_slice %arg2[%dma_start3A_102, %dma_start3A_103] : memref<10000x128xf32, #tpu.memory_space<hbm>> -> memref<10000x128xf32, #tpu.memory_space<hbm>>
        tpu.enqueue_indirect_dma source(%dma_start3A_104 : memref<10000x128xf32, #tpu.memory_space<hbm>>) target(%arg12 : memref<200x128xf32, #tpu.memory_space<vmem>>) offsets(%arg8 : memref<200xi32, #tpu.memory_space<vmem>>) semaphore(%arg16 : memref<!tpu.dma_semaphore, #tpu.memory_space<semaphore_mem>>)
        %dma_start3A_105 = arith.constant 0 : i32
        %dma_start3A_106 = arith.constant 0 : i32
        %dma_start3A_107 = tpu.memref_slice %arg3[%dma_start3A_105, %dma_start3A_106] : memref<10000x128xf32, #tpu.memory_space<hbm>> -> memref<10000x128xf32, #tpu.memory_space<hbm>>
        tpu.enqueue_indirect_dma source(%dma_start3A_107 : memref<10000x128xf32, #tpu.memory_space<hbm>>) target(%arg14 : memref<200x128xf32, #tpu.memory_space<vmem>>) offsets(%arg10 : memref<200xi32, #tpu.memory_space<vmem>>) semaphore(%arg16 : memref<!tpu.dma_semaphore, #tpu.memory_space<semaphore_mem>>)
      } else {
      }
    }
    %scan3A_26 = arith.constant 3 : i32
    %dma_wait3A = arith.constant 0 : i32
    %dma_wait3A_27 = tpu.memref_slice %arg6[%mul3A_2, %dma_wait3A] : memref<38400x128xf32, #tpu.memory_space<hbm>> -> memref<200x128xf32, #tpu.memory_space<hbm>>
    %dma_wait3A_28 = arith.constant 0 : i32
    %dma_wait3A_29 = tpu.memref_slice %arg6[%mul3A_2, %dma_wait3A_28] : memref<38400x128xf32, #tpu.memory_space<hbm>> -> memref<200x128xf32, #tpu.memory_space<hbm>>
    tpu.wait_dma2 semaphore(%arg17 : memref<!tpu.dma_semaphore, #tpu.memory_space<semaphore_mem>>) src(%arg11 : memref<200x128xf32, #tpu.memory_space<vmem>>) dst(%dma_wait3A_29 : memref<200x128xf32, #tpu.memory_space<hbm>>)
    %dma_wait3A_30 = arith.constant 0 : i32
    %dma_wait3A_31 = tpu.memref_slice %arg6[%mul3A_2, %dma_wait3A_30] : memref<38400x128xf32, #tpu.memory_space<hbm>> -> memref<200x128xf32, #tpu.memory_space<hbm>>
    %dma_wait3A_32 = arith.constant 0 : i32
    %dma_wait3A_33 = tpu.memref_slice %arg6[%mul3A_2, %dma_wait3A_32] : memref<38400x128xf32, #tpu.memory_space<hbm>> -> memref<200x128xf32, #tpu.memory_space<hbm>>
    tpu.wait_dma2 semaphore(%arg18 : memref<!tpu.dma_semaphore, #tpu.memory_space<semaphore_mem>>) src(%arg12 : memref<200x128xf32, #tpu.memory_space<vmem>>) dst(%dma_wait3A_33 : memref<200x128xf32, #tpu.memory_space<hbm>>)
    return
  }
}

#map = affine_map<(d0, d1) -> (0, 0)>
#map1 = affine_map<(d0, d1) -> (0)>
#map2 = affine_map<(d0, d1) -> (0, 0, 0)>
module attributes {stable_mosaic.version = 14 : i64} {
  func.func @_sc_scatter_impl(%arg0: i32, %arg1: i32, %arg2: memref<153600x128xf32, #tpu.memory_space<hbm>>, %arg3: memref<640000xi32, #tpu.memory_space<hbm>>, %arg4: memref<2x10240x128xf32, #tpu.memory_space<hbm>>, %arg5: memref<2x10240x128xf32, #tpu.memory_space<hbm>>, %arg6: memref<10240x128xf32, #tpu.memory_space<vmem_shared>>, %arg7: memref<160xi32, #tpu.memory_space<vmem>>, %arg8: memref<160xi32, #tpu.memory_space<vmem>>, %arg9: memref<160xi32, #tpu.memory_space<vmem>>, %arg10: memref<160x128xf32, #tpu.memory_space<vmem>>, %arg11: memref<160x128xf32, #tpu.memory_space<vmem>>, %arg12: memref<!tpu.dma_semaphore, #tpu.memory_space<semaphore_mem>>, %arg13: memref<!tpu.dma_semaphore, #tpu.memory_space<semaphore_mem>>, %arg14: memref<!tpu.dma_semaphore, #tpu.memory_space<semaphore_mem>>, %arg15: memref<!tpu.dma_semaphore, #tpu.memory_space<semaphore_mem>>) attributes {dimension_semantics = [#tpu.dimension_semantics<core_parallel>, #tpu.dimension_semantics<subcore_parallel>], iteration_bounds = array<i64: 2, 16>, scalar_prefetch = 0 : i64, scratch_operands = 10 : i64, tpu.core_type = #tpu.core_type<sc_vector_subcore>, window_params = [{transform_indices = #map}, {transform_indices = #map1}, {transform_indices = #map2}, {transform_indices = #map2}]} {
    %mul3A = arith.constant 640 : i32
    %mul3A_0 = arith.muli %arg1, %mul3A : i32
    %mul3A_1 = arith.constant 640 : i32
    %mul3A_2 = arith.muli %arg1, %mul3A_1 : i32
    "tpu.region"() ({
      %run_scoped3A = tpu.sem_alloc : memref<!tpu.dma_semaphore, #tpu.memory_space<semaphore_mem>>
      %dma_start3A_44 = arith.constant 0 : i32
      %dma_start3A_45 = tpu.memref_slice %arg6[%mul3A_2, %dma_start3A_44] : memref<10240x128xf32, #tpu.memory_space<vmem_shared>> -> memref<640x128xf32, #tpu.memory_space<vmem_shared>>
      %dma_start3A_46 = arith.constant 0 : i32
      %dma_start3A_47 = tpu.memref_slice %arg4[%arg0, %mul3A_0, %dma_start3A_46] : memref<2x10240x128xf32, #tpu.memory_space<hbm>> -> memref<1x640x128xf32, #tpu.memory_space<hbm>>
      %dma_start3A_48 = tpu.memref_squeeze %dma_start3A_47 : memref<1x640x128xf32, #tpu.memory_space<hbm>> -> memref<640x128xf32, #tpu.memory_space<hbm>>
      tpu.enqueue_dma source(%dma_start3A_48 : memref<640x128xf32, #tpu.memory_space<hbm>>) target(%dma_start3A_45 : memref<640x128xf32, #tpu.memory_space<vmem_shared>>) target_semaphore(%run_scoped3A : memref<!tpu.dma_semaphore, #tpu.memory_space<semaphore_mem>>)
      %dma_wait3A_49 = arith.constant 0 : i32
      %dma_wait3A_50 = tpu.memref_slice %arg6[%mul3A_2, %dma_wait3A_49] : memref<10240x128xf32, #tpu.memory_space<vmem_shared>> -> memref<640x128xf32, #tpu.memory_space<vmem_shared>>
      %dma_wait3A_51 = arith.constant 0 : i32
      %dma_wait3A_52 = tpu.memref_slice %arg4[%arg0, %mul3A_0, %dma_wait3A_51] : memref<2x10240x128xf32, #tpu.memory_space<hbm>> -> memref<1x640x128xf32, #tpu.memory_space<hbm>>
      %dma_wait3A_53 = tpu.memref_squeeze %dma_wait3A_52 : memref<1x640x128xf32, #tpu.memory_space<hbm>> -> memref<640x128xf32, #tpu.memory_space<hbm>>
      tpu.wait_dma2 semaphore(%run_scoped3A : memref<!tpu.dma_semaphore, #tpu.memory_space<semaphore_mem>>) src(%dma_wait3A_53 : memref<640x128xf32, #tpu.memory_space<hbm>>) dst(%dma_wait3A_50 : memref<640x128xf32, #tpu.memory_space<vmem_shared>>)
      tpu.yield
    }) : () -> ()
    %barrier3A = arith.constant 0 : index
    tpu.barrier barrier_id(%barrier3A)
    %mul3A_3 = arith.constant 9600 : i32
    %mul3A_4 = arith.muli %arg1, %mul3A_3 : i32
    %add3A = arith.constant 0 : i32
    %add3A_5 = arith.addi %mul3A_4, %add3A : i32
    %mul3A_6 = arith.constant 320000 : i32
    %mul3A_7 = arith.muli %arg0, %mul3A_6 : i32
    %add3A_8 = arith.constant 38400 : i32
    %add3A_9 = arith.addi %mul3A_7, %add3A_8 : i32
    %add3A_10 = arith.addi %add3A_9, %add3A_5 : i32
    %dma_start3A = tpu.memref_slice %arg3[%add3A_10] : memref<640000xi32, #tpu.memory_space<hbm>> -> memref<160xi32, #tpu.memory_space<hbm>>
    %dma_start3A_11 = tpu.memref_slice %arg3[%add3A_10] : memref<640000xi32, #tpu.memory_space<hbm>> -> memref<160xi32, #tpu.memory_space<hbm>>
    tpu.enqueue_dma source(%dma_start3A_11 : memref<160xi32, #tpu.memory_space<hbm>>) target(%arg7 : memref<160xi32, #tpu.memory_space<vmem>>) target_semaphore(%arg12 : memref<!tpu.dma_semaphore, #tpu.memory_space<semaphore_mem>>)
    %dma_start3A_12 = arith.constant 0 : i32
    %dma_start3A_13 = tpu.memref_slice %arg2[%add3A_5, %dma_start3A_12] : memref<153600x128xf32, #tpu.memory_space<hbm>> -> memref<160x128xf32, #tpu.memory_space<hbm>>
    %dma_start3A_14 = arith.constant 0 : i32
    %dma_start3A_15 = tpu.memref_slice %arg2[%add3A_5, %dma_start3A_14] : memref<153600x128xf32, #tpu.memory_space<hbm>> -> memref<160x128xf32, #tpu.memory_space<hbm>>
    tpu.enqueue_dma source(%dma_start3A_15 : memref<160x128xf32, #tpu.memory_space<hbm>>) target(%arg10 : memref<160x128xf32, #tpu.memory_space<vmem>>) target_semaphore(%arg12 : memref<!tpu.dma_semaphore, #tpu.memory_space<semaphore_mem>>)
    %add3A_16 = arith.constant 160 : i32
    %add3A_17 = arith.addi %mul3A_4, %add3A_16 : i32
    %mul3A_18 = arith.constant 320000 : i32
    %mul3A_19 = arith.muli %arg0, %mul3A_18 : i32
    %add3A_20 = arith.constant 38400 : i32
    %add3A_21 = arith.addi %mul3A_19, %add3A_20 : i32
    %add3A_22 = arith.addi %add3A_21, %add3A_17 : i32
    %dma_start3A_23 = tpu.memref_slice %arg3[%add3A_22] : memref<640000xi32, #tpu.memory_space<hbm>> -> memref<160xi32, #tpu.memory_space<hbm>>
    %dma_start3A_24 = tpu.memref_slice %arg3[%add3A_22] : memref<640000xi32, #tpu.memory_space<hbm>> -> memref<160xi32, #tpu.memory_space<hbm>>
    tpu.enqueue_dma source(%dma_start3A_24 : memref<160xi32, #tpu.memory_space<hbm>>) target(%arg8 : memref<160xi32, #tpu.memory_space<vmem>>) target_semaphore(%arg13 : memref<!tpu.dma_semaphore, #tpu.memory_space<semaphore_mem>>)
    %dma_start3A_25 = arith.constant 0 : i32
    %dma_start3A_26 = tpu.memref_slice %arg2[%add3A_17, %dma_start3A_25] : memref<153600x128xf32, #tpu.memory_space<hbm>> -> memref<160x128xf32, #tpu.memory_space<hbm>>
    %dma_start3A_27 = arith.constant 0 : i32
    %dma_start3A_28 = tpu.memref_slice %arg2[%add3A_17, %dma_start3A_27] : memref<153600x128xf32, #tpu.memory_space<hbm>> -> memref<160x128xf32, #tpu.memory_space<hbm>>
    tpu.enqueue_dma source(%dma_start3A_28 : memref<160x128xf32, #tpu.memory_space<hbm>>) target(%arg11 : memref<160x128xf32, #tpu.memory_space<vmem>>) target_semaphore(%arg13 : memref<!tpu.dma_semaphore, #tpu.memory_space<semaphore_mem>>)
    %scan3A = arith.constant 0 : i32
    %scan3A_29 = arith.constant 0 : i32
    %scan3A_30 = arith.constant 30 : i32
    %scan3A_31 = arith.addi %scan3A_29, %scan3A_30 : i32
    %scan3A_32 = arith.constant 1 : i32
    scf.for %scan3A_44 = %scan3A_29 to %scan3A_31 step %scan3A_32  : i32 {
      %dma_wait3A_45 = tpu.memref_slice %arg3[%mul3A_4] : memref<640000xi32, #tpu.memory_space<hbm>> -> memref<160xi32, #tpu.memory_space<hbm>>
      %dma_wait3A_46 = tpu.memref_slice %arg3[%mul3A_4] : memref<640000xi32, #tpu.memory_space<hbm>> -> memref<160xi32, #tpu.memory_space<hbm>>
      tpu.wait_dma2 semaphore(%arg12 : memref<!tpu.dma_semaphore, #tpu.memory_space<semaphore_mem>>) src(%dma_wait3A_46 : memref<160xi32, #tpu.memory_space<hbm>>) dst(%arg7 : memref<160xi32, #tpu.memory_space<vmem>>)
      %dma_wait3A_47 = arith.constant 0 : i32
      %dma_wait3A_48 = tpu.memref_slice %arg2[%mul3A_4, %dma_wait3A_47] : memref<153600x128xf32, #tpu.memory_space<hbm>> -> memref<160x128xf32, #tpu.memory_space<hbm>>
      %dma_wait3A_49 = arith.constant 0 : i32
      %dma_wait3A_50 = tpu.memref_slice %arg2[%mul3A_4, %dma_wait3A_49] : memref<153600x128xf32, #tpu.memory_space<hbm>> -> memref<160x128xf32, #tpu.memory_space<hbm>>
      tpu.wait_dma2 semaphore(%arg12 : memref<!tpu.dma_semaphore, #tpu.memory_space<semaphore_mem>>) src(%dma_wait3A_50 : memref<160x128xf32, #tpu.memory_space<hbm>>) dst(%arg10 : memref<160x128xf32, #tpu.memory_space<vmem>>)
      %dma_start3A_51 = arith.constant 0 : i32
      %dma_start3A_52 = arith.constant 0 : i32
      %dma_start3A_53 = tpu.memref_slice %arg6[%dma_start3A_51, %dma_start3A_52] : memref<10240x128xf32, #tpu.memory_space<vmem_shared>> -> memref<10240x128xf32, #tpu.memory_space<vmem_shared>>
      tpu.enqueue_indirect_dma source(%arg10 : memref<160x128xf32, #tpu.memory_space<vmem>>) target(%dma_start3A_53 : memref<10240x128xf32, #tpu.memory_space<vmem_shared>>) offsets(%arg7 : memref<160xi32, #tpu.memory_space<vmem>>) semaphore(%arg14 : memref<!tpu.dma_semaphore, #tpu.memory_space<semaphore_mem>>) {add = true}
      %dma_wait3A_54 = tpu.memref_slice %arg3[%mul3A_4] : memref<640000xi32, #tpu.memory_space<hbm>> -> memref<160xi32, #tpu.memory_space<hbm>>
      %dma_wait3A_55 = tpu.memref_slice %arg3[%mul3A_4] : memref<640000xi32, #tpu.memory_space<hbm>> -> memref<160xi32, #tpu.memory_space<hbm>>
      tpu.wait_dma2 semaphore(%arg13 : memref<!tpu.dma_semaphore, #tpu.memory_space<semaphore_mem>>) src(%dma_wait3A_55 : memref<160xi32, #tpu.memory_space<hbm>>) dst(%arg8 : memref<160xi32, #tpu.memory_space<vmem>>)
      %dma_wait3A_56 = arith.constant 0 : i32
      %dma_wait3A_57 = tpu.memref_slice %arg2[%mul3A_4, %dma_wait3A_56] : memref<153600x128xf32, #tpu.memory_space<hbm>> -> memref<160x128xf32, #tpu.memory_space<hbm>>
      %dma_wait3A_58 = arith.constant 0 : i32
      %dma_wait3A_59 = tpu.memref_slice %arg2[%mul3A_4, %dma_wait3A_58] : memref<153600x128xf32, #tpu.memory_space<hbm>> -> memref<160x128xf32, #tpu.memory_space<hbm>>
      tpu.wait_dma2 semaphore(%arg13 : memref<!tpu.dma_semaphore, #tpu.memory_space<semaphore_mem>>) src(%dma_wait3A_59 : memref<160x128xf32, #tpu.memory_space<hbm>>) dst(%arg11 : memref<160x128xf32, #tpu.memory_space<vmem>>)
      %dma_start3A_60 = arith.constant 0 : i32
      %dma_start3A_61 = arith.constant 0 : i32
      %dma_start3A_62 = tpu.memref_slice %arg6[%dma_start3A_60, %dma_start3A_61] : memref<10240x128xf32, #tpu.memory_space<vmem_shared>> -> memref<10240x128xf32, #tpu.memory_space<vmem_shared>>
      tpu.enqueue_indirect_dma source(%arg11 : memref<160x128xf32, #tpu.memory_space<vmem>>) target(%dma_start3A_62 : memref<10240x128xf32, #tpu.memory_space<vmem_shared>>) offsets(%arg8 : memref<160xi32, #tpu.memory_space<vmem>>) semaphore(%arg15 : memref<!tpu.dma_semaphore, #tpu.memory_space<semaphore_mem>>) {add = true}
      %mul3A_63 = arith.constant 2 : i32
      %mul3A_64 = arith.muli %mul3A_63, %scan3A_44 : i32
      %add3A_65 = arith.constant 2 : i32
      %add3A_66 = arith.addi %mul3A_64, %add3A_65 : i32
      %add3A_67 = arith.constant 0 : i32
      %add3A_68 = arith.addi %add3A_66, %add3A_67 : i32
      %lt3A = arith.constant 60 : i32
      %lt3A_69 = arith.cmpi slt, %add3A_68, %lt3A : i32
      %convert_element_type3A = arith.extui %lt3A_69 : i1 to i32
      %cond3A = arith.constant 0 : i32
      %cond3A_70 = arith.cmpi ne, %convert_element_type3A, %cond3A : i32
      scf.if %cond3A_70 {
        %dma_wait3A_82 = arith.constant 0 : i32
        %dma_wait3A_83 = arith.constant 0 : i32
        %dma_wait3A_84 = tpu.memref_slice %arg6[%dma_wait3A_82, %dma_wait3A_83] : memref<10240x128xf32, #tpu.memory_space<vmem_shared>> -> memref<10240x128xf32, #tpu.memory_space<vmem_shared>>
        tpu.wait_indirect_dma semaphore(%arg14 : memref<!tpu.dma_semaphore, #tpu.memory_space<semaphore_mem>>) src(%arg10 : memref<160x128xf32, #tpu.memory_space<vmem>>) dst(%dma_wait3A_84 : memref<10240x128xf32, #tpu.memory_space<vmem_shared>>)
        %mul3A_85 = arith.constant 160 : i32
        %mul3A_86 = arith.muli %add3A_68, %mul3A_85 : i32
        %add3A_87 = arith.addi %mul3A_4, %mul3A_86 : i32
        %mul3A_88 = arith.constant 320000 : i32
        %mul3A_89 = arith.muli %arg0, %mul3A_88 : i32
        %add3A_90 = arith.constant 38400 : i32
        %add3A_91 = arith.addi %mul3A_89, %add3A_90 : i32
        %add3A_92 = arith.addi %add3A_91, %add3A_87 : i32
        %dma_start3A_93 = tpu.memref_slice %arg3[%add3A_92] : memref<640000xi32, #tpu.memory_space<hbm>> -> memref<160xi32, #tpu.memory_space<hbm>>
        %dma_start3A_94 = tpu.memref_slice %arg3[%add3A_92] : memref<640000xi32, #tpu.memory_space<hbm>> -> memref<160xi32, #tpu.memory_space<hbm>>
        tpu.enqueue_dma source(%dma_start3A_94 : memref<160xi32, #tpu.memory_space<hbm>>) target(%arg7 : memref<160xi32, #tpu.memory_space<vmem>>) target_semaphore(%arg12 : memref<!tpu.dma_semaphore, #tpu.memory_space<semaphore_mem>>)
        %dma_start3A_95 = arith.constant 0 : i32
        %dma_start3A_96 = tpu.memref_slice %arg2[%add3A_87, %dma_start3A_95] : memref<153600x128xf32, #tpu.memory_space<hbm>> -> memref<160x128xf32, #tpu.memory_space<hbm>>
        %dma_start3A_97 = arith.constant 0 : i32
        %dma_start3A_98 = tpu.memref_slice %arg2[%add3A_87, %dma_start3A_97] : memref<153600x128xf32, #tpu.memory_space<hbm>> -> memref<160x128xf32, #tpu.memory_space<hbm>>
        tpu.enqueue_dma source(%dma_start3A_98 : memref<160x128xf32, #tpu.memory_space<hbm>>) target(%arg10 : memref<160x128xf32, #tpu.memory_space<vmem>>) target_semaphore(%arg12 : memref<!tpu.dma_semaphore, #tpu.memory_space<semaphore_mem>>)
      } else {
      }
      %mul3A_71 = arith.constant 2 : i32
      %mul3A_72 = arith.muli %mul3A_71, %scan3A_44 : i32
      %add3A_73 = arith.constant 2 : i32
      %add3A_74 = arith.addi %mul3A_72, %add3A_73 : i32
      %add3A_75 = arith.constant 1 : i32
      %add3A_76 = arith.addi %add3A_74, %add3A_75 : i32
      %lt3A_77 = arith.constant 60 : i32
      %lt3A_78 = arith.cmpi slt, %add3A_76, %lt3A_77 : i32
      %convert_element_type3A_79 = arith.extui %lt3A_78 : i1 to i32
      %cond3A_80 = arith.constant 0 : i32
      %cond3A_81 = arith.cmpi ne, %convert_element_type3A_79, %cond3A_80 : i32
      scf.if %cond3A_81 {
        %dma_wait3A_82 = arith.constant 0 : i32
        %dma_wait3A_83 = arith.constant 0 : i32
        %dma_wait3A_84 = tpu.memref_slice %arg6[%dma_wait3A_82, %dma_wait3A_83] : memref<10240x128xf32, #tpu.memory_space<vmem_shared>> -> memref<10240x128xf32, #tpu.memory_space<vmem_shared>>
        tpu.wait_indirect_dma semaphore(%arg15 : memref<!tpu.dma_semaphore, #tpu.memory_space<semaphore_mem>>) src(%arg11 : memref<160x128xf32, #tpu.memory_space<vmem>>) dst(%dma_wait3A_84 : memref<10240x128xf32, #tpu.memory_space<vmem_shared>>)
        %mul3A_85 = arith.constant 160 : i32
        %mul3A_86 = arith.muli %add3A_76, %mul3A_85 : i32
        %add3A_87 = arith.addi %mul3A_4, %mul3A_86 : i32
        %mul3A_88 = arith.constant 320000 : i32
        %mul3A_89 = arith.muli %arg0, %mul3A_88 : i32
        %add3A_90 = arith.constant 38400 : i32
        %add3A_91 = arith.addi %mul3A_89, %add3A_90 : i32
        %add3A_92 = arith.addi %add3A_91, %add3A_87 : i32
        %dma_start3A_93 = tpu.memref_slice %arg3[%add3A_92] : memref<640000xi32, #tpu.memory_space<hbm>> -> memref<160xi32, #tpu.memory_space<hbm>>
        %dma_start3A_94 = tpu.memref_slice %arg3[%add3A_92] : memref<640000xi32, #tpu.memory_space<hbm>> -> memref<160xi32, #tpu.memory_space<hbm>>
        tpu.enqueue_dma source(%dma_start3A_94 : memref<160xi32, #tpu.memory_space<hbm>>) target(%arg8 : memref<160xi32, #tpu.memory_space<vmem>>) target_semaphore(%arg13 : memref<!tpu.dma_semaphore, #tpu.memory_space<semaphore_mem>>)
        %dma_start3A_95 = arith.constant 0 : i32
        %dma_start3A_96 = tpu.memref_slice %arg2[%add3A_87, %dma_start3A_95] : memref<153600x128xf32, #tpu.memory_space<hbm>> -> memref<160x128xf32, #tpu.memory_space<hbm>>
        %dma_start3A_97 = arith.constant 0 : i32
        %dma_start3A_98 = tpu.memref_slice %arg2[%add3A_87, %dma_start3A_97] : memref<153600x128xf32, #tpu.memory_space<hbm>> -> memref<160x128xf32, #tpu.memory_space<hbm>>
        tpu.enqueue_dma source(%dma_start3A_98 : memref<160x128xf32, #tpu.memory_space<hbm>>) target(%arg11 : memref<160x128xf32, #tpu.memory_space<vmem>>) target_semaphore(%arg13 : memref<!tpu.dma_semaphore, #tpu.memory_space<semaphore_mem>>)
      } else {
      }
    }
    %scan3A_33 = arith.constant 30 : i32
    %dma_wait3A = arith.constant 0 : i32
    %dma_wait3A_34 = arith.constant 0 : i32
    %dma_wait3A_35 = tpu.memref_slice %arg6[%dma_wait3A, %dma_wait3A_34] : memref<10240x128xf32, #tpu.memory_space<vmem_shared>> -> memref<10240x128xf32, #tpu.memory_space<vmem_shared>>
    tpu.wait_indirect_dma semaphore(%arg14 : memref<!tpu.dma_semaphore, #tpu.memory_space<semaphore_mem>>) src(%arg10 : memref<160x128xf32, #tpu.memory_space<vmem>>) dst(%dma_wait3A_35 : memref<10240x128xf32, #tpu.memory_space<vmem_shared>>)
    %dma_wait3A_36 = arith.constant 0 : i32
    %dma_wait3A_37 = arith.constant 0 : i32
    %dma_wait3A_38 = tpu.memref_slice %arg6[%dma_wait3A_36, %dma_wait3A_37] : memref<10240x128xf32, #tpu.memory_space<vmem_shared>> -> memref<10240x128xf32, #tpu.memory_space<vmem_shared>>
    tpu.wait_indirect_dma semaphore(%arg15 : memref<!tpu.dma_semaphore, #tpu.memory_space<semaphore_mem>>) src(%arg11 : memref<160x128xf32, #tpu.memory_space<vmem>>) dst(%dma_wait3A_38 : memref<10240x128xf32, #tpu.memory_space<vmem_shared>>)
    %barrier3A_39 = arith.constant 0 : index
    tpu.barrier barrier_id(%barrier3A_39)
    %mul3A_40 = arith.constant 640 : i32
    %mul3A_41 = arith.muli %arg1, %mul3A_40 : i32
    %mul3A_42 = arith.constant 640 : i32
    %mul3A_43 = arith.muli %arg1, %mul3A_42 : i32
    "tpu.region"() ({
      %run_scoped3A = tpu.sem_alloc : memref<!tpu.dma_semaphore, #tpu.memory_space<semaphore_mem>>
      %dma_start3A_44 = arith.constant 0 : i32
      %dma_start3A_45 = tpu.memref_slice %arg5[%arg0, %mul3A_43, %dma_start3A_44] : memref<2x10240x128xf32, #tpu.memory_space<hbm>> -> memref<1x640x128xf32, #tpu.memory_space<hbm>>
      %dma_start3A_46 = tpu.memref_squeeze %dma_start3A_45 : memref<1x640x128xf32, #tpu.memory_space<hbm>> -> memref<640x128xf32, #tpu.memory_space<hbm>>
      %dma_start3A_47 = arith.constant 0 : i32
      %dma_start3A_48 = tpu.memref_slice %arg6[%mul3A_41, %dma_start3A_47] : memref<10240x128xf32, #tpu.memory_space<vmem_shared>> -> memref<640x128xf32, #tpu.memory_space<vmem_shared>>
      tpu.enqueue_dma source(%dma_start3A_48 : memref<640x128xf32, #tpu.memory_space<vmem_shared>>) target(%dma_start3A_46 : memref<640x128xf32, #tpu.memory_space<hbm>>) target_semaphore(%run_scoped3A : memref<!tpu.dma_semaphore, #tpu.memory_space<semaphore_mem>>)
      %dma_wait3A_49 = arith.constant 0 : i32
      %dma_wait3A_50 = tpu.memref_slice %arg5[%arg0, %mul3A_43, %dma_wait3A_49] : memref<2x10240x128xf32, #tpu.memory_space<hbm>> -> memref<1x640x128xf32, #tpu.memory_space<hbm>>
      %dma_wait3A_51 = tpu.memref_squeeze %dma_wait3A_50 : memref<1x640x128xf32, #tpu.memory_space<hbm>> -> memref<640x128xf32, #tpu.memory_space<hbm>>
      %dma_wait3A_52 = arith.constant 0 : i32
      %dma_wait3A_53 = tpu.memref_slice %arg6[%mul3A_41, %dma_wait3A_52] : memref<10240x128xf32, #tpu.memory_space<vmem_shared>> -> memref<640x128xf32, #tpu.memory_space<vmem_shared>>
      tpu.wait_dma2 semaphore(%run_scoped3A : memref<!tpu.dma_semaphore, #tpu.memory_space<semaphore_mem>>) src(%dma_wait3A_53 : memref<640x128xf32, #tpu.memory_space<vmem_shared>>) dst(%dma_wait3A_51 : memref<640x128xf32, #tpu.memory_space<hbm>>)
      tpu.yield
    }) : () -> ()
    return
  }
}

#map = affine_map<(d0, d1) -> (0, 0)>
#map1 = affine_map<(d0, d1) -> (0)>
#map2 = affine_map<(d0, d1) -> (0, 0, 0)>
module attributes {stable_mosaic.version = 14 : i64} {
  func.func @_sc_scatter_impl(%arg0: i32, %arg1: i32, %arg2: memref<128000x128xf32, #tpu.memory_space<hbm>>, %arg3: memref<640000xi32, #tpu.memory_space<hbm>>, %arg4: memref<2x10240x128xf32, #tpu.memory_space<hbm>>, %arg5: memref<2x10240x128xf32, #tpu.memory_space<hbm>>, %arg6: memref<10240x128xf32, #tpu.memory_space<vmem_shared>>, %arg7: memref<160xi32, #tpu.memory_space<vmem>>, %arg8: memref<160xi32, #tpu.memory_space<vmem>>, %arg9: memref<160xi32, #tpu.memory_space<vmem>>, %arg10: memref<160x128xf32, #tpu.memory_space<vmem>>, %arg11: memref<160x128xf32, #tpu.memory_space<vmem>>, %arg12: memref<!tpu.dma_semaphore, #tpu.memory_space<semaphore_mem>>, %arg13: memref<!tpu.dma_semaphore, #tpu.memory_space<semaphore_mem>>, %arg14: memref<!tpu.dma_semaphore, #tpu.memory_space<semaphore_mem>>, %arg15: memref<!tpu.dma_semaphore, #tpu.memory_space<semaphore_mem>>) attributes {dimension_semantics = [#tpu.dimension_semantics<core_parallel>, #tpu.dimension_semantics<subcore_parallel>], iteration_bounds = array<i64: 2, 16>, scalar_prefetch = 0 : i64, scratch_operands = 10 : i64, tpu.core_type = #tpu.core_type<sc_vector_subcore>, window_params = [{transform_indices = #map}, {transform_indices = #map1}, {transform_indices = #map2}, {transform_indices = #map2}]} {
    %mul3A = arith.constant 640 : i32
    %mul3A_0 = arith.muli %arg1, %mul3A : i32
    %mul3A_1 = arith.constant 640 : i32
    %mul3A_2 = arith.muli %arg1, %mul3A_1 : i32
    "tpu.region"() ({
      %run_scoped3A = tpu.sem_alloc : memref<!tpu.dma_semaphore, #tpu.memory_space<semaphore_mem>>
      %dma_start3A_44 = arith.constant 0 : i32
      %dma_start3A_45 = tpu.memref_slice %arg6[%mul3A_2, %dma_start3A_44] : memref<10240x128xf32, #tpu.memory_space<vmem_shared>> -> memref<640x128xf32, #tpu.memory_space<vmem_shared>>
      %dma_start3A_46 = arith.constant 0 : i32
      %dma_start3A_47 = tpu.memref_slice %arg4[%arg0, %mul3A_0, %dma_start3A_46] : memref<2x10240x128xf32, #tpu.memory_space<hbm>> -> memref<1x640x128xf32, #tpu.memory_space<hbm>>
      %dma_start3A_48 = tpu.memref_squeeze %dma_start3A_47 : memref<1x640x128xf32, #tpu.memory_space<hbm>> -> memref<640x128xf32, #tpu.memory_space<hbm>>
      tpu.enqueue_dma source(%dma_start3A_48 : memref<640x128xf32, #tpu.memory_space<hbm>>) target(%dma_start3A_45 : memref<640x128xf32, #tpu.memory_space<vmem_shared>>) target_semaphore(%run_scoped3A : memref<!tpu.dma_semaphore, #tpu.memory_space<semaphore_mem>>)
      %dma_wait3A_49 = arith.constant 0 : i32
      %dma_wait3A_50 = tpu.memref_slice %arg6[%mul3A_2, %dma_wait3A_49] : memref<10240x128xf32, #tpu.memory_space<vmem_shared>> -> memref<640x128xf32, #tpu.memory_space<vmem_shared>>
      %dma_wait3A_51 = arith.constant 0 : i32
      %dma_wait3A_52 = tpu.memref_slice %arg4[%arg0, %mul3A_0, %dma_wait3A_51] : memref<2x10240x128xf32, #tpu.memory_space<hbm>> -> memref<1x640x128xf32, #tpu.memory_space<hbm>>
      %dma_wait3A_53 = tpu.memref_squeeze %dma_wait3A_52 : memref<1x640x128xf32, #tpu.memory_space<hbm>> -> memref<640x128xf32, #tpu.memory_space<hbm>>
      tpu.wait_dma2 semaphore(%run_scoped3A : memref<!tpu.dma_semaphore, #tpu.memory_space<semaphore_mem>>) src(%dma_wait3A_53 : memref<640x128xf32, #tpu.memory_space<hbm>>) dst(%dma_wait3A_50 : memref<640x128xf32, #tpu.memory_space<vmem_shared>>)
      tpu.yield
    }) : () -> ()
    %barrier3A = arith.constant 0 : index
    tpu.barrier barrier_id(%barrier3A)
    %mul3A_3 = arith.constant 8000 : i32
    %mul3A_4 = arith.muli %arg1, %mul3A_3 : i32
    %add3A = arith.constant 0 : i32
    %add3A_5 = arith.addi %mul3A_4, %add3A : i32
    %mul3A_6 = arith.constant 320000 : i32
    %mul3A_7 = arith.muli %arg0, %mul3A_6 : i32
    %add3A_8 = arith.constant 192000 : i32
    %add3A_9 = arith.addi %mul3A_7, %add3A_8 : i32
    %add3A_10 = arith.addi %add3A_9, %add3A_5 : i32
    %dma_start3A = tpu.memref_slice %arg3[%add3A_10] : memref<640000xi32, #tpu.memory_space<hbm>> -> memref<160xi32, #tpu.memory_space<hbm>>
    %dma_start3A_11 = tpu.memref_slice %arg3[%add3A_10] : memref<640000xi32, #tpu.memory_space<hbm>> -> memref<160xi32, #tpu.memory_space<hbm>>
    tpu.enqueue_dma source(%dma_start3A_11 : memref<160xi32, #tpu.memory_space<hbm>>) target(%arg7 : memref<160xi32, #tpu.memory_space<vmem>>) target_semaphore(%arg12 : memref<!tpu.dma_semaphore, #tpu.memory_space<semaphore_mem>>)
    %dma_start3A_12 = arith.constant 0 : i32
    %dma_start3A_13 = tpu.memref_slice %arg2[%add3A_5, %dma_start3A_12] : memref<128000x128xf32, #tpu.memory_space<hbm>> -> memref<160x128xf32, #tpu.memory_space<hbm>>
    %dma_start3A_14 = arith.constant 0 : i32
    %dma_start3A_15 = tpu.memref_slice %arg2[%add3A_5, %dma_start3A_14] : memref<128000x128xf32, #tpu.memory_space<hbm>> -> memref<160x128xf32, #tpu.memory_space<hbm>>
    tpu.enqueue_dma source(%dma_start3A_15 : memref<160x128xf32, #tpu.memory_space<hbm>>) target(%arg10 : memref<160x128xf32, #tpu.memory_space<vmem>>) target_semaphore(%arg12 : memref<!tpu.dma_semaphore, #tpu.memory_space<semaphore_mem>>)
    %add3A_16 = arith.constant 160 : i32
    %add3A_17 = arith.addi %mul3A_4, %add3A_16 : i32
    %mul3A_18 = arith.constant 320000 : i32
    %mul3A_19 = arith.muli %arg0, %mul3A_18 : i32
    %add3A_20 = arith.constant 192000 : i32
    %add3A_21 = arith.addi %mul3A_19, %add3A_20 : i32
    %add3A_22 = arith.addi %add3A_21, %add3A_17 : i32
    %dma_start3A_23 = tpu.memref_slice %arg3[%add3A_22] : memref<640000xi32, #tpu.memory_space<hbm>> -> memref<160xi32, #tpu.memory_space<hbm>>
    %dma_start3A_24 = tpu.memref_slice %arg3[%add3A_22] : memref<640000xi32, #tpu.memory_space<hbm>> -> memref<160xi32, #tpu.memory_space<hbm>>
    tpu.enqueue_dma source(%dma_start3A_24 : memref<160xi32, #tpu.memory_space<hbm>>) target(%arg8 : memref<160xi32, #tpu.memory_space<vmem>>) target_semaphore(%arg13 : memref<!tpu.dma_semaphore, #tpu.memory_space<semaphore_mem>>)
    %dma_start3A_25 = arith.constant 0 : i32
    %dma_start3A_26 = tpu.memref_slice %arg2[%add3A_17, %dma_start3A_25] : memref<128000x128xf32, #tpu.memory_space<hbm>> -> memref<160x128xf32, #tpu.memory_space<hbm>>
    %dma_start3A_27 = arith.constant 0 : i32
    %dma_start3A_28 = tpu.memref_slice %arg2[%add3A_17, %dma_start3A_27] : memref<128000x128xf32, #tpu.memory_space<hbm>> -> memref<160x128xf32, #tpu.memory_space<hbm>>
    tpu.enqueue_dma source(%dma_start3A_28 : memref<160x128xf32, #tpu.memory_space<hbm>>) target(%arg11 : memref<160x128xf32, #tpu.memory_space<vmem>>) target_semaphore(%arg13 : memref<!tpu.dma_semaphore, #tpu.memory_space<semaphore_mem>>)
    %scan3A = arith.constant 0 : i32
    %scan3A_29 = arith.constant 0 : i32
    %scan3A_30 = arith.constant 25 : i32
    %scan3A_31 = arith.addi %scan3A_29, %scan3A_30 : i32
    %scan3A_32 = arith.constant 1 : i32
    scf.for %scan3A_44 = %scan3A_29 to %scan3A_31 step %scan3A_32  : i32 {
      %dma_wait3A_45 = tpu.memref_slice %arg3[%mul3A_4] : memref<640000xi32, #tpu.memory_space<hbm>> -> memref<160xi32, #tpu.memory_space<hbm>>
      %dma_wait3A_46 = tpu.memref_slice %arg3[%mul3A_4] : memref<640000xi32, #tpu.memory_space<hbm>> -> memref<160xi32, #tpu.memory_space<hbm>>
      tpu.wait_dma2 semaphore(%arg12 : memref<!tpu.dma_semaphore, #tpu.memory_space<semaphore_mem>>) src(%dma_wait3A_46 : memref<160xi32, #tpu.memory_space<hbm>>) dst(%arg7 : memref<160xi32, #tpu.memory_space<vmem>>)
      %dma_wait3A_47 = arith.constant 0 : i32
      %dma_wait3A_48 = tpu.memref_slice %arg2[%mul3A_4, %dma_wait3A_47] : memref<128000x128xf32, #tpu.memory_space<hbm>> -> memref<160x128xf32, #tpu.memory_space<hbm>>
      %dma_wait3A_49 = arith.constant 0 : i32
      %dma_wait3A_50 = tpu.memref_slice %arg2[%mul3A_4, %dma_wait3A_49] : memref<128000x128xf32, #tpu.memory_space<hbm>> -> memref<160x128xf32, #tpu.memory_space<hbm>>
      tpu.wait_dma2 semaphore(%arg12 : memref<!tpu.dma_semaphore, #tpu.memory_space<semaphore_mem>>) src(%dma_wait3A_50 : memref<160x128xf32, #tpu.memory_space<hbm>>) dst(%arg10 : memref<160x128xf32, #tpu.memory_space<vmem>>)
      %dma_start3A_51 = arith.constant 0 : i32
      %dma_start3A_52 = arith.constant 0 : i32
      %dma_start3A_53 = tpu.memref_slice %arg6[%dma_start3A_51, %dma_start3A_52] : memref<10240x128xf32, #tpu.memory_space<vmem_shared>> -> memref<10240x128xf32, #tpu.memory_space<vmem_shared>>
      tpu.enqueue_indirect_dma source(%arg10 : memref<160x128xf32, #tpu.memory_space<vmem>>) target(%dma_start3A_53 : memref<10240x128xf32, #tpu.memory_space<vmem_shared>>) offsets(%arg7 : memref<160xi32, #tpu.memory_space<vmem>>) semaphore(%arg14 : memref<!tpu.dma_semaphore, #tpu.memory_space<semaphore_mem>>) {add = true}
      %dma_wait3A_54 = tpu.memref_slice %arg3[%mul3A_4] : memref<640000xi32, #tpu.memory_space<hbm>> -> memref<160xi32, #tpu.memory_space<hbm>>
      %dma_wait3A_55 = tpu.memref_slice %arg3[%mul3A_4] : memref<640000xi32, #tpu.memory_space<hbm>> -> memref<160xi32, #tpu.memory_space<hbm>>
      tpu.wait_dma2 semaphore(%arg13 : memref<!tpu.dma_semaphore, #tpu.memory_space<semaphore_mem>>) src(%dma_wait3A_55 : memref<160xi32, #tpu.memory_space<hbm>>) dst(%arg8 : memref<160xi32, #tpu.memory_space<vmem>>)
      %dma_wait3A_56 = arith.constant 0 : i32
      %dma_wait3A_57 = tpu.memref_slice %arg2[%mul3A_4, %dma_wait3A_56] : memref<128000x128xf32, #tpu.memory_space<hbm>> -> memref<160x128xf32, #tpu.memory_space<hbm>>
      %dma_wait3A_58 = arith.constant 0 : i32
      %dma_wait3A_59 = tpu.memref_slice %arg2[%mul3A_4, %dma_wait3A_58] : memref<128000x128xf32, #tpu.memory_space<hbm>> -> memref<160x128xf32, #tpu.memory_space<hbm>>
      tpu.wait_dma2 semaphore(%arg13 : memref<!tpu.dma_semaphore, #tpu.memory_space<semaphore_mem>>) src(%dma_wait3A_59 : memref<160x128xf32, #tpu.memory_space<hbm>>) dst(%arg11 : memref<160x128xf32, #tpu.memory_space<vmem>>)
      %dma_start3A_60 = arith.constant 0 : i32
      %dma_start3A_61 = arith.constant 0 : i32
      %dma_start3A_62 = tpu.memref_slice %arg6[%dma_start3A_60, %dma_start3A_61] : memref<10240x128xf32, #tpu.memory_space<vmem_shared>> -> memref<10240x128xf32, #tpu.memory_space<vmem_shared>>
      tpu.enqueue_indirect_dma source(%arg11 : memref<160x128xf32, #tpu.memory_space<vmem>>) target(%dma_start3A_62 : memref<10240x128xf32, #tpu.memory_space<vmem_shared>>) offsets(%arg8 : memref<160xi32, #tpu.memory_space<vmem>>) semaphore(%arg15 : memref<!tpu.dma_semaphore, #tpu.memory_space<semaphore_mem>>) {add = true}
      %mul3A_63 = arith.constant 2 : i32
      %mul3A_64 = arith.muli %mul3A_63, %scan3A_44 : i32
      %add3A_65 = arith.constant 2 : i32
      %add3A_66 = arith.addi %mul3A_64, %add3A_65 : i32
      %add3A_67 = arith.constant 0 : i32
      %add3A_68 = arith.addi %add3A_66, %add3A_67 : i32
      %lt3A = arith.constant 50 : i32
      %lt3A_69 = arith.cmpi slt, %add3A_68, %lt3A : i32
      %convert_element_type3A = arith.extui %lt3A_69 : i1 to i32
      %cond3A = arith.constant 0 : i32
      %cond3A_70 = arith.cmpi ne, %convert_element_type3A, %cond3A : i32
      scf.if %cond3A_70 {
        %dma_wait3A_82 = arith.constant 0 : i32
        %dma_wait3A_83 = arith.constant 0 : i32
        %dma_wait3A_84 = tpu.memref_slice %arg6[%dma_wait3A_82, %dma_wait3A_83] : memref<10240x128xf32, #tpu.memory_space<vmem_shared>> -> memref<10240x128xf32, #tpu.memory_space<vmem_shared>>
        tpu.wait_indirect_dma semaphore(%arg14 : memref<!tpu.dma_semaphore, #tpu.memory_space<semaphore_mem>>) src(%arg10 : memref<160x128xf32, #tpu.memory_space<vmem>>) dst(%dma_wait3A_84 : memref<10240x128xf32, #tpu.memory_space<vmem_shared>>)
        %mul3A_85 = arith.constant 160 : i32
        %mul3A_86 = arith.muli %add3A_68, %mul3A_85 : i32
        %add3A_87 = arith.addi %mul3A_4, %mul3A_86 : i32
        %mul3A_88 = arith.constant 320000 : i32
        %mul3A_89 = arith.muli %arg0, %mul3A_88 : i32
        %add3A_90 = arith.constant 192000 : i32
        %add3A_91 = arith.addi %mul3A_89, %add3A_90 : i32
        %add3A_92 = arith.addi %add3A_91, %add3A_87 : i32
        %dma_start3A_93 = tpu.memref_slice %arg3[%add3A_92] : memref<640000xi32, #tpu.memory_space<hbm>> -> memref<160xi32, #tpu.memory_space<hbm>>
        %dma_start3A_94 = tpu.memref_slice %arg3[%add3A_92] : memref<640000xi32, #tpu.memory_space<hbm>> -> memref<160xi32, #tpu.memory_space<hbm>>
        tpu.enqueue_dma source(%dma_start3A_94 : memref<160xi32, #tpu.memory_space<hbm>>) target(%arg7 : memref<160xi32, #tpu.memory_space<vmem>>) target_semaphore(%arg12 : memref<!tpu.dma_semaphore, #tpu.memory_space<semaphore_mem>>)
        %dma_start3A_95 = arith.constant 0 : i32
        %dma_start3A_96 = tpu.memref_slice %arg2[%add3A_87, %dma_start3A_95] : memref<128000x128xf32, #tpu.memory_space<hbm>> -> memref<160x128xf32, #tpu.memory_space<hbm>>
        %dma_start3A_97 = arith.constant 0 : i32
        %dma_start3A_98 = tpu.memref_slice %arg2[%add3A_87, %dma_start3A_97] : memref<128000x128xf32, #tpu.memory_space<hbm>> -> memref<160x128xf32, #tpu.memory_space<hbm>>
        tpu.enqueue_dma source(%dma_start3A_98 : memref<160x128xf32, #tpu.memory_space<hbm>>) target(%arg10 : memref<160x128xf32, #tpu.memory_space<vmem>>) target_semaphore(%arg12 : memref<!tpu.dma_semaphore, #tpu.memory_space<semaphore_mem>>)
      } else {
      }
      %mul3A_71 = arith.constant 2 : i32
      %mul3A_72 = arith.muli %mul3A_71, %scan3A_44 : i32
      %add3A_73 = arith.constant 2 : i32
      %add3A_74 = arith.addi %mul3A_72, %add3A_73 : i32
      %add3A_75 = arith.constant 1 : i32
      %add3A_76 = arith.addi %add3A_74, %add3A_75 : i32
      %lt3A_77 = arith.constant 50 : i32
      %lt3A_78 = arith.cmpi slt, %add3A_76, %lt3A_77 : i32
      %convert_element_type3A_79 = arith.extui %lt3A_78 : i1 to i32
      %cond3A_80 = arith.constant 0 : i32
      %cond3A_81 = arith.cmpi ne, %convert_element_type3A_79, %cond3A_80 : i32
      scf.if %cond3A_81 {
        %dma_wait3A_82 = arith.constant 0 : i32
        %dma_wait3A_83 = arith.constant 0 : i32
        %dma_wait3A_84 = tpu.memref_slice %arg6[%dma_wait3A_82, %dma_wait3A_83] : memref<10240x128xf32, #tpu.memory_space<vmem_shared>> -> memref<10240x128xf32, #tpu.memory_space<vmem_shared>>
        tpu.wait_indirect_dma semaphore(%arg15 : memref<!tpu.dma_semaphore, #tpu.memory_space<semaphore_mem>>) src(%arg11 : memref<160x128xf32, #tpu.memory_space<vmem>>) dst(%dma_wait3A_84 : memref<10240x128xf32, #tpu.memory_space<vmem_shared>>)
        %mul3A_85 = arith.constant 160 : i32
        %mul3A_86 = arith.muli %add3A_76, %mul3A_85 : i32
        %add3A_87 = arith.addi %mul3A_4, %mul3A_86 : i32
        %mul3A_88 = arith.constant 320000 : i32
        %mul3A_89 = arith.muli %arg0, %mul3A_88 : i32
        %add3A_90 = arith.constant 192000 : i32
        %add3A_91 = arith.addi %mul3A_89, %add3A_90 : i32
        %add3A_92 = arith.addi %add3A_91, %add3A_87 : i32
        %dma_start3A_93 = tpu.memref_slice %arg3[%add3A_92] : memref<640000xi32, #tpu.memory_space<hbm>> -> memref<160xi32, #tpu.memory_space<hbm>>
        %dma_start3A_94 = tpu.memref_slice %arg3[%add3A_92] : memref<640000xi32, #tpu.memory_space<hbm>> -> memref<160xi32, #tpu.memory_space<hbm>>
        tpu.enqueue_dma source(%dma_start3A_94 : memref<160xi32, #tpu.memory_space<hbm>>) target(%arg8 : memref<160xi32, #tpu.memory_space<vmem>>) target_semaphore(%arg13 : memref<!tpu.dma_semaphore, #tpu.memory_space<semaphore_mem>>)
        %dma_start3A_95 = arith.constant 0 : i32
        %dma_start3A_96 = tpu.memref_slice %arg2[%add3A_87, %dma_start3A_95] : memref<128000x128xf32, #tpu.memory_space<hbm>> -> memref<160x128xf32, #tpu.memory_space<hbm>>
        %dma_start3A_97 = arith.constant 0 : i32
        %dma_start3A_98 = tpu.memref_slice %arg2[%add3A_87, %dma_start3A_97] : memref<128000x128xf32, #tpu.memory_space<hbm>> -> memref<160x128xf32, #tpu.memory_space<hbm>>
        tpu.enqueue_dma source(%dma_start3A_98 : memref<160x128xf32, #tpu.memory_space<hbm>>) target(%arg11 : memref<160x128xf32, #tpu.memory_space<vmem>>) target_semaphore(%arg13 : memref<!tpu.dma_semaphore, #tpu.memory_space<semaphore_mem>>)
      } else {
      }
    }
    %scan3A_33 = arith.constant 25 : i32
    %dma_wait3A = arith.constant 0 : i32
    %dma_wait3A_34 = arith.constant 0 : i32
    %dma_wait3A_35 = tpu.memref_slice %arg6[%dma_wait3A, %dma_wait3A_34] : memref<10240x128xf32, #tpu.memory_space<vmem_shared>> -> memref<10240x128xf32, #tpu.memory_space<vmem_shared>>
    tpu.wait_indirect_dma semaphore(%arg14 : memref<!tpu.dma_semaphore, #tpu.memory_space<semaphore_mem>>) src(%arg10 : memref<160x128xf32, #tpu.memory_space<vmem>>) dst(%dma_wait3A_35 : memref<10240x128xf32, #tpu.memory_space<vmem_shared>>)
    %dma_wait3A_36 = arith.constant 0 : i32
    %dma_wait3A_37 = arith.constant 0 : i32
    %dma_wait3A_38 = tpu.memref_slice %arg6[%dma_wait3A_36, %dma_wait3A_37] : memref<10240x128xf32, #tpu.memory_space<vmem_shared>> -> memref<10240x128xf32, #tpu.memory_space<vmem_shared>>
    tpu.wait_indirect_dma semaphore(%arg15 : memref<!tpu.dma_semaphore, #tpu.memory_space<semaphore_mem>>) src(%arg11 : memref<160x128xf32, #tpu.memory_space<vmem>>) dst(%dma_wait3A_38 : memref<10240x128xf32, #tpu.memory_space<vmem_shared>>)
    %barrier3A_39 = arith.constant 0 : index
    tpu.barrier barrier_id(%barrier3A_39)
    %mul3A_40 = arith.constant 640 : i32
    %mul3A_41 = arith.muli %arg1, %mul3A_40 : i32
    %mul3A_42 = arith.constant 640 : i32
    %mul3A_43 = arith.muli %arg1, %mul3A_42 : i32
    "tpu.region"() ({
      %run_scoped3A = tpu.sem_alloc : memref<!tpu.dma_semaphore, #tpu.memory_space<semaphore_mem>>
      %dma_start3A_44 = arith.constant 0 : i32
      %dma_start3A_45 = tpu.memref_slice %arg5[%arg0, %mul3A_43, %dma_start3A_44] : memref<2x10240x128xf32, #tpu.memory_space<hbm>> -> memref<1x640x128xf32, #tpu.memory_space<hbm>>
      %dma_start3A_46 = tpu.memref_squeeze %dma_start3A_45 : memref<1x640x128xf32, #tpu.memory_space<hbm>> -> memref<640x128xf32, #tpu.memory_space<hbm>>
      %dma_start3A_47 = arith.constant 0 : i32
      %dma_start3A_48 = tpu.memref_slice %arg6[%mul3A_41, %dma_start3A_47] : memref<10240x128xf32, #tpu.memory_space<vmem_shared>> -> memref<640x128xf32, #tpu.memory_space<vmem_shared>>
      tpu.enqueue_dma source(%dma_start3A_48 : memref<640x128xf32, #tpu.memory_space<vmem_shared>>) target(%dma_start3A_46 : memref<640x128xf32, #tpu.memory_space<hbm>>) target_semaphore(%run_scoped3A : memref<!tpu.dma_semaphore, #tpu.memory_space<semaphore_mem>>)
      %dma_wait3A_49 = arith.constant 0 : i32
      %dma_wait3A_50 = tpu.memref_slice %arg5[%arg0, %mul3A_43, %dma_wait3A_49] : memref<2x10240x128xf32, #tpu.memory_space<hbm>> -> memref<1x640x128xf32, #tpu.memory_space<hbm>>
      %dma_wait3A_51 = tpu.memref_squeeze %dma_wait3A_50 : memref<1x640x128xf32, #tpu.memory_space<hbm>> -> memref<640x128xf32, #tpu.memory_space<hbm>>
      %dma_wait3A_52 = arith.constant 0 : i32
      %dma_wait3A_53 = tpu.memref_slice %arg6[%mul3A_41, %dma_wait3A_52] : memref<10240x128xf32, #tpu.memory_space<vmem_shared>> -> memref<640x128xf32, #tpu.memory_space<vmem_shared>>
      tpu.wait_dma2 semaphore(%run_scoped3A : memref<!tpu.dma_semaphore, #tpu.memory_space<semaphore_mem>>) src(%dma_wait3A_53 : memref<640x128xf32, #tpu.memory_space<vmem_shared>>) dst(%dma_wait3A_51 : memref<640x128xf32, #tpu.memory_space<hbm>>)
      tpu.yield
    }) : () -> ()
    return
  }
}

module attributes {stable_mosaic.version = 14 : i64} {
  func.func @_prep_body(%arg0: i32, %arg1: memref<2000x128xf32, #tpu.memory_space<vmem>>, %arg2: memref<128x128xf32, #tpu.memory_space<vmem>>, %arg3: memref<128x128xf32, #tpu.memory_space<vmem>>, %arg4: memref<1x128xf32, #tpu.memory_space<vmem>>, %arg5: memref<2000x128xf32, #tpu.memory_space<vmem>>, %arg6: memref<2000x128xf32, #tpu.memory_space<vmem>>) attributes {dimension_semantics = [#tpu.dimension_semantics<arbitrary>], iteration_bounds = array<i64: 5>, scalar_prefetch = 0 : i64, scratch_operands = 0 : i64, tpu.core_type = #tpu.core_type<tc>, window_params = [{transform_indices = @transform_0, window_bounds = array<i64: 2000, 128>}, {pipeline_mode = #tpu.pipeline_mode<synchronous>, transform_indices = @transform_1, window_bounds = array<i64: 128, 128>}, {pipeline_mode = #tpu.pipeline_mode<synchronous>, transform_indices = @transform_2, window_bounds = array<i64: 128, 128>}, {pipeline_mode = #tpu.pipeline_mode<synchronous>, transform_indices = @transform_3, window_bounds = array<i64: 1, 128>}, {transform_indices = @transform_4, window_bounds = array<i64: 2000, 128>}, {transform_indices = @transform_5, window_bounds = array<i64: 2000, 128>}]} {
    %get3A = arith.constant 0 : index
    %get3A_0 = arith.constant 0 : index
    %get3A_1 = vector.load %arg1[%get3A, %get3A_0] : memref<2000x128xf32, #tpu.memory_space<vmem>>, vector<2000x128xf32>
    %get3A_2 = arith.constant 0 : index
    %get3A_3 = arith.constant 0 : index
    %get3A_4 = vector.load %arg2[%get3A_2, %get3A_3] : memref<128x128xf32, #tpu.memory_space<vmem>>, vector<128x128xf32>
    %dot_general3A = arith.constant dense<0.000000e+00> : vector<2000x128xf32>
    %dot_general3A_5 = tpu.matmul %get3A_1, %get3A_4, %dot_general3A {dimension_numbers = #tpu.dot_dimension_numbers<[1], [0], [0], [1], [0, 0, 1, 1], [], []>, transpose_lhs_hint = false} : vector<2000x128xf32>, vector<128x128xf32>, vector<2000x128xf32> -> vector<2000x128xf32>
    %swap3A = arith.constant 0 : index
    %swap3A_6 = arith.constant 0 : index
    %swap3A_7 = vector.load %arg5[%swap3A, %swap3A_6] : memref<2000x128xf32, #tpu.memory_space<vmem>>, vector<2000x128xf32>
    tpu.vector_store %arg5[%swap3A, %swap3A_6], %dot_general3A_5 {strides = array<i32>} : memref<2000x128xf32, #tpu.memory_space<vmem>>, vector<2000x128xf32>,
    %get3A_8 = arith.constant 0 : index
    %get3A_9 = arith.constant 0 : index
    %get3A_10 = vector.load %arg3[%get3A_8, %get3A_9] : memref<128x128xf32, #tpu.memory_space<vmem>>, vector<128x128xf32>
    %dot_general3A_11 = arith.constant dense<0.000000e+00> : vector<2000x128xf32>
    %dot_general3A_12 = tpu.matmul %get3A_1, %get3A_10, %dot_general3A_11 {dimension_numbers = #tpu.dot_dimension_numbers<[1], [0], [0], [1], [0, 0, 1, 1], [], []>, transpose_lhs_hint = false} : vector<2000x128xf32>, vector<128x128xf32>, vector<2000x128xf32> -> vector<2000x128xf32>
    %get3A_13 = arith.constant 0 : index
    %get3A_14 = arith.constant 0 : index
    %get3A_15 = vector.load %arg4[%get3A_13, %get3A_14] : memref<1x128xf32, #tpu.memory_space<vmem>>, vector<1x128xf32>
    %add3A = vector.broadcast %get3A_15 : vector<1x128xf32> to vector<2000x128xf32>
    %add3A_16 = arith.addf %dot_general3A_12, %add3A : vector<2000x128xf32>
    %swap3A_17 = arith.constant 0 : index
    %swap3A_18 = arith.constant 0 : index
    %swap3A_19 = vector.load %arg6[%swap3A_17, %swap3A_18] : memref<2000x128xf32, #tpu.memory_space<vmem>>, vector<2000x128xf32>
    tpu.vector_store %arg6[%swap3A_17, %swap3A_18], %add3A_16 {strides = array<i32>} : memref<2000x128xf32, #tpu.memory_space<vmem>>, vector<2000x128xf32>,
    return
  }
  func.func @transform_0(%arg0: i32) -> (i32, i32) {
    %c0_i32 = arith.constant 0 : i32
    %c0_i32_0 = arith.constant 0 : i32
    return %arg0, %c0_i32 : i32, i32
  }
  func.func @transform_1(%arg0: i32) -> (i32, i32) {
    %c0_i32 = arith.constant 0 : i32
    %c0_i32_0 = arith.constant 0 : i32
    %c0_i32_1 = arith.constant 0 : i32
    return %c0_i32, %c0_i32_0 : i32, i32
  }
  func.func @transform_2(%arg0: i32) -> (i32, i32) {
    %c0_i32 = arith.constant 0 : i32
    %c0_i32_0 = arith.constant 0 : i32
    %c0_i32_1 = arith.constant 0 : i32
    return %c0_i32, %c0_i32_0 : i32, i32
  }
  func.func @transform_3(%arg0: i32) -> (i32, i32) {
    %c0_i32 = arith.constant 0 : i32
    %c0_i32_0 = arith.constant 0 : i32
    %c0_i32_1 = arith.constant 0 : i32
    return %c0_i32, %c0_i32_0 : i32, i32
  }
  func.func @transform_4(%arg0: i32) -> (i32, i32) {
    %c0_i32 = arith.constant 0 : i32
    %c0_i32_0 = arith.constant 0 : i32
    return %arg0, %c0_i32 : i32, i32
  }
  func.func @transform_5(%arg0: i32) -> (i32, i32) {
    %c0_i32 = arith.constant 0 : i32
    %c0_i32_0 = arith.constant 0 : i32
    return %arg0, %c0_i32 : i32, i32
  }
}

module attributes {stable_mosaic.version = 14 : i64} {
  func.func @_edge_body(%arg0: i32, %arg1: memref<1280x128xf32, #tpu.memory_space<vmem>>, %arg2: memref<1280x128xf32, #tpu.memory_space<vmem>>, %arg3: memref<128x128xf32, #tpu.memory_space<vmem>>, %arg4: memref<128x128xf32, #tpu.memory_space<vmem>>, %arg5: memref<1x128xf32, #tpu.memory_space<vmem>>, %arg6: memref<128x128xf32, #tpu.memory_space<vmem>>, %arg7: memref<1x128xf32, #tpu.memory_space<vmem>>, %arg8: memref<1280x128xf32, #tpu.memory_space<vmem>>, %arg9: memref<1280x128xf32, #tpu.memory_space<vmem>>) attributes {dimension_semantics = [#tpu.dimension_semantics<arbitrary>], iteration_bounds = array<i64: 30>, scalar_prefetch = 0 : i64, scratch_operands = 0 : i64, tpu.core_type = #tpu.core_type<tc>, window_params = [{transform_indices = @transform_0, window_bounds = array<i64: 1280, 128>}, {transform_indices = @transform_1, window_bounds = array<i64: 1280, 128>}, {pipeline_mode = #tpu.pipeline_mode<synchronous>, transform_indices = @transform_2, window_bounds = array<i64: 128, 128>}, {pipeline_mode = #tpu.pipeline_mode<synchronous>, transform_indices = @transform_3, window_bounds = array<i64: 128, 128>}, {pipeline_mode = #tpu.pipeline_mode<synchronous>, transform_indices = @transform_4, window_bounds = array<i64: 1, 128>}, {pipeline_mode = #tpu.pipeline_mode<synchronous>, transform_indices = @transform_5, window_bounds = array<i64: 128, 128>}, {pipeline_mode = #tpu.pipeline_mode<synchronous>, transform_indices = @transform_6, window_bounds = array<i64: 1, 128>}, {transform_indices = @transform_7, window_bounds = array<i64: 1280, 128>}, {transform_indices = @transform_8, window_bounds = array<i64: 1280, 128>}]} {
    %get3A = arith.constant 0 : index
    %get3A_0 = arith.constant 0 : index
    %get3A_1 = vector.load %arg1[%get3A, %get3A_0] : memref<1280x128xf32, #tpu.memory_space<vmem>>, vector<1280x128xf32>
    %get3A_2 = arith.constant 0 : index
    %get3A_3 = arith.constant 0 : index
    %get3A_4 = vector.load %arg3[%get3A_2, %get3A_3] : memref<128x128xf32, #tpu.memory_space<vmem>>, vector<128x128xf32>
    %dot_general3A = arith.constant dense<0.000000e+00> : vector<1280x128xf32>
    %dot_general3A_5 = tpu.matmul %get3A_1, %get3A_4, %dot_general3A {dimension_numbers = #tpu.dot_dimension_numbers<[1], [0], [0], [1], [0, 0, 1, 1], [], []>, transpose_lhs_hint = false} : vector<1280x128xf32>, vector<128x128xf32>, vector<1280x128xf32> -> vector<1280x128xf32>
    %get3A_6 = arith.constant 0 : index
    %get3A_7 = arith.constant 0 : index
    %get3A_8 = vector.load %arg2[%get3A_6, %get3A_7] : memref<1280x128xf32, #tpu.memory_space<vmem>>, vector<1280x128xf32>
    %add3A = arith.addf %dot_general3A_5, %get3A_8 : vector<1280x128xf32>
    %max3A = arith.constant 0.000000e+00 : f32
    %max3A_9 = vector.broadcast %max3A : f32 to vector<1280x128xf32>
    %max3A_10 = arith.maximumf %add3A, %max3A_9 : vector<1280x128xf32>
    %get3A_11 = arith.constant 0 : index
    %get3A_12 = arith.constant 0 : index
    %get3A_13 = vector.load %arg4[%get3A_11, %get3A_12] : memref<128x128xf32, #tpu.memory_space<vmem>>, vector<128x128xf32>
    %dot_general3A_14 = arith.constant dense<0.000000e+00> : vector<1280x128xf32>
    %dot_general3A_15 = tpu.matmul %max3A_10, %get3A_13, %dot_general3A_14 {dimension_numbers = #tpu.dot_dimension_numbers<[1], [0], [0], [1], [0, 0, 1, 1], [], []>, transpose_lhs_hint = false} : vector<1280x128xf32>, vector<128x128xf32>, vector<1280x128xf32> -> vector<1280x128xf32>
    %get3A_16 = arith.constant 0 : index
    %get3A_17 = arith.constant 0 : index
    %get3A_18 = vector.load %arg5[%get3A_16, %get3A_17] : memref<1x128xf32, #tpu.memory_space<vmem>>, vector<1x128xf32>
    %add3A_19 = vector.broadcast %get3A_18 : vector<1x128xf32> to vector<1280x128xf32>
    %add3A_20 = arith.addf %dot_general3A_15, %add3A_19 : vector<1280x128xf32>
    %max3A_21 = arith.constant 0.000000e+00 : f32
    %max3A_22 = vector.broadcast %max3A_21 : f32 to vector<1280x128xf32>
    %max3A_23 = arith.maximumf %add3A_20, %max3A_22 : vector<1280x128xf32>
    %get3A_24 = arith.constant 0 : index
    %get3A_25 = arith.constant 0 : index
    %get3A_26 = vector.load %arg6[%get3A_24, %get3A_25] : memref<128x128xf32, #tpu.memory_space<vmem>>, vector<128x128xf32>
    %dot_general3A_27 = arith.constant dense<0.000000e+00> : vector<1280x128xf32>
    %dot_general3A_28 = tpu.matmul %max3A_23, %get3A_26, %dot_general3A_27 {dimension_numbers = #tpu.dot_dimension_numbers<[1], [0], [0], [1], [0, 0, 1, 1], [], []>, transpose_lhs_hint = false} : vector<1280x128xf32>, vector<128x128xf32>, vector<1280x128xf32> -> vector<1280x128xf32>
    %get3A_29 = arith.constant 0 : index
    %get3A_30 = arith.constant 0 : index
    %get3A_31 = vector.load %arg7[%get3A_29, %get3A_30] : memref<1x128xf32, #tpu.memory_space<vmem>>, vector<1x128xf32>
    %add3A_32 = vector.broadcast %get3A_31 : vector<1x128xf32> to vector<1280x128xf32>
    %add3A_33 = arith.addf %dot_general3A_28, %add3A_32 : vector<1280x128xf32>
    %swap3A = arith.constant 0 : index
    %swap3A_34 = arith.constant 0 : index
    %swap3A_35 = vector.load %arg8[%swap3A, %swap3A_34] : memref<1280x128xf32, #tpu.memory_space<vmem>>, vector<1280x128xf32>
    tpu.vector_store %arg8[%swap3A, %swap3A_34], %add3A_33 {strides = array<i32>} : memref<1280x128xf32, #tpu.memory_space<vmem>>, vector<1280x128xf32>,
    %add3A_36 = arith.addf %get3A_1, %add3A_33 : vector<1280x128xf32>
    %swap3A_37 = arith.constant 0 : index
    %swap3A_38 = arith.constant 0 : index
    %swap3A_39 = vector.load %arg9[%swap3A_37, %swap3A_38] : memref<1280x128xf32, #tpu.memory_space<vmem>>, vector<1280x128xf32>
    tpu.vector_store %arg9[%swap3A_37, %swap3A_38], %add3A_36 {strides = array<i32>} : memref<1280x128xf32, #tpu.memory_space<vmem>>, vector<1280x128xf32>,
    return
  }
  func.func @transform_0(%arg0: i32) -> (i32, i32) {
    %add3A = arith.constant 0 : i32
    %add3A_0 = arith.addi %arg0, %add3A : i32
    %c0_i32 = arith.constant 0 : i32
    %c0_i32_1 = arith.constant 0 : i32
    return %add3A_0, %c0_i32 : i32, i32
  }
  func.func @transform_1(%arg0: i32) -> (i32, i32) {
    %c0_i32 = arith.constant 0 : i32
    %c0_i32_0 = arith.constant 0 : i32
    return %arg0, %c0_i32 : i32, i32
  }
  func.func @transform_2(%arg0: i32) -> (i32, i32) {
    %c0_i32 = arith.constant 0 : i32
    %c0_i32_0 = arith.constant 0 : i32
    %c0_i32_1 = arith.constant 0 : i32
    return %c0_i32, %c0_i32_0 : i32, i32
  }
  func.func @transform_3(%arg0: i32) -> (i32, i32) {
    %c0_i32 = arith.constant 0 : i32
    %c0_i32_0 = arith.constant 0 : i32
    %c0_i32_1 = arith.constant 0 : i32
    return %c0_i32, %c0_i32_0 : i32, i32
  }
  func.func @transform_4(%arg0: i32) -> (i32, i32) {
    %c0_i32 = arith.constant 0 : i32
    %c0_i32_0 = arith.constant 0 : i32
    %c0_i32_1 = arith.constant 0 : i32
    return %c0_i32, %c0_i32_0 : i32, i32
  }
  func.func @transform_5(%arg0: i32) -> (i32, i32) {
    %c0_i32 = arith.constant 0 : i32
    %c0_i32_0 = arith.constant 0 : i32
    %c0_i32_1 = arith.constant 0 : i32
    return %c0_i32, %c0_i32_0 : i32, i32
  }
  func.func @transform_6(%arg0: i32) -> (i32, i32) {
    %c0_i32 = arith.constant 0 : i32
    %c0_i32_0 = arith.constant 0 : i32
    %c0_i32_1 = arith.constant 0 : i32
    return %c0_i32, %c0_i32_0 : i32, i32
  }
  func.func @transform_7(%arg0: i32) -> (i32, i32) {
    %c0_i32 = arith.constant 0 : i32
    %c0_i32_0 = arith.constant 0 : i32
    return %arg0, %c0_i32 : i32, i32
  }
  func.func @transform_8(%arg0: i32) -> (i32, i32) {
    %c0_i32 = arith.constant 0 : i32
    %c0_i32_0 = arith.constant 0 : i32
    return %arg0, %c0_i32 : i32, i32
  }
}

module attributes {stable_mosaic.version = 14 : i64} {
  func.func @_edge_body(%arg0: i32, %arg1: memref<1280x128xf32, #tpu.memory_space<vmem>>, %arg2: memref<1280x128xf32, #tpu.memory_space<vmem>>, %arg3: memref<128x128xf32, #tpu.memory_space<vmem>>, %arg4: memref<128x128xf32, #tpu.memory_space<vmem>>, %arg5: memref<1x128xf32, #tpu.memory_space<vmem>>, %arg6: memref<128x128xf32, #tpu.memory_space<vmem>>, %arg7: memref<1x128xf32, #tpu.memory_space<vmem>>, %arg8: memref<1280x128xf32, #tpu.memory_space<vmem>>, %arg9: memref<1280x128xf32, #tpu.memory_space<vmem>>) attributes {dimension_semantics = [#tpu.dimension_semantics<arbitrary>], iteration_bounds = array<i64: 120>, scalar_prefetch = 0 : i64, scratch_operands = 0 : i64, tpu.core_type = #tpu.core_type<tc>, window_params = [{transform_indices = @transform_0, window_bounds = array<i64: 1280, 128>}, {transform_indices = @transform_1, window_bounds = array<i64: 1280, 128>}, {pipeline_mode = #tpu.pipeline_mode<synchronous>, transform_indices = @transform_2, window_bounds = array<i64: 128, 128>}, {pipeline_mode = #tpu.pipeline_mode<synchronous>, transform_indices = @transform_3, window_bounds = array<i64: 128, 128>}, {pipeline_mode = #tpu.pipeline_mode<synchronous>, transform_indices = @transform_4, window_bounds = array<i64: 1, 128>}, {pipeline_mode = #tpu.pipeline_mode<synchronous>, transform_indices = @transform_5, window_bounds = array<i64: 128, 128>}, {pipeline_mode = #tpu.pipeline_mode<synchronous>, transform_indices = @transform_6, window_bounds = array<i64: 1, 128>}, {transform_indices = @transform_7, window_bounds = array<i64: 1280, 128>}, {transform_indices = @transform_8, window_bounds = array<i64: 1280, 128>}]} {
    %get3A = arith.constant 0 : index
    %get3A_0 = arith.constant 0 : index
    %get3A_1 = vector.load %arg1[%get3A, %get3A_0] : memref<1280x128xf32, #tpu.memory_space<vmem>>, vector<1280x128xf32>
    %get3A_2 = arith.constant 0 : index
    %get3A_3 = arith.constant 0 : index
    %get3A_4 = vector.load %arg3[%get3A_2, %get3A_3] : memref<128x128xf32, #tpu.memory_space<vmem>>, vector<128x128xf32>
    %dot_general3A = arith.constant dense<0.000000e+00> : vector<1280x128xf32>
    %dot_general3A_5 = tpu.matmul %get3A_1, %get3A_4, %dot_general3A {dimension_numbers = #tpu.dot_dimension_numbers<[1], [0], [0], [1], [0, 0, 1, 1], [], []>, transpose_lhs_hint = false} : vector<1280x128xf32>, vector<128x128xf32>, vector<1280x128xf32> -> vector<1280x128xf32>
    %get3A_6 = arith.constant 0 : index
    %get3A_7 = arith.constant 0 : index
    %get3A_8 = vector.load %arg2[%get3A_6, %get3A_7] : memref<1280x128xf32, #tpu.memory_space<vmem>>, vector<1280x128xf32>
    %add3A = arith.addf %dot_general3A_5, %get3A_8 : vector<1280x128xf32>
    %max3A = arith.constant 0.000000e+00 : f32
    %max3A_9 = vector.broadcast %max3A : f32 to vector<1280x128xf32>
    %max3A_10 = arith.maximumf %add3A, %max3A_9 : vector<1280x128xf32>
    %get3A_11 = arith.constant 0 : index
    %get3A_12 = arith.constant 0 : index
    %get3A_13 = vector.load %arg4[%get3A_11, %get3A_12] : memref<128x128xf32, #tpu.memory_space<vmem>>, vector<128x128xf32>
    %dot_general3A_14 = arith.constant dense<0.000000e+00> : vector<1280x128xf32>
    %dot_general3A_15 = tpu.matmul %max3A_10, %get3A_13, %dot_general3A_14 {dimension_numbers = #tpu.dot_dimension_numbers<[1], [0], [0], [1], [0, 0, 1, 1], [], []>, transpose_lhs_hint = false} : vector<1280x128xf32>, vector<128x128xf32>, vector<1280x128xf32> -> vector<1280x128xf32>
    %get3A_16 = arith.constant 0 : index
    %get3A_17 = arith.constant 0 : index
    %get3A_18 = vector.load %arg5[%get3A_16, %get3A_17] : memref<1x128xf32, #tpu.memory_space<vmem>>, vector<1x128xf32>
    %add3A_19 = vector.broadcast %get3A_18 : vector<1x128xf32> to vector<1280x128xf32>
    %add3A_20 = arith.addf %dot_general3A_15, %add3A_19 : vector<1280x128xf32>
    %max3A_21 = arith.constant 0.000000e+00 : f32
    %max3A_22 = vector.broadcast %max3A_21 : f32 to vector<1280x128xf32>
    %max3A_23 = arith.maximumf %add3A_20, %max3A_22 : vector<1280x128xf32>
    %get3A_24 = arith.constant 0 : index
    %get3A_25 = arith.constant 0 : index
    %get3A_26 = vector.load %arg6[%get3A_24, %get3A_25] : memref<128x128xf32, #tpu.memory_space<vmem>>, vector<128x128xf32>
    %dot_general3A_27 = arith.constant dense<0.000000e+00> : vector<1280x128xf32>
    %dot_general3A_28 = tpu.matmul %max3A_23, %get3A_26, %dot_general3A_27 {dimension_numbers = #tpu.dot_dimension_numbers<[1], [0], [0], [1], [0, 0, 1, 1], [], []>, transpose_lhs_hint = false} : vector<1280x128xf32>, vector<128x128xf32>, vector<1280x128xf32> -> vector<1280x128xf32>
    %get3A_29 = arith.constant 0 : index
    %get3A_30 = arith.constant 0 : index
    %get3A_31 = vector.load %arg7[%get3A_29, %get3A_30] : memref<1x128xf32, #tpu.memory_space<vmem>>, vector<1x128xf32>
    %add3A_32 = vector.broadcast %get3A_31 : vector<1x128xf32> to vector<1280x128xf32>
    %add3A_33 = arith.addf %dot_general3A_28, %add3A_32 : vector<1280x128xf32>
    %swap3A = arith.constant 0 : index
    %swap3A_34 = arith.constant 0 : index
    %swap3A_35 = vector.load %arg8[%swap3A, %swap3A_34] : memref<1280x128xf32, #tpu.memory_space<vmem>>, vector<1280x128xf32>
    tpu.vector_store %arg8[%swap3A, %swap3A_34], %add3A_33 {strides = array<i32>} : memref<1280x128xf32, #tpu.memory_space<vmem>>, vector<1280x128xf32>,
    %add3A_36 = arith.addf %get3A_1, %add3A_33 : vector<1280x128xf32>
    %swap3A_37 = arith.constant 0 : index
    %swap3A_38 = arith.constant 0 : index
    %swap3A_39 = vector.load %arg9[%swap3A_37, %swap3A_38] : memref<1280x128xf32, #tpu.memory_space<vmem>>, vector<1280x128xf32>
    tpu.vector_store %arg9[%swap3A_37, %swap3A_38], %add3A_36 {strides = array<i32>} : memref<1280x128xf32, #tpu.memory_space<vmem>>, vector<1280x128xf32>,
    return
  }
  func.func @transform_0(%arg0: i32) -> (i32, i32) {
    %add3A = arith.constant 30 : i32
    %add3A_0 = arith.addi %arg0, %add3A : i32
    %c0_i32 = arith.constant 0 : i32
    %c0_i32_1 = arith.constant 0 : i32
    return %add3A_0, %c0_i32 : i32, i32
  }
  func.func @transform_1(%arg0: i32) -> (i32, i32) {
    %c0_i32 = arith.constant 0 : i32
    %c0_i32_0 = arith.constant 0 : i32
    return %arg0, %c0_i32 : i32, i32
  }
  func.func @transform_2(%arg0: i32) -> (i32, i32) {
    %c0_i32 = arith.constant 0 : i32
    %c0_i32_0 = arith.constant 0 : i32
    %c0_i32_1 = arith.constant 0 : i32
    return %c0_i32, %c0_i32_0 : i32, i32
  }
  func.func @transform_3(%arg0: i32) -> (i32, i32) {
    %c0_i32 = arith.constant 0 : i32
    %c0_i32_0 = arith.constant 0 : i32
    %c0_i32_1 = arith.constant 0 : i32
    return %c0_i32, %c0_i32_0 : i32, i32
  }
  func.func @transform_4(%arg0: i32) -> (i32, i32) {
    %c0_i32 = arith.constant 0 : i32
    %c0_i32_0 = arith.constant 0 : i32
    %c0_i32_1 = arith.constant 0 : i32
    return %c0_i32, %c0_i32_0 : i32, i32
  }
  func.func @transform_5(%arg0: i32) -> (i32, i32) {
    %c0_i32 = arith.constant 0 : i32
    %c0_i32_0 = arith.constant 0 : i32
    %c0_i32_1 = arith.constant 0 : i32
    return %c0_i32, %c0_i32_0 : i32, i32
  }
  func.func @transform_6(%arg0: i32) -> (i32, i32) {
    %c0_i32 = arith.constant 0 : i32
    %c0_i32_0 = arith.constant 0 : i32
    %c0_i32_1 = arith.constant 0 : i32
    return %c0_i32, %c0_i32_0 : i32, i32
  }
  func.func @transform_7(%arg0: i32) -> (i32, i32) {
    %c0_i32 = arith.constant 0 : i32
    %c0_i32_0 = arith.constant 0 : i32
    return %arg0, %c0_i32 : i32, i32
  }
  func.func @transform_8(%arg0: i32) -> (i32, i32) {
    %c0_i32 = arith.constant 0 : i32
    %c0_i32_0 = arith.constant 0 : i32
    return %arg0, %c0_i32 : i32, i32
  }
}

module attributes {stable_mosaic.version = 14 : i64} {
  func.func @_edge_body(%arg0: i32, %arg1: memref<1280x128xf32, #tpu.memory_space<vmem>>, %arg2: memref<1280x128xf32, #tpu.memory_space<vmem>>, %arg3: memref<128x128xf32, #tpu.memory_space<vmem>>, %arg4: memref<128x128xf32, #tpu.memory_space<vmem>>, %arg5: memref<1x128xf32, #tpu.memory_space<vmem>>, %arg6: memref<128x128xf32, #tpu.memory_space<vmem>>, %arg7: memref<1x128xf32, #tpu.memory_space<vmem>>, %arg8: memref<1280x128xf32, #tpu.memory_space<vmem>>, %arg9: memref<1280x128xf32, #tpu.memory_space<vmem>>) attributes {dimension_semantics = [#tpu.dimension_semantics<arbitrary>], iteration_bounds = array<i64: 100>, scalar_prefetch = 0 : i64, scratch_operands = 0 : i64, tpu.core_type = #tpu.core_type<tc>, window_params = [{transform_indices = @transform_0, window_bounds = array<i64: 1280, 128>}, {transform_indices = @transform_1, window_bounds = array<i64: 1280, 128>}, {pipeline_mode = #tpu.pipeline_mode<synchronous>, transform_indices = @transform_2, window_bounds = array<i64: 128, 128>}, {pipeline_mode = #tpu.pipeline_mode<synchronous>, transform_indices = @transform_3, window_bounds = array<i64: 128, 128>}, {pipeline_mode = #tpu.pipeline_mode<synchronous>, transform_indices = @transform_4, window_bounds = array<i64: 1, 128>}, {pipeline_mode = #tpu.pipeline_mode<synchronous>, transform_indices = @transform_5, window_bounds = array<i64: 128, 128>}, {pipeline_mode = #tpu.pipeline_mode<synchronous>, transform_indices = @transform_6, window_bounds = array<i64: 1, 128>}, {transform_indices = @transform_7, window_bounds = array<i64: 1280, 128>}, {transform_indices = @transform_8, window_bounds = array<i64: 1280, 128>}]} {
    %get3A = arith.constant 0 : index
    %get3A_0 = arith.constant 0 : index
    %get3A_1 = vector.load %arg1[%get3A, %get3A_0] : memref<1280x128xf32, #tpu.memory_space<vmem>>, vector<1280x128xf32>
    %get3A_2 = arith.constant 0 : index
    %get3A_3 = arith.constant 0 : index
    %get3A_4 = vector.load %arg3[%get3A_2, %get3A_3] : memref<128x128xf32, #tpu.memory_space<vmem>>, vector<128x128xf32>
    %dot_general3A = arith.constant dense<0.000000e+00> : vector<1280x128xf32>
    %dot_general3A_5 = tpu.matmul %get3A_1, %get3A_4, %dot_general3A {dimension_numbers = #tpu.dot_dimension_numbers<[1], [0], [0], [1], [0, 0, 1, 1], [], []>, transpose_lhs_hint = false} : vector<1280x128xf32>, vector<128x128xf32>, vector<1280x128xf32> -> vector<1280x128xf32>
    %get3A_6 = arith.constant 0 : index
    %get3A_7 = arith.constant 0 : index
    %get3A_8 = vector.load %arg2[%get3A_6, %get3A_7] : memref<1280x128xf32, #tpu.memory_space<vmem>>, vector<1280x128xf32>
    %add3A = arith.addf %dot_general3A_5, %get3A_8 : vector<1280x128xf32>
    %max3A = arith.constant 0.000000e+00 : f32
    %max3A_9 = vector.broadcast %max3A : f32 to vector<1280x128xf32>
    %max3A_10 = arith.maximumf %add3A, %max3A_9 : vector<1280x128xf32>
    %get3A_11 = arith.constant 0 : index
    %get3A_12 = arith.constant 0 : index
    %get3A_13 = vector.load %arg4[%get3A_11, %get3A_12] : memref<128x128xf32, #tpu.memory_space<vmem>>, vector<128x128xf32>
    %dot_general3A_14 = arith.constant dense<0.000000e+00> : vector<1280x128xf32>
    %dot_general3A_15 = tpu.matmul %max3A_10, %get3A_13, %dot_general3A_14 {dimension_numbers = #tpu.dot_dimension_numbers<[1], [0], [0], [1], [0, 0, 1, 1], [], []>, transpose_lhs_hint = false} : vector<1280x128xf32>, vector<128x128xf32>, vector<1280x128xf32> -> vector<1280x128xf32>
    %get3A_16 = arith.constant 0 : index
    %get3A_17 = arith.constant 0 : index
    %get3A_18 = vector.load %arg5[%get3A_16, %get3A_17] : memref<1x128xf32, #tpu.memory_space<vmem>>, vector<1x128xf32>
    %add3A_19 = vector.broadcast %get3A_18 : vector<1x128xf32> to vector<1280x128xf32>
    %add3A_20 = arith.addf %dot_general3A_15, %add3A_19 : vector<1280x128xf32>
    %max3A_21 = arith.constant 0.000000e+00 : f32
    %max3A_22 = vector.broadcast %max3A_21 : f32 to vector<1280x128xf32>
    %max3A_23 = arith.maximumf %add3A_20, %max3A_22 : vector<1280x128xf32>
    %get3A_24 = arith.constant 0 : index
    %get3A_25 = arith.constant 0 : index
    %get3A_26 = vector.load %arg6[%get3A_24, %get3A_25] : memref<128x128xf32, #tpu.memory_space<vmem>>, vector<128x128xf32>
    %dot_general3A_27 = arith.constant dense<0.000000e+00> : vector<1280x128xf32>
    %dot_general3A_28 = tpu.matmul %max3A_23, %get3A_26, %dot_general3A_27 {dimension_numbers = #tpu.dot_dimension_numbers<[1], [0], [0], [1], [0, 0, 1, 1], [], []>, transpose_lhs_hint = false} : vector<1280x128xf32>, vector<128x128xf32>, vector<1280x128xf32> -> vector<1280x128xf32>
    %get3A_29 = arith.constant 0 : index
    %get3A_30 = arith.constant 0 : index
    %get3A_31 = vector.load %arg7[%get3A_29, %get3A_30] : memref<1x128xf32, #tpu.memory_space<vmem>>, vector<1x128xf32>
    %add3A_32 = vector.broadcast %get3A_31 : vector<1x128xf32> to vector<1280x128xf32>
    %add3A_33 = arith.addf %dot_general3A_28, %add3A_32 : vector<1280x128xf32>
    %swap3A = arith.constant 0 : index
    %swap3A_34 = arith.constant 0 : index
    %swap3A_35 = vector.load %arg8[%swap3A, %swap3A_34] : memref<1280x128xf32, #tpu.memory_space<vmem>>, vector<1280x128xf32>
    tpu.vector_store %arg8[%swap3A, %swap3A_34], %add3A_33 {strides = array<i32>} : memref<1280x128xf32, #tpu.memory_space<vmem>>, vector<1280x128xf32>,
    %add3A_36 = arith.addf %get3A_1, %add3A_33 : vector<1280x128xf32>
    %swap3A_37 = arith.constant 0 : index
    %swap3A_38 = arith.constant 0 : index
    %swap3A_39 = vector.load %arg9[%swap3A_37, %swap3A_38] : memref<1280x128xf32, #tpu.memory_space<vmem>>, vector<1280x128xf32>
    tpu.vector_store %arg9[%swap3A_37, %swap3A_38], %add3A_36 {strides = array<i32>} : memref<1280x128xf32, #tpu.memory_space<vmem>>, vector<1280x128xf32>,
    return
  }
  func.func @transform_0(%arg0: i32) -> (i32, i32) {
    %add3A = arith.constant 150 : i32
    %add3A_0 = arith.addi %arg0, %add3A : i32
    %c0_i32 = arith.constant 0 : i32
    %c0_i32_1 = arith.constant 0 : i32
    return %add3A_0, %c0_i32 : i32, i32
  }
  func.func @transform_1(%arg0: i32) -> (i32, i32) {
    %c0_i32 = arith.constant 0 : i32
    %c0_i32_0 = arith.constant 0 : i32
    return %arg0, %c0_i32 : i32, i32
  }
  func.func @transform_2(%arg0: i32) -> (i32, i32) {
    %c0_i32 = arith.constant 0 : i32
    %c0_i32_0 = arith.constant 0 : i32
    %c0_i32_1 = arith.constant 0 : i32
    return %c0_i32, %c0_i32_0 : i32, i32
  }
  func.func @transform_3(%arg0: i32) -> (i32, i32) {
    %c0_i32 = arith.constant 0 : i32
    %c0_i32_0 = arith.constant 0 : i32
    %c0_i32_1 = arith.constant 0 : i32
    return %c0_i32, %c0_i32_0 : i32, i32
  }
  func.func @transform_4(%arg0: i32) -> (i32, i32) {
    %c0_i32 = arith.constant 0 : i32
    %c0_i32_0 = arith.constant 0 : i32
    %c0_i32_1 = arith.constant 0 : i32
    return %c0_i32, %c0_i32_0 : i32, i32
  }
  func.func @transform_5(%arg0: i32) -> (i32, i32) {
    %c0_i32 = arith.constant 0 : i32
    %c0_i32_0 = arith.constant 0 : i32
    %c0_i32_1 = arith.constant 0 : i32
    return %c0_i32, %c0_i32_0 : i32, i32
  }
  func.func @transform_6(%arg0: i32) -> (i32, i32) {
    %c0_i32 = arith.constant 0 : i32
    %c0_i32_0 = arith.constant 0 : i32
    %c0_i32_1 = arith.constant 0 : i32
    return %c0_i32, %c0_i32_0 : i32, i32
  }
  func.func @transform_7(%arg0: i32) -> (i32, i32) {
    %c0_i32 = arith.constant 0 : i32
    %c0_i32_0 = arith.constant 0 : i32
    return %arg0, %c0_i32 : i32, i32
  }
  func.func @transform_8(%arg0: i32) -> (i32, i32) {
    %c0_i32 = arith.constant 0 : i32
    %c0_i32_0 = arith.constant 0 : i32
    return %arg0, %c0_i32 : i32, i32
  }
}

module attributes {stable_mosaic.version = 14 : i64} {
  func.func @_global_body(%arg0: i32, %arg1: memref<2000x128xf32, #tpu.memory_space<vmem>>, %arg2: memref<2000x1xi32, #tpu.memory_space<vmem>>, %arg3: memref<128x128xf32, #tpu.memory_space<vmem>>, %arg4: memref<128x128xf32, #tpu.memory_space<vmem>>, %arg5: memref<128x128xf32, #tpu.memory_space<vmem>>, %arg6: memref<1x128xf32, #tpu.memory_space<vmem>>, %arg7: memref<128x128xf32, #tpu.memory_space<vmem>>, %arg8: memref<1x128xf32, #tpu.memory_space<vmem>>, %arg9: memref<128x128xf32, #tpu.memory_space<vmem>>, %arg10: memref<1x128xf32, #tpu.memory_space<vmem>>, %arg11: memref<2000x128xf32, #tpu.memory_space<vmem>>) attributes {dimension_semantics = [#tpu.dimension_semantics<arbitrary>], iteration_bounds = array<i64: 5>, scalar_prefetch = 0 : i64, scratch_operands = 0 : i64, tpu.core_type = #tpu.core_type<tc>, window_params = [{transform_indices = @transform_0, window_bounds = array<i64: 2000, 128>}, {transform_indices = @transform_1, window_bounds = array<i64: 2000, 1>}, {pipeline_mode = #tpu.pipeline_mode<synchronous>, transform_indices = @transform_2, window_bounds = array<i64: 128, 128>}, {pipeline_mode = #tpu.pipeline_mode<synchronous>, transform_indices = @transform_3, window_bounds = array<i64: 128, 128>}, {pipeline_mode = #tpu.pipeline_mode<synchronous>, transform_indices = @transform_4, window_bounds = array<i64: 128, 128>}, {pipeline_mode = #tpu.pipeline_mode<synchronous>, transform_indices = @transform_5, window_bounds = array<i64: 1, 128>}, {pipeline_mode = #tpu.pipeline_mode<synchronous>, transform_indices = @transform_6, window_bounds = array<i64: 128, 128>}, {pipeline_mode = #tpu.pipeline_mode<synchronous>, transform_indices = @transform_7, window_bounds = array<i64: 1, 128>}, {pipeline_mode = #tpu.pipeline_mode<synchronous>, transform_indices = @transform_8, window_bounds = array<i64: 128, 128>}, {pipeline_mode = #tpu.pipeline_mode<synchronous>, transform_indices = @transform_9, window_bounds = array<i64: 1, 128>}, {transform_indices = @transform_10, window_bounds = array<i64: 2000, 128>}]} {
    %get3A = arith.constant 0 : index
    %get3A_0 = arith.constant 0 : index
    %get3A_1 = vector.load %arg1[%get3A, %get3A_0] : memref<2000x128xf32, #tpu.memory_space<vmem>>, vector<2000x128xf32>
    %get3A_2 = arith.constant 0 : index
    %get3A_3 = arith.constant 0 : index
    %get3A_4 = vector.load %arg2[%get3A_2, %get3A_3] : memref<2000x1xi32, #tpu.memory_space<vmem>>, vector<2000x1xi32>
    %iota3A = tpu.iota {dimensions = array<i32: 1>} : vector<2000x128xi32>
    %eq3A = vector.broadcast %get3A_4 : vector<2000x1xi32> to vector<2000x128xi32>
    %eq3A_5 = arith.cmpi eq, %eq3A, %iota3A : vector<2000x128xi32>
    %convert_element_type3A = arith.extui %eq3A_5 : vector<2000x128xi1> to vector<2000x128xi32>
    %convert_element_type3A_6 = arith.sitofp %convert_element_type3A : vector<2000x128xi32> to vector<2000x128xf32>
    %get3A_7 = arith.constant 0 : index
    %get3A_8 = arith.constant 0 : index
    %get3A_9 = vector.load %arg3[%get3A_7, %get3A_8] : memref<128x128xf32, #tpu.memory_space<vmem>>, vector<128x128xf32>
    %dot_general3A = arith.constant dense<0.000000e+00> : vector<2000x128xf32>
    %dot_general3A_10 = tpu.matmul %convert_element_type3A_6, %get3A_9, %dot_general3A {dimension_numbers = #tpu.dot_dimension_numbers<[1], [0], [0], [1], [0, 0, 1, 1], [], []>, transpose_lhs_hint = false} : vector<2000x128xf32>, vector<128x128xf32>, vector<2000x128xf32> -> vector<2000x128xf32>
    %get3A_11 = arith.constant 0 : index
    %get3A_12 = arith.constant 0 : index
    %get3A_13 = vector.load %arg4[%get3A_11, %get3A_12] : memref<128x128xf32, #tpu.memory_space<vmem>>, vector<128x128xf32>
    %dot_general3A_14 = arith.constant dense<0.000000e+00> : vector<2000x128xf32>
    %dot_general3A_15 = tpu.matmul %get3A_1, %get3A_13, %dot_general3A_14 {dimension_numbers = #tpu.dot_dimension_numbers<[1], [0], [0], [1], [0, 0, 1, 1], [], []>, transpose_lhs_hint = false} : vector<2000x128xf32>, vector<128x128xf32>, vector<2000x128xf32> -> vector<2000x128xf32>
    %get3A_16 = arith.constant 0 : index
    %get3A_17 = arith.constant 0 : index
    %get3A_18 = vector.load %arg5[%get3A_16, %get3A_17] : memref<128x128xf32, #tpu.memory_space<vmem>>, vector<128x128xf32>
    %dot_general3A_19 = arith.constant dense<0.000000e+00> : vector<2000x128xf32>
    %dot_general3A_20 = tpu.matmul %dot_general3A_10, %get3A_18, %dot_general3A_19 {dimension_numbers = #tpu.dot_dimension_numbers<[1], [0], [0], [1], [0, 0, 1, 1], [], []>, transpose_lhs_hint = false} : vector<2000x128xf32>, vector<128x128xf32>, vector<2000x128xf32> -> vector<2000x128xf32>
    %add3A = arith.addf %dot_general3A_15, %dot_general3A_20 : vector<2000x128xf32>
    %get3A_21 = arith.constant 0 : index
    %get3A_22 = arith.constant 0 : index
    %get3A_23 = vector.load %arg6[%get3A_21, %get3A_22] : memref<1x128xf32, #tpu.memory_space<vmem>>, vector<1x128xf32>
    %add3A_24 = vector.broadcast %get3A_23 : vector<1x128xf32> to vector<2000x128xf32>
    %add3A_25 = arith.addf %add3A, %add3A_24 : vector<2000x128xf32>
    %max3A = arith.constant 0.000000e+00 : f32
    %max3A_26 = vector.broadcast %max3A : f32 to vector<2000x128xf32>
    %max3A_27 = arith.maximumf %add3A_25, %max3A_26 : vector<2000x128xf32>
    %get3A_28 = arith.constant 0 : index
    %get3A_29 = arith.constant 0 : index
    %get3A_30 = vector.load %arg7[%get3A_28, %get3A_29] : memref<128x128xf32, #tpu.memory_space<vmem>>, vector<128x128xf32>
    %dot_general3A_31 = arith.constant dense<0.000000e+00> : vector<2000x128xf32>
    %dot_general3A_32 = tpu.matmul %max3A_27, %get3A_30, %dot_general3A_31 {dimension_numbers = #tpu.dot_dimension_numbers<[1], [0], [0], [1], [0, 0, 1, 1], [], []>, transpose_lhs_hint = false} : vector<2000x128xf32>, vector<128x128xf32>, vector<2000x128xf32> -> vector<2000x128xf32>
    %get3A_33 = arith.constant 0 : index
    %get3A_34 = arith.constant 0 : index
    %get3A_35 = vector.load %arg8[%get3A_33, %get3A_34] : memref<1x128xf32, #tpu.memory_space<vmem>>, vector<1x128xf32>
    %add3A_36 = vector.broadcast %get3A_35 : vector<1x128xf32> to vector<2000x128xf32>
    %add3A_37 = arith.addf %dot_general3A_32, %add3A_36 : vector<2000x128xf32>
    %max3A_38 = arith.constant 0.000000e+00 : f32
    %max3A_39 = vector.broadcast %max3A_38 : f32 to vector<2000x128xf32>
    %max3A_40 = arith.maximumf %add3A_37, %max3A_39 : vector<2000x128xf32>
    %get3A_41 = arith.constant 0 : index
    %get3A_42 = arith.constant 0 : index
    %get3A_43 = vector.load %arg9[%get3A_41, %get3A_42] : memref<128x128xf32, #tpu.memory_space<vmem>>, vector<128x128xf32>
    %dot_general3A_44 = arith.constant dense<0.000000e+00> : vector<2000x128xf32>
    %dot_general3A_45 = tpu.matmul %max3A_40, %get3A_43, %dot_general3A_44 {dimension_numbers = #tpu.dot_dimension_numbers<[1], [0], [0], [1], [0, 0, 1, 1], [], []>, transpose_lhs_hint = false} : vector<2000x128xf32>, vector<128x128xf32>, vector<2000x128xf32> -> vector<2000x128xf32>
    %get3A_46 = arith.constant 0 : index
    %get3A_47 = arith.constant 0 : index
    %get3A_48 = vector.load %arg10[%get3A_46, %get3A_47] : memref<1x128xf32, #tpu.memory_space<vmem>>, vector<1x128xf32>
    %add3A_49 = vector.broadcast %get3A_48 : vector<1x128xf32> to vector<2000x128xf32>
    %add3A_50 = arith.addf %dot_general3A_45, %add3A_49 : vector<2000x128xf32>
    %swap3A = arith.constant 0 : index
    %swap3A_51 = arith.constant 0 : index
    %swap3A_52 = vector.load %arg11[%swap3A, %swap3A_51] : memref<2000x128xf32, #tpu.memory_space<vmem>>, vector<2000x128xf32>
    tpu.vector_store %arg11[%swap3A, %swap3A_51], %add3A_50 {strides = array<i32>} : memref<2000x128xf32, #tpu.memory_space<vmem>>, vector<2000x128xf32>,
    return
  }
  func.func @transform_0(%arg0: i32) -> (i32, i32) {
    %c0_i32 = arith.constant 0 : i32
    %c0_i32_0 = arith.constant 0 : i32
    return %arg0, %c0_i32 : i32, i32
  }
  func.func @transform_1(%arg0: i32) -> (i32, i32) {
    %c0_i32 = arith.constant 0 : i32
    %c0_i32_0 = arith.constant 0 : i32
    return %arg0, %c0_i32 : i32, i32
  }
  func.func @transform_2(%arg0: i32) -> (i32, i32) {
    %c0_i32 = arith.constant 0 : i32
    %c0_i32_0 = arith.constant 0 : i32
    %c0_i32_1 = arith.constant 0 : i32
    return %c0_i32, %c0_i32_0 : i32, i32
  }
  func.func @transform_3(%arg0: i32) -> (i32, i32) {
    %c0_i32 = arith.constant 0 : i32
    %c0_i32_0 = arith.constant 0 : i32
    %c0_i32_1 = arith.constant 0 : i32
    return %c0_i32, %c0_i32_0 : i32, i32
  }
  func.func @transform_4(%arg0: i32) -> (i32, i32) {
    %c0_i32 = arith.constant 0 : i32
    %c0_i32_0 = arith.constant 0 : i32
    %c0_i32_1 = arith.constant 0 : i32
    return %c0_i32, %c0_i32_0 : i32, i32
  }
  func.func @transform_5(%arg0: i32) -> (i32, i32) {
    %c0_i32 = arith.constant 0 : i32
    %c0_i32_0 = arith.constant 0 : i32
    %c0_i32_1 = arith.constant 0 : i32
    return %c0_i32, %c0_i32_0 : i32, i32
  }
  func.func @transform_6(%arg0: i32) -> (i32, i32) {
    %c0_i32 = arith.constant 0 : i32
    %c0_i32_0 = arith.constant 0 : i32
    %c0_i32_1 = arith.constant 0 : i32
    return %c0_i32, %c0_i32_0 : i32, i32
  }
  func.func @transform_7(%arg0: i32) -> (i32, i32) {
    %c0_i32 = arith.constant 0 : i32
    %c0_i32_0 = arith.constant 0 : i32
    %c0_i32_1 = arith.constant 0 : i32
    return %c0_i32, %c0_i32_0 : i32, i32
  }
  func.func @transform_8(%arg0: i32) -> (i32, i32) {
    %c0_i32 = arith.constant 0 : i32
    %c0_i32_0 = arith.constant 0 : i32
    %c0_i32_1 = arith.constant 0 : i32
    return %c0_i32, %c0_i32_0 : i32, i32
  }
  func.func @transform_9(%arg0: i32) -> (i32, i32) {
    %c0_i32 = arith.constant 0 : i32
    %c0_i32_0 = arith.constant 0 : i32
    %c0_i32_1 = arith.constant 0 : i32
    return %c0_i32, %c0_i32_0 : i32, i32
  }
  func.func @transform_10(%arg0: i32) -> (i32, i32) {
    %c0_i32 = arith.constant 0 : i32
    %c0_i32_0 = arith.constant 0 : i32
    return %arg0, %c0_i32 : i32, i32
  }
}

module attributes {stable_mosaic.version = 14 : i64} {
  func.func @_node_body(%arg0: i32, %arg1: memref<2000x128xf32, #tpu.memory_space<vmem>>, %arg2: memref<2x2000x128xf32, #tpu.memory_space<vmem>>, %arg3: memref<2000x128xf32, #tpu.memory_space<vmem>>, %arg4: memref<128x128xf32, #tpu.memory_space<vmem>>, %arg5: memref<128x128xf32, #tpu.memory_space<vmem>>, %arg6: memref<128x128xf32, #tpu.memory_space<vmem>>, %arg7: memref<1x128xf32, #tpu.memory_space<vmem>>, %arg8: memref<128x128xf32, #tpu.memory_space<vmem>>, %arg9: memref<1x128xf32, #tpu.memory_space<vmem>>, %arg10: memref<128x128xf32, #tpu.memory_space<vmem>>, %arg11: memref<1x128xf32, #tpu.memory_space<vmem>>, %arg12: memref<2000x128xf32, #tpu.memory_space<vmem>>) attributes {dimension_semantics = [#tpu.dimension_semantics<arbitrary>], iteration_bounds = array<i64: 5>, scalar_prefetch = 0 : i64, scratch_operands = 0 : i64, tpu.core_type = #tpu.core_type<tc>, window_params = [{transform_indices = @transform_0, window_bounds = array<i64: 2000, 128>}, {transform_indices = @transform_1, window_bounds = array<i64: 2, 2000, 128>}, {transform_indices = @transform_2, window_bounds = array<i64: 2000, 128>}, {pipeline_mode = #tpu.pipeline_mode<synchronous>, transform_indices = @transform_3, window_bounds = array<i64: 128, 128>}, {pipeline_mode = #tpu.pipeline_mode<synchronous>, transform_indices = @transform_4, window_bounds = array<i64: 128, 128>}, {pipeline_mode = #tpu.pipeline_mode<synchronous>, transform_indices = @transform_5, window_bounds = array<i64: 128, 128>}, {pipeline_mode = #tpu.pipeline_mode<synchronous>, transform_indices = @transform_6, window_bounds = array<i64: 1, 128>}, {pipeline_mode = #tpu.pipeline_mode<synchronous>, transform_indices = @transform_7, window_bounds = array<i64: 128, 128>}, {pipeline_mode = #tpu.pipeline_mode<synchronous>, transform_indices = @transform_8, window_bounds = array<i64: 1, 128>}, {pipeline_mode = #tpu.pipeline_mode<synchronous>, transform_indices = @transform_9, window_bounds = array<i64: 128, 128>}, {pipeline_mode = #tpu.pipeline_mode<synchronous>, transform_indices = @transform_10, window_bounds = array<i64: 1, 128>}, {transform_indices = @transform_11, window_bounds = array<i64: 2000, 128>}]} {
    %get3A = arith.constant 0 : index
    %get3A_0 = arith.constant 0 : index
    %get3A_1 = vector.load %arg1[%get3A, %get3A_0] : memref<2000x128xf32, #tpu.memory_space<vmem>>, vector<2000x128xf32>
    %get3A_2 = arith.constant 0 : index
    %get3A_3 = arith.constant 0 : index
    %get3A_4 = arith.constant 0 : index
    %get3A_5 = vector.load %arg2[%get3A_2, %get3A_3, %get3A_4] : memref<2x2000x128xf32, #tpu.memory_space<vmem>>, vector<1x2000x128xf32>
    %get3A_6 = vector.shape_cast %get3A_5 : vector<1x2000x128xf32> to vector<2000x128xf32>
    %get3A_7 = arith.constant 1 : index
    %get3A_8 = arith.constant 0 : index
    %get3A_9 = arith.constant 0 : index
    %get3A_10 = vector.load %arg2[%get3A_7, %get3A_8, %get3A_9] : memref<2x2000x128xf32, #tpu.memory_space<vmem>>, vector<1x2000x128xf32>
    %get3A_11 = vector.shape_cast %get3A_10 : vector<1x2000x128xf32> to vector<2000x128xf32>
    %sub3A = arith.subf %get3A_6, %get3A_11 : vector<2000x128xf32>
    %get3A_12 = arith.constant 0 : index
    %get3A_13 = arith.constant 0 : index
    %get3A_14 = vector.load %arg3[%get3A_12, %get3A_13] : memref<2000x128xf32, #tpu.memory_space<vmem>>, vector<2000x128xf32>
    %get3A_15 = arith.constant 0 : index
    %get3A_16 = arith.constant 0 : index
    %get3A_17 = vector.load %arg4[%get3A_15, %get3A_16] : memref<128x128xf32, #tpu.memory_space<vmem>>, vector<128x128xf32>
    %dot_general3A = arith.constant dense<0.000000e+00> : vector<2000x128xf32>
    %dot_general3A_18 = tpu.matmul %get3A_1, %get3A_17, %dot_general3A {dimension_numbers = #tpu.dot_dimension_numbers<[1], [0], [0], [1], [0, 0, 1, 1], [], []>, transpose_lhs_hint = false} : vector<2000x128xf32>, vector<128x128xf32>, vector<2000x128xf32> -> vector<2000x128xf32>
    %get3A_19 = arith.constant 0 : index
    %get3A_20 = arith.constant 0 : index
    %get3A_21 = vector.load %arg5[%get3A_19, %get3A_20] : memref<128x128xf32, #tpu.memory_space<vmem>>, vector<128x128xf32>
    %dot_general3A_22 = arith.constant dense<0.000000e+00> : vector<2000x128xf32>
    %dot_general3A_23 = tpu.matmul %sub3A, %get3A_21, %dot_general3A_22 {dimension_numbers = #tpu.dot_dimension_numbers<[1], [0], [0], [1], [0, 0, 1, 1], [], []>, transpose_lhs_hint = false} : vector<2000x128xf32>, vector<128x128xf32>, vector<2000x128xf32> -> vector<2000x128xf32>
    %add3A = arith.addf %dot_general3A_18, %dot_general3A_23 : vector<2000x128xf32>
    %get3A_24 = arith.constant 0 : index
    %get3A_25 = arith.constant 0 : index
    %get3A_26 = vector.load %arg6[%get3A_24, %get3A_25] : memref<128x128xf32, #tpu.memory_space<vmem>>, vector<128x128xf32>
    %dot_general3A_27 = arith.constant dense<0.000000e+00> : vector<2000x128xf32>
    %dot_general3A_28 = tpu.matmul %get3A_14, %get3A_26, %dot_general3A_27 {dimension_numbers = #tpu.dot_dimension_numbers<[1], [0], [0], [1], [0, 0, 1, 1], [], []>, transpose_lhs_hint = false} : vector<2000x128xf32>, vector<128x128xf32>, vector<2000x128xf32> -> vector<2000x128xf32>
    %add3A_29 = arith.addf %add3A, %dot_general3A_28 : vector<2000x128xf32>
    %get3A_30 = arith.constant 0 : index
    %get3A_31 = arith.constant 0 : index
    %get3A_32 = vector.load %arg7[%get3A_30, %get3A_31] : memref<1x128xf32, #tpu.memory_space<vmem>>, vector<1x128xf32>
    %add3A_33 = vector.broadcast %get3A_32 : vector<1x128xf32> to vector<2000x128xf32>
    %add3A_34 = arith.addf %add3A_29, %add3A_33 : vector<2000x128xf32>
    %max3A = arith.constant 0.000000e+00 : f32
    %max3A_35 = vector.broadcast %max3A : f32 to vector<2000x128xf32>
    %max3A_36 = arith.maximumf %add3A_34, %max3A_35 : vector<2000x128xf32>
    %get3A_37 = arith.constant 0 : index
    %get3A_38 = arith.constant 0 : index
    %get3A_39 = vector.load %arg8[%get3A_37, %get3A_38] : memref<128x128xf32, #tpu.memory_space<vmem>>, vector<128x128xf32>
    %dot_general3A_40 = arith.constant dense<0.000000e+00> : vector<2000x128xf32>
    %dot_general3A_41 = tpu.matmul %max3A_36, %get3A_39, %dot_general3A_40 {dimension_numbers = #tpu.dot_dimension_numbers<[1], [0], [0], [1], [0, 0, 1, 1], [], []>, transpose_lhs_hint = false} : vector<2000x128xf32>, vector<128x128xf32>, vector<2000x128xf32> -> vector<2000x128xf32>
    %get3A_42 = arith.constant 0 : index
    %get3A_43 = arith.constant 0 : index
    %get3A_44 = vector.load %arg9[%get3A_42, %get3A_43] : memref<1x128xf32, #tpu.memory_space<vmem>>, vector<1x128xf32>
    %add3A_45 = vector.broadcast %get3A_44 : vector<1x128xf32> to vector<2000x128xf32>
    %add3A_46 = arith.addf %dot_general3A_41, %add3A_45 : vector<2000x128xf32>
    %max3A_47 = arith.constant 0.000000e+00 : f32
    %max3A_48 = vector.broadcast %max3A_47 : f32 to vector<2000x128xf32>
    %max3A_49 = arith.maximumf %add3A_46, %max3A_48 : vector<2000x128xf32>
    %get3A_50 = arith.constant 0 : index
    %get3A_51 = arith.constant 0 : index
    %get3A_52 = vector.load %arg10[%get3A_50, %get3A_51] : memref<128x128xf32, #tpu.memory_space<vmem>>, vector<128x128xf32>
    %dot_general3A_53 = arith.constant dense<0.000000e+00> : vector<2000x128xf32>
    %dot_general3A_54 = tpu.matmul %max3A_49, %get3A_52, %dot_general3A_53 {dimension_numbers = #tpu.dot_dimension_numbers<[1], [0], [0], [1], [0, 0, 1, 1], [], []>, transpose_lhs_hint = false} : vector<2000x128xf32>, vector<128x128xf32>, vector<2000x128xf32> -> vector<2000x128xf32>
    %get3A_55 = arith.constant 0 : index
    %get3A_56 = arith.constant 0 : index
    %get3A_57 = vector.load %arg11[%get3A_55, %get3A_56] : memref<1x128xf32, #tpu.memory_space<vmem>>, vector<1x128xf32>
    %add3A_58 = vector.broadcast %get3A_57 : vector<1x128xf32> to vector<2000x128xf32>
    %add3A_59 = arith.addf %dot_general3A_54, %add3A_58 : vector<2000x128xf32>
    %add3A_60 = arith.addf %add3A_59, %get3A_1 : vector<2000x128xf32>
    %swap3A = arith.constant 0 : index
    %swap3A_61 = arith.constant 0 : index
    %swap3A_62 = vector.load %arg12[%swap3A, %swap3A_61] : memref<2000x128xf32, #tpu.memory_space<vmem>>, vector<2000x128xf32>
    tpu.vector_store %arg12[%swap3A, %swap3A_61], %add3A_60 {strides = array<i32>} : memref<2000x128xf32, #tpu.memory_space<vmem>>, vector<2000x128xf32>,
    return
  }
  func.func @transform_0(%arg0: i32) -> (i32, i32) {
    %c0_i32 = arith.constant 0 : i32
    %c0_i32_0 = arith.constant 0 : i32
    return %arg0, %c0_i32 : i32, i32
  }
  func.func @transform_1(%arg0: i32) -> (i32, i32, i32) {
    %c0_i32 = arith.constant 0 : i32
    %c0_i32_0 = arith.constant 0 : i32
    %c0_i32_1 = arith.constant 0 : i32
    return %c0_i32, %arg0, %c0_i32_0 : i32, i32, i32
  }
  func.func @transform_2(%arg0: i32) -> (i32, i32) {
    %c0_i32 = arith.constant 0 : i32
    %c0_i32_0 = arith.constant 0 : i32
    return %arg0, %c0_i32 : i32, i32
  }
  func.func @transform_3(%arg0: i32) -> (i32, i32) {
    %c0_i32 = arith.constant 0 : i32
    %c0_i32_0 = arith.constant 0 : i32
    %c0_i32_1 = arith.constant 0 : i32
    return %c0_i32, %c0_i32_0 : i32, i32
  }
  func.func @transform_4(%arg0: i32) -> (i32, i32) {
    %c0_i32 = arith.constant 0 : i32
    %c0_i32_0 = arith.constant 0 : i32
    %c0_i32_1 = arith.constant 0 : i32
    return %c0_i32, %c0_i32_0 : i32, i32
  }
  func.func @transform_5(%arg0: i32) -> (i32, i32) {
    %c0_i32 = arith.constant 0 : i32
    %c0_i32_0 = arith.constant 0 : i32
    %c0_i32_1 = arith.constant 0 : i32
    return %c0_i32, %c0_i32_0 : i32, i32
  }
  func.func @transform_6(%arg0: i32) -> (i32, i32) {
    %c0_i32 = arith.constant 0 : i32
    %c0_i32_0 = arith.constant 0 : i32
    %c0_i32_1 = arith.constant 0 : i32
    return %c0_i32, %c0_i32_0 : i32, i32
  }
  func.func @transform_7(%arg0: i32) -> (i32, i32) {
    %c0_i32 = arith.constant 0 : i32
    %c0_i32_0 = arith.constant 0 : i32
    %c0_i32_1 = arith.constant 0 : i32
    return %c0_i32, %c0_i32_0 : i32, i32
  }
  func.func @transform_8(%arg0: i32) -> (i32, i32) {
    %c0_i32 = arith.constant 0 : i32
    %c0_i32_0 = arith.constant 0 : i32
    %c0_i32_1 = arith.constant 0 : i32
    return %c0_i32, %c0_i32_0 : i32, i32
  }
  func.func @transform_9(%arg0: i32) -> (i32, i32) {
    %c0_i32 = arith.constant 0 : i32
    %c0_i32_0 = arith.constant 0 : i32
    %c0_i32_1 = arith.constant 0 : i32
    return %c0_i32, %c0_i32_0 : i32, i32
  }
  func.func @transform_10(%arg0: i32) -> (i32, i32) {
    %c0_i32 = arith.constant 0 : i32
    %c0_i32_0 = arith.constant 0 : i32
    %c0_i32_1 = arith.constant 0 : i32
    return %c0_i32, %c0_i32_0 : i32, i32
  }
  func.func @transform_11(%arg0: i32) -> (i32, i32) {
    %c0_i32 = arith.constant 0 : i32
    %c0_i32_0 = arith.constant 0 : i32
    return %arg0, %c0_i32 : i32, i32
  }
}

</mosaic_0001>

<sc_bundles>
// kernel: kernel.14.cloned.1.call-start
scs
__scs_entry_jumppad:
0x0: {  	(pc) =	sbr.rel $0x88, $3  }
0x1: {  	(tag) =	ssettag $0x0;
	lr =	simm.s32 $0x1  }
0x2: {  	[smem:$0x3F89] =	sst lr;
	_ =	strace $0xD0000000  }
0x3: {  	_ = 	snop  }
0x4: {  	_ = 	snop  }
0x5: {  	_ = 	snop  }
0x6: {  	_ = 	snop  }
0x7: {  	_ = 	snop  }
__scs_overlays_trampoline_lowered:
0x8: {  	[smem:$0x3F98] =	sst s0  }
0x9: {  	[smem:$0x3F99] =	sst s1  }
0xa: {  	[smem:$0x3F9A] =	sst s2  }
0xb: {  	[smem:$0x3F9B] =	sst s3  }
0xc: {  	[smem:$0x3F9C] =	sst s4  }
0xd: {  	[smem:$0x3F9D] =	sst s5  }
0xe: {  	[smem:$0x3F9E] =	sst s6  }
0xf: {  	[smem:$0x3F9F] =	sst s7  }
0x10: {  	[smem:$0x3FA0] =	sst s8  }
0x11: {  	[smem:$0x3FA1] =	sst s9;
	s0 =	simm.s32 @!p0 $0x0  }
0x12: {  	s1 =	sld [smem:$0x3F87];
	s0 =	simm.s32 @p0 $0x1  }
0x13: {  	[smem:$0x3FA2] =	sst s0;
	s0 =	simm.s32 @!p1 $0x0  }
0x14: {  	s2 =	sld [smem:$0x3F86];
	s0 =	simm.s32 @p1 $0x1  }
0x15: {  	[smem:$0x3FA3] =	sst s0;
	s0 =	simm.s32 @!p2 $0x0  }
0x16: {  	s3 =	sld [smem:$0x3FDB];
	s0 =	simm.s32 @p2 $0x1  }
0x17: {  	s4 =	simm.s32 $0x1BF5;
	[smem:$0x3FA5] =	sst s0  }
0x18: {  	s0 =	sld [smem:$0x3F88];
	_ =	swait.ge [sflag:s4], $0x0  }
0x19: {  	s7 =	sld [smem:$0x3F89]  }
0x1a: {  	s8 =	sadd.s32 $0xFFFFE003, lr  }
0x1b: {  	s9 =	sadd.s32 $0xFFFFFEF7, lr;
	s5 =	simm.s32 $0xFFFFFFFF;
	p2 =	slt.u32 s8, $0xFFFFF086  }
0x1c: {  	p1 =	slt.u32 s9, $0xF7A;
	s5 =	simm.s32 @!p2 $0x0  }
0x1d: {  	s5 =	simm.s32 @p1 $0x1;
	p0 =	seq.s32 s7, s2  }
0x1e: {  	s7 =	smul.u32 @!p0 $0xF7A, s2;
	p2 =	seq.s32 @!p0 s5, $0x0  }
0x1f: {  	s9 =	smul.u32 $0xF7A, s1;
	s8 =	simm.s32 @!p0 $0x1BF5;
	p2 =	por !p2, p0  }
0x20: {  	[sflag:s8] =	ssyncset.s32 @!p0 $0xFFFFF086;
	s6 =	sadd.s32 @!p0 s3, s7;
	s7 =	simm.s32 @!p0 $0x108  }
0x21: {  	s3 =	sadd.s32 s3, s9;
	s6 =	sadd.s32 @!p0 $0x88, s6;
	s7 =	simm.s32 @p2 $0x1082  }
0x22: {  	[simem:s7], [sflag:s8] =	dma.local @!p0 [hbm:s6], $0xF7A  }
0x23: {  	s9 =	sor.u32 $0xD0000000, s2;
	s6 =	simm.s32 $0x108;
	_ =	swait.ge @!p0 [sflag:s8], $0x0  }
0x24: {  	s3 =	sadd.s32 $0x88, s3;
	s6 =	simm.s32 @!p1 $0x1082;
	[sflag:s4] =	ssyncset.s32 $0xFFFFF086  }
0x25: {  	[simem:s6], [sflag:s4] =	dma.local [hbm:s3], $0xF7A  }
0x26: {  	[smem:$0x3F89] =	sst s1;
	(tag) =	ssettag s2;
	_ =	strace s9  }
0x27: {  	s1 =	sld [smem:$0x3F99]  }
0x28: {  	s2 =	sld [smem:$0x3F9A]  }
0x29: {  	s4 =	sld [smem:$0x3F9C]  }
0x2a: {  	p0 =	seq.s32 s5, $0x0;
	s5 =	sld [smem:$0x3F9D]  }
0x2b: {  	s6 =	sld [smem:$0x3F9E]  }
0x2c: {  	s7 =	sld [smem:$0x3F9F]  }
0x2d: {  	s3 =	simm.s32 $0x108;
	s8 =	sld [smem:$0x3FA0]  }
0x2e: {  	s3 =	simm.s32 @!p0 $0x1082;
	s9 =	sld [smem:$0x3FA1]  }
0x2f: {  	lr =	sadd.s32 s0, s3;
	s0 =	sld [smem:$0x3F98]  }
0x30: {  	s3 =	sld [smem:$0x3F9B]  }
0x31: {  	[smem:$0x3FA4] =	sst s10  }
0x32: {  	s10 =	sld [smem:$0x3FA2];
	_ =	sdelay $0x3  }
0x33: {  	p0 =	seq.s32 s10, $0x1;
	s10 =	sld [smem:$0x3FA4];
	_ =	sdelay $0x3  }
0x34: {  	[smem:$0x3FA4] =	sst s10  }
0x35: {  	s10 =	sld [smem:$0x3FA3];
	_ =	sdelay $0x3  }
0x36: {  	p1 =	seq.s32 s10, $0x1;
	s10 =	sld [smem:$0x3FA4];
	_ =	sdelay $0x3  }
0x37: {  	[smem:$0x3FA4] =	sst s10  }
0x38: {  	s10 =	sld [smem:$0x3FA5]  }
0x39: {  	_ = 	snop;
	(pc) =	sbr.ind lr, $3  }
0x3a: {  	_ = 	snop  }
0x3b: {  	_ = 	snop  }
0x3c: {  	p2 =	seq.s32 s10, $0x1;
	s10 =	sld [smem:$0x3FA4]  }
0x3d: {  	_ =	shalt  }
0x3e: {  	_ =	shalt  }
0x3f: {  	_ =	shalt  }
0x40: {  	_ =	shalt  }
0x41: {  	_ =	shalt  }
0x42: {  	_ =	shalt  }
0x43: {  	_ =	shalt  }
0x44: {  	_ =	shalt  }
0x45: {  	_ =	shalt  }
0x46: {  	_ =	shalt  }
0x47: {  	_ =	shalt  }
0x48: {  	_ =	shalt  }
0x49: {  	_ =	shalt  }
0x4a: {  	_ =	shalt  }
0x4b: {  	_ =	shalt  }
0x4c: {  	_ =	shalt  }
0x4d: {  	_ =	shalt  }
0x4e: {  	_ =	shalt  }
0x4f: {  	_ =	shalt  }
0x50: {  	_ =	shalt  }
0x51: {  	_ =	shalt  }
0x52: {  	_ =	shalt  }
0x53: {  	_ =	shalt  }
0x54: {  	_ =	shalt  }
0x55: {  	_ =	shalt  }
0x56: {  	_ =	shalt  }
0x57: {  	_ =	shalt  }
0x58: {  	_ =	shalt  }
0x59: {  	_ =	shalt  }
0x5a: {  	_ =	shalt  }
0x5b: {  	_ =	shalt  }
0x5c: {  	_ =	shalt  }
0x5d: {  	_ =	shalt  }
0x5e: {  	_ =	shalt  }
0x5f: {  	_ =	shalt  }
0x60: {  	_ =	shalt  }
0x61: {  	_ =	shalt  }
0x62: {  	_ =	shalt  }
0x63: {  	_ =	shalt  }
0x64: {  	_ =	shalt  }
0x65: {  	_ =	shalt  }
0x66: {  	_ =	shalt  }
0x67: {  	_ =	shalt  }
0x68: {  	_ =	shalt  }
0x69: {  	_ =	shalt  }
0x6a: {  	_ =	shalt  }
0x6b: {  	_ =	shalt  }
0x6c: {  	_ =	shalt  }
0x6d: {  	_ =	shalt  }
0x6e: {  	_ =	shalt  }
0x6f: {  	_ =	shalt  }
0x70: {  	_ =	shalt  }
0x71: {  	_ =	shalt  }
0x72: {  	_ =	shalt  }
0x73: {  	_ =	shalt  }
0x74: {  	_ =	shalt  }
0x75: {  	_ =	shalt  }
0x76: {  	_ =	shalt  }
0x77: {  	_ =	shalt  }
0x78: {  	_ =	shalt  }
0x79: {  	_ =	shalt  }
0x7a: {  	_ =	shalt  }
0x7b: {  	_ =	shalt  }
0x7c: {  	_ =	shalt  }
0x7d: {  	_ =	shalt  }
0x7e: {  	_ =	shalt  }
0x7f: {  	_ =	shalt  }
0x80: {  	_ =	shalt  }
0x81: {  	_ =	shalt  }
0x82: {  	_ =	shalt  }
0x83: {  	_ =	shalt  }
0x84: {  	_ =	shalt  }
0x85: {  	_ =	shalt  }
0x86: {  	_ =	shalt  }
0x87: {  	_ =	shalt  }
.Lfunc_end0:
.L_simem_size_0:
called_computation_lowered:
.L_overlay_start_0:
0x88: {  	s2 =	sld [smem:$0x3FD9]  }
0x89: {  	s3 =	sld [smem:$0x3FFE];
	_ =	sdelay $0x1  }
0x8a: {  	s1 =	srdreg.scid  }
0x8b: {  	s0 =	sand.u32 $0x1, s1  }
0x8c: {  	s14 =	sshll.u32 s0, $0xA;
	s2 =	sadd.s32 s3, s2  }
0x8d: {  	s2 =	sadd.s32 s2, s14  }
0x8e: {  	[smem:$0x3FB0] =	sst s2  }
0x8f: {  	_ = 	snop  }
0x90: {  	s2 =	sld [smem:$0x3FD0];
	_ =	sdelay $0x1  }
0x91: {  	s15 =	sld [smem:$0x3FC8]  }
0x92: {  	s5 =	simm.s32 $0xC;
	s6 =	simm.s32 $0x10;
	s4 =	sld [smem:$0x3FC7]  }
0x93: {  	[smem:s6], [sflag:s5] =	dma.local [hbm:s2], $0x1  }
0x94: {  	_ =	swait.eq [sflag:s5], $0x1  }
0x95: {  	[sflag:s5] =	ssyncset.done $0x0  }
0x96: {  	s16 =	sld [smem:$0x10];
	[sflag:s5] =	ssyncadd.s32 $0xFFFFFFFF  }
0x97: {  	s17 =	sld [smem:$0x11];
	(tm) =	ssettm $0x1  }
0x98: {  	s18 =	sld [smem:$0x3FFB];
	_ =	sdelay $0x3  }
0x99: {  	_ =	strace s18  }
0x9a: {  	s6 =	sld [smem:$0x3FFC];
	_ =	sdelay $0x3  }
0x9b: {  	_ =	strace s6  }
0x9c: {  	s6 =	sld [smem:$0x3FFD];
	_ =	sdelay $0x3  }
0x9d: {  	_ =	strace s6  }
0x9e: {  	_ =	strace $0x8FFFFFFF  }
0x9f: {  	s19 =	sld [smem:$0x3FDB];
	_ =	sdelay $0x1  }
0xa0: {  	s7 =	simm.s32 $_scs_section_size  }
0xa1: {  	s8 =	simm.s32 $_size__tile_overlayer_lowered;
	s9 =	simm.s32 $_tile_overlayer_lowered  }
0xa2: {  	s22 =	simm.s32 $0x1BFF;
	s21 =	sshll.u32 s9, $0x1;
	s6 =	sadd.s32 s7, s19  }
0xa3: {  	s10 =	simm.s32 $0x0;
	s20 =	sshll.u32 s8, $0x1;
	s8 =	sadd.s32 s21, s6  }
0xa4: {  	[timem:s10], [sflag:s22] =	dma.local [hbm:s8], s20  }
0xa5: {  	_ =	swait.ge [sflag:s22], s20  }
0xa6: {  	s7 =	ssub.s32 $0x0, s20;
	[sflag:s22] =	ssyncset.done $0x0  }
0xa7: {  	[sflag:s22] =	ssyncadd.s32 s7;
	_ =	sdelay $0x1  }
0xa8: {  	s23 =	simm.s32 $0x1B8B  }
0xa9: {  	_ =	swait.ge [sflag:s23], $0x1  }
0xaa: {  	[sflag:s23] =	ssyncset.done $0x0  }
0xab: {  	s25 =	simm.s32 $0x1B8E;
	s24 =	sld [smem:$0x3FFE];
	[sflag:s23] =	ssyncadd.s32 $0xFFFFFFFF  }
0xac: {  	s26 =	simm.s32 $execute0_lowered;
	[smem:$0x3FD2] =	sst s25  }
0xad: {  	s8 =	sshll.u32 s26, $0x1;
	_ =	strace $0x80000046;
	[dreg:$0x1] =	wrdreg $0xFFFFFFFF  }
0xae: {  	s28 =	simm.s32 $_size_execute0_lowered;
	s6 =	sadd.s32 s6, s8;
	[dreg:$0x0] =	wrdreg $0x0  }
0xaf: {  	s8 =	sshll.u32 s28, $0x1;
	[dreg:$0x2] =	wrdreg s6  }
0xb0: {  	[dreg:$0x3] =	wrdreg s8  }
0xb1: {  	[dreg:$0x4] =	wrdreg $0xC0  }
0xb2: {  	_ =	task [dreg:s10], $0x5FFFF  }
0xb3: {  	[dreg:$0x1] =	wrdreg $0xFFFFFFFF  }
0xb4: {  	[dreg:$0x0] =	wrdreg $0x60  }
0xb5: {  	[dreg:$0x2] =	wrdreg s16  }
0xb6: {  	[dreg:$0x3] =	wrdreg s24  }
0xb7: {  	[dreg:$0x4] =	wrdreg s15  }
0xb8: {  	[dreg:$0x5] =	wrdreg s4  }
0xb9: {  	[dreg:$0x6] =	wrdreg s17  }
0xba: {  	[dreg:$0x7] =	wrdreg $0xA  }
0xbb: {  	_ =	task.clear_ibuf [dreg:s10], $0x8FFFF;
	_ =	strace $0x90000046  }
0xbc: {  	s29 =	simm.s32 $0xA;
	_ =	strace $0x80000048  }
0xbd: {  	_ =	swait.ge [sflag:s29], $0x1  }
0xbe: {  	[sflag:s29] =	ssyncadd.s32 $0xFFFFFFFF  }
0xbf: {  	_ =	strace $0x90000048  }
0xc0: {  	_ =	sfence  }
0xc1: {  	s30 =	sld [smem:$0x0];
	_ =	sdelay $0x2  }
0xc2: {  	s31 =	sshll.u32 s1, $0xD;
	s1 =	sshrl.u32 s1, $0x2  }
0xc3: {  	s3 =	sand.u32 $0x4000, s31;
	s1 =	sadd.s32 s1, s30  }
0xc4: {  	s0 =	sor.u32 s3, s0;
	s1 =	sshll.u32 s1, $0x11  }
0xc5: {  	s0 =	sor.u32 s1, s0  }
0xc6: {  	s0 =	sadd.s32 $0x8F2B, s0  }
0xc7: {  	[sflag:s0] =	ssyncadd.remote.s32 $0x1  }
0xc8: {  	_ =	sfence.sel $0xFFFF  }
0xc9: {  	[dreg:$0x0] =	wrdreg $0xFFFFFFFF;
	(pc) =	sbr.abs _section_cstart, $3  }
0xca: {  	[dreg:$0x1] =	wrdreg $0xFFFFFFFF  }
0xcb: {  	_ =	task.clear_ibuf [dreg:s10], $0x2FFFF;
	_ =	strace $0x9FFFFFFF  }
0xcc: {  	(tm) =	ssettm $0x7FFFFFFF  }
0xcd: {  	_ =	shalt  }
tec
execute0_lowered:
.L_overlay_start_1:
0x0: {  	(tag) =	ssettag $0x1  }
0x1: {  	s0 =	rddreg [dreg:$0x0]  }
0x2: {  	s1 =	rddreg [dreg:$0x1]  }
0x3: {  	s2 =	rddreg [dreg:$0x2]  }
0x4: {  	s4 =	rddreg [dreg:$0x3];
	s3 =	srdreg.scid  }
0x5: {  	s6 =	stileid.u32;
	s5 =	rddreg [dreg:$0x4];
	s17 =	simm.s32 $0x5  }
0x6: {  	s18 =	simm.s32 $0x200;
	s19 =	simm.s32 $0xC8;
	s20 =	simm.s32 $0x400  }
0x7: {  	s21 =	simm.s32 $0xCC00;
	s22 =	simm.s32 $0x100;
	s28 =	simm.s32 $0x2  }
0x8: {  	s29 =	simm.s32 $0x3;
	s30 =	simm.s32 $0x4;
	s31 =	simm.s32 $0x0  }
0x9: {  	s3 =	sand.u32 $0x1, s3;
	s7 =	sshll.u32 s6, $0x1;
	s6 =	simm.s32 $0x0  }
0xa: {  	s8 =	sadd.s32 $0x6400, s1;
	s7 =	sor.u32 s3, s7;
	s3 =	ssub.s32 $0x2, s3  }
0xb: {  	[smem:$0x7FF] =	sst s6;
	s7 =	smul.u32 $0x4B0, s7;
	s23 =	sshrl.u32 s3, $0x1  }
0xc: {  	_ =	strace $0x80000047;
	s1 =	ssub.s32 s3, s23;
	s23 =	simm.s32 $0x300  }
0xd: {  	s9 =	sadd.s32 $0xC8, s7;
	s24 =	sshrl.u32 s7, $0x3;
	s14 =	sadd.s32 $0x190, s7  }
.Ltmp0:
0xe: {  	s15 =	sadd.s32 $0x258, s7;
	s11 =	sadd.s32 s2, s24;
	(pc) =	sbr.rel .LBB2_1-.Ltmp0, $4  }
0xf: {  	s10 =	sshrl.u32 s9, $0x3;
	s3 =	sadd.s32 s4, s24;
	[dreg:$0x6] =	wrdreg s11  }
0x10: {  	s16 =	smax.u32 s1, $0x1;
	[dreg:$0x7] =	wrdreg s3;
	s25 =	sadd.s32 s2, s10  }
0x11: {  	s24 =	simm.s32 $0x6800;
	s26 =	sadd.s32 s4, s10;
	[dreg:$0x8] =	wrdreg s25  }
0x12: {  	[dreg:$0x9] =	wrdreg s26;
	s25 =	simm.s32 $0x13000;
	s26 =	simm.s32 $0x1  }
.LBB2_8:
0x13: {  	s31 =	sadd.s32 $0x1, s31  }
0x14: {  	_ =	swait.ge [sflag:s29], $0x6400;
	p0 =	sne.s32 s31, s16  }
.Ltmp1:
0x15: {  	[sflag:s29] =	ssyncset.done $0x0;
	(pc) =	sbr.rel @!p0 .LBB2_9-.Ltmp1, $4  }
0x16: {  	[sflag:s29] =	ssyncadd.s32 $0xFFFF9C00  }
0x17: {  	_ =	swait.ge [sflag:s30], $0x6400  }
0x18: {  	[sflag:s30] =	ssyncset.done $0x0  }
0x19: {  	[sflag:s30] =	ssyncadd.s32 $0xFFFF9C00  }
.LBB2_1:
0x1a: {  	s1 =	rddreg [dreg:$0x6]  }
0x1b: {  	[tilespmem:s6], [sflag:$0x5] =	stream.linear.gather [hbm4b:s1+s6], $0xC8, $0x38;
	[tilespmem:$0x19400] =	vst v63  }
0x1c: {  	_ =	swait.ge [sflag:s17], $0xC8  }
0x1d: {  	[sflag:s17] =	ssyncset.done $0x0  }
0x1e: {  	s11 =	rddreg [dreg:$0x7];
	[sflag:s17] =	ssyncadd.s32 $0xFFFFFF38  }
0x1f: {  	[tilespmem:s18], [sflag:$0x5] =	stream.linear.gather [hbm4b:s11+s6], $0xC8, $0x38;
	[tilespmem:$0x19400] =	vst v63  }
0x20: {  	_ =	swait.ge [sflag:s17], $0xC8  }
0x21: {  	[sflag:s17] =	ssyncset.done $0x0  }
0x22: {  	[sflag:s17] =	ssyncadd.s32 $0xFFFFFF38  }
0x23: {  	[tilespmem:s20], [sflag:$0x1] =	stream.indirect.gather [hbm4b:s0+s19], $0x80, s6, s19, $0xb8;
	[tilespmem:$0x19400] =	vst v63  }
0x24: {  	_ = 	snop  }
0x25: {  	[tilespmem:s21], [sflag:$0x1] =	stream.indirect.gather [hbm4b:s8+s19], $0x80, s18, s19, $0xb8;
	[tilespmem:$0x19400] =	vst v63  }
0x26: {  	s12 =	rddreg [dreg:$0x8]  }
0x27: {  	[tilespmem:s22], [sflag:$0x5] =	stream.linear.gather [hbm4b:s12+s6], $0xC8, $0x38;
	[tilespmem:$0x19400] =	vst v63  }
0x28: {  	_ =	swait.ge [sflag:s17], $0xC8  }
0x29: {  	[sflag:s17] =	ssyncset.done $0x0  }
0x2a: {  	s13 =	rddreg [dreg:$0x9];
	[sflag:s17] =	ssyncadd.s32 $0xFFFFFF38  }
0x2b: {  	[tilespmem:s23], [sflag:$0x5] =	stream.linear.gather [hbm4b:s13+s6], $0xC8, $0x38;
	[tilespmem:$0x19400] =	vst v63  }
0x2c: {  	_ =	swait.ge [sflag:s17], $0xC8  }
0x2d: {  	[sflag:s17] =	ssyncset.done $0x0  }
0x2e: {  	[sflag:s17] =	ssyncadd.s32 $0xFFFFFF38  }
0x2f: {  	[tilespmem:s24], [sflag:$0x2] =	stream.indirect.gather [hbm4b:s0+s19], $0x80, s22, s19, $0xb8;
	[tilespmem:$0x19400] =	vst v63  }
0x30: {  	s3 =	simm.s32 $0x0  }
0x31: {  	[tilespmem:s25], [sflag:$0x2] =	stream.indirect.gather [hbm4b:s8+s19], $0x80, s23, s19, $0xb8;
	[tilespmem:$0x19400] =	vst v63  }
.LBB2_2:
0x32: {  	_ =	swait.ge [sflag:s26], $0x6400  }
0x33: {  	[sflag:s26] =	ssyncset.done $0x0  }
0x34: {  	[sflag:s26] =	ssyncadd.s32 $0xFFFF9C00  }
0x35: {  	_ =	swait.ge [sflag:s26], $0x6400  }
0x36: {  	[sflag:s26] =	ssyncset.done $0x0  }
0x37: {  	s10 =	simm.s32 $0x500;
	[sflag:s26] =	ssyncadd.s32 $0xFFFF9C00  }
0x38: {  	s1 =	simm.s32 $0xCD00;
	v0 =	vld [tilespmem:s10+$0x80]  }
0x39: {  	v1 =	vld [tilespmem:s1+$0x80]  }
0x3a: {  	v2 =	vld [tilespmem:s10+$0xFFFFFF80]  }
0x3b: {  	v3 =	vld [tilespmem:s1+$0xFFFFFF80]  }
0x3c: {  	v4 =	vld [tilespmem:s10+$0x0]  }
0x3d: {  	v5 =	vld [tilespmem:s1+$0x0]  }
0x3e: {  	v6 =	vld [tilespmem:s10+$0xFFFFFF00];
	v0 =	vadd.f32 v1, v0  }
0x3f: {  	v1 =	vld [tilespmem:s1+$0xFFFFFF00]  }
0x40: {  	[tilespmem:s10+$0x80] =	vst v0;
	v0 =	vld [tilespmem:s10+$0x90]  }
0x41: {  	v2 =	vadd.f32 v3, v2;
	v3 =	vld [tilespmem:s1+$0x90]  }
0x42: {  	v7 =	vld [tilespmem:s10+$0xFFFFFF10]  }
0x43: {  	[tilespmem:s10+$0xFFFFFF80] =	vst v2;
	v2 =	vadd.f32 v5, v4;
	v4 =	vld [tilespmem:s10+$0xFFFFFF90]  }
0x44: {  	v5 =	vld [tilespmem:s1+$0xFFFFFF90];
	v1 =	vadd.f32 v1, v6  }
0x45: {  	[tilespmem:s10+$0x0] =	vst v2;
	v2 =	vld [tilespmem:s10+$0x10]  }
0x46: {  	v6 =	vld [tilespmem:s1+$0x10];
	[tilespmem:s10+$0xFFFFFF00] =	vst v1;
	v0 =	vadd.f32 v3, v0  }
0x47: {  	v1 =	vld [tilespmem:s1+$0xFFFFFF10]  }
0x48: {  	[tilespmem:s10+$0x90] =	vst v0;
	v0 =	vld [tilespmem:s10+$0xA0]  }
0x49: {  	v3 =	vadd.f32 v5, v4;
	v4 =	vld [tilespmem:s1+$0xA0]  }
0x4a: {  	v5 =	vld [tilespmem:s10+$0xFFFFFF20]  }
0x4b: {  	[tilespmem:s10+$0xFFFFFF90] =	vst v3;
	v2 =	vadd.f32 v6, v2;
	v3 =	vld [tilespmem:s10+$0xFFFFFFA0]  }
0x4c: {  	v6 =	vld [tilespmem:s1+$0xFFFFFFA0];
	v1 =	vadd.f32 v1, v7  }
0x4d: {  	[tilespmem:s10+$0x10] =	vst v2;
	v2 =	vld [tilespmem:s10+$0x20]  }
0x4e: {  	v7 =	vld [tilespmem:s1+$0x20];
	[tilespmem:s10+$0xFFFFFF10] =	vst v1;
	v0 =	vadd.f32 v4, v0  }
0x4f: {  	v1 =	vld [tilespmem:s1+$0xFFFFFF20]  }
0x50: {  	[tilespmem:s10+$0xA0] =	vst v0;
	v0 =	vld [tilespmem:s10+$0xB0]  }
0x51: {  	v3 =	vadd.f32 v6, v3;
	v4 =	vld [tilespmem:s1+$0xB0]  }
0x52: {  	v6 =	vld [tilespmem:s10+$0xFFFFFF30]  }
0x53: {  	[tilespmem:s10+$0xFFFFFFA0] =	vst v3;
	v2 =	vadd.f32 v7, v2;
	v3 =	vld [tilespmem:s10+$0xFFFFFFB0]  }
0x54: {  	v7 =	vld [tilespmem:s1+$0xFFFFFFB0];
	v1 =	vadd.f32 v1, v5  }
0x55: {  	[tilespmem:s10+$0x20] =	vst v2;
	v2 =	vld [tilespmem:s10+$0x30]  }
0x56: {  	v5 =	vld [tilespmem:s1+$0x30];
	[tilespmem:s10+$0xFFFFFF20] =	vst v1;
	v0 =	vadd.f32 v4, v0  }
0x57: {  	v1 =	vld [tilespmem:s1+$0xFFFFFF30]  }
0x58: {  	[tilespmem:s10+$0xB0] =	vst v0;
	v0 =	vld [tilespmem:s10+$0xC0]  }
0x59: {  	v3 =	vadd.f32 v7, v3;
	v4 =	vld [tilespmem:s1+$0xC0]  }
0x5a: {  	v7 =	vld [tilespmem:s10+$0xFFFFFF40]  }
0x5b: {  	[tilespmem:s10+$0xFFFFFFB0] =	vst v3;
	v2 =	vadd.f32 v5, v2;
	v3 =	vld [tilespmem:s10+$0xFFFFFFC0]  }
0x5c: {  	v5 =	vld [tilespmem:s1+$0xFFFFFFC0];
	v1 =	vadd.f32 v1, v6  }
0x5d: {  	[tilespmem:s10+$0x30] =	vst v2;
	v2 =	vld [tilespmem:s10+$0x40]  }
0x5e: {  	v6 =	vld [tilespmem:s1+$0x40];
	[tilespmem:s10+$0xFFFFFF30] =	vst v1;
	v0 =	vadd.f32 v4, v0  }
0x5f: {  	v1 =	vld [tilespmem:s1+$0xFFFFFF40]  }
0x60: {  	[tilespmem:s10+$0xC0] =	vst v0;
	v0 =	vld [tilespmem:s10+$0xD0]  }
0x61: {  	v3 =	vadd.f32 v5, v3;
	v4 =	vld [tilespmem:s1+$0xD0]  }
0x62: {  	v5 =	vld [tilespmem:s10+$0xFFFFFF50]  }
0x63: {  	[tilespmem:s10+$0xFFFFFFC0] =	vst v3;
	v2 =	vadd.f32 v6, v2;
	v3 =	vld [tilespmem:s10+$0xFFFFFFD0]  }
0x64: {  	v6 =	vld [tilespmem:s1+$0xFFFFFFD0];
	v1 =	vadd.f32 v1, v7  }
0x65: {  	[tilespmem:s10+$0x40] =	vst v2;
	v2 =	vld [tilespmem:s10+$0x50]  }
0x66: {  	v7 =	vld [tilespmem:s1+$0x50];
	[tilespmem:s10+$0xFFFFFF40] =	vst v1;
	v0 =	vadd.f32 v4, v0  }
0x67: {  	v1 =	vld [tilespmem:s1+$0xFFFFFF50]  }
0x68: {  	[tilespmem:s10+$0xD0] =	vst v0;
	v0 =	vld [tilespmem:s10+$0xE0]  }
0x69: {  	v3 =	vadd.f32 v6, v3;
	v4 =	vld [tilespmem:s1+$0xE0]  }
0x6a: {  	v6 =	vld [tilespmem:s10+$0xFFFFFF60]  }
0x6b: {  	[tilespmem:s10+$0xFFFFFFD0] =	vst v3;
	v2 =	vadd.f32 v7, v2;
	v3 =	vld [tilespmem:s10+$0xFFFFFFE0]  }
0x6c: {  	v7 =	vld [tilespmem:s1+$0xFFFFFFE0];
	v1 =	vadd.f32 v1, v5  }
0x6d: {  	[tilespmem:s10+$0x50] =	vst v2;
	v2 =	vld [tilespmem:s10+$0x60]  }
0x6e: {  	v5 =	vld [tilespmem:s1+$0x60];
	[tilespmem:s10+$0xFFFFFF50] =	vst v1;
	v0 =	vadd.f32 v4, v0  }
0x6f: {  	v4 =	vld [tilespmem:s1+$0xFFFFFF60]  }
0x70: {  	v8 =	vld [tilespmem:s10+$0xF0];
	[tilespmem:s10+$0xE0] =	vst v0  }
0x71: {  	v1 =	vadd.f32 v7, v3;
	v7 =	vld [tilespmem:s1+$0xF0]  }
0x72: {  	v0 =	vld [tilespmem:s10+$0xFFFFFF70]  }
0x73: {  	[tilespmem:s10+$0xFFFFFFE0] =	vst v1;
	v2 =	vadd.f32 v5, v2;
	v1 =	vld [tilespmem:s10+$0xFFFFFFF0]  }
0x74: {  	v3 =	vld [tilespmem:s1+$0xFFFFFFF0];
	v4 =	vadd.f32 v4, v6  }
0x75: {  	[tilespmem:s10+$0x60] =	vst v2;
	v2 =	vld [tilespmem:s10+$0x70]  }
0x76: {  	[tilespmem:s10+$0xFFFFFF60] =	vst v4;
	v4 =	vld [tilespmem:s1+$0x70];
	v6 =	vadd.f32 v7, v8  }
0x77: {  	s11 =	simm.s32 $0x0;
	s12 =	simm.s32 $0x700;
	v5 =	vld [tilespmem:s1+$0xFFFFFF70]  }
.LBB2_3:
0x78: {  	v7 =	vld [tilespmem:s12+$0x80];
	[tilespmem:s10+$0xF0] =	vst v6;
	s1 =	sadd.s32 $0x200, s1  }
0x79: {  	s11 =	sadd.s32 $0x4, s11;
	v6 =	vld [tilespmem:s1+$0x80];
	v1 =	vadd.f32 v3, v1  }
0x7a: {  	p0 =	slt.u32 s11, $0xC4;
	v3 =	vld [tilespmem:s1+$0xFFFFFF00]  }
0x7b: {  	v8 =	vld [tilespmem:s12+$0xFFFFFF80];
	[tilespmem:s10+$0xFFFFFFF0] =	vst v1;
	v1 =	vadd.f32 v4, v2  }
0x7c: {  	v2 =	vld [tilespmem:s1+$0xFFFFFF80];
	v0 =	vadd.f32 v5, v0  }
0x7d: {  	v4 =	vld [tilespmem:s12+$0x0];
	[tilespmem:s10+$0x70] =	vst v1  }
0x7e: {  	v1 =	vld [tilespmem:s1+$0x0];
	v5 =	vadd.f32 v6, v7;
	[tilespmem:s10+$0xFFFFFF70] =	vst v0;
	s10 =	smov.u32 s12  }
0x7f: {  	v0 =	vld [tilespmem:s12+$0xFFFFFF00]  }
0x80: {  	[tilespmem:s12+$0x80] =	vst v5;
	v5 =	vld [tilespmem:s12+$0x90]  }
0x81: {  	v2 =	vadd.f32 v2, v8;
	v6 =	vld [tilespmem:s1+$0x90]  }
0x82: {  	v7 =	vld [tilespmem:s12+$0xFFFFFF10]  }
0x83: {  	[tilespmem:s12+$0xFFFFFF80] =	vst v2;
	v2 =	vld [tilespmem:s12+$0xFFFFFF90];
	v1 =	vadd.f32 v1, v4  }
0x84: {  	v0 =	vadd.f32 v3, v0;
	v3 =	vld [tilespmem:s1+$0xFFFFFF90]  }
0x85: {  	[tilespmem:s12+$0x0] =	vst v1;
	v1 =	vld [tilespmem:s12+$0x10]  }
0x86: {  	[tilespmem:s12+$0xFFFFFF00] =	vst v0;
	v0 =	vld [tilespmem:s1+$0x10];
	v4 =	vadd.f32 v6, v5  }
0x87: {  	v5 =	vld [tilespmem:s1+$0xFFFFFF10]  }
0x88: {  	[tilespmem:s12+$0x90] =	vst v4;
	v4 =	vld [tilespmem:s12+$0xA0]  }
0x89: {  	v2 =	vadd.f32 v3, v2;
	v3 =	vld [tilespmem:s1+$0xA0]  }
0x8a: {  	v6 =	vld [tilespmem:s12+$0xFFFFFF20]  }
0x8b: {  	[tilespmem:s12+$0xFFFFFF90] =	vst v2;
	v2 =	vld [tilespmem:s12+$0xFFFFFFA0];
	v0 =	vadd.f32 v0, v1  }
0x8c: {  	v1 =	vadd.f32 v5, v7;
	v5 =	vld [tilespmem:s1+$0xFFFFFFA0]  }
0x8d: {  	[tilespmem:s12+$0x10] =	vst v0;
	v0 =	vld [tilespmem:s12+$0x20]  }
0x8e: {  	[tilespmem:s12+$0xFFFFFF10] =	vst v1;
	v1 =	vld [tilespmem:s1+$0x20];
	v3 =	vadd.f32 v3, v4  }
0x8f: {  	v4 =	vld [tilespmem:s1+$0xFFFFFF20]  }
0x90: {  	[tilespmem:s12+$0xA0] =	vst v3;
	v3 =	vld [tilespmem:s12+$0xB0]  }
0x91: {  	v2 =	vadd.f32 v5, v2;
	v5 =	vld [tilespmem:s1+$0xB0]  }
0x92: {  	v7 =	vld [tilespmem:s12+$0xFFFFFF30]  }
0x93: {  	[tilespmem:s12+$0xFFFFFFA0] =	vst v2;
	v2 =	vld [tilespmem:s12+$0xFFFFFFB0];
	v0 =	vadd.f32 v1, v0  }
0x94: {  	v1 =	vadd.f32 v4, v6;
	v4 =	vld [tilespmem:s1+$0xFFFFFFB0]  }
0x95: {  	[tilespmem:s12+$0x20] =	vst v0;
	v0 =	vld [tilespmem:s12+$0x30]  }
0x96: {  	[tilespmem:s12+$0xFFFFFF20] =	vst v1;
	v1 =	vld [tilespmem:s1+$0x30];
	v3 =	vadd.f32 v5, v3  }
0x97: {  	v5 =	vld [tilespmem:s1+$0xFFFFFF30]  }
0x98: {  	[tilespmem:s12+$0xB0] =	vst v3;
	v3 =	vld [tilespmem:s12+$0xC0]  }
0x99: {  	v2 =	vadd.f32 v4, v2;
	v4 =	vld [tilespmem:s1+$0xC0]  }
0x9a: {  	v6 =	vld [tilespmem:s12+$0xFFFFFF40]  }
0x9b: {  	[tilespmem:s12+$0xFFFFFFB0] =	vst v2;
	v2 =	vld [tilespmem:s12+$0xFFFFFFC0];
	v0 =	vadd.f32 v1, v0  }
0x9c: {  	v1 =	vadd.f32 v5, v7;
	v5 =	vld [tilespmem:s1+$0xFFFFFFC0]  }
0x9d: {  	[tilespmem:s12+$0x30] =	vst v0;
	v0 =	vld [tilespmem:s12+$0x40]  }
0x9e: {  	[tilespmem:s12+$0xFFFFFF30] =	vst v1;
	v1 =	vld [tilespmem:s1+$0x40];
	v3 =	vadd.f32 v4, v3  }
0x9f: {  	v4 =	vld [tilespmem:s1+$0xFFFFFF40]  }
0xa0: {  	[tilespmem:s12+$0xC0] =	vst v3;
	v3 =	vld [tilespmem:s12+$0xD0]  }
0xa1: {  	v2 =	vadd.f32 v5, v2;
	v5 =	vld [tilespmem:s1+$0xD0]  }
0xa2: {  	v7 =	vld [tilespmem:s12+$0xFFFFFF50]  }
0xa3: {  	[tilespmem:s12+$0xFFFFFFC0] =	vst v2;
	v2 =	vld [tilespmem:s12+$0xFFFFFFD0];
	v0 =	vadd.f32 v1, v0  }
0xa4: {  	v1 =	vadd.f32 v4, v6;
	v4 =	vld [tilespmem:s1+$0xFFFFFFD0]  }
0xa5: {  	[tilespmem:s12+$0x40] =	vst v0;
	v0 =	vld [tilespmem:s12+$0x50]  }
0xa6: {  	[tilespmem:s12+$0xFFFFFF40] =	vst v1;
	v1 =	vld [tilespmem:s1+$0x50];
	v3 =	vadd.f32 v5, v3  }
0xa7: {  	v5 =	vld [tilespmem:s1+$0xFFFFFF50]  }
0xa8: {  	[tilespmem:s12+$0xD0] =	vst v3;
	v3 =	vld [tilespmem:s12+$0xE0]  }
0xa9: {  	v2 =	vadd.f32 v4, v2;
	v4 =	vld [tilespmem:s1+$0xE0]  }
0xaa: {  	v6 =	vld [tilespmem:s12+$0xFFFFFF60]  }
0xab: {  	[tilespmem:s12+$0xFFFFFFD0] =	vst v2;
	v2 =	vld [tilespmem:s12+$0xFFFFFFE0];
	v0 =	vadd.f32 v1, v0  }
0xac: {  	v1 =	vadd.f32 v5, v7;
	v5 =	vld [tilespmem:s1+$0xFFFFFFE0]  }
0xad: {  	[tilespmem:s12+$0x50] =	vst v0;
	v7 =	vld [tilespmem:s12+$0x60]  }
0xae: {  	[tilespmem:s12+$0xFFFFFF50] =	vst v1;
	v8 =	vld [tilespmem:s1+$0x60];
	v0 =	vadd.f32 v4, v3  }
0xaf: {  	v3 =	vld [tilespmem:s1+$0xFFFFFF60]  }
0xb0: {  	[tilespmem:s12+$0xE0] =	vst v0;
	v9 =	vld [tilespmem:s12+$0xF0]  }
0xb1: {  	v1 =	vadd.f32 v5, v2;
	v5 =	vld [tilespmem:s1+$0xF0]  }
0xb2: {  	v0 =	vld [tilespmem:s12+$0xFFFFFF70]  }
.Ltmp2:
0xb3: {  	[tilespmem:s12+$0xFFFFFFE0] =	vst v1;
	v1 =	vld [tilespmem:s12+$0xFFFFFFF0];
	v2 =	vadd.f32 v8, v7;
	(pc) =	sbr.rel @p0 .LBB2_3-.Ltmp2, $4  }
0xb4: {  	v4 =	vadd.f32 v3, v6;
	v3 =	vld [tilespmem:s1+$0xFFFFFFF0]  }
0xb5: {  	[tilespmem:s12+$0x60] =	vst v2;
	v2 =	vld [tilespmem:s12+$0x70]  }
0xb6: {  	[tilespmem:s12+$0xFFFFFF60] =	vst v4;
	v4 =	vld [tilespmem:s1+$0x70];
	v6 =	vadd.f32 v5, v9  }
0xb7: {  	s12 =	sadd.s32 $0x200, s12;
	v5 =	vld [tilespmem:s1+$0xFFFFFF70]  }
0xb8: {  	_ =	sdelay $0x1  }
0xb9: {  	s1 =	smul.u32 $0x190, s3;
	v1 =	vadd.f32 v3, v1  }
0xba: {  	[tilespmem:s10+$0xF0] =	vst v6;
	v2 =	vadd.f32 v4, v2  }
0xbb: {  	s11 =	sadd.s32 s7, s1;
	[tilespmem:s10+$0xFFFFFFF0] =	vst v1;
	v0 =	vadd.f32 v5, v0  }
0xbc: {  	s11 =	sshll.u32 s11, $0x4;
	[tilespmem:s10+$0x70] =	vst v2  }
0xbd: {  	s13 =	sadd.s32 s5, s11;
	[tilespmem:s10+$0xFFFFFF70] =	vst v0  }
0xbe: {  	[hbm4b:s13+s6] =	stream.linear.scatter [tilespmem:s20], [sflag:$0x3], $0x6400, $0x38;
	[tilespmem:$0x19400] =	vst v63  }
0xbf: {  	_ =	swait.ge [sflag:s28], $0x6400  }
0xc0: {  	[sflag:s28] =	ssyncset.done $0x0  }
0xc1: {  	[sflag:s28] =	ssyncadd.s32 $0xFFFF9C00  }
0xc2: {  	_ =	swait.ge [sflag:s28], $0x6400  }
0xc3: {  	[sflag:s28] =	ssyncset.done $0x0  }
0xc4: {  	s10 =	simm.s32 $0x6900;
	[sflag:s28] =	ssyncadd.s32 $0xFFFF9C00  }
0xc5: {  	s11 =	simm.s32 $0x13100;
	v0 =	vld [tilespmem:s10+$0x80]  }
0xc6: {  	v1 =	vld [tilespmem:s11+$0x80]  }
0xc7: {  	v2 =	vld [tilespmem:s10+$0xFFFFFF80]  }
0xc8: {  	v3 =	vld [tilespmem:s11+$0xFFFFFF80]  }
0xc9: {  	v4 =	vld [tilespmem:s10+$0x0]  }
0xca: {  	v5 =	vld [tilespmem:s11+$0x0]  }
0xcb: {  	v6 =	vld [tilespmem:s10+$0xFFFFFF00];
	v0 =	vadd.f32 v1, v0  }
0xcc: {  	v1 =	vld [tilespmem:s11+$0xFFFFFF00]  }
0xcd: {  	[tilespmem:s10+$0x80] =	vst v0;
	v0 =	vld [tilespmem:s10+$0x90]  }
0xce: {  	v2 =	vadd.f32 v3, v2;
	v3 =	vld [tilespmem:s11+$0x90]  }
0xcf: {  	v7 =	vld [tilespmem:s10+$0xFFFFFF10]  }
0xd0: {  	[tilespmem:s10+$0xFFFFFF80] =	vst v2;
	v2 =	vadd.f32 v5, v4;
	v4 =	vld [tilespmem:s10+$0xFFFFFF90]  }
0xd1: {  	v5 =	vld [tilespmem:s11+$0xFFFFFF90];
	v1 =	vadd.f32 v1, v6  }
0xd2: {  	[tilespmem:s10+$0x0] =	vst v2;
	v2 =	vld [tilespmem:s10+$0x10]  }
0xd3: {  	v6 =	vld [tilespmem:s11+$0x10];
	[tilespmem:s10+$0xFFFFFF00] =	vst v1;
	v0 =	vadd.f32 v3, v0  }
0xd4: {  	v1 =	vld [tilespmem:s11+$0xFFFFFF10]  }
0xd5: {  	[tilespmem:s10+$0x90] =	vst v0;
	v0 =	vld [tilespmem:s10+$0xA0]  }
0xd6: {  	v3 =	vadd.f32 v5, v4;
	v4 =	vld [tilespmem:s11+$0xA0]  }
0xd7: {  	v5 =	vld [tilespmem:s10+$0xFFFFFF20]  }
0xd8: {  	[tilespmem:s10+$0xFFFFFF90] =	vst v3;
	v2 =	vadd.f32 v6, v2;
	v3 =	vld [tilespmem:s10+$0xFFFFFFA0]  }
0xd9: {  	v6 =	vld [tilespmem:s11+$0xFFFFFFA0];
	v1 =	vadd.f32 v1, v7  }
0xda: {  	[tilespmem:s10+$0x10] =	vst v2;
	v2 =	vld [tilespmem:s10+$0x20]  }
0xdb: {  	v7 =	vld [tilespmem:s11+$0x20];
	[tilespmem:s10+$0xFFFFFF10] =	vst v1;
	v0 =	vadd.f32 v4, v0  }
0xdc: {  	v1 =	vld [tilespmem:s11+$0xFFFFFF20]  }
0xdd: {  	[tilespmem:s10+$0xA0] =	vst v0;
	v0 =	vld [tilespmem:s10+$0xB0]  }
0xde: {  	v3 =	vadd.f32 v6, v3;
	v4 =	vld [tilespmem:s11+$0xB0]  }
0xdf: {  	v6 =	vld [tilespmem:s10+$0xFFFFFF30]  }
0xe0: {  	[tilespmem:s10+$0xFFFFFFA0] =	vst v3;
	v2 =	vadd.f32 v7, v2;
	v3 =	vld [tilespmem:s10+$0xFFFFFFB0]  }
0xe1: {  	v7 =	vld [tilespmem:s11+$0xFFFFFFB0];
	v1 =	vadd.f32 v1, v5  }
0xe2: {  	[tilespmem:s10+$0x20] =	vst v2;
	v2 =	vld [tilespmem:s10+$0x30]  }
0xe3: {  	v5 =	vld [tilespmem:s11+$0x30];
	[tilespmem:s10+$0xFFFFFF20] =	vst v1;
	v0 =	vadd.f32 v4, v0  }
0xe4: {  	v1 =	vld [tilespmem:s11+$0xFFFFFF30]  }
0xe5: {  	[tilespmem:s10+$0xB0] =	vst v0;
	v0 =	vld [tilespmem:s10+$0xC0]  }
0xe6: {  	v3 =	vadd.f32 v7, v3;
	v4 =	vld [tilespmem:s11+$0xC0]  }
0xe7: {  	v7 =	vld [tilespmem:s10+$0xFFFFFF40]  }
0xe8: {  	[tilespmem:s10+$0xFFFFFFB0] =	vst v3;
	v2 =	vadd.f32 v5, v2;
	v3 =	vld [tilespmem:s10+$0xFFFFFFC0]  }
0xe9: {  	v5 =	vld [tilespmem:s11+$0xFFFFFFC0];
	v1 =	vadd.f32 v1, v6  }
0xea: {  	[tilespmem:s10+$0x30] =	vst v2;
	v2 =	vld [tilespmem:s10+$0x40]  }
0xeb: {  	v6 =	vld [tilespmem:s11+$0x40];
	[tilespmem:s10+$0xFFFFFF30] =	vst v1;
	v0 =	vadd.f32 v4, v0  }
0xec: {  	v1 =	vld [tilespmem:s11+$0xFFFFFF40]  }
0xed: {  	[tilespmem:s10+$0xC0] =	vst v0;
	v0 =	vld [tilespmem:s10+$0xD0]  }
0xee: {  	v3 =	vadd.f32 v5, v3;
	v4 =	vld [tilespmem:s11+$0xD0]  }
0xef: {  	v5 =	vld [tilespmem:s10+$0xFFFFFF50]  }
0xf0: {  	[tilespmem:s10+$0xFFFFFFC0] =	vst v3;
	v2 =	vadd.f32 v6, v2;
	v3 =	vld [tilespmem:s10+$0xFFFFFFD0]  }
0xf1: {  	v6 =	vld [tilespmem:s11+$0xFFFFFFD0];
	v1 =	vadd.f32 v1, v7  }
0xf2: {  	[tilespmem:s10+$0x40] =	vst v2;
	v2 =	vld [tilespmem:s10+$0x50]  }
0xf3: {  	v7 =	vld [tilespmem:s11+$0x50];
	[tilespmem:s10+$0xFFFFFF40] =	vst v1;
	v0 =	vadd.f32 v4, v0  }
0xf4: {  	v1 =	vld [tilespmem:s11+$0xFFFFFF50]  }
0xf5: {  	[tilespmem:s10+$0xD0] =	vst v0;
	v0 =	vld [tilespmem:s10+$0xE0]  }
0xf6: {  	v3 =	vadd.f32 v6, v3;
	v4 =	vld [tilespmem:s11+$0xE0]  }
0xf7: {  	v6 =	vld [tilespmem:s10+$0xFFFFFF60]  }
0xf8: {  	[tilespmem:s10+$0xFFFFFFD0] =	vst v3;
	v2 =	vadd.f32 v7, v2;
	v3 =	vld [tilespmem:s10+$0xFFFFFFE0]  }
0xf9: {  	v7 =	vld [tilespmem:s11+$0xFFFFFFE0];
	v1 =	vadd.f32 v1, v5  }
0xfa: {  	[tilespmem:s10+$0x50] =	vst v2;
	v2 =	vld [tilespmem:s10+$0x60]  }
0xfb: {  	v5 =	vld [tilespmem:s11+$0x60];
	[tilespmem:s10+$0xFFFFFF50] =	vst v1;
	v0 =	vadd.f32 v4, v0  }
0xfc: {  	v4 =	vld [tilespmem:s11+$0xFFFFFF60]  }
0xfd: {  	v8 =	vld [tilespmem:s10+$0xF0];
	[tilespmem:s10+$0xE0] =	vst v0  }
0xfe: {  	v1 =	vadd.f32 v7, v3;
	v7 =	vld [tilespmem:s11+$0xF0]  }
0xff: {  	v0 =	vld [tilespmem:s10+$0xFFFFFF70]  }
0x100: {  	[tilespmem:s10+$0xFFFFFFE0] =	vst v1;
	v2 =	vadd.f32 v5, v2;
	v1 =	vld [tilespmem:s10+$0xFFFFFFF0]  }
0x101: {  	v3 =	vld [tilespmem:s11+$0xFFFFFFF0];
	v4 =	vadd.f32 v4, v6  }
0x102: {  	[tilespmem:s10+$0x60] =	vst v2;
	v2 =	vld [tilespmem:s10+$0x70]  }
0x103: {  	[tilespmem:s10+$0xFFFFFF60] =	vst v4;
	v4 =	vld [tilespmem:s11+$0x70];
	v6 =	vadd.f32 v7, v8  }
0x104: {  	s12 =	simm.s32 $0x0;
	s13 =	simm.s32 $0x6B00;
	v5 =	vld [tilespmem:s11+$0xFFFFFF70]  }
.LBB2_5:
0x105: {  	v7 =	vld [tilespmem:s13+$0x80];
	[tilespmem:s10+$0xF0] =	vst v6;
	s11 =	sadd.s32 $0x200, s11  }
0x106: {  	s12 =	sadd.s32 $0x4, s12;
	v6 =	vld [tilespmem:s11+$0x80];
	v1 =	vadd.f32 v3, v1  }
0x107: {  	p0 =	slt.u32 s12, $0xC4;
	v3 =	vld [tilespmem:s11+$0xFFFFFF00]  }
0x108: {  	v8 =	vld [tilespmem:s13+$0xFFFFFF80];
	[tilespmem:s10+$0xFFFFFFF0] =	vst v1;
	v1 =	vadd.f32 v4, v2  }
0x109: {  	v2 =	vld [tilespmem:s11+$0xFFFFFF80];
	v0 =	vadd.f32 v5, v0  }
0x10a: {  	v4 =	vld [tilespmem:s13+$0x0];
	[tilespmem:s10+$0x70] =	vst v1  }
0x10b: {  	v1 =	vld [tilespmem:s11+$0x0];
	v5 =	vadd.f32 v6, v7;
	[tilespmem:s10+$0xFFFFFF70] =	vst v0;
	s10 =	smov.u32 s13  }
0x10c: {  	v0 =	vld [tilespmem:s13+$0xFFFFFF00]  }
0x10d: {  	[tilespmem:s13+$0x80] =	vst v5;
	v5 =	vld [tilespmem:s13+$0x90]  }
0x10e: {  	v2 =	vadd.f32 v2, v8;
	v6 =	vld [tilespmem:s11+$0x90]  }
0x10f: {  	v7 =	vld [tilespmem:s13+$0xFFFFFF10]  }
0x110: {  	[tilespmem:s13+$0xFFFFFF80] =	vst v2;
	v2 =	vld [tilespmem:s13+$0xFFFFFF90];
	v1 =	vadd.f32 v1, v4  }
0x111: {  	v0 =	vadd.f32 v3, v0;
	v3 =	vld [tilespmem:s11+$0xFFFFFF90]  }
0x112: {  	[tilespmem:s13+$0x0] =	vst v1;
	v1 =	vld [tilespmem:s13+$0x10]  }
0x113: {  	[tilespmem:s13+$0xFFFFFF00] =	vst v0;
	v0 =	vld [tilespmem:s11+$0x10];
	v4 =	vadd.f32 v6, v5  }
0x114: {  	v5 =	vld [tilespmem:s11+$0xFFFFFF10]  }
0x115: {  	[tilespmem:s13+$0x90] =	vst v4;
	v4 =	vld [tilespmem:s13+$0xA0]  }
0x116: {  	v2 =	vadd.f32 v3, v2;
	v3 =	vld [tilespmem:s11+$0xA0]  }
0x117: {  	v6 =	vld [tilespmem:s13+$0xFFFFFF20]  }
0x118: {  	[tilespmem:s13+$0xFFFFFF90] =	vst v2;
	v2 =	vld [tilespmem:s13+$0xFFFFFFA0];
	v0 =	vadd.f32 v0, v1  }
0x119: {  	v1 =	vadd.f32 v5, v7;
	v5 =	vld [tilespmem:s11+$0xFFFFFFA0]  }
0x11a: {  	[tilespmem:s13+$0x10] =	vst v0;
	v0 =	vld [tilespmem:s13+$0x20]  }
0x11b: {  	[tilespmem:s13+$0xFFFFFF10] =	vst v1;
	v1 =	vld [tilespmem:s11+$0x20];
	v3 =	vadd.f32 v3, v4  }
0x11c: {  	v4 =	vld [tilespmem:s11+$0xFFFFFF20]  }
0x11d: {  	[tilespmem:s13+$0xA0] =	vst v3;
	v3 =	vld [tilespmem:s13+$0xB0]  }
0x11e: {  	v2 =	vadd.f32 v5, v2;
	v5 =	vld [tilespmem:s11+$0xB0]  }
0x11f: {  	v7 =	vld [tilespmem:s13+$0xFFFFFF30]  }
0x120: {  	[tilespmem:s13+$0xFFFFFFA0] =	vst v2;
	v2 =	vld [tilespmem:s13+$0xFFFFFFB0];
	v0 =	vadd.f32 v1, v0  }
0x121: {  	v1 =	vadd.f32 v4, v6;
	v4 =	vld [tilespmem:s11+$0xFFFFFFB0]  }
0x122: {  	[tilespmem:s13+$0x20] =	vst v0;
	v0 =	vld [tilespmem:s13+$0x30]  }
0x123: {  	[tilespmem:s13+$0xFFFFFF20] =	vst v1;
	v1 =	vld [tilespmem:s11+$0x30];
	v3 =	vadd.f32 v5, v3  }
0x124: {  	v5 =	vld [tilespmem:s11+$0xFFFFFF30]  }
0x125: {  	[tilespmem:s13+$0xB0] =	vst v3;
	v3 =	vld [tilespmem:s13+$0xC0]  }
0x126: {  	v2 =	vadd.f32 v4, v2;
	v4 =	vld [tilespmem:s11+$0xC0]  }
0x127: {  	v6 =	vld [tilespmem:s13+$0xFFFFFF40]  }
0x128: {  	[tilespmem:s13+$0xFFFFFFB0] =	vst v2;
	v2 =	vld [tilespmem:s13+$0xFFFFFFC0];
	v0 =	vadd.f32 v1, v0  }
0x129: {  	v1 =	vadd.f32 v5, v7;
	v5 =	vld [tilespmem:s11+$0xFFFFFFC0]  }
0x12a: {  	[tilespmem:s13+$0x30] =	vst v0;
	v0 =	vld [tilespmem:s13+$0x40]  }
0x12b: {  	[tilespmem:s13+$0xFFFFFF30] =	vst v1;
	v1 =	vld [tilespmem:s11+$0x40];
	v3 =	vadd.f32 v4, v3  }
0x12c: {  	v4 =	vld [tilespmem:s11+$0xFFFFFF40]  }
0x12d: {  	[tilespmem:s13+$0xC0] =	vst v3;
	v3 =	vld [tilespmem:s13+$0xD0]  }
0x12e: {  	v2 =	vadd.f32 v5, v2;
	v5 =	vld [tilespmem:s11+$0xD0]  }
0x12f: {  	v7 =	vld [tilespmem:s13+$0xFFFFFF50]  }
0x130: {  	[tilespmem:s13+$0xFFFFFFC0] =	vst v2;
	v2 =	vld [tilespmem:s13+$0xFFFFFFD0];
	v0 =	vadd.f32 v1, v0  }
0x131: {  	v1 =	vadd.f32 v4, v6;
	v4 =	vld [tilespmem:s11+$0xFFFFFFD0]  }
0x132: {  	[tilespmem:s13+$0x40] =	vst v0;
	v0 =	vld [tilespmem:s13+$0x50]  }
0x133: {  	[tilespmem:s13+$0xFFFFFF40] =	vst v1;
	v1 =	vld [tilespmem:s11+$0x50];
	v3 =	vadd.f32 v5, v3  }
0x134: {  	v5 =	vld [tilespmem:s11+$0xFFFFFF50]  }
0x135: {  	[tilespmem:s13+$0xD0] =	vst v3;
	v3 =	vld [tilespmem:s13+$0xE0]  }
0x136: {  	v2 =	vadd.f32 v4, v2;
	v4 =	vld [tilespmem:s11+$0xE0]  }
0x137: {  	v6 =	vld [tilespmem:s13+$0xFFFFFF60]  }
0x138: {  	[tilespmem:s13+$0xFFFFFFD0] =	vst v2;
	v2 =	vld [tilespmem:s13+$0xFFFFFFE0];
	v0 =	vadd.f32 v1, v0  }
0x139: {  	v1 =	vadd.f32 v5, v7;
	v5 =	vld [tilespmem:s11+$0xFFFFFFE0]  }
0x13a: {  	[tilespmem:s13+$0x50] =	vst v0;
	v7 =	vld [tilespmem:s13+$0x60]  }
0x13b: {  	[tilespmem:s13+$0xFFFFFF50] =	vst v1;
	v8 =	vld [tilespmem:s11+$0x60];
	v0 =	vadd.f32 v4, v3  }
0x13c: {  	v3 =	vld [tilespmem:s11+$0xFFFFFF60]  }
0x13d: {  	[tilespmem:s13+$0xE0] =	vst v0;
	v9 =	vld [tilespmem:s13+$0xF0]  }
0x13e: {  	v1 =	vadd.f32 v5, v2;
	v5 =	vld [tilespmem:s11+$0xF0]  }
0x13f: {  	v0 =	vld [tilespmem:s13+$0xFFFFFF70]  }
.Ltmp3:
0x140: {  	[tilespmem:s13+$0xFFFFFFE0] =	vst v1;
	v1 =	vld [tilespmem:s13+$0xFFFFFFF0];
	v2 =	vadd.f32 v8, v7;
	(pc) =	sbr.rel @p0 .LBB2_5-.Ltmp3, $4  }
0x141: {  	v4 =	vadd.f32 v3, v6;
	v3 =	vld [tilespmem:s11+$0xFFFFFFF0]  }
0x142: {  	[tilespmem:s13+$0x60] =	vst v2;
	v2 =	vld [tilespmem:s13+$0x70]  }
0x143: {  	[tilespmem:s13+$0xFFFFFF60] =	vst v4;
	v4 =	vld [tilespmem:s11+$0x70];
	v6 =	vadd.f32 v5, v9  }
0x144: {  	s13 =	sadd.s32 $0x200, s13;
	v5 =	vld [tilespmem:s11+$0xFFFFFF70]  }
0x145: {  	_ =	sdelay $0x1  }
0x146: {  	p0 =	seq.s32 s3, $0x2;
	v1 =	vadd.f32 v3, v1  }
.Ltmp4:
0x147: {  	[tilespmem:s10+$0xF0] =	vst v6;
	v2 =	vadd.f32 v4, v2;
	(pc) =	sbr.rel @p0 .LBB2_8-.Ltmp4, $4  }
0x148: {  	s11 =	sadd.s32 s1, s9;
	[tilespmem:s10+$0xFFFFFFF0] =	vst v1;
	v0 =	vadd.f32 v5, v0  }
0x149: {  	s11 =	sshll.u32 s11, $0x4;
	[tilespmem:s10+$0x70] =	vst v2  }
0x14a: {  	s13 =	sadd.s32 s5, s11;
	[tilespmem:s10+$0xFFFFFF70] =	vst v0  }
0x14b: {  	[hbm4b:s13+s6] =	stream.linear.scatter [tilespmem:s24], [sflag:$0x4], $0x6400, $0x38;
	[tilespmem:$0x19400] =	vst v63  }
0x14c: {  	s10 =	sadd.s32 s1, s14  }
0x14d: {  	s10 =	sshrl.u32 s10, $0x3  }
0x14e: {  	s11 =	sadd.s32 s2, s10  }
0x14f: {  	[tilespmem:s6], [sflag:$0x5] =	stream.linear.gather [hbm4b:s11+s6], $0xC8, $0x38;
	[tilespmem:$0x19400] =	vst v63  }
0x150: {  	_ =	swait.ge [sflag:s17], $0xC8  }
0x151: {  	[sflag:s17] =	ssyncset.done $0x0  }
0x152: {  	s10 =	sadd.s32 s4, s10;
	[sflag:s17] =	ssyncadd.s32 $0xFFFFFF38  }
0x153: {  	[tilespmem:s18], [sflag:$0x5] =	stream.linear.gather [hbm4b:s10+s6], $0xC8, $0x38;
	[tilespmem:$0x19400] =	vst v63  }
0x154: {  	_ =	swait.ge [sflag:s17], $0xC8  }
0x155: {  	[sflag:s17] =	ssyncset.done $0x0  }
0x156: {  	[sflag:s17] =	ssyncadd.s32 $0xFFFFFF38  }
0x157: {  	_ =	swait.ge [sflag:s29], $0x6400  }
0x158: {  	[sflag:s29] =	ssyncset.done $0x0  }
0x159: {  	s12 =	sadd.s32 s1, s15;
	[sflag:s29] =	ssyncadd.s32 $0xFFFF9C00  }
0x15a: {  	[tilespmem:s20], [sflag:$0x1] =	stream.indirect.gather [hbm4b:s0+s19], $0x80, s6, s19, $0xb8;
	[tilespmem:$0x19400] =	vst v63  }
0x15b: {  	s1 =	sshrl.u32 s12, $0x3  }
0x15c: {  	[tilespmem:s21], [sflag:$0x1] =	stream.indirect.gather [hbm4b:s8+s19], $0x80, s18, s19, $0xb8;
	[tilespmem:$0x19400] =	vst v63  }
0x15d: {  	s13 =	sadd.s32 s2, s1  }
0x15e: {  	[tilespmem:s22], [sflag:$0x5] =	stream.linear.gather [hbm4b:s13+s6], $0xC8, $0x38;
	[tilespmem:$0x19400] =	vst v63  }
0x15f: {  	_ =	swait.ge [sflag:s17], $0xC8  }
0x160: {  	[sflag:s17] =	ssyncset.done $0x0  }
0x161: {  	s1 =	sadd.s32 s4, s1;
	[sflag:s17] =	ssyncadd.s32 $0xFFFFFF38  }
0x162: {  	[tilespmem:s23], [sflag:$0x5] =	stream.linear.gather [hbm4b:s1+s6], $0xC8, $0x38;
	[tilespmem:$0x19400] =	vst v63  }
0x163: {  	_ =	swait.ge [sflag:s17], $0xC8  }
0x164: {  	[sflag:s17] =	ssyncset.done $0x0  }
0x165: {  	[sflag:s17] =	ssyncadd.s32 $0xFFFFFF38  }
0x166: {  	_ =	swait.ge [sflag:s30], $0x6400  }
.Ltmp5:
0x167: {  	[sflag:s30] =	ssyncset.done $0x0;
	(pc) =	sbr.rel .LBB2_2-.Ltmp5, $4  }
0x168: {  	[sflag:s30] =	ssyncadd.s32 $0xFFFF9C00  }
0x169: {  	[tilespmem:s24], [sflag:$0x2] =	stream.indirect.gather [hbm4b:s0+s19], $0x80, s22, s19, $0xb8;
	[tilespmem:$0x19400] =	vst v63  }
0x16a: {  	s3 =	sadd.s32 $0x1, s3  }
0x16b: {  	[tilespmem:s25], [sflag:$0x2] =	stream.indirect.gather [hbm4b:s8+s19], $0x80, s23, s19, $0xb8;
	[tilespmem:$0x19400] =	vst v63  }
.LBB2_9:
0x16c: {  	_ =	sfence.sel $0x180000  }
0x16d: {  	[bflag:$0x0] =	sbarrier.arrive $0xFFFF  }
0x16e: {  	_ =	strace $0x90000047  }
0x16f: {  	s0 =	stileid.u32;
	[bflag:$0x2] =	sbarrier.arrive $0xFFFF  }
0x170: {  	p0 =	sne.s32 s0, $0x0;
	s0 =	rddreg [dreg:$0x5]  }
0x171: {  	s0 =	sadd.s32 @!p0 $0x100000, s0  }
0x172: {  	[sflag:s0] =	ssyncadd.tile.s32 @!p0 $0x1;
	_ =	shalt  }
.Lfunc_end2:
_tile_overlayer_lowered:
.L_overlay_start_2:
0x173: {  	(tag) =	ssettag $0x2  }
0x174: {  	s0 =	rddreg [dreg:$0x0];
	s2 =	stileid.u32  }
0x175: {  	s1 =	rddreg [dreg:$0x1];
	p0 =	sne.s32 s2, $0x0  }
0x176: {  	s3 =	rddreg [dreg:$0x2];
	[bflag:$0x3] =	sbarrier.arrive $0xFFFF;
	s2 =	simm.s32 @!p0 $0x1C05  }
0x177: {  	[timem:s3], [sflag:s2] =	dma.local @!p0 [hbm:s0], s1  }
0x178: {  	s0 =	simm.s32 @!p0 $0x5  }
0x179: {  	_ =	swait.ge @!p0 [sflag:s0], s1  }
0x17a: {  	s1 =	ssub.s32 @!p0 $0x0, s1;
	[sflag:s0] =	ssyncset.done @!p0 $0x0  }
0x17b: {  	[sflag:s0] =	ssyncadd.s32 @!p0 s1  }
0x17c: {  	[bflag:$0x3] =	sbarrier.arrive $0xFFFF  }
0x17d: {  	_ =	shalt  }

// kernel: kernel.17.cloned.1.call-start
scs
__scs_entry_jumppad:
0x0: {  	(pc) =	sbr.rel $0x88, $3  }
0x1: {  	(tag) =	ssettag $0x0;
	lr =	simm.s32 $0x1  }
0x2: {  	[smem:$0x3F89] =	sst lr;
	_ =	strace $0xD0000000  }
0x3: {  	_ = 	snop  }
0x4: {  	_ = 	snop  }
0x5: {  	_ = 	snop  }
0x6: {  	_ = 	snop  }
0x7: {  	_ = 	snop  }
__scs_overlays_trampoline_lowered:
0x8: {  	[smem:$0x3F98] =	sst s0  }
0x9: {  	[smem:$0x3F99] =	sst s1  }
0xa: {  	[smem:$0x3F9A] =	sst s2  }
0xb: {  	[smem:$0x3F9B] =	sst s3  }
0xc: {  	[smem:$0x3F9C] =	sst s4  }
0xd: {  	[smem:$0x3F9D] =	sst s5  }
0xe: {  	[smem:$0x3F9E] =	sst s6  }
0xf: {  	[smem:$0x3F9F] =	sst s7  }
0x10: {  	[smem:$0x3FA0] =	sst s8  }
0x11: {  	[smem:$0x3FA1] =	sst s9;
	s0 =	simm.s32 @!p0 $0x0  }
0x12: {  	s1 =	sld [smem:$0x3F87];
	s0 =	simm.s32 @p0 $0x1  }
0x13: {  	[smem:$0x3FA2] =	sst s0;
	s0 =	simm.s32 @!p1 $0x0  }
0x14: {  	s2 =	sld [smem:$0x3F86];
	s0 =	simm.s32 @p1 $0x1  }
0x15: {  	[smem:$0x3FA3] =	sst s0;
	s0 =	simm.s32 @!p2 $0x0  }
0x16: {  	s3 =	sld [smem:$0x3FDB];
	s0 =	simm.s32 @p2 $0x1  }
0x17: {  	s4 =	simm.s32 $0x1BF5;
	[smem:$0x3FA5] =	sst s0  }
0x18: {  	s0 =	sld [smem:$0x3F88];
	_ =	swait.ge [sflag:s4], $0x0  }
0x19: {  	s7 =	sld [smem:$0x3F89]  }
0x1a: {  	s8 =	sadd.s32 $0xFFFFE003, lr  }
0x1b: {  	s9 =	sadd.s32 $0xFFFFFEF7, lr;
	s5 =	simm.s32 $0xFFFFFFFF;
	p2 =	slt.u32 s8, $0xFFFFF086  }
0x1c: {  	p1 =	slt.u32 s9, $0xF7A;
	s5 =	simm.s32 @!p2 $0x0  }
0x1d: {  	s5 =	simm.s32 @p1 $0x1;
	p0 =	seq.s32 s7, s2  }
0x1e: {  	s7 =	smul.u32 @!p0 $0xF7A, s2;
	p2 =	seq.s32 @!p0 s5, $0x0  }
0x1f: {  	s9 =	smul.u32 $0xF7A, s1;
	s8 =	simm.s32 @!p0 $0x1BF5;
	p2 =	por !p2, p0  }
0x20: {  	[sflag:s8] =	ssyncset.s32 @!p0 $0xFFFFF086;
	s6 =	sadd.s32 @!p0 s3, s7;
	s7 =	simm.s32 @!p0 $0x108  }
0x21: {  	s3 =	sadd.s32 s3, s9;
	s6 =	sadd.s32 @!p0 $0x88, s6;
	s7 =	simm.s32 @p2 $0x1082  }
0x22: {  	[simem:s7], [sflag:s8] =	dma.local @!p0 [hbm:s6], $0xF7A  }
0x23: {  	s9 =	sor.u32 $0xD0000000, s2;
	s6 =	simm.s32 $0x108;
	_ =	swait.ge @!p0 [sflag:s8], $0x0  }
0x24: {  	s3 =	sadd.s32 $0x88, s3;
	s6 =	simm.s32 @!p1 $0x1082;
	[sflag:s4] =	ssyncset.s32 $0xFFFFF086  }
0x25: {  	[simem:s6], [sflag:s4] =	dma.local [hbm:s3], $0xF7A  }
0x26: {  	[smem:$0x3F89] =	sst s1;
	(tag) =	ssettag s2;
	_ =	strace s9  }
0x27: {  	s1 =	sld [smem:$0x3F99]  }
0x28: {  	s2 =	sld [smem:$0x3F9A]  }
0x29: {  	s4 =	sld [smem:$0x3F9C]  }
0x2a: {  	p0 =	seq.s32 s5, $0x0;
	s5 =	sld [smem:$0x3F9D]  }
0x2b: {  	s6 =	sld [smem:$0x3F9E]  }
0x2c: {  	s7 =	sld [smem:$0x3F9F]  }
0x2d: {  	s3 =	simm.s32 $0x108;
	s8 =	sld [smem:$0x3FA0]  }
0x2e: {  	s3 =	simm.s32 @!p0 $0x1082;
	s9 =	sld [smem:$0x3FA1]  }
0x2f: {  	lr =	sadd.s32 s0, s3;
	s0 =	sld [smem:$0x3F98]  }
0x30: {  	s3 =	sld [smem:$0x3F9B]  }
0x31: {  	[smem:$0x3FA4] =	sst s10  }
0x32: {  	s10 =	sld [smem:$0x3FA2];
	_ =	sdelay $0x3  }
0x33: {  	p0 =	seq.s32 s10, $0x1;
	s10 =	sld [smem:$0x3FA4];
	_ =	sdelay $0x3  }
0x34: {  	[smem:$0x3FA4] =	sst s10  }
0x35: {  	s10 =	sld [smem:$0x3FA3];
	_ =	sdelay $0x3  }
0x36: {  	p1 =	seq.s32 s10, $0x1;
	s10 =	sld [smem:$0x3FA4];
	_ =	sdelay $0x3  }
0x37: {  	[smem:$0x3FA4] =	sst s10  }
0x38: {  	s10 =	sld [smem:$0x3FA5]  }
0x39: {  	_ = 	snop;
	(pc) =	sbr.ind lr, $3  }
0x3a: {  	_ = 	snop  }
0x3b: {  	_ = 	snop  }
0x3c: {  	p2 =	seq.s32 s10, $0x1;
	s10 =	sld [smem:$0x3FA4]  }
0x3d: {  	_ =	shalt  }
0x3e: {  	_ =	shalt  }
0x3f: {  	_ =	shalt  }
0x40: {  	_ =	shalt  }
0x41: {  	_ =	shalt  }
0x42: {  	_ =	shalt  }
0x43: {  	_ =	shalt  }
0x44: {  	_ =	shalt  }
0x45: {  	_ =	shalt  }
0x46: {  	_ =	shalt  }
0x47: {  	_ =	shalt  }
0x48: {  	_ =	shalt  }
0x49: {  	_ =	shalt  }
0x4a: {  	_ =	shalt  }
0x4b: {  	_ =	shalt  }
0x4c: {  	_ =	shalt  }
0x4d: {  	_ =	shalt  }
0x4e: {  	_ =	shalt  }
0x4f: {  	_ =	shalt  }
0x50: {  	_ =	shalt  }
0x51: {  	_ =	shalt  }
0x52: {  	_ =	shalt  }
0x53: {  	_ =	shalt  }
0x54: {  	_ =	shalt  }
0x55: {  	_ =	shalt  }
0x56: {  	_ =	shalt  }
0x57: {  	_ =	shalt  }
0x58: {  	_ =	shalt  }
0x59: {  	_ =	shalt  }
0x5a: {  	_ =	shalt  }
0x5b: {  	_ =	shalt  }
0x5c: {  	_ =	shalt  }
0x5d: {  	_ =	shalt  }
0x5e: {  	_ =	shalt  }
0x5f: {  	_ =	shalt  }
0x60: {  	_ =	shalt  }
0x61: {  	_ =	shalt  }
0x62: {  	_ =	shalt  }
0x63: {  	_ =	shalt  }
0x64: {  	_ =	shalt  }
0x65: {  	_ =	shalt  }
0x66: {  	_ =	shalt  }
0x67: {  	_ =	shalt  }
0x68: {  	_ =	shalt  }
0x69: {  	_ =	shalt  }
0x6a: {  	_ =	shalt  }
0x6b: {  	_ =	shalt  }
0x6c: {  	_ =	shalt  }
0x6d: {  	_ =	shalt  }
0x6e: {  	_ =	shalt  }
0x6f: {  	_ =	shalt  }
0x70: {  	_ =	shalt  }
0x71: {  	_ =	shalt  }
0x72: {  	_ =	shalt  }
0x73: {  	_ =	shalt  }
0x74: {  	_ =	shalt  }
0x75: {  	_ =	shalt  }
0x76: {  	_ =	shalt  }
0x77: {  	_ =	shalt  }
0x78: {  	_ =	shalt  }
0x79: {  	_ =	shalt  }
0x7a: {  	_ =	shalt  }
0x7b: {  	_ =	shalt  }
0x7c: {  	_ =	shalt  }
0x7d: {  	_ =	shalt  }
0x7e: {  	_ =	shalt  }
0x7f: {  	_ =	shalt  }
0x80: {  	_ =	shalt  }
0x81: {  	_ =	shalt  }
0x82: {  	_ =	shalt  }
0x83: {  	_ =	shalt  }
0x84: {  	_ =	shalt  }
0x85: {  	_ =	shalt  }
0x86: {  	_ =	shalt  }
0x87: {  	_ =	shalt  }
.Lfunc_end0:
.L_simem_size_0:
called_computation.1_lowered:
.L_overlay_start_0:
0x88: {  	s2 =	sld [smem:$0x3FD9]  }
0x89: {  	s3 =	sld [smem:$0x3FFE];
	_ =	sdelay $0x1  }
0x8a: {  	s1 =	srdreg.scid  }
0x8b: {  	s0 =	sand.u32 $0x1, s1  }
0x8c: {  	s15 =	sshll.u32 s0, $0xA;
	s2 =	sadd.s32 s3, s2  }
0x8d: {  	s2 =	sadd.s32 s2, s15  }
0x8e: {  	[smem:$0x3FB0] =	sst s2  }
0x8f: {  	_ = 	snop  }
0x90: {  	s4 =	sld [smem:$0x3FD0];
	_ =	sdelay $0x1  }
0x91: {  	s2 =	sld [smem:$0x3FC8]  }
0x92: {  	s5 =	simm.s32 $0xC;
	s6 =	simm.s32 $0x10;
	s16 =	sld [smem:$0x3FC7]  }
0x93: {  	[smem:s6], [sflag:s5] =	dma.local [hbm:s4], $0x1  }
0x94: {  	_ =	swait.eq [sflag:s5], $0x1  }
0x95: {  	[sflag:s5] =	ssyncset.done $0x0  }
0x96: {  	[sflag:s5] =	ssyncadd.s32 $0xFFFFFFFF  }
0x97: {  	s17 =	sld [smem:$0x10];
	(tm) =	ssettm $0x1  }
0x98: {  	s18 =	sld [smem:$0x3FFB];
	_ =	sdelay $0x3  }
0x99: {  	_ =	strace s18  }
0x9a: {  	s4 =	sld [smem:$0x3FFC];
	_ =	sdelay $0x3  }
0x9b: {  	_ =	strace s4  }
0x9c: {  	s4 =	sld [smem:$0x3FFD];
	_ =	sdelay $0x3  }
0x9d: {  	_ =	strace s4  }
0x9e: {  	_ =	strace $0x8FFFFFFF  }
0x9f: {  	s19 =	sld [smem:$0x3FDB];
	_ =	sdelay $0x1  }
0xa0: {  	s20 =	simm.s32 $_scs_section_size  }
0xa1: {  	s7 =	simm.s32 $_size__tile_overlayer_lowered;
	s8 =	simm.s32 $_tile_overlayer_lowered  }
0xa2: {  	s9 =	simm.s32 $0x1BFF;
	s21 =	sshll.u32 s8, $0x1;
	s6 =	sadd.s32 s20, s19  }
0xa3: {  	s22 =	simm.s32 $0x0;
	s7 =	sshll.u32 s7, $0x1;
	s8 =	sadd.s32 s21, s6  }
0xa4: {  	[timem:s22], [sflag:s9] =	dma.local [hbm:s8], s7  }
0xa5: {  	_ =	swait.ge [sflag:s9], s7  }
0xa6: {  	s7 =	ssub.s32 $0x0, s7;
	[sflag:s9] =	ssyncset.done $0x0  }
0xa7: {  	[sflag:s9] =	ssyncadd.s32 s7;
	_ =	sdelay $0x1  }
0xa8: {  	s23 =	simm.s32 $0x1B8B  }
0xa9: {  	_ =	swait.ge [sflag:s23], $0x1  }
0xaa: {  	[sflag:s23] =	ssyncset.done $0x0  }
0xab: {  	[sflag:s23] =	ssyncadd.s32 $0xFFFFFFFF  }
0xac: {  	s7 =	sld [smem:$0x0]  }
0xad: {  	s8 =	sand.u32 $0xFFFFFFFE, s1  }
0xae: {  	p0 =	sne.s32 s1, s8  }
0xaf: {  	s8 =	sshll.u32 @p0 s8, $0xE  }
0xb0: {  	s8 =	sadd.s32 @p0 $0x11B8D, s8;
	s9 =	sshll.u32 @p0 s7, $0x11  }
0xb1: {  	s8 =	sor.u32 @p0 s9, s8  }
0xb2: {  	[sflag:s8] =	ssyncadd.remote.s32 @p0 $0x1;
	_ =	sdelay $0x1  }
0xb3: {  	s8 =	simm.s32 @p0 $0x1B8D  }
0xb4: {  	_ =	swait.eq @p0 [sflag:s8], $0x1  }
0xb5: {  	[sflag:s8] =	ssyncadd.s32 @p0 $0xFFFFFFFF  }
0xb6: {  	s9 =	sshll.u32 @!p0 s1, $0xE  }
0xb7: {  	s9 =	sor.u32 @!p0 $0x4000, s9;
	s8 =	simm.s32 @!p0 $0x1B8D  }
0xb8: {  	s7 =	sshll.u32 @!p0 s7, $0x11;
	s9 =	sadd.s32 @!p0 $0x11B8D, s9;
	_ =	swait.eq @!p0 [sflag:s8], $0x1  }
0xb9: {  	s7 =	sor.u32 @!p0 s7, s9;
	[sflag:s8] =	ssyncadd.s32 @!p0 $0xFFFFFFFF  }
0xba: {  	s25 =	simm.s32 $0x1B8E;
	s24 =	sld [smem:$0x3FFE];
	[sflag:s7] =	ssyncadd.remote.s32 @!p0 $0x1  }
0xbb: {  	s26 =	simm.s32 $execute0_lowered;
	[smem:$0x3FD2] =	sst s25  }
0xbc: {  	s8 =	sshll.u32 s26, $0x1;
	_ =	strace $0x80000049;
	[dreg:$0x1] =	wrdreg $0xFFFFFFFF  }
0xbd: {  	s28 =	simm.s32 $_size_execute0_lowered;
	s6 =	sadd.s32 s6, s8;
	[dreg:$0x0] =	wrdreg $0x0  }
0xbe: {  	s8 =	sshll.u32 s28, $0x1;
	[dreg:$0x2] =	wrdreg s6  }
0xbf: {  	[dreg:$0x3] =	wrdreg s8  }
0xc0: {  	[dreg:$0x4] =	wrdreg $0xC0  }
0xc1: {  	_ =	task [dreg:s22], $0x5FFFF  }
0xc2: {  	[dreg:$0x1] =	wrdreg $0xFFFFFFFF  }
0xc3: {  	[dreg:$0x0] =	wrdreg $0x60  }
0xc4: {  	[dreg:$0x2] =	wrdreg s17  }
0xc5: {  	[dreg:$0x3] =	wrdreg s24  }
0xc6: {  	[dreg:$0x4] =	wrdreg s2  }
0xc7: {  	[dreg:$0x5] =	wrdreg s16  }
0xc8: {  	[dreg:$0x6] =	wrdreg $0x9  }
0xc9: {  	_ =	task.clear_ibuf [dreg:s22], $0x7FFFF;
	_ =	strace $0x90000049  }
0xca: {  	s29 =	simm.s32 $0x9;
	_ =	strace $0x8000004B  }
0xcb: {  	_ =	swait.ge [sflag:s29], $0x1  }
0xcc: {  	[sflag:s29] =	ssyncadd.s32 $0xFFFFFFFF  }
0xcd: {  	_ =	strace $0x9000004B  }
0xce: {  	_ =	sfence  }
0xcf: {  	s30 =	sld [smem:$0x0];
	_ =	sdelay $0x2  }
0xd0: {  	s31 =	sshll.u32 s1, $0xD;
	s1 =	sshrl.u32 s1, $0x2  }
0xd1: {  	s3 =	sand.u32 $0x4000, s31;
	s1 =	sadd.s32 s1, s30  }
0xd2: {  	s0 =	sor.u32 s3, s0;
	s1 =	sshll.u32 s1, $0x11  }
0xd3: {  	s0 =	sor.u32 s1, s0  }
0xd4: {  	s0 =	sadd.s32 $0x8F2B, s0  }
0xd5: {  	[sflag:s0] =	ssyncadd.remote.s32 $0x1  }
0xd6: {  	_ =	sfence.sel $0xFFFF  }
0xd7: {  	[dreg:$0x0] =	wrdreg $0xFFFFFFFF;
	(pc) =	sbr.abs _section_cstart, $3  }
0xd8: {  	[dreg:$0x1] =	wrdreg $0xFFFFFFFF  }
0xd9: {  	_ =	task.clear_ibuf [dreg:s22], $0x2FFFF;
	_ =	strace $0x9FFFFFFF  }
0xda: {  	(tm) =	ssettm $0x7FFFFFFF  }
0xdb: {  	_ =	shalt  }
tec
execute0_lowered:
.L_overlay_start_1:
0x0: {  	(tag) =	ssettag $0x1  }
0x1: {  	s1 =	rddreg [dreg:$0x0]  }
0x2: {  	s0 =	rddreg [dreg:$0x1]  }
0x3: {  	s3 =	rddreg [dreg:$0x2];
	s2 =	srdreg.scid  }
0x4: {  	s5 =	stileid.u32;
	s4 =	rddreg [dreg:$0x3];
	s17 =	simm.s32 $0x5  }
0x5: {  	s18 =	simm.s32 $0x200;
	s19 =	simm.s32 $0xC8;
	s20 =	simm.s32 $0x400  }
0x6: {  	s28 =	simm.s32 $0x2;
	s29 =	simm.s32 $0x3;
	s30 =	simm.s32 $0x4  }
0x7: {  	s31 =	simm.s32 $0x0;
	s2 =	sand.u32 $0x1, s2;
	s6 =	sshll.u32 s5, $0x1  }
0x8: {  	s5 =	simm.s32 $0x0;
	s7 =	sadd.s32 $0x6400, s0;
	s6 =	sor.u32 s2, s6  }
0x9: {  	[smem:$0x7FF] =	sst s5;
	s21 =	ssub.s32 $0x2, s2;
	s6 =	smul.u32 $0x12C0, s6  }
0xa: {  	s8 =	sadd.s32 $0x2D600, s0;
	_ =	strace $0x8000004A;
	s9 =	sshrl.u32 s21, $0x1  }
0xb: {  	s0 =	ssub.s32 s21, s9;
	s21 =	simm.s32 $0xCC00;
	s22 =	sshrl.u32 s6, $0x3  }
0xc: {  	s10 =	sadd.s32 $0x96C8, s6;
	s13 =	sadd.s32 $0xC8, s6;
	s2 =	sadd.s32 $0x12C0, s22  }
0xd: {  	s14 =	sadd.s32 $0x9790, s6;
	s24 =	sshrl.u32 s10, $0x3;
	s23 =	sadd.s32 s3, s2  }
.Ltmp0:
0xe: {  	s2 =	sadd.s32 s4, s2;
	[dreg:$0x5] =	wrdreg s23;
	(pc) =	sbr.rel .LBB2_1-.Ltmp0, $4  }
0xf: {  	s15 =	sadd.s32 $0x9858, s6;
	s25 =	sadd.s32 s3, s24;
	[dreg:$0x6] =	wrdreg s2  }
0x10: {  	s16 =	smax.u32 s0, $0x1;
	s26 =	sadd.s32 s4, s24;
	[dreg:$0x7] =	wrdreg s25  }
0x11: {  	s22 =	simm.s32 $0x100;
	s24 =	simm.s32 $0x6800;
	[dreg:$0x8] =	wrdreg s26  }
0x12: {  	s23 =	simm.s32 $0x300;
	s25 =	simm.s32 $0x13000;
	s26 =	simm.s32 $0x1  }
.LBB2_8:
0x13: {  	s31 =	sadd.s32 $0x1, s31  }
0x14: {  	_ =	swait.ge [sflag:s29], $0x6400;
	p0 =	sne.s32 s31, s16  }
.Ltmp1:
0x15: {  	[sflag:s29] =	ssyncset.done $0x0;
	(pc) =	sbr.rel @!p0 .LBB2_9-.Ltmp1, $4  }
0x16: {  	[sflag:s29] =	ssyncadd.s32 $0xFFFF9C00  }
0x17: {  	_ =	swait.ge [sflag:s30], $0x6400  }
0x18: {  	[sflag:s30] =	ssyncset.done $0x0  }
0x19: {  	[sflag:s30] =	ssyncadd.s32 $0xFFFF9C00  }
.LBB2_1:
0x1a: {  	s0 =	rddreg [dreg:$0x5]  }
0x1b: {  	[tilespmem:s5], [sflag:$0x5] =	stream.linear.gather [hbm4b:s0+s5], $0xC8, $0x38;
	[tilespmem:$0x19400] =	vst v63  }
0x1c: {  	_ =	swait.ge [sflag:s17], $0xC8  }
0x1d: {  	[sflag:s17] =	ssyncset.done $0x0  }
0x1e: {  	s10 =	rddreg [dreg:$0x6];
	[sflag:s17] =	ssyncadd.s32 $0xFFFFFF38  }
0x1f: {  	[tilespmem:s18], [sflag:$0x5] =	stream.linear.gather [hbm4b:s10+s5], $0xC8, $0x38;
	[tilespmem:$0x19400] =	vst v63  }
0x20: {  	_ =	swait.ge [sflag:s17], $0xC8  }
0x21: {  	[sflag:s17] =	ssyncset.done $0x0  }
0x22: {  	[sflag:s17] =	ssyncadd.s32 $0xFFFFFF38  }
0x23: {  	[tilespmem:s20], [sflag:$0x1] =	stream.indirect.gather [hbm4b:s1+s19], $0x80, s5, s19, $0xb8;
	[tilespmem:$0x19400] =	vst v63  }
0x24: {  	_ = 	snop  }
0x25: {  	[tilespmem:s21], [sflag:$0x1] =	stream.indirect.gather [hbm4b:s7+s19], $0x80, s18, s19, $0xb8;
	[tilespmem:$0x19400] =	vst v63  }
0x26: {  	s11 =	rddreg [dreg:$0x7]  }
0x27: {  	[tilespmem:s22], [sflag:$0x5] =	stream.linear.gather [hbm4b:s11+s5], $0xC8, $0x38;
	[tilespmem:$0x19400] =	vst v63  }
0x28: {  	_ =	swait.ge [sflag:s17], $0xC8  }
0x29: {  	[sflag:s17] =	ssyncset.done $0x0  }
0x2a: {  	s12 =	rddreg [dreg:$0x8];
	[sflag:s17] =	ssyncadd.s32 $0xFFFFFF38  }
0x2b: {  	[tilespmem:s23], [sflag:$0x5] =	stream.linear.gather [hbm4b:s12+s5], $0xC8, $0x38;
	[tilespmem:$0x19400] =	vst v63  }
0x2c: {  	_ =	swait.ge [sflag:s17], $0xC8  }
0x2d: {  	[sflag:s17] =	ssyncset.done $0x0  }
0x2e: {  	[sflag:s17] =	ssyncadd.s32 $0xFFFFFF38  }
0x2f: {  	[tilespmem:s24], [sflag:$0x2] =	stream.indirect.gather [hbm4b:s1+s19], $0x80, s22, s19, $0xb8;
	[tilespmem:$0x19400] =	vst v63  }
0x30: {  	s2 =	simm.s32 $0x0  }
0x31: {  	[tilespmem:s25], [sflag:$0x2] =	stream.indirect.gather [hbm4b:s7+s19], $0x80, s23, s19, $0xb8;
	[tilespmem:$0x19400] =	vst v63  }
.LBB2_2:
0x32: {  	_ =	swait.ge [sflag:s26], $0x6400  }
0x33: {  	[sflag:s26] =	ssyncset.done $0x0  }
0x34: {  	[sflag:s26] =	ssyncadd.s32 $0xFFFF9C00  }
0x35: {  	_ =	swait.ge [sflag:s26], $0x6400  }
0x36: {  	[sflag:s26] =	ssyncset.done $0x0  }
0x37: {  	s9 =	simm.s32 $0x500;
	[sflag:s26] =	ssyncadd.s32 $0xFFFF9C00  }
0x38: {  	s0 =	simm.s32 $0xCD00;
	v0 =	vld [tilespmem:s9+$0x80]  }
0x39: {  	v1 =	vld [tilespmem:s0+$0x80]  }
0x3a: {  	v2 =	vld [tilespmem:s9+$0xFFFFFF80]  }
0x3b: {  	v3 =	vld [tilespmem:s0+$0xFFFFFF80]  }
0x3c: {  	v4 =	vld [tilespmem:s9+$0x0]  }
0x3d: {  	v5 =	vld [tilespmem:s0+$0x0]  }
0x3e: {  	v6 =	vld [tilespmem:s9+$0xFFFFFF00];
	v0 =	vadd.f32 v1, v0  }
0x3f: {  	v1 =	vld [tilespmem:s0+$0xFFFFFF00]  }
0x40: {  	[tilespmem:s9+$0x80] =	vst v0;
	v0 =	vld [tilespmem:s9+$0x90]  }
0x41: {  	v2 =	vadd.f32 v3, v2;
	v3 =	vld [tilespmem:s0+$0x90]  }
0x42: {  	v7 =	vld [tilespmem:s9+$0xFFFFFF10]  }
0x43: {  	[tilespmem:s9+$0xFFFFFF80] =	vst v2;
	v2 =	vadd.f32 v5, v4;
	v4 =	vld [tilespmem:s9+$0xFFFFFF90]  }
0x44: {  	v5 =	vld [tilespmem:s0+$0xFFFFFF90];
	v1 =	vadd.f32 v1, v6  }
0x45: {  	[tilespmem:s9+$0x0] =	vst v2;
	v2 =	vld [tilespmem:s9+$0x10]  }
0x46: {  	v6 =	vld [tilespmem:s0+$0x10];
	[tilespmem:s9+$0xFFFFFF00] =	vst v1;
	v0 =	vadd.f32 v3, v0  }
0x47: {  	v1 =	vld [tilespmem:s0+$0xFFFFFF10]  }
0x48: {  	[tilespmem:s9+$0x90] =	vst v0;
	v0 =	vld [tilespmem:s9+$0xA0]  }
0x49: {  	v3 =	vadd.f32 v5, v4;
	v4 =	vld [tilespmem:s0+$0xA0]  }
0x4a: {  	v5 =	vld [tilespmem:s9+$0xFFFFFF20]  }
0x4b: {  	[tilespmem:s9+$0xFFFFFF90] =	vst v3;
	v2 =	vadd.f32 v6, v2;
	v3 =	vld [tilespmem:s9+$0xFFFFFFA0]  }
0x4c: {  	v6 =	vld [tilespmem:s0+$0xFFFFFFA0];
	v1 =	vadd.f32 v1, v7  }
0x4d: {  	[tilespmem:s9+$0x10] =	vst v2;
	v2 =	vld [tilespmem:s9+$0x20]  }
0x4e: {  	v7 =	vld [tilespmem:s0+$0x20];
	[tilespmem:s9+$0xFFFFFF10] =	vst v1;
	v0 =	vadd.f32 v4, v0  }
0x4f: {  	v1 =	vld [tilespmem:s0+$0xFFFFFF20]  }
0x50: {  	[tilespmem:s9+$0xA0] =	vst v0;
	v0 =	vld [tilespmem:s9+$0xB0]  }
0x51: {  	v3 =	vadd.f32 v6, v3;
	v4 =	vld [tilespmem:s0+$0xB0]  }
0x52: {  	v6 =	vld [tilespmem:s9+$0xFFFFFF30]  }
0x53: {  	[tilespmem:s9+$0xFFFFFFA0] =	vst v3;
	v2 =	vadd.f32 v7, v2;
	v3 =	vld [tilespmem:s9+$0xFFFFFFB0]  }
0x54: {  	v7 =	vld [tilespmem:s0+$0xFFFFFFB0];
	v1 =	vadd.f32 v1, v5  }
0x55: {  	[tilespmem:s9+$0x20] =	vst v2;
	v2 =	vld [tilespmem:s9+$0x30]  }
0x56: {  	v5 =	vld [tilespmem:s0+$0x30];
	[tilespmem:s9+$0xFFFFFF20] =	vst v1;
	v0 =	vadd.f32 v4, v0  }
0x57: {  	v1 =	vld [tilespmem:s0+$0xFFFFFF30]  }
0x58: {  	[tilespmem:s9+$0xB0] =	vst v0;
	v0 =	vld [tilespmem:s9+$0xC0]  }
0x59: {  	v3 =	vadd.f32 v7, v3;
	v4 =	vld [tilespmem:s0+$0xC0]  }
0x5a: {  	v7 =	vld [tilespmem:s9+$0xFFFFFF40]  }
0x5b: {  	[tilespmem:s9+$0xFFFFFFB0] =	vst v3;
	v2 =	vadd.f32 v5, v2;
	v3 =	vld [tilespmem:s9+$0xFFFFFFC0]  }
0x5c: {  	v5 =	vld [tilespmem:s0+$0xFFFFFFC0];
	v1 =	vadd.f32 v1, v6  }
0x5d: {  	[tilespmem:s9+$0x30] =	vst v2;
	v2 =	vld [tilespmem:s9+$0x40]  }
0x5e: {  	v6 =	vld [tilespmem:s0+$0x40];
	[tilespmem:s9+$0xFFFFFF30] =	vst v1;
	v0 =	vadd.f32 v4, v0  }
0x5f: {  	v1 =	vld [tilespmem:s0+$0xFFFFFF40]  }
0x60: {  	[tilespmem:s9+$0xC0] =	vst v0;
	v0 =	vld [tilespmem:s9+$0xD0]  }
0x61: {  	v3 =	vadd.f32 v5, v3;
	v4 =	vld [tilespmem:s0+$0xD0]  }
0x62: {  	v5 =	vld [tilespmem:s9+$0xFFFFFF50]  }
0x63: {  	[tilespmem:s9+$0xFFFFFFC0] =	vst v3;
	v2 =	vadd.f32 v6, v2;
	v3 =	vld [tilespmem:s9+$0xFFFFFFD0]  }
0x64: {  	v6 =	vld [tilespmem:s0+$0xFFFFFFD0];
	v1 =	vadd.f32 v1, v7  }
0x65: {  	[tilespmem:s9+$0x40] =	vst v2;
	v2 =	vld [tilespmem:s9+$0x50]  }
0x66: {  	v7 =	vld [tilespmem:s0+$0x50];
	[tilespmem:s9+$0xFFFFFF40] =	vst v1;
	v0 =	vadd.f32 v4, v0  }
0x67: {  	v1 =	vld [tilespmem:s0+$0xFFFFFF50]  }
0x68: {  	[tilespmem:s9+$0xD0] =	vst v0;
	v0 =	vld [tilespmem:s9+$0xE0]  }
0x69: {  	v3 =	vadd.f32 v6, v3;
	v4 =	vld [tilespmem:s0+$0xE0]  }
0x6a: {  	v6 =	vld [tilespmem:s9+$0xFFFFFF60]  }
0x6b: {  	[tilespmem:s9+$0xFFFFFFD0] =	vst v3;
	v2 =	vadd.f32 v7, v2;
	v3 =	vld [tilespmem:s9+$0xFFFFFFE0]  }
0x6c: {  	v7 =	vld [tilespmem:s0+$0xFFFFFFE0];
	v1 =	vadd.f32 v1, v5  }
0x6d: {  	[tilespmem:s9+$0x50] =	vst v2;
	v2 =	vld [tilespmem:s9+$0x60]  }
0x6e: {  	v5 =	vld [tilespmem:s0+$0x60];
	[tilespmem:s9+$0xFFFFFF50] =	vst v1;
	v0 =	vadd.f32 v4, v0  }
0x6f: {  	v4 =	vld [tilespmem:s0+$0xFFFFFF60]  }
0x70: {  	v8 =	vld [tilespmem:s9+$0xF0];
	[tilespmem:s9+$0xE0] =	vst v0  }
0x71: {  	v1 =	vadd.f32 v7, v3;
	v7 =	vld [tilespmem:s0+$0xF0]  }
0x72: {  	v0 =	vld [tilespmem:s9+$0xFFFFFF70]  }
0x73: {  	[tilespmem:s9+$0xFFFFFFE0] =	vst v1;
	v2 =	vadd.f32 v5, v2;
	v1 =	vld [tilespmem:s9+$0xFFFFFFF0]  }
0x74: {  	v3 =	vld [tilespmem:s0+$0xFFFFFFF0];
	v4 =	vadd.f32 v4, v6  }
0x75: {  	[tilespmem:s9+$0x60] =	vst v2;
	v2 =	vld [tilespmem:s9+$0x70]  }
0x76: {  	[tilespmem:s9+$0xFFFFFF60] =	vst v4;
	v4 =	vld [tilespmem:s0+$0x70];
	v6 =	vadd.f32 v7, v8  }
0x77: {  	s10 =	simm.s32 $0x0;
	s11 =	simm.s32 $0x700;
	v5 =	vld [tilespmem:s0+$0xFFFFFF70]  }
.LBB2_3:
0x78: {  	v7 =	vld [tilespmem:s11+$0x80];
	[tilespmem:s9+$0xF0] =	vst v6;
	s0 =	sadd.s32 $0x200, s0  }
0x79: {  	s10 =	sadd.s32 $0x4, s10;
	v6 =	vld [tilespmem:s0+$0x80];
	v1 =	vadd.f32 v3, v1  }
0x7a: {  	p0 =	slt.u32 s10, $0xC4;
	v3 =	vld [tilespmem:s0+$0xFFFFFF00]  }
0x7b: {  	v8 =	vld [tilespmem:s11+$0xFFFFFF80];
	[tilespmem:s9+$0xFFFFFFF0] =	vst v1;
	v1 =	vadd.f32 v4, v2  }
0x7c: {  	v2 =	vld [tilespmem:s0+$0xFFFFFF80];
	v0 =	vadd.f32 v5, v0  }
0x7d: {  	v4 =	vld [tilespmem:s11+$0x0];
	[tilespmem:s9+$0x70] =	vst v1  }
0x7e: {  	v1 =	vld [tilespmem:s0+$0x0];
	v5 =	vadd.f32 v6, v7;
	[tilespmem:s9+$0xFFFFFF70] =	vst v0;
	s9 =	smov.u32 s11  }
0x7f: {  	v0 =	vld [tilespmem:s11+$0xFFFFFF00]  }
0x80: {  	[tilespmem:s11+$0x80] =	vst v5;
	v5 =	vld [tilespmem:s11+$0x90]  }
0x81: {  	v2 =	vadd.f32 v2, v8;
	v6 =	vld [tilespmem:s0+$0x90]  }
0x82: {  	v7 =	vld [tilespmem:s11+$0xFFFFFF10]  }
0x83: {  	[tilespmem:s11+$0xFFFFFF80] =	vst v2;
	v2 =	vld [tilespmem:s11+$0xFFFFFF90];
	v1 =	vadd.f32 v1, v4  }
0x84: {  	v0 =	vadd.f32 v3, v0;
	v3 =	vld [tilespmem:s0+$0xFFFFFF90]  }
0x85: {  	[tilespmem:s11+$0x0] =	vst v1;
	v1 =	vld [tilespmem:s11+$0x10]  }
0x86: {  	[tilespmem:s11+$0xFFFFFF00] =	vst v0;
	v0 =	vld [tilespmem:s0+$0x10];
	v4 =	vadd.f32 v6, v5  }
0x87: {  	v5 =	vld [tilespmem:s0+$0xFFFFFF10]  }
0x88: {  	[tilespmem:s11+$0x90] =	vst v4;
	v4 =	vld [tilespmem:s11+$0xA0]  }
0x89: {  	v2 =	vadd.f32 v3, v2;
	v3 =	vld [tilespmem:s0+$0xA0]  }
0x8a: {  	v6 =	vld [tilespmem:s11+$0xFFFFFF20]  }
0x8b: {  	[tilespmem:s11+$0xFFFFFF90] =	vst v2;
	v2 =	vld [tilespmem:s11+$0xFFFFFFA0];
	v0 =	vadd.f32 v0, v1  }
0x8c: {  	v1 =	vadd.f32 v5, v7;
	v5 =	vld [tilespmem:s0+$0xFFFFFFA0]  }
0x8d: {  	[tilespmem:s11+$0x10] =	vst v0;
	v0 =	vld [tilespmem:s11+$0x20]  }
0x8e: {  	[tilespmem:s11+$0xFFFFFF10] =	vst v1;
	v1 =	vld [tilespmem:s0+$0x20];
	v3 =	vadd.f32 v3, v4  }
0x8f: {  	v4 =	vld [tilespmem:s0+$0xFFFFFF20]  }
0x90: {  	[tilespmem:s11+$0xA0] =	vst v3;
	v3 =	vld [tilespmem:s11+$0xB0]  }
0x91: {  	v2 =	vadd.f32 v5, v2;
	v5 =	vld [tilespmem:s0+$0xB0]  }
0x92: {  	v7 =	vld [tilespmem:s11+$0xFFFFFF30]  }
0x93: {  	[tilespmem:s11+$0xFFFFFFA0] =	vst v2;
	v2 =	vld [tilespmem:s11+$0xFFFFFFB0];
	v0 =	vadd.f32 v1, v0  }
0x94: {  	v1 =	vadd.f32 v4, v6;
	v4 =	vld [tilespmem:s0+$0xFFFFFFB0]  }
0x95: {  	[tilespmem:s11+$0x20] =	vst v0;
	v0 =	vld [tilespmem:s11+$0x30]  }
0x96: {  	[tilespmem:s11+$0xFFFFFF20] =	vst v1;
	v1 =	vld [tilespmem:s0+$0x30];
	v3 =	vadd.f32 v5, v3  }
0x97: {  	v5 =	vld [tilespmem:s0+$0xFFFFFF30]  }
0x98: {  	[tilespmem:s11+$0xB0] =	vst v3;
	v3 =	vld [tilespmem:s11+$0xC0]  }
0x99: {  	v2 =	vadd.f32 v4, v2;
	v4 =	vld [tilespmem:s0+$0xC0]  }
0x9a: {  	v6 =	vld [tilespmem:s11+$0xFFFFFF40]  }
0x9b: {  	[tilespmem:s11+$0xFFFFFFB0] =	vst v2;
	v2 =	vld [tilespmem:s11+$0xFFFFFFC0];
	v0 =	vadd.f32 v1, v0  }
0x9c: {  	v1 =	vadd.f32 v5, v7;
	v5 =	vld [tilespmem:s0+$0xFFFFFFC0]  }
0x9d: {  	[tilespmem:s11+$0x30] =	vst v0;
	v0 =	vld [tilespmem:s11+$0x40]  }
0x9e: {  	[tilespmem:s11+$0xFFFFFF30] =	vst v1;
	v1 =	vld [tilespmem:s0+$0x40];
	v3 =	vadd.f32 v4, v3  }
0x9f: {  	v4 =	vld [tilespmem:s0+$0xFFFFFF40]  }
0xa0: {  	[tilespmem:s11+$0xC0] =	vst v3;
	v3 =	vld [tilespmem:s11+$0xD0]  }
0xa1: {  	v2 =	vadd.f32 v5, v2;
	v5 =	vld [tilespmem:s0+$0xD0]  }
0xa2: {  	v7 =	vld [tilespmem:s11+$0xFFFFFF50]  }
0xa3: {  	[tilespmem:s11+$0xFFFFFFC0] =	vst v2;
	v2 =	vld [tilespmem:s11+$0xFFFFFFD0];
	v0 =	vadd.f32 v1, v0  }
0xa4: {  	v1 =	vadd.f32 v4, v6;
	v4 =	vld [tilespmem:s0+$0xFFFFFFD0]  }
0xa5: {  	[tilespmem:s11+$0x40] =	vst v0;
	v0 =	vld [tilespmem:s11+$0x50]  }
0xa6: {  	[tilespmem:s11+$0xFFFFFF40] =	vst v1;
	v1 =	vld [tilespmem:s0+$0x50];
	v3 =	vadd.f32 v5, v3  }
0xa7: {  	v5 =	vld [tilespmem:s0+$0xFFFFFF50]  }
0xa8: {  	[tilespmem:s11+$0xD0] =	vst v3;
	v3 =	vld [tilespmem:s11+$0xE0]  }
0xa9: {  	v2 =	vadd.f32 v4, v2;
	v4 =	vld [tilespmem:s0+$0xE0]  }
0xaa: {  	v6 =	vld [tilespmem:s11+$0xFFFFFF60]  }
0xab: {  	[tilespmem:s11+$0xFFFFFFD0] =	vst v2;
	v2 =	vld [tilespmem:s11+$0xFFFFFFE0];
	v0 =	vadd.f32 v1, v0  }
0xac: {  	v1 =	vadd.f32 v5, v7;
	v5 =	vld [tilespmem:s0+$0xFFFFFFE0]  }
0xad: {  	[tilespmem:s11+$0x50] =	vst v0;
	v7 =	vld [tilespmem:s11+$0x60]  }
0xae: {  	[tilespmem:s11+$0xFFFFFF50] =	vst v1;
	v8 =	vld [tilespmem:s0+$0x60];
	v0 =	vadd.f32 v4, v3  }
0xaf: {  	v3 =	vld [tilespmem:s0+$0xFFFFFF60]  }
0xb0: {  	[tilespmem:s11+$0xE0] =	vst v0;
	v9 =	vld [tilespmem:s11+$0xF0]  }
0xb1: {  	v1 =	vadd.f32 v5, v2;
	v5 =	vld [tilespmem:s0+$0xF0]  }
0xb2: {  	v0 =	vld [tilespmem:s11+$0xFFFFFF70]  }
.Ltmp2:
0xb3: {  	[tilespmem:s11+$0xFFFFFFE0] =	vst v1;
	v1 =	vld [tilespmem:s11+$0xFFFFFFF0];
	v2 =	vadd.f32 v8, v7;
	(pc) =	sbr.rel @p0 .LBB2_3-.Ltmp2, $4  }
0xb4: {  	v4 =	vadd.f32 v3, v6;
	v3 =	vld [tilespmem:s0+$0xFFFFFFF0]  }
0xb5: {  	[tilespmem:s11+$0x60] =	vst v2;
	v2 =	vld [tilespmem:s11+$0x70]  }
0xb6: {  	[tilespmem:s11+$0xFFFFFF60] =	vst v4;
	v4 =	vld [tilespmem:s0+$0x70];
	v6 =	vadd.f32 v5, v9  }
0xb7: {  	s11 =	sadd.s32 $0x200, s11;
	v5 =	vld [tilespmem:s0+$0xFFFFFF70]  }
0xb8: {  	_ =	sdelay $0x1  }
0xb9: {  	s0 =	smul.u32 $0x190, s2;
	v1 =	vadd.f32 v3, v1  }
0xba: {  	[tilespmem:s9+$0xF0] =	vst v6;
	v2 =	vadd.f32 v4, v2  }
0xbb: {  	s10 =	sadd.s32 s6, s0;
	[tilespmem:s9+$0xFFFFFFF0] =	vst v1;
	v0 =	vadd.f32 v5, v0  }
0xbc: {  	s10 =	sshll.u32 s10, $0x4;
	[tilespmem:s9+$0x70] =	vst v2  }
0xbd: {  	s12 =	sadd.s32 s8, s10;
	[tilespmem:s9+$0xFFFFFF70] =	vst v0  }
0xbe: {  	[hbm4b:s12+s5] =	stream.linear.scatter [tilespmem:s20], [sflag:$0x3], $0x6400, $0x38;
	[tilespmem:$0x19400] =	vst v63  }
0xbf: {  	_ =	swait.ge [sflag:s28], $0x6400  }
0xc0: {  	[sflag:s28] =	ssyncset.done $0x0  }
0xc1: {  	[sflag:s28] =	ssyncadd.s32 $0xFFFF9C00  }
0xc2: {  	_ =	swait.ge [sflag:s28], $0x6400  }
0xc3: {  	[sflag:s28] =	ssyncset.done $0x0  }
0xc4: {  	s9 =	simm.s32 $0x6900;
	[sflag:s28] =	ssyncadd.s32 $0xFFFF9C00  }
0xc5: {  	s10 =	simm.s32 $0x13100;
	v0 =	vld [tilespmem:s9+$0x80]  }
0xc6: {  	v1 =	vld [tilespmem:s10+$0x80]  }
0xc7: {  	v2 =	vld [tilespmem:s9+$0xFFFFFF80]  }
0xc8: {  	v3 =	vld [tilespmem:s10+$0xFFFFFF80]  }
0xc9: {  	v4 =	vld [tilespmem:s9+$0x0]  }
0xca: {  	v5 =	vld [tilespmem:s10+$0x0]  }
0xcb: {  	v6 =	vld [tilespmem:s9+$0xFFFFFF00];
	v0 =	vadd.f32 v1, v0  }
0xcc: {  	v1 =	vld [tilespmem:s10+$0xFFFFFF00]  }
0xcd: {  	[tilespmem:s9+$0x80] =	vst v0;
	v0 =	vld [tilespmem:s9+$0x90]  }
0xce: {  	v2 =	vadd.f32 v3, v2;
	v3 =	vld [tilespmem:s10+$0x90]  }
0xcf: {  	v7 =	vld [tilespmem:s9+$0xFFFFFF10]  }
0xd0: {  	[tilespmem:s9+$0xFFFFFF80] =	vst v2;
	v2 =	vadd.f32 v5, v4;
	v4 =	vld [tilespmem:s9+$0xFFFFFF90]  }
0xd1: {  	v5 =	vld [tilespmem:s10+$0xFFFFFF90];
	v1 =	vadd.f32 v1, v6  }
0xd2: {  	[tilespmem:s9+$0x0] =	vst v2;
	v2 =	vld [tilespmem:s9+$0x10]  }
0xd3: {  	v6 =	vld [tilespmem:s10+$0x10];
	[tilespmem:s9+$0xFFFFFF00] =	vst v1;
	v0 =	vadd.f32 v3, v0  }
0xd4: {  	v1 =	vld [tilespmem:s10+$0xFFFFFF10]  }
0xd5: {  	[tilespmem:s9+$0x90] =	vst v0;
	v0 =	vld [tilespmem:s9+$0xA0]  }
0xd6: {  	v3 =	vadd.f32 v5, v4;
	v4 =	vld [tilespmem:s10+$0xA0]  }
0xd7: {  	v5 =	vld [tilespmem:s9+$0xFFFFFF20]  }
0xd8: {  	[tilespmem:s9+$0xFFFFFF90] =	vst v3;
	v2 =	vadd.f32 v6, v2;
	v3 =	vld [tilespmem:s9+$0xFFFFFFA0]  }
0xd9: {  	v6 =	vld [tilespmem:s10+$0xFFFFFFA0];
	v1 =	vadd.f32 v1, v7  }
0xda: {  	[tilespmem:s9+$0x10] =	vst v2;
	v2 =	vld [tilespmem:s9+$0x20]  }
0xdb: {  	v7 =	vld [tilespmem:s10+$0x20];
	[tilespmem:s9+$0xFFFFFF10] =	vst v1;
	v0 =	vadd.f32 v4, v0  }
0xdc: {  	v1 =	vld [tilespmem:s10+$0xFFFFFF20]  }
0xdd: {  	[tilespmem:s9+$0xA0] =	vst v0;
	v0 =	vld [tilespmem:s9+$0xB0]  }
0xde: {  	v3 =	vadd.f32 v6, v3;
	v4 =	vld [tilespmem:s10+$0xB0]  }
0xdf: {  	v6 =	vld [tilespmem:s9+$0xFFFFFF30]  }
0xe0: {  	[tilespmem:s9+$0xFFFFFFA0] =	vst v3;
	v2 =	vadd.f32 v7, v2;
	v3 =	vld [tilespmem:s9+$0xFFFFFFB0]  }
0xe1: {  	v7 =	vld [tilespmem:s10+$0xFFFFFFB0];
	v1 =	vadd.f32 v1, v5  }
0xe2: {  	[tilespmem:s9+$0x20] =	vst v2;
	v2 =	vld [tilespmem:s9+$0x30]  }
0xe3: {  	v5 =	vld [tilespmem:s10+$0x30];
	[tilespmem:s9+$0xFFFFFF20] =	vst v1;
	v0 =	vadd.f32 v4, v0  }
0xe4: {  	v1 =	vld [tilespmem:s10+$0xFFFFFF30]  }
0xe5: {  	[tilespmem:s9+$0xB0] =	vst v0;
	v0 =	vld [tilespmem:s9+$0xC0]  }
0xe6: {  	v3 =	vadd.f32 v7, v3;
	v4 =	vld [tilespmem:s10+$0xC0]  }
0xe7: {  	v7 =	vld [tilespmem:s9+$0xFFFFFF40]  }
0xe8: {  	[tilespmem:s9+$0xFFFFFFB0] =	vst v3;
	v2 =	vadd.f32 v5, v2;
	v3 =	vld [tilespmem:s9+$0xFFFFFFC0]  }
0xe9: {  	v5 =	vld [tilespmem:s10+$0xFFFFFFC0];
	v1 =	vadd.f32 v1, v6  }
0xea: {  	[tilespmem:s9+$0x30] =	vst v2;
	v2 =	vld [tilespmem:s9+$0x40]  }
0xeb: {  	v6 =	vld [tilespmem:s10+$0x40];
	[tilespmem:s9+$0xFFFFFF30] =	vst v1;
	v0 =	vadd.f32 v4, v0  }
0xec: {  	v1 =	vld [tilespmem:s10+$0xFFFFFF40]  }
0xed: {  	[tilespmem:s9+$0xC0] =	vst v0;
	v0 =	vld [tilespmem:s9+$0xD0]  }
0xee: {  	v3 =	vadd.f32 v5, v3;
	v4 =	vld [tilespmem:s10+$0xD0]  }
0xef: {  	v5 =	vld [tilespmem:s9+$0xFFFFFF50]  }
0xf0: {  	[tilespmem:s9+$0xFFFFFFC0] =	vst v3;
	v2 =	vadd.f32 v6, v2;
	v3 =	vld [tilespmem:s9+$0xFFFFFFD0]  }
0xf1: {  	v6 =	vld [tilespmem:s10+$0xFFFFFFD0];
	v1 =	vadd.f32 v1, v7  }
0xf2: {  	[tilespmem:s9+$0x40] =	vst v2;
	v2 =	vld [tilespmem:s9+$0x50]  }
0xf3: {  	v7 =	vld [tilespmem:s10+$0x50];
	[tilespmem:s9+$0xFFFFFF40] =	vst v1;
	v0 =	vadd.f32 v4, v0  }
0xf4: {  	v1 =	vld [tilespmem:s10+$0xFFFFFF50]  }
0xf5: {  	[tilespmem:s9+$0xD0] =	vst v0;
	v0 =	vld [tilespmem:s9+$0xE0]  }
0xf6: {  	v3 =	vadd.f32 v6, v3;
	v4 =	vld [tilespmem:s10+$0xE0]  }
0xf7: {  	v6 =	vld [tilespmem:s9+$0xFFFFFF60]  }
0xf8: {  	[tilespmem:s9+$0xFFFFFFD0] =	vst v3;
	v2 =	vadd.f32 v7, v2;
	v3 =	vld [tilespmem:s9+$0xFFFFFFE0]  }
0xf9: {  	v7 =	vld [tilespmem:s10+$0xFFFFFFE0];
	v1 =	vadd.f32 v1, v5  }
0xfa: {  	[tilespmem:s9+$0x50] =	vst v2;
	v2 =	vld [tilespmem:s9+$0x60]  }
0xfb: {  	v5 =	vld [tilespmem:s10+$0x60];
	[tilespmem:s9+$0xFFFFFF50] =	vst v1;
	v0 =	vadd.f32 v4, v0  }
0xfc: {  	v4 =	vld [tilespmem:s10+$0xFFFFFF60]  }
0xfd: {  	v8 =	vld [tilespmem:s9+$0xF0];
	[tilespmem:s9+$0xE0] =	vst v0  }
0xfe: {  	v1 =	vadd.f32 v7, v3;
	v7 =	vld [tilespmem:s10+$0xF0]  }
0xff: {  	v0 =	vld [tilespmem:s9+$0xFFFFFF70]  }
0x100: {  	[tilespmem:s9+$0xFFFFFFE0] =	vst v1;
	v2 =	vadd.f32 v5, v2;
	v1 =	vld [tilespmem:s9+$0xFFFFFFF0]  }
0x101: {  	v3 =	vld [tilespmem:s10+$0xFFFFFFF0];
	v4 =	vadd.f32 v4, v6  }
0x102: {  	[tilespmem:s9+$0x60] =	vst v2;
	v2 =	vld [tilespmem:s9+$0x70]  }
0x103: {  	[tilespmem:s9+$0xFFFFFF60] =	vst v4;
	v4 =	vld [tilespmem:s10+$0x70];
	v6 =	vadd.f32 v7, v8  }
0x104: {  	s11 =	simm.s32 $0x0;
	s12 =	simm.s32 $0x6B00;
	v5 =	vld [tilespmem:s10+$0xFFFFFF70]  }
.LBB2_5:
0x105: {  	v7 =	vld [tilespmem:s12+$0x80];
	[tilespmem:s9+$0xF0] =	vst v6;
	s10 =	sadd.s32 $0x200, s10  }
0x106: {  	s11 =	sadd.s32 $0x4, s11;
	v6 =	vld [tilespmem:s10+$0x80];
	v1 =	vadd.f32 v3, v1  }
0x107: {  	p0 =	slt.u32 s11, $0xC4;
	v3 =	vld [tilespmem:s10+$0xFFFFFF00]  }
0x108: {  	v8 =	vld [tilespmem:s12+$0xFFFFFF80];
	[tilespmem:s9+$0xFFFFFFF0] =	vst v1;
	v1 =	vadd.f32 v4, v2  }
0x109: {  	v2 =	vld [tilespmem:s10+$0xFFFFFF80];
	v0 =	vadd.f32 v5, v0  }
0x10a: {  	v4 =	vld [tilespmem:s12+$0x0];
	[tilespmem:s9+$0x70] =	vst v1  }
0x10b: {  	v1 =	vld [tilespmem:s10+$0x0];
	v5 =	vadd.f32 v6, v7;
	[tilespmem:s9+$0xFFFFFF70] =	vst v0;
	s9 =	smov.u32 s12  }
0x10c: {  	v0 =	vld [tilespmem:s12+$0xFFFFFF00]  }
0x10d: {  	[tilespmem:s12+$0x80] =	vst v5;
	v5 =	vld [tilespmem:s12+$0x90]  }
0x10e: {  	v2 =	vadd.f32 v2, v8;
	v6 =	vld [tilespmem:s10+$0x90]  }
0x10f: {  	v7 =	vld [tilespmem:s12+$0xFFFFFF10]  }
0x110: {  	[tilespmem:s12+$0xFFFFFF80] =	vst v2;
	v2 =	vld [tilespmem:s12+$0xFFFFFF90];
	v1 =	vadd.f32 v1, v4  }
0x111: {  	v0 =	vadd.f32 v3, v0;
	v3 =	vld [tilespmem:s10+$0xFFFFFF90]  }
0x112: {  	[tilespmem:s12+$0x0] =	vst v1;
	v1 =	vld [tilespmem:s12+$0x10]  }
0x113: {  	[tilespmem:s12+$0xFFFFFF00] =	vst v0;
	v0 =	vld [tilespmem:s10+$0x10];
	v4 =	vadd.f32 v6, v5  }
0x114: {  	v5 =	vld [tilespmem:s10+$0xFFFFFF10]  }
0x115: {  	[tilespmem:s12+$0x90] =	vst v4;
	v4 =	vld [tilespmem:s12+$0xA0]  }
0x116: {  	v2 =	vadd.f32 v3, v2;
	v3 =	vld [tilespmem:s10+$0xA0]  }
0x117: {  	v6 =	vld [tilespmem:s12+$0xFFFFFF20]  }
0x118: {  	[tilespmem:s12+$0xFFFFFF90] =	vst v2;
	v2 =	vld [tilespmem:s12+$0xFFFFFFA0];
	v0 =	vadd.f32 v0, v1  }
0x119: {  	v1 =	vadd.f32 v5, v7;
	v5 =	vld [tilespmem:s10+$0xFFFFFFA0]  }
0x11a: {  	[tilespmem:s12+$0x10] =	vst v0;
	v0 =	vld [tilespmem:s12+$0x20]  }
0x11b: {  	[tilespmem:s12+$0xFFFFFF10] =	vst v1;
	v1 =	vld [tilespmem:s10+$0x20];
	v3 =	vadd.f32 v3, v4  }
0x11c: {  	v4 =	vld [tilespmem:s10+$0xFFFFFF20]  }
0x11d: {  	[tilespmem:s12+$0xA0] =	vst v3;
	v3 =	vld [tilespmem:s12+$0xB0]  }
0x11e: {  	v2 =	vadd.f32 v5, v2;
	v5 =	vld [tilespmem:s10+$0xB0]  }
0x11f: {  	v7 =	vld [tilespmem:s12+$0xFFFFFF30]  }
0x120: {  	[tilespmem:s12+$0xFFFFFFA0] =	vst v2;
	v2 =	vld [tilespmem:s12+$0xFFFFFFB0];
	v0 =	vadd.f32 v1, v0  }
0x121: {  	v1 =	vadd.f32 v4, v6;
	v4 =	vld [tilespmem:s10+$0xFFFFFFB0]  }
0x122: {  	[tilespmem:s12+$0x20] =	vst v0;
	v0 =	vld [tilespmem:s12+$0x30]  }
0x123: {  	[tilespmem:s12+$0xFFFFFF20] =	vst v1;
	v1 =	vld [tilespmem:s10+$0x30];
	v3 =	vadd.f32 v5, v3  }
0x124: {  	v5 =	vld [tilespmem:s10+$0xFFFFFF30]  }
0x125: {  	[tilespmem:s12+$0xB0] =	vst v3;
	v3 =	vld [tilespmem:s12+$0xC0]  }
0x126: {  	v2 =	vadd.f32 v4, v2;
	v4 =	vld [tilespmem:s10+$0xC0]  }
0x127: {  	v6 =	vld [tilespmem:s12+$0xFFFFFF40]  }
0x128: {  	[tilespmem:s12+$0xFFFFFFB0] =	vst v2;
	v2 =	vld [tilespmem:s12+$0xFFFFFFC0];
	v0 =	vadd.f32 v1, v0  }
0x129: {  	v1 =	vadd.f32 v5, v7;
	v5 =	vld [tilespmem:s10+$0xFFFFFFC0]  }
0x12a: {  	[tilespmem:s12+$0x30] =	vst v0;
	v0 =	vld [tilespmem:s12+$0x40]  }
0x12b: {  	[tilespmem:s12+$0xFFFFFF30] =	vst v1;
	v1 =	vld [tilespmem:s10+$0x40];
	v3 =	vadd.f32 v4, v3  }
0x12c: {  	v4 =	vld [tilespmem:s10+$0xFFFFFF40]  }
0x12d: {  	[tilespmem:s12+$0xC0] =	vst v3;
	v3 =	vld [tilespmem:s12+$0xD0]  }
0x12e: {  	v2 =	vadd.f32 v5, v2;
	v5 =	vld [tilespmem:s10+$0xD0]  }
0x12f: {  	v7 =	vld [tilespmem:s12+$0xFFFFFF50]  }
0x130: {  	[tilespmem:s12+$0xFFFFFFC0] =	vst v2;
	v2 =	vld [tilespmem:s12+$0xFFFFFFD0];
	v0 =	vadd.f32 v1, v0  }
0x131: {  	v1 =	vadd.f32 v4, v6;
	v4 =	vld [tilespmem:s10+$0xFFFFFFD0]  }
0x132: {  	[tilespmem:s12+$0x40] =	vst v0;
	v0 =	vld [tilespmem:s12+$0x50]  }
0x133: {  	[tilespmem:s12+$0xFFFFFF40] =	vst v1;
	v1 =	vld [tilespmem:s10+$0x50];
	v3 =	vadd.f32 v5, v3  }
0x134: {  	v5 =	vld [tilespmem:s10+$0xFFFFFF50]  }
0x135: {  	[tilespmem:s12+$0xD0] =	vst v3;
	v3 =	vld [tilespmem:s12+$0xE0]  }
0x136: {  	v2 =	vadd.f32 v4, v2;
	v4 =	vld [tilespmem:s10+$0xE0]  }
0x137: {  	v6 =	vld [tilespmem:s12+$0xFFFFFF60]  }
0x138: {  	[tilespmem:s12+$0xFFFFFFD0] =	vst v2;
	v2 =	vld [tilespmem:s12+$0xFFFFFFE0];
	v0 =	vadd.f32 v1, v0  }
0x139: {  	v1 =	vadd.f32 v5, v7;
	v5 =	vld [tilespmem:s10+$0xFFFFFFE0]  }
0x13a: {  	[tilespmem:s12+$0x50] =	vst v0;
	v7 =	vld [tilespmem:s12+$0x60]  }
0x13b: {  	[tilespmem:s12+$0xFFFFFF50] =	vst v1;
	v8 =	vld [tilespmem:s10+$0x60];
	v0 =	vadd.f32 v4, v3  }
0x13c: {  	v3 =	vld [tilespmem:s10+$0xFFFFFF60]  }
0x13d: {  	[tilespmem:s12+$0xE0] =	vst v0;
	v9 =	vld [tilespmem:s12+$0xF0]  }
0x13e: {  	v1 =	vadd.f32 v5, v2;
	v5 =	vld [tilespmem:s10+$0xF0]  }
0x13f: {  	v0 =	vld [tilespmem:s12+$0xFFFFFF70]  }
.Ltmp3:
0x140: {  	[tilespmem:s12+$0xFFFFFFE0] =	vst v1;
	v1 =	vld [tilespmem:s12+$0xFFFFFFF0];
	v2 =	vadd.f32 v8, v7;
	(pc) =	sbr.rel @p0 .LBB2_5-.Ltmp3, $4  }
0x141: {  	v4 =	vadd.f32 v3, v6;
	v3 =	vld [tilespmem:s10+$0xFFFFFFF0]  }
0x142: {  	[tilespmem:s12+$0x60] =	vst v2;
	v2 =	vld [tilespmem:s12+$0x70]  }
0x143: {  	[tilespmem:s12+$0xFFFFFF60] =	vst v4;
	v4 =	vld [tilespmem:s10+$0x70];
	v6 =	vadd.f32 v5, v9  }
0x144: {  	s12 =	sadd.s32 $0x200, s12;
	v5 =	vld [tilespmem:s10+$0xFFFFFF70]  }
0x145: {  	_ =	sdelay $0x1  }
0x146: {  	p0 =	seq.s32 s2, $0xB;
	v1 =	vadd.f32 v3, v1  }
.Ltmp4:
0x147: {  	[tilespmem:s9+$0xF0] =	vst v6;
	v2 =	vadd.f32 v4, v2;
	(pc) =	sbr.rel @p0 .LBB2_8-.Ltmp4, $4  }
0x148: {  	s10 =	sadd.s32 s0, s13;
	[tilespmem:s9+$0xFFFFFFF0] =	vst v1;
	v0 =	vadd.f32 v5, v0  }
0x149: {  	s10 =	sshll.u32 s10, $0x4;
	[tilespmem:s9+$0x70] =	vst v2  }
0x14a: {  	s12 =	sadd.s32 s8, s10;
	[tilespmem:s9+$0xFFFFFF70] =	vst v0  }
0x14b: {  	[hbm4b:s12+s5] =	stream.linear.scatter [tilespmem:s24], [sflag:$0x4], $0x6400, $0x38;
	[tilespmem:$0x19400] =	vst v63  }
0x14c: {  	s9 =	sadd.s32 s0, s14  }
0x14d: {  	s9 =	sshrl.u32 s9, $0x3  }
0x14e: {  	s10 =	sadd.s32 s3, s9  }
0x14f: {  	[tilespmem:s5], [sflag:$0x5] =	stream.linear.gather [hbm4b:s10+s5], $0xC8, $0x38;
	[tilespmem:$0x19400] =	vst v63  }
0x150: {  	_ =	swait.ge [sflag:s17], $0xC8  }
0x151: {  	[sflag:s17] =	ssyncset.done $0x0  }
0x152: {  	s9 =	sadd.s32 s4, s9;
	[sflag:s17] =	ssyncadd.s32 $0xFFFFFF38  }
0x153: {  	[tilespmem:s18], [sflag:$0x5] =	stream.linear.gather [hbm4b:s9+s5], $0xC8, $0x38;
	[tilespmem:$0x19400] =	vst v63  }
0x154: {  	_ =	swait.ge [sflag:s17], $0xC8  }
0x155: {  	[sflag:s17] =	ssyncset.done $0x0  }
0x156: {  	[sflag:s17] =	ssyncadd.s32 $0xFFFFFF38  }
0x157: {  	_ =	swait.ge [sflag:s29], $0x6400  }
0x158: {  	[sflag:s29] =	ssyncset.done $0x0  }
0x159: {  	s11 =	sadd.s32 s0, s15;
	[sflag:s29] =	ssyncadd.s32 $0xFFFF9C00  }
0x15a: {  	[tilespmem:s20], [sflag:$0x1] =	stream.indirect.gather [hbm4b:s1+s19], $0x80, s5, s19, $0xb8;
	[tilespmem:$0x19400] =	vst v63  }
0x15b: {  	s0 =	sshrl.u32 s11, $0x3  }
0x15c: {  	[tilespmem:s21], [sflag:$0x1] =	stream.indirect.gather [hbm4b:s7+s19], $0x80, s18, s19, $0xb8;
	[tilespmem:$0x19400] =	vst v63  }
0x15d: {  	s12 =	sadd.s32 s3, s0  }
0x15e: {  	[tilespmem:s22], [sflag:$0x5] =	stream.linear.gather [hbm4b:s12+s5], $0xC8, $0x38;
	[tilespmem:$0x19400] =	vst v63  }
0x15f: {  	_ =	swait.ge [sflag:s17], $0xC8  }
0x160: {  	[sflag:s17] =	ssyncset.done $0x0  }
0x161: {  	s0 =	sadd.s32 s4, s0;
	[sflag:s17] =	ssyncadd.s32 $0xFFFFFF38  }
0x162: {  	[tilespmem:s23], [sflag:$0x5] =	stream.linear.gather [hbm4b:s0+s5], $0xC8, $0x38;
	[tilespmem:$0x19400] =	vst v63  }
0x163: {  	_ =	swait.ge [sflag:s17], $0xC8  }
0x164: {  	[sflag:s17] =	ssyncset.done $0x0  }
0x165: {  	[sflag:s17] =	ssyncadd.s32 $0xFFFFFF38  }
0x166: {  	_ =	swait.ge [sflag:s30], $0x6400  }
.Ltmp5:
0x167: {  	[sflag:s30] =	ssyncset.done $0x0;
	(pc) =	sbr.rel .LBB2_2-.Ltmp5, $4  }
0x168: {  	[sflag:s30] =	ssyncadd.s32 $0xFFFF9C00  }
0x169: {  	[tilespmem:s24], [sflag:$0x2] =	stream.indirect.gather [hbm4b:s1+s19], $0x80, s22, s19, $0xb8;
	[tilespmem:$0x19400] =	vst v63  }
0x16a: {  	s2 =	sadd.s32 $0x1, s2  }
0x16b: {  	[tilespmem:s25], [sflag:$0x2] =	stream.indirect.gather [hbm4b:s7+s19], $0x80, s23, s19, $0xb8;
	[tilespmem:$0x19400] =	vst v63  }
.LBB2_9:
0x16c: {  	_ =	sfence.sel $0x180000  }
0x16d: {  	[bflag:$0x0] =	sbarrier.arrive $0xFFFF  }
0x16e: {  	_ =	strace $0x9000004A  }
0x16f: {  	s0 =	stileid.u32;
	[bflag:$0x2] =	sbarrier.arrive $0xFFFF  }
0x170: {  	p0 =	sne.s32 s0, $0x0;
	s0 =	rddreg [dreg:$0x4]  }
0x171: {  	s0 =	sadd.s32 @!p0 $0x100000, s0  }
0x172: {  	[sflag:s0] =	ssyncadd.tile.s32 @!p0 $0x1;
	_ =	shalt  }
.Lfunc_end2:
_tile_overlayer_lowered:
.L_overlay_start_2:
0x173: {  	(tag) =	ssettag $0x2  }
0x174: {  	s0 =	rddreg [dreg:$0x0];
	s2 =	stileid.u32  }
0x175: {  	s1 =	rddreg [dreg:$0x1];
	p0 =	sne.s32 s2, $0x0  }
0x176: {  	s3 =	rddreg [dreg:$0x2];
	[bflag:$0x3] =	sbarrier.arrive $0xFFFF;
	s2 =	simm.s32 @!p0 $0x1C05  }
0x177: {  	[timem:s3], [sflag:s2] =	dma.local @!p0 [hbm:s0], s1  }
0x178: {  	s0 =	simm.s32 @!p0 $0x5  }
0x179: {  	_ =	swait.ge @!p0 [sflag:s0], s1  }
0x17a: {  	s1 =	ssub.s32 @!p0 $0x0, s1;
	[sflag:s0] =	ssyncset.done @!p0 $0x0  }
0x17b: {  	[sflag:s0] =	ssyncadd.s32 @!p0 s1  }
0x17c: {  	[bflag:$0x3] =	sbarrier.arrive $0xFFFF  }
0x17d: {  	_ =	shalt  }

// kernel: kernel.20.cloned.1.call-start
scs
__scs_entry_jumppad:
0x0: {  	(pc) =	sbr.rel $0x88, $3  }
0x1: {  	(tag) =	ssettag $0x0;
	lr =	simm.s32 $0x1  }
0x2: {  	[smem:$0x3F89] =	sst lr;
	_ =	strace $0xD0000000  }
0x3: {  	_ = 	snop  }
0x4: {  	_ = 	snop  }
0x5: {  	_ = 	snop  }
0x6: {  	_ = 	snop  }
0x7: {  	_ = 	snop  }
__scs_overlays_trampoline_lowered:
0x8: {  	[smem:$0x3F98] =	sst s0  }
0x9: {  	[smem:$0x3F99] =	sst s1  }
0xa: {  	[smem:$0x3F9A] =	sst s2  }
0xb: {  	[smem:$0x3F9B] =	sst s3  }
0xc: {  	[smem:$0x3F9C] =	sst s4  }
0xd: {  	[smem:$0x3F9D] =	sst s5  }
0xe: {  	[smem:$0x3F9E] =	sst s6  }
0xf: {  	[smem:$0x3F9F] =	sst s7  }
0x10: {  	[smem:$0x3FA0] =	sst s8  }
0x11: {  	[smem:$0x3FA1] =	sst s9;
	s0 =	simm.s32 @!p0 $0x0  }
0x12: {  	s1 =	sld [smem:$0x3F87];
	s0 =	simm.s32 @p0 $0x1  }
0x13: {  	[smem:$0x3FA2] =	sst s0;
	s0 =	simm.s32 @!p1 $0x0  }
0x14: {  	s2 =	sld [smem:$0x3F86];
	s0 =	simm.s32 @p1 $0x1  }
0x15: {  	[smem:$0x3FA3] =	sst s0;
	s0 =	simm.s32 @!p2 $0x0  }
0x16: {  	s3 =	sld [smem:$0x3FDB];
	s0 =	simm.s32 @p2 $0x1  }
0x17: {  	s4 =	simm.s32 $0x1BF5;
	[smem:$0x3FA5] =	sst s0  }
0x18: {  	s0 =	sld [smem:$0x3F88];
	_ =	swait.ge [sflag:s4], $0x0  }
0x19: {  	s7 =	sld [smem:$0x3F89]  }
0x1a: {  	s8 =	sadd.s32 $0xFFFFE003, lr  }
0x1b: {  	s9 =	sadd.s32 $0xFFFFFEF7, lr;
	s5 =	simm.s32 $0xFFFFFFFF;
	p2 =	slt.u32 s8, $0xFFFFF086  }
0x1c: {  	p1 =	slt.u32 s9, $0xF7A;
	s5 =	simm.s32 @!p2 $0x0  }
0x1d: {  	s5 =	simm.s32 @p1 $0x1;
	p0 =	seq.s32 s7, s2  }
0x1e: {  	s7 =	smul.u32 @!p0 $0xF7A, s2;
	p2 =	seq.s32 @!p0 s5, $0x0  }
0x1f: {  	s9 =	smul.u32 $0xF7A, s1;
	s8 =	simm.s32 @!p0 $0x1BF5;
	p2 =	por !p2, p0  }
0x20: {  	[sflag:s8] =	ssyncset.s32 @!p0 $0xFFFFF086;
	s6 =	sadd.s32 @!p0 s3, s7;
	s7 =	simm.s32 @!p0 $0x108  }
0x21: {  	s3 =	sadd.s32 s3, s9;
	s6 =	sadd.s32 @!p0 $0x88, s6;
	s7 =	simm.s32 @p2 $0x1082  }
0x22: {  	[simem:s7], [sflag:s8] =	dma.local @!p0 [hbm:s6], $0xF7A  }
0x23: {  	s9 =	sor.u32 $0xD0000000, s2;
	s6 =	simm.s32 $0x108;
	_ =	swait.ge @!p0 [sflag:s8], $0x0  }
0x24: {  	s3 =	sadd.s32 $0x88, s3;
	s6 =	simm.s32 @!p1 $0x1082;
	[sflag:s4] =	ssyncset.s32 $0xFFFFF086  }
0x25: {  	[simem:s6], [sflag:s4] =	dma.local [hbm:s3], $0xF7A  }
0x26: {  	[smem:$0x3F89] =	sst s1;
	(tag) =	ssettag s2;
	_ =	strace s9  }
0x27: {  	s1 =	sld [smem:$0x3F99]  }
0x28: {  	s2 =	sld [smem:$0x3F9A]  }
0x29: {  	s4 =	sld [smem:$0x3F9C]  }
0x2a: {  	p0 =	seq.s32 s5, $0x0;
	s5 =	sld [smem:$0x3F9D]  }
0x2b: {  	s6 =	sld [smem:$0x3F9E]  }
0x2c: {  	s7 =	sld [smem:$0x3F9F]  }
0x2d: {  	s3 =	simm.s32 $0x108;
	s8 =	sld [smem:$0x3FA0]  }
0x2e: {  	s3 =	simm.s32 @!p0 $0x1082;
	s9 =	sld [smem:$0x3FA1]  }
0x2f: {  	lr =	sadd.s32 s0, s3;
	s0 =	sld [smem:$0x3F98]  }
0x30: {  	s3 =	sld [smem:$0x3F9B]  }
0x31: {  	[smem:$0x3FA4] =	sst s10  }
0x32: {  	s10 =	sld [smem:$0x3FA2];
	_ =	sdelay $0x3  }
0x33: {  	p0 =	seq.s32 s10, $0x1;
	s10 =	sld [smem:$0x3FA4];
	_ =	sdelay $0x3  }
0x34: {  	[smem:$0x3FA4] =	sst s10  }
0x35: {  	s10 =	sld [smem:$0x3FA3];
	_ =	sdelay $0x3  }
0x36: {  	p1 =	seq.s32 s10, $0x1;
	s10 =	sld [smem:$0x3FA4];
	_ =	sdelay $0x3  }
0x37: {  	[smem:$0x3FA4] =	sst s10  }
0x38: {  	s10 =	sld [smem:$0x3FA5]  }
0x39: {  	_ = 	snop;
	(pc) =	sbr.ind lr, $3  }
0x3a: {  	_ = 	snop  }
0x3b: {  	_ = 	snop  }
0x3c: {  	p2 =	seq.s32 s10, $0x1;
	s10 =	sld [smem:$0x3FA4]  }
0x3d: {  	_ =	shalt  }
0x3e: {  	_ =	shalt  }
0x3f: {  	_ =	shalt  }
0x40: {  	_ =	shalt  }
0x41: {  	_ =	shalt  }
0x42: {  	_ =	shalt  }
0x43: {  	_ =	shalt  }
0x44: {  	_ =	shalt  }
0x45: {  	_ =	shalt  }
0x46: {  	_ =	shalt  }
0x47: {  	_ =	shalt  }
0x48: {  	_ =	shalt  }
0x49: {  	_ =	shalt  }
0x4a: {  	_ =	shalt  }
0x4b: {  	_ =	shalt  }
0x4c: {  	_ =	shalt  }
0x4d: {  	_ =	shalt  }
0x4e: {  	_ =	shalt  }
0x4f: {  	_ =	shalt  }
0x50: {  	_ =	shalt  }
0x51: {  	_ =	shalt  }
0x52: {  	_ =	shalt  }
0x53: {  	_ =	shalt  }
0x54: {  	_ =	shalt  }
0x55: {  	_ =	shalt  }
0x56: {  	_ =	shalt  }
0x57: {  	_ =	shalt  }
0x58: {  	_ =	shalt  }
0x59: {  	_ =	shalt  }
0x5a: {  	_ =	shalt  }
0x5b: {  	_ =	shalt  }
0x5c: {  	_ =	shalt  }
0x5d: {  	_ =	shalt  }
0x5e: {  	_ =	shalt  }
0x5f: {  	_ =	shalt  }
0x60: {  	_ =	shalt  }
0x61: {  	_ =	shalt  }
0x62: {  	_ =	shalt  }
0x63: {  	_ =	shalt  }
0x64: {  	_ =	shalt  }
0x65: {  	_ =	shalt  }
0x66: {  	_ =	shalt  }
0x67: {  	_ =	shalt  }
0x68: {  	_ =	shalt  }
0x69: {  	_ =	shalt  }
0x6a: {  	_ =	shalt  }
0x6b: {  	_ =	shalt  }
0x6c: {  	_ =	shalt  }
0x6d: {  	_ =	shalt  }
0x6e: {  	_ =	shalt  }
0x6f: {  	_ =	shalt  }
0x70: {  	_ =	shalt  }
0x71: {  	_ =	shalt  }
0x72: {  	_ =	shalt  }
0x73: {  	_ =	shalt  }
0x74: {  	_ =	shalt  }
0x75: {  	_ =	shalt  }
0x76: {  	_ =	shalt  }
0x77: {  	_ =	shalt  }
0x78: {  	_ =	shalt  }
0x79: {  	_ =	shalt  }
0x7a: {  	_ =	shalt  }
0x7b: {  	_ =	shalt  }
0x7c: {  	_ =	shalt  }
0x7d: {  	_ =	shalt  }
0x7e: {  	_ =	shalt  }
0x7f: {  	_ =	shalt  }
0x80: {  	_ =	shalt  }
0x81: {  	_ =	shalt  }
0x82: {  	_ =	shalt  }
0x83: {  	_ =	shalt  }
0x84: {  	_ =	shalt  }
0x85: {  	_ =	shalt  }
0x86: {  	_ =	shalt  }
0x87: {  	_ =	shalt  }
.Lfunc_end0:
.L_simem_size_0:
called_computation.2_lowered:
.L_overlay_start_0:
0x88: {  	s2 =	sld [smem:$0x3FD9]  }
0x89: {  	s3 =	sld [smem:$0x3FFE];
	_ =	sdelay $0x1  }
0x8a: {  	s1 =	srdreg.scid  }
0x8b: {  	s0 =	sand.u32 $0x1, s1  }
0x8c: {  	s15 =	sshll.u32 s0, $0xA;
	s2 =	sadd.s32 s3, s2  }
0x8d: {  	s2 =	sadd.s32 s2, s15  }
0x8e: {  	[smem:$0x3FB0] =	sst s2  }
0x8f: {  	_ = 	snop  }
0x90: {  	s4 =	sld [smem:$0x3FD0];
	_ =	sdelay $0x1  }
0x91: {  	s2 =	sld [smem:$0x3FC8]  }
0x92: {  	s5 =	simm.s32 $0xC;
	s6 =	simm.s32 $0x10;
	s16 =	sld [smem:$0x3FC7]  }
0x93: {  	[smem:s6], [sflag:s5] =	dma.local [hbm:s4], $0x1  }
0x94: {  	_ =	swait.eq [sflag:s5], $0x1  }
0x95: {  	[sflag:s5] =	ssyncset.done $0x0  }
0x96: {  	[sflag:s5] =	ssyncadd.s32 $0xFFFFFFFF  }
0x97: {  	s17 =	sld [smem:$0x10];
	(tm) =	ssettm $0x1  }
0x98: {  	s18 =	sld [smem:$0x3FFB];
	_ =	sdelay $0x3  }
0x99: {  	_ =	strace s18  }
0x9a: {  	s4 =	sld [smem:$0x3FFC];
	_ =	sdelay $0x3  }
0x9b: {  	_ =	strace s4  }
0x9c: {  	s4 =	sld [smem:$0x3FFD];
	_ =	sdelay $0x3  }
0x9d: {  	_ =	strace s4  }
0x9e: {  	_ =	strace $0x8FFFFFFF  }
0x9f: {  	s19 =	sld [smem:$0x3FDB];
	_ =	sdelay $0x1  }
0xa0: {  	s20 =	simm.s32 $_scs_section_size  }
0xa1: {  	s7 =	simm.s32 $_size__tile_overlayer_lowered;
	s8 =	simm.s32 $_tile_overlayer_lowered  }
0xa2: {  	s9 =	simm.s32 $0x1BFF;
	s21 =	sshll.u32 s8, $0x1;
	s6 =	sadd.s32 s20, s19  }
0xa3: {  	s22 =	simm.s32 $0x0;
	s7 =	sshll.u32 s7, $0x1;
	s8 =	sadd.s32 s21, s6  }
0xa4: {  	[timem:s22], [sflag:s9] =	dma.local [hbm:s8], s7  }
0xa5: {  	_ =	swait.ge [sflag:s9], s7  }
0xa6: {  	s7 =	ssub.s32 $0x0, s7;
	[sflag:s9] =	ssyncset.done $0x0  }
0xa7: {  	[sflag:s9] =	ssyncadd.s32 s7;
	_ =	sdelay $0x1  }
0xa8: {  	s23 =	simm.s32 $0x1B8B  }
0xa9: {  	_ =	swait.ge [sflag:s23], $0x1  }
0xaa: {  	[sflag:s23] =	ssyncset.done $0x0  }
0xab: {  	[sflag:s23] =	ssyncadd.s32 $0xFFFFFFFF  }
0xac: {  	s7 =	sld [smem:$0x0]  }
0xad: {  	s8 =	sand.u32 $0xFFFFFFFE, s1  }
0xae: {  	p0 =	sne.s32 s1, s8  }
0xaf: {  	s8 =	sshll.u32 @p0 s8, $0xE  }
0xb0: {  	s8 =	sadd.s32 @p0 $0x11B8D, s8;
	s9 =	sshll.u32 @p0 s7, $0x11  }
0xb1: {  	s8 =	sor.u32 @p0 s9, s8  }
0xb2: {  	[sflag:s8] =	ssyncadd.remote.s32 @p0 $0x1;
	_ =	sdelay $0x1  }
0xb3: {  	s8 =	simm.s32 @p0 $0x1B8D  }
0xb4: {  	_ =	swait.eq @p0 [sflag:s8], $0x1  }
0xb5: {  	[sflag:s8] =	ssyncadd.s32 @p0 $0xFFFFFFFF  }
0xb6: {  	s9 =	sshll.u32 @!p0 s1, $0xE  }
0xb7: {  	s9 =	sor.u32 @!p0 $0x4000, s9;
	s8 =	simm.s32 @!p0 $0x1B8D  }
0xb8: {  	s7 =	sshll.u32 @!p0 s7, $0x11;
	s9 =	sadd.s32 @!p0 $0x11B8D, s9;
	_ =	swait.eq @!p0 [sflag:s8], $0x1  }
0xb9: {  	s7 =	sor.u32 @!p0 s7, s9;
	[sflag:s8] =	ssyncadd.s32 @!p0 $0xFFFFFFFF  }
0xba: {  	s25 =	simm.s32 $0x1B8E;
	s24 =	sld [smem:$0x3FFE];
	[sflag:s7] =	ssyncadd.remote.s32 @!p0 $0x1  }
0xbb: {  	s26 =	simm.s32 $execute0_lowered;
	[smem:$0x3FD2] =	sst s25  }
0xbc: {  	s8 =	sshll.u32 s26, $0x1;
	_ =	strace $0x8000004F;
	[dreg:$0x1] =	wrdreg $0xFFFFFFFF  }
0xbd: {  	s28 =	simm.s32 $_size_execute0_lowered;
	s6 =	sadd.s32 s6, s8;
	[dreg:$0x0] =	wrdreg $0x0  }
0xbe: {  	s8 =	sshll.u32 s28, $0x1;
	[dreg:$0x2] =	wrdreg s6  }
0xbf: {  	[dreg:$0x3] =	wrdreg s8  }
0xc0: {  	[dreg:$0x4] =	wrdreg $0xC0  }
0xc1: {  	_ =	task [dreg:s22], $0x5FFFF  }
0xc2: {  	[dreg:$0x1] =	wrdreg $0xFFFFFFFF  }
0xc3: {  	[dreg:$0x0] =	wrdreg $0x60  }
0xc4: {  	[dreg:$0x2] =	wrdreg s17  }
0xc5: {  	[dreg:$0x3] =	wrdreg s24  }
0xc6: {  	[dreg:$0x4] =	wrdreg s2  }
0xc7: {  	[dreg:$0x5] =	wrdreg s16  }
0xc8: {  	[dreg:$0x6] =	wrdreg $0xA  }
0xc9: {  	_ =	task.clear_ibuf [dreg:s22], $0x7FFFF;
	_ =	strace $0x9000004F  }
0xca: {  	s29 =	simm.s32 $0xA;
	_ =	strace $0x80000051  }
0xcb: {  	_ =	swait.ge [sflag:s29], $0x1  }
0xcc: {  	[sflag:s29] =	ssyncadd.s32 $0xFFFFFFFF  }
0xcd: {  	_ =	strace $0x90000051  }
0xce: {  	_ =	sfence  }
0xcf: {  	s30 =	sld [smem:$0x0];
	_ =	sdelay $0x2  }
0xd0: {  	s31 =	sshll.u32 s1, $0xD;
	s1 =	sshrl.u32 s1, $0x2  }
0xd1: {  	s3 =	sand.u32 $0x4000, s31;
	s1 =	sadd.s32 s1, s30  }
0xd2: {  	s0 =	sor.u32 s3, s0;
	s1 =	sshll.u32 s1, $0x11  }
0xd3: {  	s0 =	sor.u32 s1, s0  }
0xd4: {  	s0 =	sadd.s32 $0x8F2B, s0  }
0xd5: {  	[sflag:s0] =	ssyncadd.remote.s32 $0x1  }
0xd6: {  	_ =	sfence.sel $0xFFFF  }
0xd7: {  	[dreg:$0x0] =	wrdreg $0xFFFFFFFF;
	(pc) =	sbr.abs _section_cstart, $3  }
0xd8: {  	[dreg:$0x1] =	wrdreg $0xFFFFFFFF  }
0xd9: {  	_ =	task.clear_ibuf [dreg:s22], $0x2FFFF;
	_ =	strace $0x9FFFFFFF  }
0xda: {  	(tm) =	ssettm $0x7FFFFFFF  }
0xdb: {  	_ =	shalt  }
tec
execute0_lowered:
.L_overlay_start_1:
0x0: {  	(tag) =	ssettag $0x1  }
0x1: {  	s1 =	rddreg [dreg:$0x0]  }
0x2: {  	s0 =	rddreg [dreg:$0x1]  }
0x3: {  	s3 =	rddreg [dreg:$0x2];
	s2 =	srdreg.scid  }
0x4: {  	s5 =	stileid.u32;
	s4 =	rddreg [dreg:$0x3];
	s17 =	simm.s32 $0x5  }
0x5: {  	s18 =	simm.s32 $0x200;
	s19 =	simm.s32 $0xC8;
	s20 =	simm.s32 $0x400  }
0x6: {  	s28 =	simm.s32 $0x2;
	s29 =	simm.s32 $0x3;
	s30 =	simm.s32 $0x4  }
0x7: {  	s31 =	simm.s32 $0x0;
	s2 =	sand.u32 $0x1, s2;
	s6 =	sshll.u32 s5, $0x1  }
0x8: {  	s5 =	simm.s32 $0x0;
	s7 =	sadd.s32 $0x6400, s0;
	s6 =	sor.u32 s2, s6  }
0x9: {  	[smem:$0x7FF] =	sst s5;
	s21 =	ssub.s32 $0x2, s2;
	s6 =	smul.u32 $0xFA0, s6  }
0xa: {  	s8 =	sadd.s32 $0x465000, s0;
	_ =	strace $0x80000050;
	s9 =	sshrl.u32 s21, $0x1  }
0xb: {  	s0 =	ssub.s32 s21, s9;
	s21 =	simm.s32 $0xCC00;
	s22 =	sshrl.u32 s6, $0x3  }
0xc: {  	s10 =	sadd.s32 $0x2EEC8, s6;
	s13 =	sadd.s32 $0xC8, s6;
	s2 =	sadd.s32 $0x5DC0, s22  }
0xd: {  	s14 =	sadd.s32 $0x2EF90, s6;
	s24 =	sshrl.u32 s10, $0x3;
	s23 =	sadd.s32 s3, s2  }
.Ltmp0:
0xe: {  	s2 =	sadd.s32 s4, s2;
	[dreg:$0x5] =	wrdreg s23;
	(pc) =	sbr.rel .LBB2_1-.Ltmp0, $4  }
0xf: {  	s15 =	sadd.s32 $0x2F058, s6;
	s25 =	sadd.s32 s3, s24;
	[dreg:$0x6] =	wrdreg s2  }
0x10: {  	s16 =	smax.u32 s0, $0x1;
	s26 =	sadd.s32 s4, s24;
	[dreg:$0x7] =	wrdreg s25  }
0x11: {  	s22 =	simm.s32 $0x100;
	s24 =	simm.s32 $0x6800;
	[dreg:$0x8] =	wrdreg s26  }
0x12: {  	s23 =	simm.s32 $0x300;
	s25 =	simm.s32 $0x13000;
	s26 =	simm.s32 $0x1  }
.LBB2_8:
0x13: {  	s31 =	sadd.s32 $0x1, s31  }
0x14: {  	_ =	swait.ge [sflag:s29], $0x6400;
	p0 =	sne.s32 s31, s16  }
.Ltmp1:
0x15: {  	[sflag:s29] =	ssyncset.done $0x0;
	(pc) =	sbr.rel @!p0 .LBB2_9-.Ltmp1, $4  }
0x16: {  	[sflag:s29] =	ssyncadd.s32 $0xFFFF9C00  }
0x17: {  	_ =	swait.ge [sflag:s30], $0x6400  }
0x18: {  	[sflag:s30] =	ssyncset.done $0x0  }
0x19: {  	[sflag:s30] =	ssyncadd.s32 $0xFFFF9C00  }
.LBB2_1:
0x1a: {  	s0 =	rddreg [dreg:$0x5]  }
0x1b: {  	[tilespmem:s5], [sflag:$0x5] =	stream.linear.gather [hbm4b:s0+s5], $0xC8, $0x38;
	[tilespmem:$0x19400] =	vst v63  }
0x1c: {  	_ =	swait.ge [sflag:s17], $0xC8  }
0x1d: {  	[sflag:s17] =	ssyncset.done $0x0  }
0x1e: {  	s10 =	rddreg [dreg:$0x6];
	[sflag:s17] =	ssyncadd.s32 $0xFFFFFF38  }
0x1f: {  	[tilespmem:s18], [sflag:$0x5] =	stream.linear.gather [hbm4b:s10+s5], $0xC8, $0x38;
	[tilespmem:$0x19400] =	vst v63  }
0x20: {  	_ =	swait.ge [sflag:s17], $0xC8  }
0x21: {  	[sflag:s17] =	ssyncset.done $0x0  }
0x22: {  	[sflag:s17] =	ssyncadd.s32 $0xFFFFFF38  }
0x23: {  	[tilespmem:s20], [sflag:$0x1] =	stream.indirect.gather [hbm4b:s1+s19], $0x80, s5, s19, $0xb8;
	[tilespmem:$0x19400] =	vst v63  }
0x24: {  	_ = 	snop  }
0x25: {  	[tilespmem:s21], [sflag:$0x1] =	stream.indirect.gather [hbm4b:s7+s19], $0x80, s18, s19, $0xb8;
	[tilespmem:$0x19400] =	vst v63  }
0x26: {  	s11 =	rddreg [dreg:$0x7]  }
0x27: {  	[tilespmem:s22], [sflag:$0x5] =	stream.linear.gather [hbm4b:s11+s5], $0xC8, $0x38;
	[tilespmem:$0x19400] =	vst v63  }
0x28: {  	_ =	swait.ge [sflag:s17], $0xC8  }
0x29: {  	[sflag:s17] =	ssyncset.done $0x0  }
0x2a: {  	s12 =	rddreg [dreg:$0x8];
	[sflag:s17] =	ssyncadd.s32 $0xFFFFFF38  }
0x2b: {  	[tilespmem:s23], [sflag:$0x5] =	stream.linear.gather [hbm4b:s12+s5], $0xC8, $0x38;
	[tilespmem:$0x19400] =	vst v63  }
0x2c: {  	_ =	swait.ge [sflag:s17], $0xC8  }
0x2d: {  	[sflag:s17] =	ssyncset.done $0x0  }
0x2e: {  	[sflag:s17] =	ssyncadd.s32 $0xFFFFFF38  }
0x2f: {  	[tilespmem:s24], [sflag:$0x2] =	stream.indirect.gather [hbm4b:s1+s19], $0x80, s22, s19, $0xb8;
	[tilespmem:$0x19400] =	vst v63  }
0x30: {  	s2 =	simm.s32 $0x0  }
0x31: {  	[tilespmem:s25], [sflag:$0x2] =	stream.indirect.gather [hbm4b:s7+s19], $0x80, s23, s19, $0xb8;
	[tilespmem:$0x19400] =	vst v63  }
.LBB2_2:
0x32: {  	_ =	swait.ge [sflag:s26], $0x6400  }
0x33: {  	[sflag:s26] =	ssyncset.done $0x0  }
0x34: {  	[sflag:s26] =	ssyncadd.s32 $0xFFFF9C00  }
0x35: {  	_ =	swait.ge [sflag:s26], $0x6400  }
0x36: {  	[sflag:s26] =	ssyncset.done $0x0  }
0x37: {  	s9 =	simm.s32 $0x500;
	[sflag:s26] =	ssyncadd.s32 $0xFFFF9C00  }
0x38: {  	s0 =	simm.s32 $0xCD00;
	v0 =	vld [tilespmem:s9+$0x80]  }
0x39: {  	v1 =	vld [tilespmem:s0+$0x80]  }
0x3a: {  	v2 =	vld [tilespmem:s9+$0xFFFFFF80]  }
0x3b: {  	v3 =	vld [tilespmem:s0+$0xFFFFFF80]  }
0x3c: {  	v4 =	vld [tilespmem:s9+$0x0]  }
0x3d: {  	v5 =	vld [tilespmem:s0+$0x0]  }
0x3e: {  	v6 =	vld [tilespmem:s9+$0xFFFFFF00];
	v0 =	vadd.f32 v1, v0  }
0x3f: {  	v1 =	vld [tilespmem:s0+$0xFFFFFF00]  }
0x40: {  	[tilespmem:s9+$0x80] =	vst v0;
	v0 =	vld [tilespmem:s9+$0x90]  }
0x41: {  	v2 =	vadd.f32 v3, v2;
	v3 =	vld [tilespmem:s0+$0x90]  }
0x42: {  	v7 =	vld [tilespmem:s9+$0xFFFFFF10]  }
0x43: {  	[tilespmem:s9+$0xFFFFFF80] =	vst v2;
	v2 =	vadd.f32 v5, v4;
	v4 =	vld [tilespmem:s9+$0xFFFFFF90]  }
0x44: {  	v5 =	vld [tilespmem:s0+$0xFFFFFF90];
	v1 =	vadd.f32 v1, v6  }
0x45: {  	[tilespmem:s9+$0x0] =	vst v2;
	v2 =	vld [tilespmem:s9+$0x10]  }
0x46: {  	v6 =	vld [tilespmem:s0+$0x10];
	[tilespmem:s9+$0xFFFFFF00] =	vst v1;
	v0 =	vadd.f32 v3, v0  }
0x47: {  	v1 =	vld [tilespmem:s0+$0xFFFFFF10]  }
0x48: {  	[tilespmem:s9+$0x90] =	vst v0;
	v0 =	vld [tilespmem:s9+$0xA0]  }
0x49: {  	v3 =	vadd.f32 v5, v4;
	v4 =	vld [tilespmem:s0+$0xA0]  }
0x4a: {  	v5 =	vld [tilespmem:s9+$0xFFFFFF20]  }
0x4b: {  	[tilespmem:s9+$0xFFFFFF90] =	vst v3;
	v2 =	vadd.f32 v6, v2;
	v3 =	vld [tilespmem:s9+$0xFFFFFFA0]  }
0x4c: {  	v6 =	vld [tilespmem:s0+$0xFFFFFFA0];
	v1 =	vadd.f32 v1, v7  }
0x4d: {  	[tilespmem:s9+$0x10] =	vst v2;
	v2 =	vld [tilespmem:s9+$0x20]  }
0x4e: {  	v7 =	vld [tilespmem:s0+$0x20];
	[tilespmem:s9+$0xFFFFFF10] =	vst v1;
	v0 =	vadd.f32 v4, v0  }
0x4f: {  	v1 =	vld [tilespmem:s0+$0xFFFFFF20]  }
0x50: {  	[tilespmem:s9+$0xA0] =	vst v0;
	v0 =	vld [tilespmem:s9+$0xB0]  }
0x51: {  	v3 =	vadd.f32 v6, v3;
	v4 =	vld [tilespmem:s0+$0xB0]  }
0x52: {  	v6 =	vld [tilespmem:s9+$0xFFFFFF30]  }
0x53: {  	[tilespmem:s9+$0xFFFFFFA0] =	vst v3;
	v2 =	vadd.f32 v7, v2;
	v3 =	vld [tilespmem:s9+$0xFFFFFFB0]  }
0x54: {  	v7 =	vld [tilespmem:s0+$0xFFFFFFB0];
	v1 =	vadd.f32 v1, v5  }
0x55: {  	[tilespmem:s9+$0x20] =	vst v2;
	v2 =	vld [tilespmem:s9+$0x30]  }
0x56: {  	v5 =	vld [tilespmem:s0+$0x30];
	[tilespmem:s9+$0xFFFFFF20] =	vst v1;
	v0 =	vadd.f32 v4, v0  }
0x57: {  	v1 =	vld [tilespmem:s0+$0xFFFFFF30]  }
0x58: {  	[tilespmem:s9+$0xB0] =	vst v0;
	v0 =	vld [tilespmem:s9+$0xC0]  }
0x59: {  	v3 =	vadd.f32 v7, v3;
	v4 =	vld [tilespmem:s0+$0xC0]  }
0x5a: {  	v7 =	vld [tilespmem:s9+$0xFFFFFF40]  }
0x5b: {  	[tilespmem:s9+$0xFFFFFFB0] =	vst v3;
	v2 =	vadd.f32 v5, v2;
	v3 =	vld [tilespmem:s9+$0xFFFFFFC0]  }
0x5c: {  	v5 =	vld [tilespmem:s0+$0xFFFFFFC0];
	v1 =	vadd.f32 v1, v6  }
0x5d: {  	[tilespmem:s9+$0x30] =	vst v2;
	v2 =	vld [tilespmem:s9+$0x40]  }
0x5e: {  	v6 =	vld [tilespmem:s0+$0x40];
	[tilespmem:s9+$0xFFFFFF30] =	vst v1;
	v0 =	vadd.f32 v4, v0  }
0x5f: {  	v1 =	vld [tilespmem:s0+$0xFFFFFF40]  }
0x60: {  	[tilespmem:s9+$0xC0] =	vst v0;
	v0 =	vld [tilespmem:s9+$0xD0]  }
0x61: {  	v3 =	vadd.f32 v5, v3;
	v4 =	vld [tilespmem:s0+$0xD0]  }
0x62: {  	v5 =	vld [tilespmem:s9+$0xFFFFFF50]  }
0x63: {  	[tilespmem:s9+$0xFFFFFFC0] =	vst v3;
	v2 =	vadd.f32 v6, v2;
	v3 =	vld [tilespmem:s9+$0xFFFFFFD0]  }
0x64: {  	v6 =	vld [tilespmem:s0+$0xFFFFFFD0];
	v1 =	vadd.f32 v1, v7  }
0x65: {  	[tilespmem:s9+$0x40] =	vst v2;
	v2 =	vld [tilespmem:s9+$0x50]  }
0x66: {  	v7 =	vld [tilespmem:s0+$0x50];
	[tilespmem:s9+$0xFFFFFF40] =	vst v1;
	v0 =	vadd.f32 v4, v0  }
0x67: {  	v1 =	vld [tilespmem:s0+$0xFFFFFF50]  }
0x68: {  	[tilespmem:s9+$0xD0] =	vst v0;
	v0 =	vld [tilespmem:s9+$0xE0]  }
0x69: {  	v3 =	vadd.f32 v6, v3;
	v4 =	vld [tilespmem:s0+$0xE0]  }
0x6a: {  	v6 =	vld [tilespmem:s9+$0xFFFFFF60]  }
0x6b: {  	[tilespmem:s9+$0xFFFFFFD0] =	vst v3;
	v2 =	vadd.f32 v7, v2;
	v3 =	vld [tilespmem:s9+$0xFFFFFFE0]  }
0x6c: {  	v7 =	vld [tilespmem:s0+$0xFFFFFFE0];
	v1 =	vadd.f32 v1, v5  }
0x6d: {  	[tilespmem:s9+$0x50] =	vst v2;
	v2 =	vld [tilespmem:s9+$0x60]  }
0x6e: {  	v5 =	vld [tilespmem:s0+$0x60];
	[tilespmem:s9+$0xFFFFFF50] =	vst v1;
	v0 =	vadd.f32 v4, v0  }
0x6f: {  	v4 =	vld [tilespmem:s0+$0xFFFFFF60]  }
0x70: {  	v8 =	vld [tilespmem:s9+$0xF0];
	[tilespmem:s9+$0xE0] =	vst v0  }
0x71: {  	v1 =	vadd.f32 v7, v3;
	v7 =	vld [tilespmem:s0+$0xF0]  }
0x72: {  	v0 =	vld [tilespmem:s9+$0xFFFFFF70]  }
0x73: {  	[tilespmem:s9+$0xFFFFFFE0] =	vst v1;
	v2 =	vadd.f32 v5, v2;
	v1 =	vld [tilespmem:s9+$0xFFFFFFF0]  }
0x74: {  	v3 =	vld [tilespmem:s0+$0xFFFFFFF0];
	v4 =	vadd.f32 v4, v6  }
0x75: {  	[tilespmem:s9+$0x60] =	vst v2;
	v2 =	vld [tilespmem:s9+$0x70]  }
0x76: {  	[tilespmem:s9+$0xFFFFFF60] =	vst v4;
	v4 =	vld [tilespmem:s0+$0x70];
	v6 =	vadd.f32 v7, v8  }
0x77: {  	s10 =	simm.s32 $0x0;
	s11 =	simm.s32 $0x700;
	v5 =	vld [tilespmem:s0+$0xFFFFFF70]  }
.LBB2_3:
0x78: {  	v7 =	vld [tilespmem:s11+$0x80];
	[tilespmem:s9+$0xF0] =	vst v6;
	s0 =	sadd.s32 $0x200, s0  }
0x79: {  	s10 =	sadd.s32 $0x4, s10;
	v6 =	vld [tilespmem:s0+$0x80];
	v1 =	vadd.f32 v3, v1  }
0x7a: {  	p0 =	slt.u32 s10, $0xC4;
	v3 =	vld [tilespmem:s0+$0xFFFFFF00]  }
0x7b: {  	v8 =	vld [tilespmem:s11+$0xFFFFFF80];
	[tilespmem:s9+$0xFFFFFFF0] =	vst v1;
	v1 =	vadd.f32 v4, v2  }
0x7c: {  	v2 =	vld [tilespmem:s0+$0xFFFFFF80];
	v0 =	vadd.f32 v5, v0  }
0x7d: {  	v4 =	vld [tilespmem:s11+$0x0];
	[tilespmem:s9+$0x70] =	vst v1  }
0x7e: {  	v1 =	vld [tilespmem:s0+$0x0];
	v5 =	vadd.f32 v6, v7;
	[tilespmem:s9+$0xFFFFFF70] =	vst v0;
	s9 =	smov.u32 s11  }
0x7f: {  	v0 =	vld [tilespmem:s11+$0xFFFFFF00]  }
0x80: {  	[tilespmem:s11+$0x80] =	vst v5;
	v5 =	vld [tilespmem:s11+$0x90]  }
0x81: {  	v2 =	vadd.f32 v2, v8;
	v6 =	vld [tilespmem:s0+$0x90]  }
0x82: {  	v7 =	vld [tilespmem:s11+$0xFFFFFF10]  }
0x83: {  	[tilespmem:s11+$0xFFFFFF80] =	vst v2;
	v2 =	vld [tilespmem:s11+$0xFFFFFF90];
	v1 =	vadd.f32 v1, v4  }
0x84: {  	v0 =	vadd.f32 v3, v0;
	v3 =	vld [tilespmem:s0+$0xFFFFFF90]  }
0x85: {  	[tilespmem:s11+$0x0] =	vst v1;
	v1 =	vld [tilespmem:s11+$0x10]  }
0x86: {  	[tilespmem:s11+$0xFFFFFF00] =	vst v0;
	v0 =	vld [tilespmem:s0+$0x10];
	v4 =	vadd.f32 v6, v5  }
0x87: {  	v5 =	vld [tilespmem:s0+$0xFFFFFF10]  }
0x88: {  	[tilespmem:s11+$0x90] =	vst v4;
	v4 =	vld [tilespmem:s11+$0xA0]  }
0x89: {  	v2 =	vadd.f32 v3, v2;
	v3 =	vld [tilespmem:s0+$0xA0]  }
0x8a: {  	v6 =	vld [tilespmem:s11+$0xFFFFFF20]  }
0x8b: {  	[tilespmem:s11+$0xFFFFFF90] =	vst v2;
	v2 =	vld [tilespmem:s11+$0xFFFFFFA0];
	v0 =	vadd.f32 v0, v1  }
0x8c: {  	v1 =	vadd.f32 v5, v7;
	v5 =	vld [tilespmem:s0+$0xFFFFFFA0]  }
0x8d: {  	[tilespmem:s11+$0x10] =	vst v0;
	v0 =	vld [tilespmem:s11+$0x20]  }
0x8e: {  	[tilespmem:s11+$0xFFFFFF10] =	vst v1;
	v1 =	vld [tilespmem:s0+$0x20];
	v3 =	vadd.f32 v3, v4  }
0x8f: {  	v4 =	vld [tilespmem:s0+$0xFFFFFF20]  }
0x90: {  	[tilespmem:s11+$0xA0] =	vst v3;
	v3 =	vld [tilespmem:s11+$0xB0]  }
0x91: {  	v2 =	vadd.f32 v5, v2;
	v5 =	vld [tilespmem:s0+$0xB0]  }
0x92: {  	v7 =	vld [tilespmem:s11+$0xFFFFFF30]  }
0x93: {  	[tilespmem:s11+$0xFFFFFFA0] =	vst v2;
	v2 =	vld [tilespmem:s11+$0xFFFFFFB0];
	v0 =	vadd.f32 v1, v0  }
0x94: {  	v1 =	vadd.f32 v4, v6;
	v4 =	vld [tilespmem:s0+$0xFFFFFFB0]  }
0x95: {  	[tilespmem:s11+$0x20] =	vst v0;
	v0 =	vld [tilespmem:s11+$0x30]  }
0x96: {  	[tilespmem:s11+$0xFFFFFF20] =	vst v1;
	v1 =	vld [tilespmem:s0+$0x30];
	v3 =	vadd.f32 v5, v3  }
0x97: {  	v5 =	vld [tilespmem:s0+$0xFFFFFF30]  }
0x98: {  	[tilespmem:s11+$0xB0] =	vst v3;
	v3 =	vld [tilespmem:s11+$0xC0]  }
0x99: {  	v2 =	vadd.f32 v4, v2;
	v4 =	vld [tilespmem:s0+$0xC0]  }
0x9a: {  	v6 =	vld [tilespmem:s11+$0xFFFFFF40]  }
0x9b: {  	[tilespmem:s11+$0xFFFFFFB0] =	vst v2;
	v2 =	vld [tilespmem:s11+$0xFFFFFFC0];
	v0 =	vadd.f32 v1, v0  }
0x9c: {  	v1 =	vadd.f32 v5, v7;
	v5 =	vld [tilespmem:s0+$0xFFFFFFC0]  }
0x9d: {  	[tilespmem:s11+$0x30] =	vst v0;
	v0 =	vld [tilespmem:s11+$0x40]  }
0x9e: {  	[tilespmem:s11+$0xFFFFFF30] =	vst v1;
	v1 =	vld [tilespmem:s0+$0x40];
	v3 =	vadd.f32 v4, v3  }
0x9f: {  	v4 =	vld [tilespmem:s0+$0xFFFFFF40]  }
0xa0: {  	[tilespmem:s11+$0xC0] =	vst v3;
	v3 =	vld [tilespmem:s11+$0xD0]  }
0xa1: {  	v2 =	vadd.f32 v5, v2;
	v5 =	vld [tilespmem:s0+$0xD0]  }
0xa2: {  	v7 =	vld [tilespmem:s11+$0xFFFFFF50]  }
0xa3: {  	[tilespmem:s11+$0xFFFFFFC0] =	vst v2;
	v2 =	vld [tilespmem:s11+$0xFFFFFFD0];
	v0 =	vadd.f32 v1, v0  }
0xa4: {  	v1 =	vadd.f32 v4, v6;
	v4 =	vld [tilespmem:s0+$0xFFFFFFD0]  }
0xa5: {  	[tilespmem:s11+$0x40] =	vst v0;
	v0 =	vld [tilespmem:s11+$0x50]  }
0xa6: {  	[tilespmem:s11+$0xFFFFFF40] =	vst v1;
	v1 =	vld [tilespmem:s0+$0x50];
	v3 =	vadd.f32 v5, v3  }
0xa7: {  	v5 =	vld [tilespmem:s0+$0xFFFFFF50]  }
0xa8: {  	[tilespmem:s11+$0xD0] =	vst v3;
	v3 =	vld [tilespmem:s11+$0xE0]  }
0xa9: {  	v2 =	vadd.f32 v4, v2;
	v4 =	vld [tilespmem:s0+$0xE0]  }
0xaa: {  	v6 =	vld [tilespmem:s11+$0xFFFFFF60]  }
0xab: {  	[tilespmem:s11+$0xFFFFFFD0] =	vst v2;
	v2 =	vld [tilespmem:s11+$0xFFFFFFE0];
	v0 =	vadd.f32 v1, v0  }
0xac: {  	v1 =	vadd.f32 v5, v7;
	v5 =	vld [tilespmem:s0+$0xFFFFFFE0]  }
0xad: {  	[tilespmem:s11+$0x50] =	vst v0;
	v7 =	vld [tilespmem:s11+$0x60]  }
0xae: {  	[tilespmem:s11+$0xFFFFFF50] =	vst v1;
	v8 =	vld [tilespmem:s0+$0x60];
	v0 =	vadd.f32 v4, v3  }
0xaf: {  	v3 =	vld [tilespmem:s0+$0xFFFFFF60]  }
0xb0: {  	[tilespmem:s11+$0xE0] =	vst v0;
	v9 =	vld [tilespmem:s11+$0xF0]  }
0xb1: {  	v1 =	vadd.f32 v5, v2;
	v5 =	vld [tilespmem:s0+$0xF0]  }
0xb2: {  	v0 =	vld [tilespmem:s11+$0xFFFFFF70]  }
.Ltmp2:
0xb3: {  	[tilespmem:s11+$0xFFFFFFE0] =	vst v1;
	v1 =	vld [tilespmem:s11+$0xFFFFFFF0];
	v2 =	vadd.f32 v8, v7;
	(pc) =	sbr.rel @p0 .LBB2_3-.Ltmp2, $4  }
0xb4: {  	v4 =	vadd.f32 v3, v6;
	v3 =	vld [tilespmem:s0+$0xFFFFFFF0]  }
0xb5: {  	[tilespmem:s11+$0x60] =	vst v2;
	v2 =	vld [tilespmem:s11+$0x70]  }
0xb6: {  	[tilespmem:s11+$0xFFFFFF60] =	vst v4;
	v4 =	vld [tilespmem:s0+$0x70];
	v6 =	vadd.f32 v5, v9  }
0xb7: {  	s11 =	sadd.s32 $0x200, s11;
	v5 =	vld [tilespmem:s0+$0xFFFFFF70]  }
0xb8: {  	_ =	sdelay $0x1  }
0xb9: {  	s0 =	smul.u32 $0x190, s2;
	v1 =	vadd.f32 v3, v1  }
0xba: {  	[tilespmem:s9+$0xF0] =	vst v6;
	v2 =	vadd.f32 v4, v2  }
0xbb: {  	s10 =	sadd.s32 s6, s0;
	[tilespmem:s9+$0xFFFFFFF0] =	vst v1;
	v0 =	vadd.f32 v5, v0  }
0xbc: {  	s10 =	sshll.u32 s10, $0x4;
	[tilespmem:s9+$0x70] =	vst v2  }
0xbd: {  	s12 =	sadd.s32 s8, s10;
	[tilespmem:s9+$0xFFFFFF70] =	vst v0  }
0xbe: {  	[hbm4b:s12+s5] =	stream.linear.scatter [tilespmem:s20], [sflag:$0x3], $0x6400, $0x38;
	[tilespmem:$0x19400] =	vst v63  }
0xbf: {  	_ =	swait.ge [sflag:s28], $0x6400  }
0xc0: {  	[sflag:s28] =	ssyncset.done $0x0  }
0xc1: {  	[sflag:s28] =	ssyncadd.s32 $0xFFFF9C00  }
0xc2: {  	_ =	swait.ge [sflag:s28], $0x6400  }
0xc3: {  	[sflag:s28] =	ssyncset.done $0x0  }
0xc4: {  	s9 =	simm.s32 $0x6900;
	[sflag:s28] =	ssyncadd.s32 $0xFFFF9C00  }
0xc5: {  	s10 =	simm.s32 $0x13100;
	v0 =	vld [tilespmem:s9+$0x80]  }
0xc6: {  	v1 =	vld [tilespmem:s10+$0x80]  }
0xc7: {  	v2 =	vld [tilespmem:s9+$0xFFFFFF80]  }
0xc8: {  	v3 =	vld [tilespmem:s10+$0xFFFFFF80]  }
0xc9: {  	v4 =	vld [tilespmem:s9+$0x0]  }
0xca: {  	v5 =	vld [tilespmem:s10+$0x0]  }
0xcb: {  	v6 =	vld [tilespmem:s9+$0xFFFFFF00];
	v0 =	vadd.f32 v1, v0  }
0xcc: {  	v1 =	vld [tilespmem:s10+$0xFFFFFF00]  }
0xcd: {  	[tilespmem:s9+$0x80] =	vst v0;
	v0 =	vld [tilespmem:s9+$0x90]  }
0xce: {  	v2 =	vadd.f32 v3, v2;
	v3 =	vld [tilespmem:s10+$0x90]  }
0xcf: {  	v7 =	vld [tilespmem:s9+$0xFFFFFF10]  }
0xd0: {  	[tilespmem:s9+$0xFFFFFF80] =	vst v2;
	v2 =	vadd.f32 v5, v4;
	v4 =	vld [tilespmem:s9+$0xFFFFFF90]  }
0xd1: {  	v5 =	vld [tilespmem:s10+$0xFFFFFF90];
	v1 =	vadd.f32 v1, v6  }
0xd2: {  	[tilespmem:s9+$0x0] =	vst v2;
	v2 =	vld [tilespmem:s9+$0x10]  }
0xd3: {  	v6 =	vld [tilespmem:s10+$0x10];
	[tilespmem:s9+$0xFFFFFF00] =	vst v1;
	v0 =	vadd.f32 v3, v0  }
0xd4: {  	v1 =	vld [tilespmem:s10+$0xFFFFFF10]  }
0xd5: {  	[tilespmem:s9+$0x90] =	vst v0;
	v0 =	vld [tilespmem:s9+$0xA0]  }
0xd6: {  	v3 =	vadd.f32 v5, v4;
	v4 =	vld [tilespmem:s10+$0xA0]  }
0xd7: {  	v5 =	vld [tilespmem:s9+$0xFFFFFF20]  }
0xd8: {  	[tilespmem:s9+$0xFFFFFF90] =	vst v3;
	v2 =	vadd.f32 v6, v2;
	v3 =	vld [tilespmem:s9+$0xFFFFFFA0]  }
0xd9: {  	v6 =	vld [tilespmem:s10+$0xFFFFFFA0];
	v1 =	vadd.f32 v1, v7  }
0xda: {  	[tilespmem:s9+$0x10] =	vst v2;
	v2 =	vld [tilespmem:s9+$0x20]  }
0xdb: {  	v7 =	vld [tilespmem:s10+$0x20];
	[tilespmem:s9+$0xFFFFFF10] =	vst v1;
	v0 =	vadd.f32 v4, v0  }
0xdc: {  	v1 =	vld [tilespmem:s10+$0xFFFFFF20]  }
0xdd: {  	[tilespmem:s9+$0xA0] =	vst v0;
	v0 =	vld [tilespmem:s9+$0xB0]  }
0xde: {  	v3 =	vadd.f32 v6, v3;
	v4 =	vld [tilespmem:s10+$0xB0]  }
0xdf: {  	v6 =	vld [tilespmem:s9+$0xFFFFFF30]  }
0xe0: {  	[tilespmem:s9+$0xFFFFFFA0] =	vst v3;
	v2 =	vadd.f32 v7, v2;
	v3 =	vld [tilespmem:s9+$0xFFFFFFB0]  }
0xe1: {  	v7 =	vld [tilespmem:s10+$0xFFFFFFB0];
	v1 =	vadd.f32 v1, v5  }
0xe2: {  	[tilespmem:s9+$0x20] =	vst v2;
	v2 =	vld [tilespmem:s9+$0x30]  }
0xe3: {  	v5 =	vld [tilespmem:s10+$0x30];
	[tilespmem:s9+$0xFFFFFF20] =	vst v1;
	v0 =	vadd.f32 v4, v0  }
0xe4: {  	v1 =	vld [tilespmem:s10+$0xFFFFFF30]  }
0xe5: {  	[tilespmem:s9+$0xB0] =	vst v0;
	v0 =	vld [tilespmem:s9+$0xC0]  }
0xe6: {  	v3 =	vadd.f32 v7, v3;
	v4 =	vld [tilespmem:s10+$0xC0]  }
0xe7: {  	v7 =	vld [tilespmem:s9+$0xFFFFFF40]  }
0xe8: {  	[tilespmem:s9+$0xFFFFFFB0] =	vst v3;
	v2 =	vadd.f32 v5, v2;
	v3 =	vld [tilespmem:s9+$0xFFFFFFC0]  }
0xe9: {  	v5 =	vld [tilespmem:s10+$0xFFFFFFC0];
	v1 =	vadd.f32 v1, v6  }
0xea: {  	[tilespmem:s9+$0x30] =	vst v2;
	v2 =	vld [tilespmem:s9+$0x40]  }
0xeb: {  	v6 =	vld [tilespmem:s10+$0x40];
	[tilespmem:s9+$0xFFFFFF30] =	vst v1;
	v0 =	vadd.f32 v4, v0  }
0xec: {  	v1 =	vld [tilespmem:s10+$0xFFFFFF40]  }
0xed: {  	[tilespmem:s9+$0xC0] =	vst v0;
	v0 =	vld [tilespmem:s9+$0xD0]  }
0xee: {  	v3 =	vadd.f32 v5, v3;
	v4 =	vld [tilespmem:s10+$0xD0]  }
0xef: {  	v5 =	vld [tilespmem:s9+$0xFFFFFF50]  }
0xf0: {  	[tilespmem:s9+$0xFFFFFFC0] =	vst v3;
	v2 =	vadd.f32 v6, v2;
	v3 =	vld [tilespmem:s9+$0xFFFFFFD0]  }
0xf1: {  	v6 =	vld [tilespmem:s10+$0xFFFFFFD0];
	v1 =	vadd.f32 v1, v7  }
0xf2: {  	[tilespmem:s9+$0x40] =	vst v2;
	v2 =	vld [tilespmem:s9+$0x50]  }
0xf3: {  	v7 =	vld [tilespmem:s10+$0x50];
	[tilespmem:s9+$0xFFFFFF40] =	vst v1;
	v0 =	vadd.f32 v4, v0  }
0xf4: {  	v1 =	vld [tilespmem:s10+$0xFFFFFF50]  }
0xf5: {  	[tilespmem:s9+$0xD0] =	vst v0;
	v0 =	vld [tilespmem:s9+$0xE0]  }
0xf6: {  	v3 =	vadd.f32 v6, v3;
	v4 =	vld [tilespmem:s10+$0xE0]  }
0xf7: {  	v6 =	vld [tilespmem:s9+$0xFFFFFF60]  }
0xf8: {  	[tilespmem:s9+$0xFFFFFFD0] =	vst v3;
	v2 =	vadd.f32 v7, v2;
	v3 =	vld [tilespmem:s9+$0xFFFFFFE0]  }
0xf9: {  	v7 =	vld [tilespmem:s10+$0xFFFFFFE0];
	v1 =	vadd.f32 v1, v5  }
0xfa: {  	[tilespmem:s9+$0x50] =	vst v2;
	v2 =	vld [tilespmem:s9+$0x60]  }
0xfb: {  	v5 =	vld [tilespmem:s10+$0x60];
	[tilespmem:s9+$0xFFFFFF50] =	vst v1;
	v0 =	vadd.f32 v4, v0  }
0xfc: {  	v4 =	vld [tilespmem:s10+$0xFFFFFF60]  }
0xfd: {  	v8 =	vld [tilespmem:s9+$0xF0];
	[tilespmem:s9+$0xE0] =	vst v0  }
0xfe: {  	v1 =	vadd.f32 v7, v3;
	v7 =	vld [tilespmem:s10+$0xF0]  }
0xff: {  	v0 =	vld [tilespmem:s9+$0xFFFFFF70]  }
0x100: {  	[tilespmem:s9+$0xFFFFFFE0] =	vst v1;
	v2 =	vadd.f32 v5, v2;
	v1 =	vld [tilespmem:s9+$0xFFFFFFF0]  }
0x101: {  	v3 =	vld [tilespmem:s10+$0xFFFFFFF0];
	v4 =	vadd.f32 v4, v6  }
0x102: {  	[tilespmem:s9+$0x60] =	vst v2;
	v2 =	vld [tilespmem:s9+$0x70]  }
0x103: {  	[tilespmem:s9+$0xFFFFFF60] =	vst v4;
	v4 =	vld [tilespmem:s10+$0x70];
	v6 =	vadd.f32 v7, v8  }
0x104: {  	s11 =	simm.s32 $0x0;
	s12 =	simm.s32 $0x6B00;
	v5 =	vld [tilespmem:s10+$0xFFFFFF70]  }
.LBB2_5:
0x105: {  	v7 =	vld [tilespmem:s12+$0x80];
	[tilespmem:s9+$0xF0] =	vst v6;
	s10 =	sadd.s32 $0x200, s10  }
0x106: {  	s11 =	sadd.s32 $0x4, s11;
	v6 =	vld [tilespmem:s10+$0x80];
	v1 =	vadd.f32 v3, v1  }
0x107: {  	p0 =	slt.u32 s11, $0xC4;
	v3 =	vld [tilespmem:s10+$0xFFFFFF00]  }
0x108: {  	v8 =	vld [tilespmem:s12+$0xFFFFFF80];
	[tilespmem:s9+$0xFFFFFFF0] =	vst v1;
	v1 =	vadd.f32 v4, v2  }
0x109: {  	v2 =	vld [tilespmem:s10+$0xFFFFFF80];
	v0 =	vadd.f32 v5, v0  }
0x10a: {  	v4 =	vld [tilespmem:s12+$0x0];
	[tilespmem:s9+$0x70] =	vst v1  }
0x10b: {  	v1 =	vld [tilespmem:s10+$0x0];
	v5 =	vadd.f32 v6, v7;
	[tilespmem:s9+$0xFFFFFF70] =	vst v0;
	s9 =	smov.u32 s12  }
0x10c: {  	v0 =	vld [tilespmem:s12+$0xFFFFFF00]  }
0x10d: {  	[tilespmem:s12+$0x80] =	vst v5;
	v5 =	vld [tilespmem:s12+$0x90]  }
0x10e: {  	v2 =	vadd.f32 v2, v8;
	v6 =	vld [tilespmem:s10+$0x90]  }
0x10f: {  	v7 =	vld [tilespmem:s12+$0xFFFFFF10]  }
0x110: {  	[tilespmem:s12+$0xFFFFFF80] =	vst v2;
	v2 =	vld [tilespmem:s12+$0xFFFFFF90];
	v1 =	vadd.f32 v1, v4  }
0x111: {  	v0 =	vadd.f32 v3, v0;
	v3 =	vld [tilespmem:s10+$0xFFFFFF90]  }
0x112: {  	[tilespmem:s12+$0x0] =	vst v1;
	v1 =	vld [tilespmem:s12+$0x10]  }
0x113: {  	[tilespmem:s12+$0xFFFFFF00] =	vst v0;
	v0 =	vld [tilespmem:s10+$0x10];
	v4 =	vadd.f32 v6, v5  }
0x114: {  	v5 =	vld [tilespmem:s10+$0xFFFFFF10]  }
0x115: {  	[tilespmem:s12+$0x90] =	vst v4;
	v4 =	vld [tilespmem:s12+$0xA0]  }
0x116: {  	v2 =	vadd.f32 v3, v2;
	v3 =	vld [tilespmem:s10+$0xA0]  }
0x117: {  	v6 =	vld [tilespmem:s12+$0xFFFFFF20]  }
0x118: {  	[tilespmem:s12+$0xFFFFFF90] =	vst v2;
	v2 =	vld [tilespmem:s12+$0xFFFFFFA0];
	v0 =	vadd.f32 v0, v1  }
0x119: {  	v1 =	vadd.f32 v5, v7;
	v5 =	vld [tilespmem:s10+$0xFFFFFFA0]  }
0x11a: {  	[tilespmem:s12+$0x10] =	vst v0;
	v0 =	vld [tilespmem:s12+$0x20]  }
0x11b: {  	[tilespmem:s12+$0xFFFFFF10] =	vst v1;
	v1 =	vld [tilespmem:s10+$0x20];
	v3 =	vadd.f32 v3, v4  }
0x11c: {  	v4 =	vld [tilespmem:s10+$0xFFFFFF20]  }
0x11d: {  	[tilespmem:s12+$0xA0] =	vst v3;
	v3 =	vld [tilespmem:s12+$0xB0]  }
0x11e: {  	v2 =	vadd.f32 v5, v2;
	v5 =	vld [tilespmem:s10+$0xB0]  }
0x11f: {  	v7 =	vld [tilespmem:s12+$0xFFFFFF30]  }
0x120: {  	[tilespmem:s12+$0xFFFFFFA0] =	vst v2;
	v2 =	vld [tilespmem:s12+$0xFFFFFFB0];
	v0 =	vadd.f32 v1, v0  }
0x121: {  	v1 =	vadd.f32 v4, v6;
	v4 =	vld [tilespmem:s10+$0xFFFFFFB0]  }
0x122: {  	[tilespmem:s12+$0x20] =	vst v0;
	v0 =	vld [tilespmem:s12+$0x30]  }
0x123: {  	[tilespmem:s12+$0xFFFFFF20] =	vst v1;
	v1 =	vld [tilespmem:s10+$0x30];
	v3 =	vadd.f32 v5, v3  }
0x124: {  	v5 =	vld [tilespmem:s10+$0xFFFFFF30]  }
0x125: {  	[tilespmem:s12+$0xB0] =	vst v3;
	v3 =	vld [tilespmem:s12+$0xC0]  }
0x126: {  	v2 =	vadd.f32 v4, v2;
	v4 =	vld [tilespmem:s10+$0xC0]  }
0x127: {  	v6 =	vld [tilespmem:s12+$0xFFFFFF40]  }
0x128: {  	[tilespmem:s12+$0xFFFFFFB0] =	vst v2;
	v2 =	vld [tilespmem:s12+$0xFFFFFFC0];
	v0 =	vadd.f32 v1, v0  }
0x129: {  	v1 =	vadd.f32 v5, v7;
	v5 =	vld [tilespmem:s10+$0xFFFFFFC0]  }
0x12a: {  	[tilespmem:s12+$0x30] =	vst v0;
	v0 =	vld [tilespmem:s12+$0x40]  }
0x12b: {  	[tilespmem:s12+$0xFFFFFF30] =	vst v1;
	v1 =	vld [tilespmem:s10+$0x40];
	v3 =	vadd.f32 v4, v3  }
0x12c: {  	v4 =	vld [tilespmem:s10+$0xFFFFFF40]  }
0x12d: {  	[tilespmem:s12+$0xC0] =	vst v3;
	v3 =	vld [tilespmem:s12+$0xD0]  }
0x12e: {  	v2 =	vadd.f32 v5, v2;
	v5 =	vld [tilespmem:s10+$0xD0]  }
0x12f: {  	v7 =	vld [tilespmem:s12+$0xFFFFFF50]  }
0x130: {  	[tilespmem:s12+$0xFFFFFFC0] =	vst v2;
	v2 =	vld [tilespmem:s12+$0xFFFFFFD0];
	v0 =	vadd.f32 v1, v0  }
0x131: {  	v1 =	vadd.f32 v4, v6;
	v4 =	vld [tilespmem:s10+$0xFFFFFFD0]  }
0x132: {  	[tilespmem:s12+$0x40] =	vst v0;
	v0 =	vld [tilespmem:s12+$0x50]  }
0x133: {  	[tilespmem:s12+$0xFFFFFF40] =	vst v1;
	v1 =	vld [tilespmem:s10+$0x50];
	v3 =	vadd.f32 v5, v3  }
0x134: {  	v5 =	vld [tilespmem:s10+$0xFFFFFF50]  }
0x135: {  	[tilespmem:s12+$0xD0] =	vst v3;
	v3 =	vld [tilespmem:s12+$0xE0]  }
0x136: {  	v2 =	vadd.f32 v4, v2;
	v4 =	vld [tilespmem:s10+$0xE0]  }
0x137: {  	v6 =	vld [tilespmem:s12+$0xFFFFFF60]  }
0x138: {  	[tilespmem:s12+$0xFFFFFFD0] =	vst v2;
	v2 =	vld [tilespmem:s12+$0xFFFFFFE0];
	v0 =	vadd.f32 v1, v0  }
0x139: {  	v1 =	vadd.f32 v5, v7;
	v5 =	vld [tilespmem:s10+$0xFFFFFFE0]  }
0x13a: {  	[tilespmem:s12+$0x50] =	vst v0;
	v7 =	vld [tilespmem:s12+$0x60]  }
0x13b: {  	[tilespmem:s12+$0xFFFFFF50] =	vst v1;
	v8 =	vld [tilespmem:s10+$0x60];
	v0 =	vadd.f32 v4, v3  }
0x13c: {  	v3 =	vld [tilespmem:s10+$0xFFFFFF60]  }
0x13d: {  	[tilespmem:s12+$0xE0] =	vst v0;
	v9 =	vld [tilespmem:s12+$0xF0]  }
0x13e: {  	v1 =	vadd.f32 v5, v2;
	v5 =	vld [tilespmem:s10+$0xF0]  }
0x13f: {  	v0 =	vld [tilespmem:s12+$0xFFFFFF70]  }
.Ltmp3:
0x140: {  	[tilespmem:s12+$0xFFFFFFE0] =	vst v1;
	v1 =	vld [tilespmem:s12+$0xFFFFFFF0];
	v2 =	vadd.f32 v8, v7;
	(pc) =	sbr.rel @p0 .LBB2_5-.Ltmp3, $4  }
0x141: {  	v4 =	vadd.f32 v3, v6;
	v3 =	vld [tilespmem:s10+$0xFFFFFFF0]  }
0x142: {  	[tilespmem:s12+$0x60] =	vst v2;
	v2 =	vld [tilespmem:s12+$0x70]  }
0x143: {  	[tilespmem:s12+$0xFFFFFF60] =	vst v4;
	v4 =	vld [tilespmem:s10+$0x70];
	v6 =	vadd.f32 v5, v9  }
0x144: {  	s12 =	sadd.s32 $0x200, s12;
	v5 =	vld [tilespmem:s10+$0xFFFFFF70]  }
0x145: {  	_ =	sdelay $0x1  }
0x146: {  	p0 =	seq.s32 s2, $0x9;
	v1 =	vadd.f32 v3, v1  }
.Ltmp4:
0x147: {  	[tilespmem:s9+$0xF0] =	vst v6;
	v2 =	vadd.f32 v4, v2;
	(pc) =	sbr.rel @p0 .LBB2_8-.Ltmp4, $4  }
0x148: {  	s10 =	sadd.s32 s0, s13;
	[tilespmem:s9+$0xFFFFFFF0] =	vst v1;
	v0 =	vadd.f32 v5, v0  }
0x149: {  	s10 =	sshll.u32 s10, $0x4;
	[tilespmem:s9+$0x70] =	vst v2  }
0x14a: {  	s12 =	sadd.s32 s8, s10;
	[tilespmem:s9+$0xFFFFFF70] =	vst v0  }
0x14b: {  	[hbm4b:s12+s5] =	stream.linear.scatter [tilespmem:s24], [sflag:$0x4], $0x6400, $0x38;
	[tilespmem:$0x19400] =	vst v63  }
0x14c: {  	s9 =	sadd.s32 s0, s14  }
0x14d: {  	s9 =	sshrl.u32 s9, $0x3  }
0x14e: {  	s10 =	sadd.s32 s3, s9  }
0x14f: {  	[tilespmem:s5], [sflag:$0x5] =	stream.linear.gather [hbm4b:s10+s5], $0xC8, $0x38;
	[tilespmem:$0x19400] =	vst v63  }
0x150: {  	_ =	swait.ge [sflag:s17], $0xC8  }
0x151: {  	[sflag:s17] =	ssyncset.done $0x0  }
0x152: {  	s9 =	sadd.s32 s4, s9;
	[sflag:s17] =	ssyncadd.s32 $0xFFFFFF38  }
0x153: {  	[tilespmem:s18], [sflag:$0x5] =	stream.linear.gather [hbm4b:s9+s5], $0xC8, $0x38;
	[tilespmem:$0x19400] =	vst v63  }
0x154: {  	_ =	swait.ge [sflag:s17], $0xC8  }
0x155: {  	[sflag:s17] =	ssyncset.done $0x0  }
0x156: {  	[sflag:s17] =	ssyncadd.s32 $0xFFFFFF38  }
0x157: {  	_ =	swait.ge [sflag:s29], $0x6400  }
0x158: {  	[sflag:s29] =	ssyncset.done $0x0  }
0x159: {  	s11 =	sadd.s32 s0, s15;
	[sflag:s29] =	ssyncadd.s32 $0xFFFF9C00  }
0x15a: {  	[tilespmem:s20], [sflag:$0x1] =	stream.indirect.gather [hbm4b:s1+s19], $0x80, s5, s19, $0xb8;
	[tilespmem:$0x19400] =	vst v63  }
0x15b: {  	s0 =	sshrl.u32 s11, $0x3  }
0x15c: {  	[tilespmem:s21], [sflag:$0x1] =	stream.indirect.gather [hbm4b:s7+s19], $0x80, s18, s19, $0xb8;
	[tilespmem:$0x19400] =	vst v63  }
0x15d: {  	s12 =	sadd.s32 s3, s0  }
0x15e: {  	[tilespmem:s22], [sflag:$0x5] =	stream.linear.gather [hbm4b:s12+s5], $0xC8, $0x38;
	[tilespmem:$0x19400] =	vst v63  }
0x15f: {  	_ =	swait.ge [sflag:s17], $0xC8  }
0x160: {  	[sflag:s17] =	ssyncset.done $0x0  }
0x161: {  	s0 =	sadd.s32 s4, s0;
	[sflag:s17] =	ssyncadd.s32 $0xFFFFFF38  }
0x162: {  	[tilespmem:s23], [sflag:$0x5] =	stream.linear.gather [hbm4b:s0+s5], $0xC8, $0x38;
	[tilespmem:$0x19400] =	vst v63  }
0x163: {  	_ =	swait.ge [sflag:s17], $0xC8  }
0x164: {  	[sflag:s17] =	ssyncset.done $0x0  }
0x165: {  	[sflag:s17] =	ssyncadd.s32 $0xFFFFFF38  }
0x166: {  	_ =	swait.ge [sflag:s30], $0x6400  }
.Ltmp5:
0x167: {  	[sflag:s30] =	ssyncset.done $0x0;
	(pc) =	sbr.rel .LBB2_2-.Ltmp5, $4  }
0x168: {  	[sflag:s30] =	ssyncadd.s32 $0xFFFF9C00  }
0x169: {  	[tilespmem:s24], [sflag:$0x2] =	stream.indirect.gather [hbm4b:s1+s19], $0x80, s22, s19, $0xb8;
	[tilespmem:$0x19400] =	vst v63  }
0x16a: {  	s2 =	sadd.s32 $0x1, s2  }
0x16b: {  	[tilespmem:s25], [sflag:$0x2] =	stream.indirect.gather [hbm4b:s7+s19], $0x80, s23, s19, $0xb8;
	[tilespmem:$0x19400] =	vst v63  }
.LBB2_9:
0x16c: {  	_ =	sfence.sel $0x180000  }
0x16d: {  	[bflag:$0x0] =	sbarrier.arrive $0xFFFF  }
0x16e: {  	_ =	strace $0x90000050  }
0x16f: {  	s0 =	stileid.u32;
	[bflag:$0x2] =	sbarrier.arrive $0xFFFF  }
0x170: {  	p0 =	sne.s32 s0, $0x0;
	s0 =	rddreg [dreg:$0x4]  }
0x171: {  	s0 =	sadd.s32 @!p0 $0x100000, s0  }
0x172: {  	[sflag:s0] =	ssyncadd.tile.s32 @!p0 $0x1;
	_ =	shalt  }
.Lfunc_end2:
_tile_overlayer_lowered:
.L_overlay_start_2:
0x173: {  	(tag) =	ssettag $0x2  }
0x174: {  	s0 =	rddreg [dreg:$0x0];
	s2 =	stileid.u32  }
0x175: {  	s1 =	rddreg [dreg:$0x1];
	p0 =	sne.s32 s2, $0x0  }
0x176: {  	s3 =	rddreg [dreg:$0x2];
	[bflag:$0x3] =	sbarrier.arrive $0xFFFF;
	s2 =	simm.s32 @!p0 $0x1C05  }
0x177: {  	[timem:s3], [sflag:s2] =	dma.local @!p0 [hbm:s0], s1  }
0x178: {  	s0 =	simm.s32 @!p0 $0x5  }
0x179: {  	_ =	swait.ge @!p0 [sflag:s0], s1  }
0x17a: {  	s1 =	ssub.s32 @!p0 $0x0, s1;
	[sflag:s0] =	ssyncset.done @!p0 $0x0  }
0x17b: {  	[sflag:s0] =	ssyncadd.s32 @!p0 s1  }
0x17c: {  	[bflag:$0x3] =	sbarrier.arrive $0xFFFF  }
0x17d: {  	_ =	shalt  }

// kernel: kernel.23.cloned.1.call-start
scs
__scs_entry_jumppad:
0x0: {  	(pc) =	sbr.rel $0x88, $3  }
0x1: {  	(tag) =	ssettag $0x0;
	lr =	simm.s32 $0x1  }
0x2: {  	[smem:$0x3F89] =	sst lr;
	_ =	strace $0xD0000000  }
0x3: {  	_ = 	snop  }
0x4: {  	_ = 	snop  }
0x5: {  	_ = 	snop  }
0x6: {  	_ = 	snop  }
0x7: {  	_ = 	snop  }
__scs_overlays_trampoline_lowered:
0x8: {  	[smem:$0x3F98] =	sst s0  }
0x9: {  	[smem:$0x3F99] =	sst s1  }
0xa: {  	[smem:$0x3F9A] =	sst s2  }
0xb: {  	[smem:$0x3F9B] =	sst s3  }
0xc: {  	[smem:$0x3F9C] =	sst s4  }
0xd: {  	[smem:$0x3F9D] =	sst s5  }
0xe: {  	[smem:$0x3F9E] =	sst s6  }
0xf: {  	[smem:$0x3F9F] =	sst s7  }
0x10: {  	[smem:$0x3FA0] =	sst s8  }
0x11: {  	[smem:$0x3FA1] =	sst s9;
	s0 =	simm.s32 @!p0 $0x0  }
0x12: {  	s1 =	sld [smem:$0x3F87];
	s0 =	simm.s32 @p0 $0x1  }
0x13: {  	[smem:$0x3FA2] =	sst s0;
	s0 =	simm.s32 @!p1 $0x0  }
0x14: {  	s2 =	sld [smem:$0x3F86];
	s0 =	simm.s32 @p1 $0x1  }
0x15: {  	[smem:$0x3FA3] =	sst s0;
	s0 =	simm.s32 @!p2 $0x0  }
0x16: {  	s3 =	sld [smem:$0x3FDB];
	s0 =	simm.s32 @p2 $0x1  }
0x17: {  	s4 =	simm.s32 $0x1BF5;
	[smem:$0x3FA5] =	sst s0  }
0x18: {  	s0 =	sld [smem:$0x3F88];
	_ =	swait.ge [sflag:s4], $0x0  }
0x19: {  	s7 =	sld [smem:$0x3F89]  }
0x1a: {  	s8 =	sadd.s32 $0xFFFFE003, lr  }
0x1b: {  	s9 =	sadd.s32 $0xFFFFFEF7, lr;
	s5 =	simm.s32 $0xFFFFFFFF;
	p2 =	slt.u32 s8, $0xFFFFF086  }
0x1c: {  	p1 =	slt.u32 s9, $0xF7A;
	s5 =	simm.s32 @!p2 $0x0  }
0x1d: {  	s5 =	simm.s32 @p1 $0x1;
	p0 =	seq.s32 s7, s2  }
0x1e: {  	s7 =	smul.u32 @!p0 $0xF7A, s2;
	p2 =	seq.s32 @!p0 s5, $0x0  }
0x1f: {  	s9 =	smul.u32 $0xF7A, s1;
	s8 =	simm.s32 @!p0 $0x1BF5;
	p2 =	por !p2, p0  }
0x20: {  	[sflag:s8] =	ssyncset.s32 @!p0 $0xFFFFF086;
	s6 =	sadd.s32 @!p0 s3, s7;
	s7 =	simm.s32 @!p0 $0x108  }
0x21: {  	s3 =	sadd.s32 s3, s9;
	s6 =	sadd.s32 @!p0 $0x88, s6;
	s7 =	simm.s32 @p2 $0x1082  }
0x22: {  	[simem:s7], [sflag:s8] =	dma.local @!p0 [hbm:s6], $0xF7A  }
0x23: {  	s9 =	sor.u32 $0xD0000000, s2;
	s6 =	simm.s32 $0x108;
	_ =	swait.ge @!p0 [sflag:s8], $0x0  }
0x24: {  	s3 =	sadd.s32 $0x88, s3;
	s6 =	simm.s32 @!p1 $0x1082;
	[sflag:s4] =	ssyncset.s32 $0xFFFFF086  }
0x25: {  	[simem:s6], [sflag:s4] =	dma.local [hbm:s3], $0xF7A  }
0x26: {  	[smem:$0x3F89] =	sst s1;
	(tag) =	ssettag s2;
	_ =	strace s9  }
0x27: {  	s1 =	sld [smem:$0x3F99]  }
0x28: {  	s2 =	sld [smem:$0x3F9A]  }
0x29: {  	s4 =	sld [smem:$0x3F9C]  }
0x2a: {  	p0 =	seq.s32 s5, $0x0;
	s5 =	sld [smem:$0x3F9D]  }
0x2b: {  	s6 =	sld [smem:$0x3F9E]  }
0x2c: {  	s7 =	sld [smem:$0x3F9F]  }
0x2d: {  	s3 =	simm.s32 $0x108;
	s8 =	sld [smem:$0x3FA0]  }
0x2e: {  	s3 =	simm.s32 @!p0 $0x1082;
	s9 =	sld [smem:$0x3FA1]  }
0x2f: {  	lr =	sadd.s32 s0, s3;
	s0 =	sld [smem:$0x3F98]  }
0x30: {  	s3 =	sld [smem:$0x3F9B]  }
0x31: {  	[smem:$0x3FA4] =	sst s10  }
0x32: {  	s10 =	sld [smem:$0x3FA2];
	_ =	sdelay $0x3  }
0x33: {  	p0 =	seq.s32 s10, $0x1;
	s10 =	sld [smem:$0x3FA4];
	_ =	sdelay $0x3  }
0x34: {  	[smem:$0x3FA4] =	sst s10  }
0x35: {  	s10 =	sld [smem:$0x3FA3];
	_ =	sdelay $0x3  }
0x36: {  	p1 =	seq.s32 s10, $0x1;
	s10 =	sld [smem:$0x3FA4];
	_ =	sdelay $0x3  }
0x37: {  	[smem:$0x3FA4] =	sst s10  }
0x38: {  	s10 =	sld [smem:$0x3FA5]  }
0x39: {  	_ = 	snop;
	(pc) =	sbr.ind lr, $3  }
0x3a: {  	_ = 	snop  }
0x3b: {  	_ = 	snop  }
0x3c: {  	p2 =	seq.s32 s10, $0x1;
	s10 =	sld [smem:$0x3FA4]  }
0x3d: {  	_ =	shalt  }
0x3e: {  	_ =	shalt  }
0x3f: {  	_ =	shalt  }
0x40: {  	_ =	shalt  }
0x41: {  	_ =	shalt  }
0x42: {  	_ =	shalt  }
0x43: {  	_ =	shalt  }
0x44: {  	_ =	shalt  }
0x45: {  	_ =	shalt  }
0x46: {  	_ =	shalt  }
0x47: {  	_ =	shalt  }
0x48: {  	_ =	shalt  }
0x49: {  	_ =	shalt  }
0x4a: {  	_ =	shalt  }
0x4b: {  	_ =	shalt  }
0x4c: {  	_ =	shalt  }
0x4d: {  	_ =	shalt  }
0x4e: {  	_ =	shalt  }
0x4f: {  	_ =	shalt  }
0x50: {  	_ =	shalt  }
0x51: {  	_ =	shalt  }
0x52: {  	_ =	shalt  }
0x53: {  	_ =	shalt  }
0x54: {  	_ =	shalt  }
0x55: {  	_ =	shalt  }
0x56: {  	_ =	shalt  }
0x57: {  	_ =	shalt  }
0x58: {  	_ =	shalt  }
0x59: {  	_ =	shalt  }
0x5a: {  	_ =	shalt  }
0x5b: {  	_ =	shalt  }
0x5c: {  	_ =	shalt  }
0x5d: {  	_ =	shalt  }
0x5e: {  	_ =	shalt  }
0x5f: {  	_ =	shalt  }
0x60: {  	_ =	shalt  }
0x61: {  	_ =	shalt  }
0x62: {  	_ =	shalt  }
0x63: {  	_ =	shalt  }
0x64: {  	_ =	shalt  }
0x65: {  	_ =	shalt  }
0x66: {  	_ =	shalt  }
0x67: {  	_ =	shalt  }
0x68: {  	_ =	shalt  }
0x69: {  	_ =	shalt  }
0x6a: {  	_ =	shalt  }
0x6b: {  	_ =	shalt  }
0x6c: {  	_ =	shalt  }
0x6d: {  	_ =	shalt  }
0x6e: {  	_ =	shalt  }
0x6f: {  	_ =	shalt  }
0x70: {  	_ =	shalt  }
0x71: {  	_ =	shalt  }
0x72: {  	_ =	shalt  }
0x73: {  	_ =	shalt  }
0x74: {  	_ =	shalt  }
0x75: {  	_ =	shalt  }
0x76: {  	_ =	shalt  }
0x77: {  	_ =	shalt  }
0x78: {  	_ =	shalt  }
0x79: {  	_ =	shalt  }
0x7a: {  	_ =	shalt  }
0x7b: {  	_ =	shalt  }
0x7c: {  	_ =	shalt  }
0x7d: {  	_ =	shalt  }
0x7e: {  	_ =	shalt  }
0x7f: {  	_ =	shalt  }
0x80: {  	_ =	shalt  }
0x81: {  	_ =	shalt  }
0x82: {  	_ =	shalt  }
0x83: {  	_ =	shalt  }
0x84: {  	_ =	shalt  }
0x85: {  	_ =	shalt  }
0x86: {  	_ =	shalt  }
0x87: {  	_ =	shalt  }
.Lfunc_end0:
.L_simem_size_0:
called_computation.3_lowered:
.L_overlay_start_0:
0x88: {  	s2 =	sld [smem:$0x3FD9]  }
0x89: {  	s3 =	sld [smem:$0x3FFE];
	_ =	sdelay $0x1  }
0x8a: {  	s1 =	srdreg.scid  }
0x8b: {  	s0 =	sand.u32 $0x1, s1  }
0x8c: {  	s17 =	sshll.u32 s0, $0xA;
	s2 =	sadd.s32 s3, s2  }
0x8d: {  	s2 =	sadd.s32 s2, s17  }
0x8e: {  	[smem:$0x3FB0] =	sst s2  }
0x8f: {  	_ = 	snop  }
0x90: {  	(tm) =	ssettm $0x1  }
0x91: {  	s18 =	sld [smem:$0x3FFB];
	_ =	sdelay $0x3  }
0x92: {  	_ =	strace s18  }
0x93: {  	s2 =	sld [smem:$0x3FFC];
	_ =	sdelay $0x3  }
0x94: {  	_ =	strace s2  }
0x95: {  	s2 =	sld [smem:$0x3FFD];
	_ =	sdelay $0x3  }
0x96: {  	_ =	strace s2  }
0x97: {  	_ =	strace $0x8FFFFFFF  }
0x98: {  	s19 =	sld [smem:$0x3FDB];
	_ =	sdelay $0x1  }
0x99: {  	s20 =	simm.s32 $_scs_section_size  }
0x9a: {  	s4 =	simm.s32 $_size__tile_overlayer_lowered;
	s5 =	simm.s32 $_tile_overlayer_lowered  }
0x9b: {  	s6 =	simm.s32 $0x1BFF;
	s21 =	sshll.u32 s5, $0x1;
	s3 =	sadd.s32 s20, s19  }
0x9c: {  	s22 =	simm.s32 $0x0;
	s4 =	sshll.u32 s4, $0x1;
	s5 =	sadd.s32 s21, s3  }
0x9d: {  	[timem:s22], [sflag:s6] =	dma.local [hbm:s5], s4  }
0x9e: {  	_ =	swait.ge [sflag:s6], s4  }
0x9f: {  	s4 =	ssub.s32 $0x0, s4;
	[sflag:s6] =	ssyncset.done $0x0  }
0xa0: {  	[sflag:s6] =	ssyncadd.s32 s4;
	_ =	sdelay $0x1  }
0xa1: {  	s23 =	simm.s32 $0x1B8B  }
0xa2: {  	_ =	swait.ge [sflag:s23], $0x1  }
0xa3: {  	[sflag:s23] =	ssyncset.done $0x0  }
0xa4: {  	[sflag:s23] =	ssyncadd.s32 $0xFFFFFFFF  }
0xa5: {  	s4 =	sld [smem:$0x0]  }
0xa6: {  	s5 =	sand.u32 $0xFFFFFFFE, s1  }
0xa7: {  	p0 =	sne.s32 s1, s5  }
0xa8: {  	s5 =	sshll.u32 @p0 s5, $0xE  }
0xa9: {  	s5 =	sadd.s32 @p0 $0x11B8D, s5;
	s6 =	sshll.u32 @p0 s4, $0x11  }
0xaa: {  	s5 =	sor.u32 @p0 s6, s5  }
0xab: {  	[sflag:s5] =	ssyncadd.remote.s32 @p0 $0x1;
	_ =	sdelay $0x1  }
0xac: {  	s5 =	simm.s32 @p0 $0x1B8D  }
0xad: {  	_ =	swait.eq @p0 [sflag:s5], $0x1  }
0xae: {  	[sflag:s5] =	ssyncadd.s32 @p0 $0xFFFFFFFF  }
0xaf: {  	s6 =	sshll.u32 @!p0 s1, $0xE  }
0xb0: {  	s6 =	sor.u32 @!p0 $0x4000, s6;
	s5 =	simm.s32 @!p0 $0x1B8D  }
0xb1: {  	s4 =	sshll.u32 @!p0 s4, $0x11;
	s6 =	sadd.s32 @!p0 $0x11B8D, s6;
	_ =	swait.eq @!p0 [sflag:s5], $0x1  }
0xb2: {  	s4 =	sor.u32 @!p0 s4, s6;
	[sflag:s5] =	ssyncadd.s32 @!p0 $0xFFFFFFFF  }
0xb3: {  	s25 =	simm.s32 $0x1B8E;
	s24 =	sld [smem:$0x3FFE];
	[sflag:s4] =	ssyncadd.remote.s32 @!p0 $0x1  }
0xb4: {  	s26 =	simm.s32 $execute0_lowered;
	[smem:$0x3FD2] =	sst s25  }
0xb5: {  	s5 =	sshll.u32 s26, $0x1;
	_ =	strace $0x8000004C;
	[dreg:$0x1] =	wrdreg $0xFFFFFFFF  }
0xb6: {  	s28 =	simm.s32 $_size_execute0_lowered;
	s3 =	sadd.s32 s3, s5;
	[dreg:$0x0] =	wrdreg $0x0  }
0xb7: {  	s5 =	sshll.u32 s28, $0x1;
	[dreg:$0x2] =	wrdreg s3  }
0xb8: {  	[dreg:$0x3] =	wrdreg s5  }
0xb9: {  	[dreg:$0x4] =	wrdreg $0xC0  }
0xba: {  	_ =	task [dreg:s22], $0x5FFFF  }
0xbb: {  	[dreg:$0x1] =	wrdreg $0xFFFFFFFF  }
0xbc: {  	[dreg:$0x0] =	wrdreg $0x60  }
0xbd: {  	[dreg:$0x2] =	wrdreg s24  }
0xbe: {  	[dreg:$0x3] =	wrdreg $0x0  }
0xbf: {  	[dreg:$0x4] =	wrdreg $0xB  }
0xc0: {  	_ =	task.clear_ibuf [dreg:s22], $0x5FFFF;
	_ =	strace $0x9000004C  }
0xc1: {  	s29 =	simm.s32 $0xB;
	_ =	strace $0x8000004E  }
0xc2: {  	_ =	swait.ge [sflag:s29], $0x1  }
0xc3: {  	[sflag:s29] =	ssyncadd.s32 $0xFFFFFFFF  }
0xc4: {  	_ =	strace $0x9000004E  }
0xc5: {  	_ =	sfence  }
0xc6: {  	s30 =	sld [smem:$0x0];
	_ =	sdelay $0x2  }
0xc7: {  	s31 =	sshll.u32 s1, $0xD;
	s1 =	sshrl.u32 s1, $0x2  }
0xc8: {  	s4 =	sand.u32 $0x4000, s31;
	s1 =	sadd.s32 s1, s30  }
0xc9: {  	s0 =	sor.u32 s4, s0;
	s1 =	sshll.u32 s1, $0x11  }
0xca: {  	s0 =	sor.u32 s1, s0  }
0xcb: {  	s0 =	sadd.s32 $0x8F2B, s0  }
0xcc: {  	[sflag:s0] =	ssyncadd.remote.s32 $0x1  }
0xcd: {  	_ =	sfence.sel $0xFFFF  }
0xce: {  	[dreg:$0x0] =	wrdreg $0xFFFFFFFF;
	(pc) =	sbr.abs _section_cstart, $3  }
0xcf: {  	[dreg:$0x1] =	wrdreg $0xFFFFFFFF  }
0xd0: {  	_ =	task.clear_ibuf [dreg:s22], $0x2FFFF;
	_ =	strace $0x9FFFFFFF  }
0xd1: {  	(tm) =	ssettm $0x7FFFFFFF  }
tec
execute0_lowered:
.L_overlay_start_1:
0x0: {  	(tag) =	ssettag $0x1  }
0x1: {  	s0 =	rddreg [dreg:$0x0];
	s1 =	srdreg.scid  }
0x2: {  	s2 =	rddreg [dreg:$0x1];
	s10 =	stileid.u32;
	s3 =	simm.s32 $0x0  }
0x3: {  	s28 =	simm.s32 $0x3;
	s29 =	simm.s32 $0x4;
	s5 =	smul.u32 $0x14000, s10  }
0x4: {  	s30 =	simm.s32 $0x14200;
	s31 =	simm.s32 $0x0;
	s6 =	smul.u32 $0x50000, s10  }
0x5: {  	s1 =	sand.u32 $0x1, s1;
	[smem:$0x7FF] =	sst s3;
	s8 =	smul.u32 $0x960, s10  }
0x6: {  	s7 =	sadd.s32 $0x32F000, s0;
	s18 =	sshll.u32 s10, $0x6;
	s10 =	smul.u32 $0x9600, s10  }
0x7: {  	s4 =	smul.u32 $0x140000, s1;
	_ =	strace $0x8000004D;
	s17 =	ssub.s32 $0x2, s1  }
0x8: {  	s1 =	smul.u32 $0x4E200, s1;
	s9 =	sshrl.u32 s17, $0x1;
	s6 =	sshrl.u32 s6, $0x2  }
0x9: {  	s11 =	sadd.s32 $0xA0, s8;
	s12 =	sadd.s32 $0x8C0, s8;
	s22 =	sadd.s32 s7, s10  }
0xa: {  	s5 =	sadd.s32 s5, s4;
	s4 =	sadd.s32 $0x285600, s0;
	s15 =	sadd.s32 s6, s2  }
0xb: {  	s6 =	sor.u32 $0x1C05, s18;
	s21 =	sadd.s32 s1, s11;
	s23 =	sshll.u32 s11, $0x4  }
0xc: {  	s25 =	sshll.u32 s12, $0x4;
	s10 =	smov.u32 s22;
	s5 =	sshrl.u32 s5, $0x3  }
0xd: {  	s24 =	sadd.s32 s7, s23;
	s18 =	sshrl.u32 s15, $0x3;
	s23 =	simm.s32 $0x19300  }
0xe: {  	s0 =	sadd.s32 s5, s0;
	s5 =	ssub.s32 s17, s9;
	s17 =	sadd.s32 s8, s1  }
0xf: {  	s1 =	sadd.s32 s1, s12;
	[dreg:$0x6] =	wrdreg s24;
	s12 =	sadd.s32 s7, s25  }
0x10: {  	s7 =	sadd.s32 $0x1E00, s22;
	s22 =	simm.s32 $0x14100;
	s24 =	simm.s32 $0x1  }
0x11: {  	s25 =	simm.s32 $0xA0;
	s19 =	sadd.s32 $0x3C5000, s0;
	s20 =	sshrl.u32 s17, $0x3  }
0x12: {  	s1 =	sshrl.u32 s1, $0x3;
	s13 =	sadd.s32 $0x415000, s0;
	s26 =	sadd.s32 $0x1E0, s17  }
0x13: {  	s14 =	smax.u32 s5, $0x1;
	s17 =	sadd.s32 $0x140, s17;
	[dreg:$0x3] =	wrdreg s19  }
0x14: {  	s9 =	sadd.s32 s4, s20;
	s11 =	sadd.s32 s4, s1;
	s0 =	sshrl.u32 s26, $0x3  }
0x15: {  	s19 =	simm.s32 $0x5;
	[dreg:$0x4] =	wrdreg s9;
	s9 =	sshrl.u32 s21, $0x3  }
0x16: {  	s20 =	simm.s32 $0x14000;
	s26 =	simm.s32 $0x2;
	s9 =	sadd.s32 s4, s9  }
0x17: {  	s16 =	sadd.s32 s0, s4;
	s21 =	simm.s32 $0x14300;
	[dreg:$0x5] =	wrdreg s9  }
.LBB2_1:
0x18: {  	s0 =	rddreg [dreg:$0x3]  }
0x19: {  	[spmem:s18], [sflag:s6] =	dma.local [hbm:s0], $0x2800  }
0x1a: {  	_ =	swait.ge [sflag:s19], $0x2800  }
0x1b: {  	[sflag:s19] =	ssyncset.done $0x0  }
0x1c: {  	[sflag:s19] =	ssyncadd.s32 $0xFFFFD800  }
0x1d: {  	[bflag:$0x0] =	sbarrier.arrive $0xFFFF  }
0x1e: {  	s15 =	rddreg [dreg:$0x4]  }
0x1f: {  	[tilespmem:s20], [sflag:$0x1] =	stream.linear.gather [hbm4b:s15+s3], $0xA0, $0x38;
	[tilespmem:$0x1E300] =	vst v63  }
0x20: {  	_ = 	snop  }
0x21: {  	[tilespmem:s21], [sflag:$0x1] =	stream.linear.gather [hbm4b:s10+s3], $0x5000, $0x38;
	[tilespmem:$0x1E300] =	vst v63  }
0x22: {  	s1 =	rddreg [dreg:$0x5]  }
0x23: {  	[tilespmem:s22], [sflag:$0x2] =	stream.linear.gather [hbm4b:s1+s3], $0xA0, $0x38;
	[tilespmem:$0x1E300] =	vst v63  }
0x24: {  	s5 =	rddreg [dreg:$0x6]  }
0x25: {  	[tilespmem:s23], [sflag:$0x2] =	stream.linear.gather [hbm4b:s5+s3], $0x5000, $0x38;
	[tilespmem:$0x1E300] =	vst v63  }
0x26: {  	_ =	swait.ge [sflag:s24], $0xA0  }
0x27: {  	[sflag:s24] =	ssyncset.done $0x0  }
0x28: {  	[sflag:s24] =	ssyncadd.s32 $0xFFFFFF60  }
0x29: {  	_ =	swait.ge [sflag:s24], $0x5000  }
0x2a: {  	[sflag:s24] =	ssyncset.done $0x0  }
0x2b: {  	[sflag:s24] =	ssyncadd.s32 $0xFFFFB000  }
0x2c: {  	[spmem:s2] =	stream.indirect.scatter.add.f32 [tilespmem:s21], [sflag:$0x3], $0x80, s20, s25, $0xb8;
	[tilespmem:$0x1E300] =	vst v63  }
0x2d: {  	_ =	swait.ge [sflag:s26], $0xA0  }
0x2e: {  	[sflag:s26] =	ssyncset.done $0x0  }
0x2f: {  	[sflag:s26] =	ssyncadd.s32 $0xFFFFFF60  }
0x30: {  	_ =	swait.ge [sflag:s26], $0x5000  }
0x31: {  	[sflag:s26] =	ssyncset.done $0x0  }
0x32: {  	[sflag:s26] =	ssyncadd.s32 $0xFFFFB000  }
0x33: {  	[spmem:s2] =	stream.indirect.scatter.add.f32 [tilespmem:s23], [sflag:$0x4], $0x80, s22, s25, $0xb8;
	[tilespmem:$0x1E300] =	vst v63  }
0x34: {  	_ =	swait.ge [sflag:s28], $0x5000  }
0x35: {  	s8 =	sshrl.u32 s17, $0x3;
	[sflag:s28] =	ssyncset.done $0x0  }
0x36: {  	s0 =	sadd.s32 s4, s8;
	[sflag:s28] =	ssyncadd.s32 $0xFFFFB000  }
0x37: {  	[tilespmem:s20], [sflag:$0x1] =	stream.linear.gather [hbm4b:s0+s3], $0xA0, $0x38;
	[tilespmem:$0x1E300] =	vst v63  }
0x38: {  	s9 =	sadd.s32 $0xFFFFF600, s7  }
0x39: {  	[tilespmem:s21], [sflag:$0x1] =	stream.linear.gather [hbm4b:s9+s3], $0x5000, $0x38;
	[tilespmem:$0x1E300] =	vst v63  }
0x3a: {  	_ =	swait.ge [sflag:s29], $0x5000  }
0x3b: {  	[sflag:s29] =	ssyncset.done $0x0  }
0x3c: {  	s15 =	sadd.s32 $0x0, s16;
	s1 =	sadd.s32 $0x1400, s7;
	[sflag:s29] =	ssyncadd.s32 $0xFFFFB000  }
0x3d: {  	[tilespmem:s22], [sflag:$0x2] =	stream.linear.gather [hbm4b:s15+s3], $0xA0, $0x38;
	[tilespmem:$0x1E300] =	vst v63  }
0x3e: {  	s5 =	sadd.s32 $0x140, s17;
	s0 =	simm.s32 $0x28;
	s15 =	smov.u32 s7  }
.LBB2_2:
0x3f: {  	[tilespmem:s23], [sflag:$0x2] =	stream.linear.gather [hbm4b:s15+s3], $0x5000, $0x38;
	[tilespmem:$0x1E300] =	vst v63  }
0x40: {  	s9 =	smov.u32 s0;
	s15 =	smov.u32 s1  }
0x41: {  	p0 =	sne.s32 s0, $0xC8;
	s0 =	sadd.s32 $0x28, s0;
	_ =	swait.ge [sflag:s24], $0xA0  }
0x42: {  	[sflag:s24] =	ssyncset.done $0x0  }
0x43: {  	[sflag:s24] =	ssyncadd.s32 $0xFFFFFF60  }
0x44: {  	_ =	swait.ge [sflag:s24], $0x5000  }
0x45: {  	[sflag:s24] =	ssyncset.done $0x0  }
0x46: {  	[sflag:s24] =	ssyncadd.s32 $0xFFFFB000  }
0x47: {  	[spmem:s2] =	stream.indirect.scatter.add.f32 [tilespmem:s21], [sflag:$0x3], $0x80, s20, s25, $0xb8;
	[tilespmem:$0x1E300] =	vst v63  }
0x48: {  	_ =	swait.ge [sflag:s26], $0xA0  }
0x49: {  	[sflag:s26] =	ssyncset.done $0x0  }
0x4a: {  	[sflag:s26] =	ssyncadd.s32 $0xFFFFFF60  }
0x4b: {  	_ =	swait.ge [sflag:s26], $0x5000  }
0x4c: {  	[sflag:s26] =	ssyncset.done $0x0  }
0x4d: {  	[sflag:s26] =	ssyncadd.s32 $0xFFFFB000  }
0x4e: {  	[spmem:s2] =	stream.indirect.scatter.add.f32 [tilespmem:s23], [sflag:$0x4], $0x80, s22, s25, $0xb8;
	[tilespmem:$0x1E300] =	vst v63  }
0x4f: {  	_ =	swait.ge [sflag:s28], $0x5000  }
0x50: {  	s8 =	sshrl.u32 s5, $0x3;
	[sflag:s28] =	ssyncset.done $0x0  }
0x51: {  	s8 =	sadd.s32 s4, s8;
	[sflag:s28] =	ssyncadd.s32 $0xFFFFB000  }
0x52: {  	[tilespmem:s20], [sflag:$0x1] =	stream.linear.gather [hbm4b:s8+s3], $0xA0, $0x38;
	[tilespmem:$0x1E300] =	vst v63  }
0x53: {  	s8 =	sadd.s32 $0xFFFFF600, s1  }
0x54: {  	[tilespmem:s21], [sflag:$0x1] =	stream.linear.gather [hbm4b:s8+s3], $0x5000, $0x38;
	[tilespmem:$0x1E300] =	vst v63  }
.Ltmp0:
0x55: {  	_ =	swait.ge [sflag:s29], $0x5000;
	(pc) =	sbr.rel @p0 .LBB2_2-.Ltmp0, $4  }
0x56: {  	[sflag:s29] =	ssyncset.done $0x0  }
0x57: {  	s8 =	sadd.s32 s9, s16;
	[sflag:s29] =	ssyncadd.s32 $0xFFFFB000  }
0x58: {  	[tilespmem:s22], [sflag:$0x2] =	stream.linear.gather [hbm4b:s8+s3], $0xA0, $0x38;
	[tilespmem:$0x1E300] =	vst v63  }
0x59: {  	s5 =	sadd.s32 $0x140, s5;
	s1 =	sadd.s32 $0x1400, s1  }
0x5a: {  	[tilespmem:s23], [sflag:$0x2] =	stream.linear.gather [hbm4b:s15+s3], $0x5000, $0x38;
	[tilespmem:$0x1E300] =	vst v63  }
0x5b: {  	_ =	swait.ge [sflag:s24], $0xA0  }
0x5c: {  	[sflag:s24] =	ssyncset.done $0x0  }
0x5d: {  	[sflag:s24] =	ssyncadd.s32 $0xFFFFFF60  }
0x5e: {  	_ =	swait.ge [sflag:s24], $0x5000  }
0x5f: {  	[sflag:s24] =	ssyncset.done $0x0  }
0x60: {  	[sflag:s24] =	ssyncadd.s32 $0xFFFFB000  }
0x61: {  	[spmem:s2] =	stream.indirect.scatter.add.f32 [tilespmem:s21], [sflag:$0x3], $0x80, s20, s25, $0xb8;
	[tilespmem:$0x1E300] =	vst v63  }
0x62: {  	_ =	swait.ge [sflag:s26], $0xA0  }
0x63: {  	[sflag:s26] =	ssyncset.done $0x0  }
0x64: {  	[sflag:s26] =	ssyncadd.s32 $0xFFFFFF60  }
0x65: {  	_ =	swait.ge [sflag:s26], $0x5000  }
0x66: {  	[sflag:s26] =	ssyncset.done $0x0  }
0x67: {  	[sflag:s26] =	ssyncadd.s32 $0xFFFFB000  }
0x68: {  	[spmem:s2] =	stream.indirect.scatter.add.f32 [tilespmem:s23], [sflag:$0x4], $0x80, s22, s25, $0xb8;
	[tilespmem:$0x1E300] =	vst v63  }
0x69: {  	_ =	swait.ge [sflag:s28], $0x5000  }
0x6a: {  	[sflag:s28] =	ssyncset.done $0x0  }
0x6b: {  	[sflag:s28] =	ssyncadd.s32 $0xFFFFB000  }
0x6c: {  	_ =	swait.ge [sflag:s29], $0x5000  }
0x6d: {  	[sflag:s29] =	ssyncset.done $0x0  }
0x6e: {  	[sflag:s29] =	ssyncadd.s32 $0xFFFFB000  }
0x6f: {  	[tilespmem:s30], [sflag:$0x5] =	stream.linear.gather [hbm4b:s11+s3], $0xA0, $0x38;
	[tilespmem:$0x1E300] =	vst v63  }
0x70: {  	_ =	swait.ge [sflag:s19], $0xA0  }
0x71: {  	[sflag:s19] =	ssyncset.done $0x0  }
0x72: {  	[sflag:s19] =	ssyncadd.s32 $0xFFFFFF60  }
0x73: {  	[tilespmem:s21], [sflag:$0x5] =	stream.linear.gather [hbm4b:s12+s3], $0x5000, $0x38;
	[tilespmem:$0x1E300] =	vst v63  }
0x74: {  	_ =	swait.ge [sflag:s19], $0x5000  }
0x75: {  	[sflag:s19] =	ssyncset.done $0x0  }
0x76: {  	[sflag:s19] =	ssyncadd.s32 $0xFFFFB000  }
0x77: {  	[spmem:s2] =	stream.indirect.scatter.add.f32 [tilespmem:s21], [sflag:$0x5], $0x80, s30, s25, $0xb8;
	[tilespmem:$0x1E300] =	vst v63  }
0x78: {  	_ =	swait.ge [sflag:s19], $0x5000  }
0x79: {  	s31 =	sadd.s32 $0x1, s31;
	[sflag:s19] =	ssyncset.done $0x0  }
0x7a: {  	p0 =	sne.s32 s31, s14;
	[sflag:s19] =	ssyncadd.s32 $0xFFFFB000  }
.Ltmp1:
0x7b: {  	[bflag:$0x0] =	sbarrier.arrive $0xFFFF;
	(pc) =	sbr.rel @p0 .LBB2_1-.Ltmp1, $4  }
0x7c: {  	[hbm:s13], [sflag:s6] =	dma.local [spmem:s18], $0x2800  }
0x7d: {  	_ =	swait.ge [sflag:s19], $0x2800  }
0x7e: {  	[sflag:s19] =	ssyncset.done $0x0  }
0x7f: {  	[sflag:s19] =	ssyncadd.s32 $0xFFFFD800  }
0x80: {  	_ =	sfence.sel $0x180000  }
0x81: {  	[bflag:$0x0] =	sbarrier.arrive $0xFFFF  }
0x82: {  	_ =	strace $0x9000004D  }
0x83: {  	s0 =	stileid.u32;
	[bflag:$0x2] =	sbarrier.arrive $0xFFFF  }
0x84: {  	p0 =	sne.s32 s0, $0x0;
	s0 =	rddreg [dreg:$0x2]  }
0x85: {  	s0 =	sadd.s32 @!p0 $0x100000, s0  }
0x86: {  	[sflag:s0] =	ssyncadd.tile.s32 @!p0 $0x1;
	_ =	shalt  }
.Lfunc_end2:
_tile_overlayer_lowered:
.L_overlay_start_2:
0x87: {  	(tag) =	ssettag $0x2  }
0x88: {  	s0 =	rddreg [dreg:$0x0];
	s2 =	stileid.u32  }
0x89: {  	s1 =	rddreg [dreg:$0x1];
	p0 =	sne.s32 s2, $0x0  }
0x8a: {  	s3 =	rddreg [dreg:$0x2];
	[bflag:$0x3] =	sbarrier.arrive $0xFFFF;
	s2 =	simm.s32 @!p0 $0x1C05  }
0x8b: {  	[timem:s3], [sflag:s2] =	dma.local @!p0 [hbm:s0], s1  }
0x8c: {  	s0 =	simm.s32 @!p0 $0x5  }
0x8d: {  	_ =	swait.ge @!p0 [sflag:s0], s1  }
0x8e: {  	s1 =	ssub.s32 @!p0 $0x0, s1;
	[sflag:s0] =	ssyncset.done @!p0 $0x0  }
0x8f: {  	[sflag:s0] =	ssyncadd.s32 @!p0 s1  }
0x90: {  	[bflag:$0x3] =	sbarrier.arrive $0xFFFF  }
0x91: {  	_ =	shalt  }

// kernel: kernel.26.cloned.1.call-start
scs
__scs_entry_jumppad:
0x0: {  	(pc) =	sbr.rel $0x88, $3  }
0x1: {  	(tag) =	ssettag $0x0;
	lr =	simm.s32 $0x1  }
0x2: {  	[smem:$0x3F89] =	sst lr;
	_ =	strace $0xD0000000  }
0x3: {  	_ = 	snop  }
0x4: {  	_ = 	snop  }
0x5: {  	_ = 	snop  }
0x6: {  	_ = 	snop  }
0x7: {  	_ = 	snop  }
__scs_overlays_trampoline_lowered:
0x8: {  	[smem:$0x3F98] =	sst s0  }
0x9: {  	[smem:$0x3F99] =	sst s1  }
0xa: {  	[smem:$0x3F9A] =	sst s2  }
0xb: {  	[smem:$0x3F9B] =	sst s3  }
0xc: {  	[smem:$0x3F9C] =	sst s4  }
0xd: {  	[smem:$0x3F9D] =	sst s5  }
0xe: {  	[smem:$0x3F9E] =	sst s6  }
0xf: {  	[smem:$0x3F9F] =	sst s7  }
0x10: {  	[smem:$0x3FA0] =	sst s8  }
0x11: {  	[smem:$0x3FA1] =	sst s9;
	s0 =	simm.s32 @!p0 $0x0  }
0x12: {  	s1 =	sld [smem:$0x3F87];
	s0 =	simm.s32 @p0 $0x1  }
0x13: {  	[smem:$0x3FA2] =	sst s0;
	s0 =	simm.s32 @!p1 $0x0  }
0x14: {  	s2 =	sld [smem:$0x3F86];
	s0 =	simm.s32 @p1 $0x1  }
0x15: {  	[smem:$0x3FA3] =	sst s0;
	s0 =	simm.s32 @!p2 $0x0  }
0x16: {  	s3 =	sld [smem:$0x3FDB];
	s0 =	simm.s32 @p2 $0x1  }
0x17: {  	s4 =	simm.s32 $0x1BF5;
	[smem:$0x3FA5] =	sst s0  }
0x18: {  	s0 =	sld [smem:$0x3F88];
	_ =	swait.ge [sflag:s4], $0x0  }
0x19: {  	s7 =	sld [smem:$0x3F89]  }
0x1a: {  	s8 =	sadd.s32 $0xFFFFE003, lr  }
0x1b: {  	s9 =	sadd.s32 $0xFFFFFEF7, lr;
	s5 =	simm.s32 $0xFFFFFFFF;
	p2 =	slt.u32 s8, $0xFFFFF086  }
0x1c: {  	p1 =	slt.u32 s9, $0xF7A;
	s5 =	simm.s32 @!p2 $0x0  }
0x1d: {  	s5 =	simm.s32 @p1 $0x1;
	p0 =	seq.s32 s7, s2  }
0x1e: {  	s7 =	smul.u32 @!p0 $0xF7A, s2;
	p2 =	seq.s32 @!p0 s5, $0x0  }
0x1f: {  	s9 =	smul.u32 $0xF7A, s1;
	s8 =	simm.s32 @!p0 $0x1BF5;
	p2 =	por !p2, p0  }
0x20: {  	[sflag:s8] =	ssyncset.s32 @!p0 $0xFFFFF086;
	s6 =	sadd.s32 @!p0 s3, s7;
	s7 =	simm.s32 @!p0 $0x108  }
0x21: {  	s3 =	sadd.s32 s3, s9;
	s6 =	sadd.s32 @!p0 $0x88, s6;
	s7 =	simm.s32 @p2 $0x1082  }
0x22: {  	[simem:s7], [sflag:s8] =	dma.local @!p0 [hbm:s6], $0xF7A  }
0x23: {  	s9 =	sor.u32 $0xD0000000, s2;
	s6 =	simm.s32 $0x108;
	_ =	swait.ge @!p0 [sflag:s8], $0x0  }
0x24: {  	s3 =	sadd.s32 $0x88, s3;
	s6 =	simm.s32 @!p1 $0x1082;
	[sflag:s4] =	ssyncset.s32 $0xFFFFF086  }
0x25: {  	[simem:s6], [sflag:s4] =	dma.local [hbm:s3], $0xF7A  }
0x26: {  	[smem:$0x3F89] =	sst s1;
	(tag) =	ssettag s2;
	_ =	strace s9  }
0x27: {  	s1 =	sld [smem:$0x3F99]  }
0x28: {  	s2 =	sld [smem:$0x3F9A]  }
0x29: {  	s4 =	sld [smem:$0x3F9C]  }
0x2a: {  	p0 =	seq.s32 s5, $0x0;
	s5 =	sld [smem:$0x3F9D]  }
0x2b: {  	s6 =	sld [smem:$0x3F9E]  }
0x2c: {  	s7 =	sld [smem:$0x3F9F]  }
0x2d: {  	s3 =	simm.s32 $0x108;
	s8 =	sld [smem:$0x3FA0]  }
0x2e: {  	s3 =	simm.s32 @!p0 $0x1082;
	s9 =	sld [smem:$0x3FA1]  }
0x2f: {  	lr =	sadd.s32 s0, s3;
	s0 =	sld [smem:$0x3F98]  }
0x30: {  	s3 =	sld [smem:$0x3F9B]  }
0x31: {  	[smem:$0x3FA4] =	sst s10  }
0x32: {  	s10 =	sld [smem:$0x3FA2];
	_ =	sdelay $0x3  }
0x33: {  	p0 =	seq.s32 s10, $0x1;
	s10 =	sld [smem:$0x3FA4];
	_ =	sdelay $0x3  }
0x34: {  	[smem:$0x3FA4] =	sst s10  }
0x35: {  	s10 =	sld [smem:$0x3FA3];
	_ =	sdelay $0x3  }
0x36: {  	p1 =	seq.s32 s10, $0x1;
	s10 =	sld [smem:$0x3FA4];
	_ =	sdelay $0x3  }
0x37: {  	[smem:$0x3FA4] =	sst s10  }
0x38: {  	s10 =	sld [smem:$0x3FA5]  }
0x39: {  	_ = 	snop;
	(pc) =	sbr.ind lr, $3  }
0x3a: {  	_ = 	snop  }
0x3b: {  	_ = 	snop  }
0x3c: {  	p2 =	seq.s32 s10, $0x1;
	s10 =	sld [smem:$0x3FA4]  }
0x3d: {  	_ =	shalt  }
0x3e: {  	_ =	shalt  }
0x3f: {  	_ =	shalt  }
0x40: {  	_ =	shalt  }
0x41: {  	_ =	shalt  }
0x42: {  	_ =	shalt  }
0x43: {  	_ =	shalt  }
0x44: {  	_ =	shalt  }
0x45: {  	_ =	shalt  }
0x46: {  	_ =	shalt  }
0x47: {  	_ =	shalt  }
0x48: {  	_ =	shalt  }
0x49: {  	_ =	shalt  }
0x4a: {  	_ =	shalt  }
0x4b: {  	_ =	shalt  }
0x4c: {  	_ =	shalt  }
0x4d: {  	_ =	shalt  }
0x4e: {  	_ =	shalt  }
0x4f: {  	_ =	shalt  }
0x50: {  	_ =	shalt  }
0x51: {  	_ =	shalt  }
0x52: {  	_ =	shalt  }
0x53: {  	_ =	shalt  }
0x54: {  	_ =	shalt  }
0x55: {  	_ =	shalt  }
0x56: {  	_ =	shalt  }
0x57: {  	_ =	shalt  }
0x58: {  	_ =	shalt  }
0x59: {  	_ =	shalt  }
0x5a: {  	_ =	shalt  }
0x5b: {  	_ =	shalt  }
0x5c: {  	_ =	shalt  }
0x5d: {  	_ =	shalt  }
0x5e: {  	_ =	shalt  }
0x5f: {  	_ =	shalt  }
0x60: {  	_ =	shalt  }
0x61: {  	_ =	shalt  }
0x62: {  	_ =	shalt  }
0x63: {  	_ =	shalt  }
0x64: {  	_ =	shalt  }
0x65: {  	_ =	shalt  }
0x66: {  	_ =	shalt  }
0x67: {  	_ =	shalt  }
0x68: {  	_ =	shalt  }
0x69: {  	_ =	shalt  }
0x6a: {  	_ =	shalt  }
0x6b: {  	_ =	shalt  }
0x6c: {  	_ =	shalt  }
0x6d: {  	_ =	shalt  }
0x6e: {  	_ =	shalt  }
0x6f: {  	_ =	shalt  }
0x70: {  	_ =	shalt  }
0x71: {  	_ =	shalt  }
0x72: {  	_ =	shalt  }
0x73: {  	_ =	shalt  }
0x74: {  	_ =	shalt  }
0x75: {  	_ =	shalt  }
0x76: {  	_ =	shalt  }
0x77: {  	_ =	shalt  }
0x78: {  	_ =	shalt  }
0x79: {  	_ =	shalt  }
0x7a: {  	_ =	shalt  }
0x7b: {  	_ =	shalt  }
0x7c: {  	_ =	shalt  }
0x7d: {  	_ =	shalt  }
0x7e: {  	_ =	shalt  }
0x7f: {  	_ =	shalt  }
0x80: {  	_ =	shalt  }
0x81: {  	_ =	shalt  }
0x82: {  	_ =	shalt  }
0x83: {  	_ =	shalt  }
0x84: {  	_ =	shalt  }
0x85: {  	_ =	shalt  }
0x86: {  	_ =	shalt  }
0x87: {  	_ =	shalt  }
.Lfunc_end0:
.L_simem_size_0:
called_computation.4_lowered:
.L_overlay_start_0:
0x88: {  	s2 =	sld [smem:$0x3FD9]  }
0x89: {  	s3 =	sld [smem:$0x3FFE];
	_ =	sdelay $0x1  }
0x8a: {  	s1 =	srdreg.scid  }
0x8b: {  	s0 =	sand.u32 $0x1, s1  }
0x8c: {  	s15 =	sshll.u32 s0, $0xA;
	s2 =	sadd.s32 s3, s2  }
0x8d: {  	s2 =	sadd.s32 s2, s15  }
0x8e: {  	[smem:$0x3FB0] =	sst s2  }
0x8f: {  	_ = 	snop  }
0x90: {  	s2 =	sld [smem:$0x3FD0];
	_ =	sdelay $0x2  }
0x91: {  	s16 =	simm.s32 $0xC;
	s4 =	simm.s32 $0x10  }
0x92: {  	[smem:s4], [sflag:s16] =	dma.local [hbm:s2], $0x1  }
0x93: {  	_ =	swait.eq [sflag:s16], $0x1  }
0x94: {  	[sflag:s16] =	ssyncset.done $0x0  }
0x95: {  	[sflag:s16] =	ssyncadd.s32 $0xFFFFFFFF  }
0x96: {  	s17 =	sld [smem:$0x11];
	(tm) =	ssettm $0x1  }
0x97: {  	s18 =	sld [smem:$0x3FFB];
	_ =	sdelay $0x3  }
0x98: {  	_ =	strace s18  }
0x99: {  	s2 =	sld [smem:$0x3FFC];
	_ =	sdelay $0x3  }
0x9a: {  	_ =	strace s2  }
0x9b: {  	s2 =	sld [smem:$0x3FFD];
	_ =	sdelay $0x3  }
0x9c: {  	_ =	strace s2  }
0x9d: {  	_ =	strace $0x8FFFFFFF  }
0x9e: {  	s19 =	sld [smem:$0x3FDB];
	_ =	sdelay $0x1  }
0x9f: {  	s20 =	simm.s32 $_scs_section_size  }
0xa0: {  	s5 =	simm.s32 $_size__tile_overlayer_lowered;
	s6 =	simm.s32 $_tile_overlayer_lowered  }
0xa1: {  	s7 =	simm.s32 $0x1BFF;
	s21 =	sshll.u32 s6, $0x1;
	s4 =	sadd.s32 s20, s19  }
0xa2: {  	s22 =	simm.s32 $0x0;
	s5 =	sshll.u32 s5, $0x1;
	s6 =	sadd.s32 s21, s4  }
0xa3: {  	[timem:s22], [sflag:s7] =	dma.local [hbm:s6], s5  }
0xa4: {  	_ =	swait.ge [sflag:s7], s5  }
0xa5: {  	s5 =	ssub.s32 $0x0, s5;
	[sflag:s7] =	ssyncset.done $0x0  }
0xa6: {  	[sflag:s7] =	ssyncadd.s32 s5;
	_ =	sdelay $0x1  }
0xa7: {  	s23 =	simm.s32 $0x1B8B  }
0xa8: {  	_ =	swait.ge [sflag:s23], $0x1  }
0xa9: {  	[sflag:s23] =	ssyncset.done $0x0  }
0xaa: {  	[sflag:s23] =	ssyncadd.s32 $0xFFFFFFFF  }
0xab: {  	s5 =	sld [smem:$0x0]  }
0xac: {  	s6 =	sand.u32 $0xFFFFFFFE, s1  }
0xad: {  	p0 =	sne.s32 s1, s6  }
0xae: {  	s6 =	sshll.u32 @p0 s6, $0xE  }
0xaf: {  	s6 =	sadd.s32 @p0 $0x11B8D, s6;
	s7 =	sshll.u32 @p0 s5, $0x11  }
0xb0: {  	s6 =	sor.u32 @p0 s7, s6  }
0xb1: {  	[sflag:s6] =	ssyncadd.remote.s32 @p0 $0x1;
	_ =	sdelay $0x1  }
0xb2: {  	s6 =	simm.s32 @p0 $0x1B8D  }
0xb3: {  	_ =	swait.eq @p0 [sflag:s6], $0x1  }
0xb4: {  	[sflag:s6] =	ssyncadd.s32 @p0 $0xFFFFFFFF  }
0xb5: {  	s7 =	sshll.u32 @!p0 s1, $0xE  }
0xb6: {  	s7 =	sor.u32 @!p0 $0x4000, s7;
	s6 =	simm.s32 @!p0 $0x1B8D  }
0xb7: {  	s5 =	sshll.u32 @!p0 s5, $0x11;
	s7 =	sadd.s32 @!p0 $0x11B8D, s7;
	_ =	swait.eq @!p0 [sflag:s6], $0x1  }
0xb8: {  	s5 =	sor.u32 @!p0 s5, s7;
	[sflag:s6] =	ssyncadd.s32 @!p0 $0xFFFFFFFF  }
0xb9: {  	s25 =	simm.s32 $0x1B8E;
	s24 =	sld [smem:$0x3FFE];
	[sflag:s5] =	ssyncadd.remote.s32 @!p0 $0x1  }
0xba: {  	s26 =	simm.s32 $execute0_lowered;
	[smem:$0x3FD2] =	sst s25  }
0xbb: {  	s6 =	sshll.u32 s26, $0x1;
	_ =	strace $0x80000052;
	[dreg:$0x1] =	wrdreg $0xFFFFFFFF  }
0xbc: {  	s28 =	simm.s32 $_size_execute0_lowered;
	s4 =	sadd.s32 s4, s6;
	[dreg:$0x0] =	wrdreg $0x0  }
0xbd: {  	s6 =	sshll.u32 s28, $0x1;
	[dreg:$0x2] =	wrdreg s4  }
0xbe: {  	[dreg:$0x3] =	wrdreg s6  }
0xbf: {  	[dreg:$0x4] =	wrdreg $0xC0  }
0xc0: {  	_ =	task [dreg:s22], $0x5FFFF  }
0xc1: {  	[dreg:$0x1] =	wrdreg $0xFFFFFFFF  }
0xc2: {  	[dreg:$0x0] =	wrdreg $0x60  }
0xc3: {  	[dreg:$0x2] =	wrdreg s17  }
0xc4: {  	[dreg:$0x3] =	wrdreg s24  }
0xc5: {  	[dreg:$0x4] =	wrdreg $0x0  }
0xc6: {  	[dreg:$0x5] =	wrdreg $0x9  }
0xc7: {  	_ =	task.clear_ibuf [dreg:s22], $0x6FFFF;
	_ =	strace $0x90000052  }
0xc8: {  	s29 =	simm.s32 $0x9;
	_ =	strace $0x80000054  }
0xc9: {  	_ =	swait.ge [sflag:s29], $0x1  }
0xca: {  	[sflag:s29] =	ssyncadd.s32 $0xFFFFFFFF  }
0xcb: {  	_ =	strace $0x90000054  }
0xcc: {  	_ =	sfence  }
0xcd: {  	s30 =	sld [smem:$0x0];
	_ =	sdelay $0x2  }
0xce: {  	s31 =	sshll.u32 s1, $0xD;
	s1 =	sshrl.u32 s1, $0x2  }
0xcf: {  	s4 =	sand.u32 $0x4000, s31;
	s1 =	sadd.s32 s1, s30  }
0xd0: {  	s0 =	sor.u32 s4, s0;
	s1 =	sshll.u32 s1, $0x11  }
0xd1: {  	s0 =	sor.u32 s1, s0  }
0xd2: {  	s0 =	sadd.s32 $0x8F2B, s0  }
0xd3: {  	[sflag:s0] =	ssyncadd.remote.s32 $0x1  }
0xd4: {  	_ =	sfence.sel $0xFFFF  }
0xd5: {  	[dreg:$0x0] =	wrdreg $0xFFFFFFFF;
	(pc) =	sbr.abs _section_cstart, $3  }
0xd6: {  	[dreg:$0x1] =	wrdreg $0xFFFFFFFF  }
0xd7: {  	_ =	task.clear_ibuf [dreg:s22], $0x2FFFF;
	_ =	strace $0x9FFFFFFF  }
0xd8: {  	(tm) =	ssettm $0x7FFFFFFF  }
0xd9: {  	_ =	shalt  }
tec
execute0_lowered:
.L_overlay_start_1:
0x0: {  	(tag) =	ssettag $0x1  }
0x1: {  	s9 =	rddreg [dreg:$0x0]  }
0x2: {  	s4 =	rddreg [dreg:$0x1]  }
0x3: {  	s0 =	srdreg.scid;
	s1 =	stileid.u32  }
0x4: {  	s2 =	rddreg [dreg:$0x2];
	s7 =	smul.u32 $0x14000, s1  }
0x5: {  	s3 =	simm.s32 $0x0;
	s18 =	simm.s32 $0x14200;
	s21 =	smul.u32 $0x50000, s1  }
0x6: {  	s19 =	simm.s32 $0x14100;
	s20 =	simm.s32 $0x19200;
	s12 =	smul.u32 $0x2580, s1  }
0x7: {  	s5 =	sand.u32 $0x1, s0;
	[smem:$0x7FF] =	sst s3;
	s8 =	smul.u32 $0x25800, s1  }
0x8: {  	s14 =	sadd.s32 $0x285600, s4;
	s26 =	sshll.u32 s1, $0x6;
	s6 =	smul.u32 $0x140000, s5  }
0x9: {  	_ =	strace $0x80000053;
	s22 =	ssub.s32 $0x2, s5;
	s11 =	smul.u32 $0x4E200, s5  }
0xa: {  	s5 =	sor.u32 $0x1C05, s26;
	s26 =	simm.s32 $0x0;
	s23 =	sshrl.u32 s22, $0x1  }
0xb: {  	s24 =	sshrl.u32 s21, $0x2;
	s16 =	sadd.s32 $0xA0, s12;
	s21 =	simm.s32 $0x1  }
0xc: {  	s6 =	sadd.s32 s7, s6;
	s13 =	ssub.s32 s22, s23;
	s15 =	sadd.s32 s24, s2  }
0xd: {  	s25 =	sadd.s32 $0x9600, s11;
	s7 =	sadd.s32 s9, s8;
	s11 =	sadd.s32 s12, s11  }
0xe: {  	s22 =	simm.s32 $0xA0;
	s23 =	simm.s32 $0x2;
	s24 =	simm.s32 $0x3  }
0xf: {  	s6 =	sshrl.u32 s6, $0x3;
	s28 =	sadd.s32 s12, s25;
	s17 =	sadd.s32 s16, s25  }
0x10: {  	s16 =	sshll.u32 s16, $0x4;
	s12 =	sadd.s32 $0x97E0, s11;
	s30 =	sadd.s32 $0x9740, s11  }
0x11: {  	s11 =	smax.u32 s13, $0x1;
	s15 =	sshrl.u32 s15, $0x3;
	s25 =	simm.s32 $0x4  }
0x12: {  	s10 =	sadd.s32 s6, s4;
	s6 =	sshrl.u32 s28, $0x3;
	s29 =	sshrl.u32 s17, $0x3  }
0x13: {  	s9 =	sadd.s32 s9, s16;
	s31 =	sshrl.u32 s12, $0x3;
	s16 =	sshrl.u32 s30, $0x3  }
0x14: {  	s12 =	sadd.s32 $0x1E00, s7;
	s17 =	simm.s32 $0x14000;
	s4 =	sadd.s32 $0x415000, s10  }
0x15: {  	s6 =	sadd.s32 s14, s6;
	s8 =	sadd.s32 s14, s29;
	s10 =	sadd.s32 $0x32F000, s10  }
0x16: {  	s13 =	sadd.s32 s31, s14;
	s14 =	sadd.s32 s16, s14;
	s16 =	simm.s32 $0x5  }
.LBB2_1:
0x17: {  	[spmem:s15], [sflag:s5] =	dma.local [hbm:s4], $0x2800  }
0x18: {  	_ =	swait.ge [sflag:s16], $0x2800  }
0x19: {  	[sflag:s16] =	ssyncset.done $0x0  }
0x1a: {  	[sflag:s16] =	ssyncadd.s32 $0xFFFFD800  }
0x1b: {  	[bflag:$0x0] =	sbarrier.arrive $0xFFFF  }
0x1c: {  	[tilespmem:s17], [sflag:$0x1] =	stream.linear.gather [hbm4b:s6+s3], $0xA0, $0x38;
	[tilespmem:$0x1E200] =	vst v63  }
0x1d: {  	_ = 	snop  }
0x1e: {  	[tilespmem:s18], [sflag:$0x1] =	stream.linear.gather [hbm4b:s7+s3], $0x5000, $0x38;
	[tilespmem:$0x1E200] =	vst v63  }
0x1f: {  	_ = 	snop  }
0x20: {  	[tilespmem:s19], [sflag:$0x2] =	stream.linear.gather [hbm4b:s8+s3], $0xA0, $0x38;
	[tilespmem:$0x1E200] =	vst v63  }
0x21: {  	_ = 	snop  }
0x22: {  	[tilespmem:s20], [sflag:$0x2] =	stream.linear.gather [hbm4b:s9+s3], $0x5000, $0x38;
	[tilespmem:$0x1E200] =	vst v63  }
0x23: {  	_ =	swait.ge [sflag:s21], $0xA0  }
0x24: {  	[sflag:s21] =	ssyncset.done $0x0  }
0x25: {  	[sflag:s21] =	ssyncadd.s32 $0xFFFFFF60  }
0x26: {  	_ =	swait.ge [sflag:s21], $0x5000  }
0x27: {  	[sflag:s21] =	ssyncset.done $0x0  }
0x28: {  	[sflag:s21] =	ssyncadd.s32 $0xFFFFB000  }
0x29: {  	[spmem:s2] =	stream.indirect.scatter.add.f32 [tilespmem:s18], [sflag:$0x3], $0x80, s17, s22, $0xb8;
	[tilespmem:$0x1E200] =	vst v63  }
0x2a: {  	_ =	swait.ge [sflag:s23], $0xA0  }
0x2b: {  	[sflag:s23] =	ssyncset.done $0x0  }
0x2c: {  	[sflag:s23] =	ssyncadd.s32 $0xFFFFFF60  }
0x2d: {  	_ =	swait.ge [sflag:s23], $0x5000  }
0x2e: {  	[sflag:s23] =	ssyncset.done $0x0  }
0x2f: {  	[sflag:s23] =	ssyncadd.s32 $0xFFFFB000  }
0x30: {  	[spmem:s2] =	stream.indirect.scatter.add.f32 [tilespmem:s20], [sflag:$0x4], $0x80, s19, s22, $0xb8;
	[tilespmem:$0x1E200] =	vst v63  }
0x31: {  	_ =	swait.ge [sflag:s24], $0x5000  }
0x32: {  	[sflag:s24] =	ssyncset.done $0x0  }
0x33: {  	s28 =	sadd.s32 $0x0, s14;
	[sflag:s24] =	ssyncadd.s32 $0xFFFFB000  }
0x34: {  	[tilespmem:s17], [sflag:$0x1] =	stream.linear.gather [hbm4b:s28+s3], $0xA0, $0x38;
	[tilespmem:$0x1E200] =	vst v63  }
0x35: {  	s28 =	sadd.s32 $0xFFFFF600, s12  }
0x36: {  	[tilespmem:s18], [sflag:$0x1] =	stream.linear.gather [hbm4b:s28+s3], $0x5000, $0x38;
	[tilespmem:$0x1E200] =	vst v63  }
0x37: {  	_ =	swait.ge [sflag:s25], $0x5000  }
0x38: {  	[sflag:s25] =	ssyncset.done $0x0  }
0x39: {  	s28 =	sadd.s32 $0x0, s13;
	[sflag:s25] =	ssyncadd.s32 $0xFFFFB000  }
0x3a: {  	[tilespmem:s19], [sflag:$0x2] =	stream.linear.gather [hbm4b:s28+s3], $0xA0, $0x38;
	[tilespmem:$0x1E200] =	vst v63  }
0x3b: {  	s29 =	sadd.s32 $0x1400, s12;
	s30 =	smov.u32 s12;
	s28 =	simm.s32 $0x28  }
.LBB2_2:
0x3c: {  	[tilespmem:s20], [sflag:$0x2] =	stream.linear.gather [hbm4b:s30+s3], $0x5000, $0x38;
	[tilespmem:$0x1E200] =	vst v63  }
0x3d: {  	s31 =	smov.u32 s28;
	s30 =	smov.u32 s29  }
0x3e: {  	p0 =	sne.s32 s28, $0x460;
	s28 =	sadd.s32 $0x28, s28;
	_ =	swait.ge [sflag:s21], $0xA0  }
0x3f: {  	[sflag:s21] =	ssyncset.done $0x0  }
0x40: {  	[sflag:s21] =	ssyncadd.s32 $0xFFFFFF60  }
0x41: {  	_ =	swait.ge [sflag:s21], $0x5000  }
0x42: {  	[sflag:s21] =	ssyncset.done $0x0  }
0x43: {  	[sflag:s21] =	ssyncadd.s32 $0xFFFFB000  }
0x44: {  	[spmem:s2] =	stream.indirect.scatter.add.f32 [tilespmem:s18], [sflag:$0x3], $0x80, s17, s22, $0xb8;
	[tilespmem:$0x1E200] =	vst v63  }
0x45: {  	_ =	swait.ge [sflag:s23], $0xA0  }
0x46: {  	[sflag:s23] =	ssyncset.done $0x0  }
0x47: {  	[sflag:s23] =	ssyncadd.s32 $0xFFFFFF60  }
0x48: {  	_ =	swait.ge [sflag:s23], $0x5000  }
0x49: {  	[sflag:s23] =	ssyncset.done $0x0  }
0x4a: {  	[sflag:s23] =	ssyncadd.s32 $0xFFFFB000  }
0x4b: {  	[spmem:s2] =	stream.indirect.scatter.add.f32 [tilespmem:s20], [sflag:$0x4], $0x80, s19, s22, $0xb8;
	[tilespmem:$0x1E200] =	vst v63  }
0x4c: {  	_ =	swait.ge [sflag:s24], $0x5000  }
0x4d: {  	[sflag:s24] =	ssyncset.done $0x0  }
0x4e: {  	s0 =	sadd.s32 s31, s14;
	[sflag:s24] =	ssyncadd.s32 $0xFFFFB000  }
0x4f: {  	[tilespmem:s17], [sflag:$0x1] =	stream.linear.gather [hbm4b:s0+s3], $0xA0, $0x38;
	[tilespmem:$0x1E200] =	vst v63  }
0x50: {  	s0 =	sadd.s32 $0xFFFFF600, s29  }
0x51: {  	[tilespmem:s18], [sflag:$0x1] =	stream.linear.gather [hbm4b:s0+s3], $0x5000, $0x38;
	[tilespmem:$0x1E200] =	vst v63  }
.Ltmp0:
0x52: {  	_ =	swait.ge [sflag:s25], $0x5000;
	(pc) =	sbr.rel @p0 .LBB2_2-.Ltmp0, $4  }
0x53: {  	[sflag:s25] =	ssyncset.done $0x0  }
0x54: {  	s0 =	sadd.s32 s31, s13;
	[sflag:s25] =	ssyncadd.s32 $0xFFFFB000  }
0x55: {  	[tilespmem:s19], [sflag:$0x2] =	stream.linear.gather [hbm4b:s0+s3], $0xA0, $0x38;
	[tilespmem:$0x1E200] =	vst v63  }
0x56: {  	s29 =	sadd.s32 $0x1400, s29  }
0x57: {  	[tilespmem:s20], [sflag:$0x2] =	stream.linear.gather [hbm4b:s30+s3], $0x5000, $0x38;
	[tilespmem:$0x1E200] =	vst v63  }
0x58: {  	_ =	swait.ge [sflag:s21], $0xA0  }
0x59: {  	[sflag:s21] =	ssyncset.done $0x0  }
0x5a: {  	[sflag:s21] =	ssyncadd.s32 $0xFFFFFF60  }
0x5b: {  	_ =	swait.ge [sflag:s21], $0x5000  }
0x5c: {  	[sflag:s21] =	ssyncset.done $0x0  }
0x5d: {  	[sflag:s21] =	ssyncadd.s32 $0xFFFFB000  }
0x5e: {  	[spmem:s2] =	stream.indirect.scatter.add.f32 [tilespmem:s18], [sflag:$0x3], $0x80, s17, s22, $0xb8;
	[tilespmem:$0x1E200] =	vst v63  }
0x5f: {  	_ =	swait.ge [sflag:s23], $0xA0  }
0x60: {  	[sflag:s23] =	ssyncset.done $0x0  }
0x61: {  	[sflag:s23] =	ssyncadd.s32 $0xFFFFFF60  }
0x62: {  	_ =	swait.ge [sflag:s23], $0x5000  }
0x63: {  	[sflag:s23] =	ssyncset.done $0x0  }
0x64: {  	[sflag:s23] =	ssyncadd.s32 $0xFFFFB000  }
0x65: {  	[spmem:s2] =	stream.indirect.scatter.add.f32 [tilespmem:s20], [sflag:$0x4], $0x80, s19, s22, $0xb8;
	[tilespmem:$0x1E200] =	vst v63  }
0x66: {  	_ =	swait.ge [sflag:s24], $0x5000  }
0x67: {  	[sflag:s24] =	ssyncset.done $0x0  }
0x68: {  	[sflag:s24] =	ssyncadd.s32 $0xFFFFB000  }
0x69: {  	_ =	swait.ge [sflag:s25], $0x5000  }
0x6a: {  	s26 =	sadd.s32 $0x1, s26;
	[sflag:s25] =	ssyncset.done $0x0  }
0x6b: {  	p0 =	sne.s32 s26, s11;
	[sflag:s25] =	ssyncadd.s32 $0xFFFFB000  }
.Ltmp1:
0x6c: {  	[bflag:$0x0] =	sbarrier.arrive $0xFFFF;
	(pc) =	sbr.rel @p0 .LBB2_1-.Ltmp1, $4  }
0x6d: {  	[hbm:s10], [sflag:s5] =	dma.local [spmem:s15], $0x2800  }
0x6e: {  	_ =	swait.ge [sflag:s16], $0x2800  }
0x6f: {  	[sflag:s16] =	ssyncset.done $0x0  }
0x70: {  	[sflag:s16] =	ssyncadd.s32 $0xFFFFD800  }
0x71: {  	_ =	sfence.sel $0x180000  }
0x72: {  	[bflag:$0x0] =	sbarrier.arrive $0xFFFF  }
0x73: {  	_ =	strace $0x90000053  }
0x74: {  	[bflag:$0x2] =	sbarrier.arrive $0xFFFF  }
0x75: {  	p0 =	sne.s32 s1, $0x0;
	s0 =	rddreg [dreg:$0x3]  }
0x76: {  	s0 =	sadd.s32 @!p0 $0x100000, s0  }
0x77: {  	[sflag:s0] =	ssyncadd.tile.s32 @!p0 $0x1;
	_ =	shalt  }
.Lfunc_end2:
_tile_overlayer_lowered:
.L_overlay_start_2:
0x78: {  	(tag) =	ssettag $0x2  }
0x79: {  	s0 =	rddreg [dreg:$0x0];
	s2 =	stileid.u32  }
0x7a: {  	s1 =	rddreg [dreg:$0x1];
	p0 =	sne.s32 s2, $0x0  }
0x7b: {  	s3 =	rddreg [dreg:$0x2];
	[bflag:$0x3] =	sbarrier.arrive $0xFFFF;
	s2 =	simm.s32 @!p0 $0x1C05  }
0x7c: {  	[timem:s3], [sflag:s2] =	dma.local @!p0 [hbm:s0], s1  }
0x7d: {  	s0 =	simm.s32 @!p0 $0x5  }
0x7e: {  	_ =	swait.ge @!p0 [sflag:s0], s1  }
0x7f: {  	s1 =	ssub.s32 @!p0 $0x0, s1;
	[sflag:s0] =	ssyncset.done @!p0 $0x0  }
0x80: {  	[sflag:s0] =	ssyncadd.s32 @!p0 s1  }
0x81: {  	[bflag:$0x3] =	sbarrier.arrive $0xFFFF  }
0x82: {  	_ =	shalt  }

// kernel: kernel.29.cloned.1.call-start
scs
__scs_entry_jumppad:
0x0: {  	(pc) =	sbr.rel $0x88, $3  }
0x1: {  	(tag) =	ssettag $0x0;
	lr =	simm.s32 $0x1  }
0x2: {  	[smem:$0x3F89] =	sst lr;
	_ =	strace $0xD0000000  }
0x3: {  	_ = 	snop  }
0x4: {  	_ = 	snop  }
0x5: {  	_ = 	snop  }
0x6: {  	_ = 	snop  }
0x7: {  	_ = 	snop  }
__scs_overlays_trampoline_lowered:
0x8: {  	[smem:$0x3F98] =	sst s0  }
0x9: {  	[smem:$0x3F99] =	sst s1  }
0xa: {  	[smem:$0x3F9A] =	sst s2  }
0xb: {  	[smem:$0x3F9B] =	sst s3  }
0xc: {  	[smem:$0x3F9C] =	sst s4  }
0xd: {  	[smem:$0x3F9D] =	sst s5  }
0xe: {  	[smem:$0x3F9E] =	sst s6  }
0xf: {  	[smem:$0x3F9F] =	sst s7  }
0x10: {  	[smem:$0x3FA0] =	sst s8  }
0x11: {  	[smem:$0x3FA1] =	sst s9;
	s0 =	simm.s32 @!p0 $0x0  }
0x12: {  	s1 =	sld [smem:$0x3F87];
	s0 =	simm.s32 @p0 $0x1  }
0x13: {  	[smem:$0x3FA2] =	sst s0;
	s0 =	simm.s32 @!p1 $0x0  }
0x14: {  	s2 =	sld [smem:$0x3F86];
	s0 =	simm.s32 @p1 $0x1  }
0x15: {  	[smem:$0x3FA3] =	sst s0;
	s0 =	simm.s32 @!p2 $0x0  }
0x16: {  	s3 =	sld [smem:$0x3FDB];
	s0 =	simm.s32 @p2 $0x1  }
0x17: {  	s4 =	simm.s32 $0x1BF5;
	[smem:$0x3FA5] =	sst s0  }
0x18: {  	s0 =	sld [smem:$0x3F88];
	_ =	swait.ge [sflag:s4], $0x0  }
0x19: {  	s7 =	sld [smem:$0x3F89]  }
0x1a: {  	s8 =	sadd.s32 $0xFFFFE003, lr  }
0x1b: {  	s9 =	sadd.s32 $0xFFFFFEF7, lr;
	s5 =	simm.s32 $0xFFFFFFFF;
	p2 =	slt.u32 s8, $0xFFFFF086  }
0x1c: {  	p1 =	slt.u32 s9, $0xF7A;
	s5 =	simm.s32 @!p2 $0x0  }
0x1d: {  	s5 =	simm.s32 @p1 $0x1;
	p0 =	seq.s32 s7, s2  }
0x1e: {  	s7 =	smul.u32 @!p0 $0xF7A, s2;
	p2 =	seq.s32 @!p0 s5, $0x0  }
0x1f: {  	s9 =	smul.u32 $0xF7A, s1;
	s8 =	simm.s32 @!p0 $0x1BF5;
	p2 =	por !p2, p0  }
0x20: {  	[sflag:s8] =	ssyncset.s32 @!p0 $0xFFFFF086;
	s6 =	sadd.s32 @!p0 s3, s7;
	s7 =	simm.s32 @!p0 $0x108  }
0x21: {  	s3 =	sadd.s32 s3, s9;
	s6 =	sadd.s32 @!p0 $0x88, s6;
	s7 =	simm.s32 @p2 $0x1082  }
0x22: {  	[simem:s7], [sflag:s8] =	dma.local @!p0 [hbm:s6], $0xF7A  }
0x23: {  	s9 =	sor.u32 $0xD0000000, s2;
	s6 =	simm.s32 $0x108;
	_ =	swait.ge @!p0 [sflag:s8], $0x0  }
0x24: {  	s3 =	sadd.s32 $0x88, s3;
	s6 =	simm.s32 @!p1 $0x1082;
	[sflag:s4] =	ssyncset.s32 $0xFFFFF086  }
0x25: {  	[simem:s6], [sflag:s4] =	dma.local [hbm:s3], $0xF7A  }
0x26: {  	[smem:$0x3F89] =	sst s1;
	(tag) =	ssettag s2;
	_ =	strace s9  }
0x27: {  	s1 =	sld [smem:$0x3F99]  }
0x28: {  	s2 =	sld [smem:$0x3F9A]  }
0x29: {  	s4 =	sld [smem:$0x3F9C]  }
0x2a: {  	p0 =	seq.s32 s5, $0x0;
	s5 =	sld [smem:$0x3F9D]  }
0x2b: {  	s6 =	sld [smem:$0x3F9E]  }
0x2c: {  	s7 =	sld [smem:$0x3F9F]  }
0x2d: {  	s3 =	simm.s32 $0x108;
	s8 =	sld [smem:$0x3FA0]  }
0x2e: {  	s3 =	simm.s32 @!p0 $0x1082;
	s9 =	sld [smem:$0x3FA1]  }
0x2f: {  	lr =	sadd.s32 s0, s3;
	s0 =	sld [smem:$0x3F98]  }
0x30: {  	s3 =	sld [smem:$0x3F9B]  }
0x31: {  	[smem:$0x3FA4] =	sst s10  }
0x32: {  	s10 =	sld [smem:$0x3FA2];
	_ =	sdelay $0x3  }
0x33: {  	p0 =	seq.s32 s10, $0x1;
	s10 =	sld [smem:$0x3FA4];
	_ =	sdelay $0x3  }
0x34: {  	[smem:$0x3FA4] =	sst s10  }
0x35: {  	s10 =	sld [smem:$0x3FA3];
	_ =	sdelay $0x3  }
0x36: {  	p1 =	seq.s32 s10, $0x1;
	s10 =	sld [smem:$0x3FA4];
	_ =	sdelay $0x3  }
0x37: {  	[smem:$0x3FA4] =	sst s10  }
0x38: {  	s10 =	sld [smem:$0x3FA5]  }
0x39: {  	_ = 	snop;
	(pc) =	sbr.ind lr, $3  }
0x3a: {  	_ = 	snop  }
0x3b: {  	_ = 	snop  }
0x3c: {  	p2 =	seq.s32 s10, $0x1;
	s10 =	sld [smem:$0x3FA4]  }
0x3d: {  	_ =	shalt  }
0x3e: {  	_ =	shalt  }
0x3f: {  	_ =	shalt  }
0x40: {  	_ =	shalt  }
0x41: {  	_ =	shalt  }
0x42: {  	_ =	shalt  }
0x43: {  	_ =	shalt  }
0x44: {  	_ =	shalt  }
0x45: {  	_ =	shalt  }
0x46: {  	_ =	shalt  }
0x47: {  	_ =	shalt  }
0x48: {  	_ =	shalt  }
0x49: {  	_ =	shalt  }
0x4a: {  	_ =	shalt  }
0x4b: {  	_ =	shalt  }
0x4c: {  	_ =	shalt  }
0x4d: {  	_ =	shalt  }
0x4e: {  	_ =	shalt  }
0x4f: {  	_ =	shalt  }
0x50: {  	_ =	shalt  }
0x51: {  	_ =	shalt  }
0x52: {  	_ =	shalt  }
0x53: {  	_ =	shalt  }
0x54: {  	_ =	shalt  }
0x55: {  	_ =	shalt  }
0x56: {  	_ =	shalt  }
0x57: {  	_ =	shalt  }
0x58: {  	_ =	shalt  }
0x59: {  	_ =	shalt  }
0x5a: {  	_ =	shalt  }
0x5b: {  	_ =	shalt  }
0x5c: {  	_ =	shalt  }
0x5d: {  	_ =	shalt  }
0x5e: {  	_ =	shalt  }
0x5f: {  	_ =	shalt  }
0x60: {  	_ =	shalt  }
0x61: {  	_ =	shalt  }
0x62: {  	_ =	shalt  }
0x63: {  	_ =	shalt  }
0x64: {  	_ =	shalt  }
0x65: {  	_ =	shalt  }
0x66: {  	_ =	shalt  }
0x67: {  	_ =	shalt  }
0x68: {  	_ =	shalt  }
0x69: {  	_ =	shalt  }
0x6a: {  	_ =	shalt  }
0x6b: {  	_ =	shalt  }
0x6c: {  	_ =	shalt  }
0x6d: {  	_ =	shalt  }
0x6e: {  	_ =	shalt  }
0x6f: {  	_ =	shalt  }
0x70: {  	_ =	shalt  }
0x71: {  	_ =	shalt  }
0x72: {  	_ =	shalt  }
0x73: {  	_ =	shalt  }
0x74: {  	_ =	shalt  }
0x75: {  	_ =	shalt  }
0x76: {  	_ =	shalt  }
0x77: {  	_ =	shalt  }
0x78: {  	_ =	shalt  }
0x79: {  	_ =	shalt  }
0x7a: {  	_ =	shalt  }
0x7b: {  	_ =	shalt  }
0x7c: {  	_ =	shalt  }
0x7d: {  	_ =	shalt  }
0x7e: {  	_ =	shalt  }
0x7f: {  	_ =	shalt  }
0x80: {  	_ =	shalt  }
0x81: {  	_ =	shalt  }
0x82: {  	_ =	shalt  }
0x83: {  	_ =	shalt  }
0x84: {  	_ =	shalt  }
0x85: {  	_ =	shalt  }
0x86: {  	_ =	shalt  }
0x87: {  	_ =	shalt  }
.Lfunc_end0:
.L_simem_size_0:
called_computation.5_lowered:
.L_overlay_start_0:
0x88: {  	s2 =	sld [smem:$0x3FD9]  }
0x89: {  	s3 =	sld [smem:$0x3FFE];
	_ =	sdelay $0x1  }
0x8a: {  	s1 =	srdreg.scid  }
0x8b: {  	s0 =	sand.u32 $0x1, s1  }
0x8c: {  	s16 =	sshll.u32 s0, $0xA;
	s2 =	sadd.s32 s3, s2  }
0x8d: {  	s2 =	sadd.s32 s2, s16  }
0x8e: {  	[smem:$0x3FB0] =	sst s2  }
0x8f: {  	_ = 	snop  }
0x90: {  	(tm) =	ssettm $0x1  }
0x91: {  	s17 =	sld [smem:$0x3FFB];
	_ =	sdelay $0x3  }
0x92: {  	_ =	strace s17  }
0x93: {  	s2 =	sld [smem:$0x3FFC];
	_ =	sdelay $0x3  }
0x94: {  	_ =	strace s2  }
0x95: {  	s2 =	sld [smem:$0x3FFD];
	_ =	sdelay $0x3  }
0x96: {  	_ =	strace s2  }
0x97: {  	_ =	strace $0x8FFFFFFF  }
0x98: {  	s18 =	sld [smem:$0x3FDB];
	_ =	sdelay $0x1  }
0x99: {  	s19 =	simm.s32 $_scs_section_size  }
0x9a: {  	s4 =	simm.s32 $_size__tile_overlayer_lowered;
	s5 =	simm.s32 $_tile_overlayer_lowered  }
0x9b: {  	s22 =	simm.s32 $0x1BFF;
	s21 =	sshll.u32 s5, $0x1;
	s2 =	sadd.s32 s19, s18  }
0x9c: {  	s6 =	simm.s32 $0x0;
	s20 =	sshll.u32 s4, $0x1;
	s4 =	sadd.s32 s21, s2  }
0x9d: {  	[timem:s6], [sflag:s22] =	dma.local [hbm:s4], s20  }
0x9e: {  	_ =	swait.ge [sflag:s22], s20  }
0x9f: {  	s3 =	ssub.s32 $0x0, s20;
	[sflag:s22] =	ssyncset.done $0x0  }
0xa0: {  	[sflag:s22] =	ssyncadd.s32 s3;
	_ =	sdelay $0x1  }
0xa1: {  	s23 =	simm.s32 $0x1B8B  }
0xa2: {  	_ =	swait.ge [sflag:s23], $0x1  }
0xa3: {  	[sflag:s23] =	ssyncset.done $0x0  }
0xa4: {  	s25 =	simm.s32 $0x1B8E;
	s24 =	sld [smem:$0x3FFE];
	[sflag:s23] =	ssyncadd.s32 $0xFFFFFFFF  }
0xa5: {  	s26 =	simm.s32 $execute0_lowered;
	[smem:$0x3FD2] =	sst s25  }
0xa6: {  	s4 =	sshll.u32 s26, $0x1;
	_ =	strace $0x80000055;
	[dreg:$0x1] =	wrdreg $0xFFFFFFFF  }
0xa7: {  	s28 =	simm.s32 $_size_execute0_lowered;
	s2 =	sadd.s32 s2, s4;
	[dreg:$0x0] =	wrdreg $0x0  }
0xa8: {  	s4 =	sshll.u32 s28, $0x1;
	[dreg:$0x2] =	wrdreg s2  }
0xa9: {  	[dreg:$0x3] =	wrdreg s4  }
0xaa: {  	[dreg:$0x4] =	wrdreg $0xC0  }
0xab: {  	_ =	task [dreg:s6], $0x5FFFF  }
0xac: {  	[dreg:$0x1] =	wrdreg $0xFFFFFFFF  }
0xad: {  	[dreg:$0x0] =	wrdreg $0x60  }
0xae: {  	[dreg:$0x2] =	wrdreg s24  }
0xaf: {  	[dreg:$0x3] =	wrdreg $0x0  }
0xb0: {  	[dreg:$0x4] =	wrdreg $0x9  }
0xb1: {  	_ =	task.clear_ibuf [dreg:s6], $0x5FFFF;
	_ =	strace $0x90000055  }
0xb2: {  	s29 =	simm.s32 $0x9;
	_ =	strace $0x80000057  }
0xb3: {  	_ =	swait.ge [sflag:s29], $0x1  }
0xb4: {  	[sflag:s29] =	ssyncadd.s32 $0xFFFFFFFF  }
0xb5: {  	_ =	strace $0x90000057  }
0xb6: {  	_ =	sfence  }
0xb7: {  	s30 =	sld [smem:$0x0];
	_ =	sdelay $0x2  }
0xb8: {  	s31 =	sshll.u32 s1, $0xD;
	s1 =	sshrl.u32 s1, $0x2  }
0xb9: {  	s3 =	sand.u32 $0x4000, s31;
	s1 =	sadd.s32 s1, s30  }
0xba: {  	s0 =	sor.u32 s3, s0;
	s1 =	sshll.u32 s1, $0x11  }
0xbb: {  	s0 =	sor.u32 s1, s0  }
0xbc: {  	s0 =	sadd.s32 $0x8F2B, s0  }
0xbd: {  	[sflag:s0] =	ssyncadd.remote.s32 $0x1  }
0xbe: {  	_ =	sfence.sel $0xFFFF  }
0xbf: {  	[dreg:$0x0] =	wrdreg $0xFFFFFFFF;
	(pc) =	sbr.abs _section_cstart, $3  }
0xc0: {  	[dreg:$0x1] =	wrdreg $0xFFFFFFFF  }
0xc1: {  	_ =	task.clear_ibuf [dreg:s6], $0x2FFFF;
	_ =	strace $0x9FFFFFFF  }
0xc2: {  	(tm) =	ssettm $0x7FFFFFFF  }
0xc3: {  	_ =	shalt  }
tec
execute0_lowered:
.L_overlay_start_1:
0x0: {  	(tag) =	ssettag $0x1  }
0x1: {  	s4 =	rddreg [dreg:$0x0]  }
0x2: {  	s0 =	srdreg.scid;
	s1 =	stileid.u32  }
0x3: {  	s2 =	rddreg [dreg:$0x1];
	s3 =	simm.s32 $0x0;
	s7 =	smul.u32 $0x14000, s1  }
0x4: {  	s18 =	simm.s32 $0x14200;
	s19 =	simm.s32 $0x14100;
	s21 =	smul.u32 $0x50000, s1  }
0x5: {  	s20 =	simm.s32 $0x19200;
	s5 =	sand.u32 $0x1, s0;
	s12 =	smul.u32 $0x1F40, s1  }
0x6: {  	[smem:$0x7FF] =	sst s3;
	s9 =	sadd.s32 $0x8B1000, s4;
	s8 =	smul.u32 $0x1F400, s1  }
0x7: {  	s14 =	sadd.s32 $0x285600, s4;
	s26 =	sshll.u32 s1, $0x6;
	s6 =	smul.u32 $0x140000, s5  }
0x8: {  	_ =	strace $0x80000056;
	s22 =	ssub.s32 $0x2, s5;
	s11 =	smul.u32 $0x4E200, s5  }
0x9: {  	s5 =	sor.u32 $0x1C05, s26;
	s26 =	simm.s32 $0x0;
	s23 =	sshrl.u32 s22, $0x1  }
0xa: {  	s24 =	sshrl.u32 s21, $0x2;
	s16 =	sadd.s32 $0xA0, s12;
	s21 =	simm.s32 $0x1  }
0xb: {  	s6 =	sadd.s32 s7, s6;
	s13 =	ssub.s32 s22, s23;
	s15 =	sadd.s32 s24, s2  }
0xc: {  	s25 =	sadd.s32 $0x2EE00, s11;
	s7 =	sadd.s32 s9, s8;
	s11 =	sadd.s32 s12, s11  }
0xd: {  	s22 =	simm.s32 $0xA0;
	s23 =	simm.s32 $0x2;
	s24 =	simm.s32 $0x3  }
0xe: {  	s6 =	sshrl.u32 s6, $0x3;
	s28 =	sadd.s32 s12, s25;
	s17 =	sadd.s32 s16, s25  }
0xf: {  	s16 =	sshll.u32 s16, $0x4;
	s12 =	sadd.s32 $0x2EFE0, s11;
	s30 =	sadd.s32 $0x2EF40, s11  }
0x10: {  	s11 =	smax.u32 s13, $0x1;
	s15 =	sshrl.u32 s15, $0x3;
	s25 =	simm.s32 $0x4  }
0x11: {  	s10 =	sadd.s32 s6, s4;
	s6 =	sshrl.u32 s28, $0x3;
	s29 =	sshrl.u32 s17, $0x3  }
0x12: {  	s9 =	sadd.s32 s9, s16;
	s31 =	sshrl.u32 s12, $0x3;
	s16 =	sshrl.u32 s30, $0x3  }
0x13: {  	s12 =	sadd.s32 $0x1E00, s7;
	s17 =	simm.s32 $0x14000;
	s4 =	sadd.s32 $0x32F000, s10  }
0x14: {  	s6 =	sadd.s32 s14, s6;
	s8 =	sadd.s32 s14, s29;
	s10 =	sadd.s32 $0x1FA400, s10  }
0x15: {  	s13 =	sadd.s32 s31, s14;
	s14 =	sadd.s32 s16, s14;
	s16 =	simm.s32 $0x5  }
.LBB2_1:
0x16: {  	[spmem:s15], [sflag:s5] =	dma.local [hbm:s4], $0x2800  }
0x17: {  	_ =	swait.ge [sflag:s16], $0x2800  }
0x18: {  	[sflag:s16] =	ssyncset.done $0x0  }
0x19: {  	[sflag:s16] =	ssyncadd.s32 $0xFFFFD800  }
0x1a: {  	[bflag:$0x0] =	sbarrier.arrive $0xFFFF  }
0x1b: {  	[tilespmem:s17], [sflag:$0x1] =	stream.linear.gather [hbm4b:s6+s3], $0xA0, $0x38;
	[tilespmem:$0x1E200] =	vst v63  }
0x1c: {  	_ = 	snop  }
0x1d: {  	[tilespmem:s18], [sflag:$0x1] =	stream.linear.gather [hbm4b:s7+s3], $0x5000, $0x38;
	[tilespmem:$0x1E200] =	vst v63  }
0x1e: {  	_ = 	snop  }
0x1f: {  	[tilespmem:s19], [sflag:$0x2] =	stream.linear.gather [hbm4b:s8+s3], $0xA0, $0x38;
	[tilespmem:$0x1E200] =	vst v63  }
0x20: {  	_ = 	snop  }
0x21: {  	[tilespmem:s20], [sflag:$0x2] =	stream.linear.gather [hbm4b:s9+s3], $0x5000, $0x38;
	[tilespmem:$0x1E200] =	vst v63  }
0x22: {  	_ =	swait.ge [sflag:s21], $0xA0  }
0x23: {  	[sflag:s21] =	ssyncset.done $0x0  }
0x24: {  	[sflag:s21] =	ssyncadd.s32 $0xFFFFFF60  }
0x25: {  	_ =	swait.ge [sflag:s21], $0x5000  }
0x26: {  	[sflag:s21] =	ssyncset.done $0x0  }
0x27: {  	[sflag:s21] =	ssyncadd.s32 $0xFFFFB000  }
0x28: {  	[spmem:s2] =	stream.indirect.scatter.add.f32 [tilespmem:s18], [sflag:$0x3], $0x80, s17, s22, $0xb8;
	[tilespmem:$0x1E200] =	vst v63  }
0x29: {  	_ =	swait.ge [sflag:s23], $0xA0  }
0x2a: {  	[sflag:s23] =	ssyncset.done $0x0  }
0x2b: {  	[sflag:s23] =	ssyncadd.s32 $0xFFFFFF60  }
0x2c: {  	_ =	swait.ge [sflag:s23], $0x5000  }
0x2d: {  	[sflag:s23] =	ssyncset.done $0x0  }
0x2e: {  	[sflag:s23] =	ssyncadd.s32 $0xFFFFB000  }
0x2f: {  	[spmem:s2] =	stream.indirect.scatter.add.f32 [tilespmem:s20], [sflag:$0x4], $0x80, s19, s22, $0xb8;
	[tilespmem:$0x1E200] =	vst v63  }
0x30: {  	_ =	swait.ge [sflag:s24], $0x5000  }
0x31: {  	[sflag:s24] =	ssyncset.done $0x0  }
0x32: {  	s28 =	sadd.s32 $0x0, s14;
	[sflag:s24] =	ssyncadd.s32 $0xFFFFB000  }
0x33: {  	[tilespmem:s17], [sflag:$0x1] =	stream.linear.gather [hbm4b:s28+s3], $0xA0, $0x38;
	[tilespmem:$0x1E200] =	vst v63  }
0x34: {  	s28 =	sadd.s32 $0xFFFFF600, s12  }
0x35: {  	[tilespmem:s18], [sflag:$0x1] =	stream.linear.gather [hbm4b:s28+s3], $0x5000, $0x38;
	[tilespmem:$0x1E200] =	vst v63  }
0x36: {  	_ =	swait.ge [sflag:s25], $0x5000  }
0x37: {  	[sflag:s25] =	ssyncset.done $0x0  }
0x38: {  	s28 =	sadd.s32 $0x0, s13;
	[sflag:s25] =	ssyncadd.s32 $0xFFFFB000  }
0x39: {  	[tilespmem:s19], [sflag:$0x2] =	stream.linear.gather [hbm4b:s28+s3], $0xA0, $0x38;
	[tilespmem:$0x1E200] =	vst v63  }
0x3a: {  	s29 =	sadd.s32 $0x1400, s12;
	s30 =	smov.u32 s12;
	s28 =	simm.s32 $0x28  }
.LBB2_2:
0x3b: {  	[tilespmem:s20], [sflag:$0x2] =	stream.linear.gather [hbm4b:s30+s3], $0x5000, $0x38;
	[tilespmem:$0x1E200] =	vst v63  }
0x3c: {  	s31 =	smov.u32 s28;
	s30 =	smov.u32 s29  }
0x3d: {  	p0 =	sne.s32 s28, $0x398;
	s28 =	sadd.s32 $0x28, s28;
	_ =	swait.ge [sflag:s21], $0xA0  }
0x3e: {  	[sflag:s21] =	ssyncset.done $0x0  }
0x3f: {  	[sflag:s21] =	ssyncadd.s32 $0xFFFFFF60  }
0x40: {  	_ =	swait.ge [sflag:s21], $0x5000  }
0x41: {  	[sflag:s21] =	ssyncset.done $0x0  }
0x42: {  	[sflag:s21] =	ssyncadd.s32 $0xFFFFB000  }
0x43: {  	[spmem:s2] =	stream.indirect.scatter.add.f32 [tilespmem:s18], [sflag:$0x3], $0x80, s17, s22, $0xb8;
	[tilespmem:$0x1E200] =	vst v63  }
0x44: {  	_ =	swait.ge [sflag:s23], $0xA0  }
0x45: {  	[sflag:s23] =	ssyncset.done $0x0  }
0x46: {  	[sflag:s23] =	ssyncadd.s32 $0xFFFFFF60  }
0x47: {  	_ =	swait.ge [sflag:s23], $0x5000  }
0x48: {  	[sflag:s23] =	ssyncset.done $0x0  }
0x49: {  	[sflag:s23] =	ssyncadd.s32 $0xFFFFB000  }
0x4a: {  	[spmem:s2] =	stream.indirect.scatter.add.f32 [tilespmem:s20], [sflag:$0x4], $0x80, s19, s22, $0xb8;
	[tilespmem:$0x1E200] =	vst v63  }
0x4b: {  	_ =	swait.ge [sflag:s24], $0x5000  }
0x4c: {  	[sflag:s24] =	ssyncset.done $0x0  }
0x4d: {  	s0 =	sadd.s32 s31, s14;
	[sflag:s24] =	ssyncadd.s32 $0xFFFFB000  }
0x4e: {  	[tilespmem:s17], [sflag:$0x1] =	stream.linear.gather [hbm4b:s0+s3], $0xA0, $0x38;
	[tilespmem:$0x1E200] =	vst v63  }
0x4f: {  	s0 =	sadd.s32 $0xFFFFF600, s29  }
0x50: {  	[tilespmem:s18], [sflag:$0x1] =	stream.linear.gather [hbm4b:s0+s3], $0x5000, $0x38;
	[tilespmem:$0x1E200] =	vst v63  }
.Ltmp0:
0x51: {  	_ =	swait.ge [sflag:s25], $0x5000;
	(pc) =	sbr.rel @p0 .LBB2_2-.Ltmp0, $4  }
0x52: {  	[sflag:s25] =	ssyncset.done $0x0  }
0x53: {  	s0 =	sadd.s32 s31, s13;
	[sflag:s25] =	ssyncadd.s32 $0xFFFFB000  }
0x54: {  	[tilespmem:s19], [sflag:$0x2] =	stream.linear.gather [hbm4b:s0+s3], $0xA0, $0x38;
	[tilespmem:$0x1E200] =	vst v63  }
0x55: {  	s29 =	sadd.s32 $0x1400, s29  }
0x56: {  	[tilespmem:s20], [sflag:$0x2] =	stream.linear.gather [hbm4b:s30+s3], $0x5000, $0x38;
	[tilespmem:$0x1E200] =	vst v63  }
0x57: {  	_ =	swait.ge [sflag:s21], $0xA0  }
0x58: {  	[sflag:s21] =	ssyncset.done $0x0  }
0x59: {  	[sflag:s21] =	ssyncadd.s32 $0xFFFFFF60  }
0x5a: {  	_ =	swait.ge [sflag:s21], $0x5000  }
0x5b: {  	[sflag:s21] =	ssyncset.done $0x0  }
0x5c: {  	[sflag:s21] =	ssyncadd.s32 $0xFFFFB000  }
0x5d: {  	[spmem:s2] =	stream.indirect.scatter.add.f32 [tilespmem:s18], [sflag:$0x3], $0x80, s17, s22, $0xb8;
	[tilespmem:$0x1E200] =	vst v63  }
0x5e: {  	_ =	swait.ge [sflag:s23], $0xA0  }
0x5f: {  	[sflag:s23] =	ssyncset.done $0x0  }
0x60: {  	[sflag:s23] =	ssyncadd.s32 $0xFFFFFF60  }
0x61: {  	_ =	swait.ge [sflag:s23], $0x5000  }
0x62: {  	[sflag:s23] =	ssyncset.done $0x0  }
0x63: {  	[sflag:s23] =	ssyncadd.s32 $0xFFFFB000  }
0x64: {  	[spmem:s2] =	stream.indirect.scatter.add.f32 [tilespmem:s20], [sflag:$0x4], $0x80, s19, s22, $0xb8;
	[tilespmem:$0x1E200] =	vst v63  }
0x65: {  	_ =	swait.ge [sflag:s24], $0x5000  }
0x66: {  	[sflag:s24] =	ssyncset.done $0x0  }
0x67: {  	[sflag:s24] =	ssyncadd.s32 $0xFFFFB000  }
0x68: {  	_ =	swait.ge [sflag:s25], $0x5000  }
0x69: {  	s26 =	sadd.s32 $0x1, s26;
	[sflag:s25] =	ssyncset.done $0x0  }
0x6a: {  	p0 =	sne.s32 s26, s11;
	[sflag:s25] =	ssyncadd.s32 $0xFFFFB000  }
.Ltmp1:
0x6b: {  	[bflag:$0x0] =	sbarrier.arrive $0xFFFF;
	(pc) =	sbr.rel @p0 .LBB2_1-.Ltmp1, $4  }
0x6c: {  	[hbm:s10], [sflag:s5] =	dma.local [spmem:s15], $0x2800  }
0x6d: {  	_ =	swait.ge [sflag:s16], $0x2800  }
0x6e: {  	[sflag:s16] =	ssyncset.done $0x0  }
0x6f: {  	[sflag:s16] =	ssyncadd.s32 $0xFFFFD800  }
0x70: {  	_ =	sfence.sel $0x180000  }
0x71: {  	[bflag:$0x0] =	sbarrier.arrive $0xFFFF  }
0x72: {  	_ =	strace $0x90000056  }
0x73: {  	[bflag:$0x2] =	sbarrier.arrive $0xFFFF  }
0x74: {  	p0 =	sne.s32 s1, $0x0;
	s0 =	rddreg [dreg:$0x2]  }
0x75: {  	s0 =	sadd.s32 @!p0 $0x100000, s0  }
0x76: {  	[sflag:s0] =	ssyncadd.tile.s32 @!p0 $0x1;
	_ =	shalt  }
.Lfunc_end2:
_tile_overlayer_lowered:
.L_overlay_start_2:
0x77: {  	(tag) =	ssettag $0x2  }
0x78: {  	s0 =	rddreg [dreg:$0x0];
	s2 =	stileid.u32  }
0x79: {  	s1 =	rddreg [dreg:$0x1];
	p0 =	sne.s32 s2, $0x0  }
0x7a: {  	s3 =	rddreg [dreg:$0x2];
	[bflag:$0x3] =	sbarrier.arrive $0xFFFF;
	s2 =	simm.s32 @!p0 $0x1C05  }
0x7b: {  	[timem:s3], [sflag:s2] =	dma.local @!p0 [hbm:s0], s1  }
0x7c: {  	s0 =	simm.s32 @!p0 $0x5  }
0x7d: {  	_ =	swait.ge @!p0 [sflag:s0], s1  }
0x7e: {  	s1 =	ssub.s32 @!p0 $0x0, s1;
	[sflag:s0] =	ssyncset.done @!p0 $0x0  }
0x7f: {  	[sflag:s0] =	ssyncadd.s32 @!p0 s1  }
0x80: {  	[bflag:$0x3] =	sbarrier.arrive $0xFFFF  }
0x81: {  	_ =	shalt  }

</sc_bundles>
